<compile_context>
chip_gen: v7x
topology: tpu7x:2x2x1
jax: 0.10.2.dev20260603
libtpu: 0.0.44.dev20260713+nightly
codegen_flags: <defaults>
</compile_context>

<pallas_src>
import jax
import jax.numpy as jnp
from jax import lax
from jax.experimental import pallas as pl
from jax.experimental.pallas import tpu as pltpu
from jax.experimental.pallas import tpu_sc as plsc

N = 10000
E = 320000
D = 128

NC = 2
NS = 16
NW = NC * NS
K = 40
CHUNKS = E // (NW * K)
E_PER_TILE = CHUNKS * K
NBR = 4
NBA = 3
NQ = 6
PF = 2
UNROLL = 12
ROWS_PER_TILE = 624
ROWS_TAIL = N - NS * ROWS_PER_TILE


def _sc_body(x_hbm, ei_hbm, attr_hbm, out_hbm,
             sidx, didx, rows, attr, acc,
             sem_idx, sem_gr, sem_ga, sem_sr, sem_sa):
    c = lax.axis_index("c")
    s = lax.axis_index("s")
    tid = c * NS + s
    tile_base = tid * E_PER_TILE

    def issue_idx(eb, q):
        pltpu.async_copy(ei_hbm.at[pl.ds(eb, K)], sidx[q], sem_idx[q])
        pltpu.async_copy(ei_hbm.at[pl.ds(E + eb, K)], didx[q], sem_idx[q])

    for jp in range(PF):
        issue_idx(tile_base + jp * K, jp)

    zv = jnp.zeros((16,), jnp.float32)

    @pl.loop(0, K)
    def _zrow(r):
        for l in range(D // 16):
            rows[0][r, pl.ds(l * 16, 16)] = zv

    r0 = s * ROWS_PER_TILE
    for m in range(ROWS_PER_TILE // K):
        pltpu.sync_copy(rows[0], acc.at[pl.ds(r0 + m * K, K)])
    rem = ROWS_PER_TILE % K
    pltpu.sync_copy(rows[0].at[pl.ds(0, rem)],
                    acc.at[pl.ds(r0 + ROWS_PER_TILE - rem, rem)])

    @pl.when(s == NS - 1)
    def _zero_tail():
        pltpu.sync_copy(rows[0].at[pl.ds(0, ROWS_TAIL)],
                        acc.at[pl.ds(NS * ROWS_PER_TILE, ROWS_TAIL)])

    plsc.subcore_barrier()

    def idx_wait(q):
        pltpu.make_async_copy(ei_hbm.at[pl.ds(0, K)], sidx[q], sem_idx[q]).wait()
        pltpu.make_async_copy(ei_hbm.at[pl.ds(0, K)], didx[q], sem_idx[q]).wait()

    def issue_in(eb, j):
        pltpu.async_copy(x_hbm.at[sidx[j % NQ]], rows[j % NBR], sem_gr[j % NBR])
        pltpu.async_copy(attr_hbm.at[pl.ds(eb, K)], attr[j % NBA],
                         sem_ga[j % NBA])

    def in_wait(j):
        pltpu.make_async_copy(x_hbm.at[sidx[j % NQ]], rows[j % NBR],
                              sem_gr[j % NBR]).wait()
        pltpu.make_async_copy(attr_hbm.at[pl.ds(0, K)], attr[j % NBA],
                              sem_ga[j % NBA]).wait()

    def issue_scatter(j):
        q = j % NQ
        pltpu.async_copy(rows[j % NBR], acc.at[didx[q]], sem_sr[j % NBR],
                         add=True)
        pltpu.async_copy(attr[j % NBA], acc.at[didx[q]], sem_sa[j % NBA],
                         add=True)

    def rows_scatter_wait(br):
        pltpu.make_async_copy(rows[br], acc.at[didx[0]], sem_sr[br]).wait()

    def attr_scatter_wait(ba):
        pltpu.make_async_copy(attr[ba], acc.at[didx[0]], sem_sa[ba]).wait()

    def body(j, eb, peb, wait_prev_in):
        if j >= NBR:
            rows_scatter_wait(j % NBR)
        if j >= NBA:
            attr_scatter_wait(j % NBA)
        issue_idx(pl.multiple_of(peb, 8), (j + PF) % NQ)
        idx_wait(j % NQ)
        issue_in(pl.multiple_of(eb, 8), j)
        if wait_prev_in:
            in_wait(j - 1)
            issue_scatter(j - 1)

    PEEL = 10
    for j in range(PEEL):
        body(j, tile_base + j * K, tile_base + (j + PF) * K,
             wait_prev_in=(j >= 1))

    @pl.loop(0, (CHUNKS - PEEL) // UNROLL)
    def _group(g):
        j0 = PEEL + UNROLL * g
        for u in range(UNROLL):
            j = j0 + u
            nj = j + PF
            peb = jnp.where(nj < CHUNKS, tile_base + nj * K, 0)
            body(PEEL + u, tile_base + j * K, peb, True)

    last = CHUNKS - 1
    in_wait(last)
    issue_scatter(last)
    for d in range(PF):
        idx_wait((last + 1 + d) % NQ)
    for d in range(NBR):
        rows_scatter_wait((last - NBR + 1 + d) % NBR)
    for d in range(NBA):
        attr_scatter_wait((last - NBA + 1 + d) % NBA)

    plsc.subcore_barrier()
    pltpu.sync_copy(acc.at[pl.ds(r0, ROWS_PER_TILE)],
                    out_hbm.at[c, pl.ds(r0, ROWS_PER_TILE)])

    @pl.when(s == NS - 1)
    def _write_tail():
        pltpu.sync_copy(acc.at[pl.ds(NS * ROWS_PER_TILE, ROWS_TAIL)],
                        out_hbm.at[c, pl.ds(NS * ROWS_PER_TILE, ROWS_TAIL)])


_sc_scatter = pl.kernel(
    _sc_body,
    out_type=jax.ShapeDtypeStruct((NC, N, D), jnp.float32),
    mesh=plsc.VectorSubcoreMesh(core_axis_name="c", subcore_axis_name="s"),
    scratch_types=[
        [pltpu.VMEM((K,), jnp.int32) for _ in range(NQ)],
        [pltpu.VMEM((K,), jnp.int32) for _ in range(NQ)],
        [pltpu.VMEM((K, D), jnp.float32) for _ in range(NBR)],
        [pltpu.VMEM((K, D), jnp.float32) for _ in range(NBA)],
        pltpu.VMEM_SHARED((N, D), jnp.float32),
        [pltpu.SemaphoreType.DMA for _ in range(NQ)],
        [pltpu.SemaphoreType.DMA for _ in range(NBR)],
        [pltpu.SemaphoreType.DMA for _ in range(NBA)],
        [pltpu.SemaphoreType.DMA for _ in range(NBR)],
        [pltpu.SemaphoreType.DMA for _ in range(NBA)],
    ],
)


def _combine_body(x_ref, p_ref, o_ref):
    o_ref[...] = x_ref[...] + p_ref[0] + p_ref[1]


_combine = pl.pallas_call(
    _combine_body,
    grid=(10,),
    in_specs=[pl.BlockSpec((1000, D), lambda i: (i, 0)),
              pl.BlockSpec((NC, 1000, D), lambda i: (0, i, 0))],
    out_specs=pl.BlockSpec((1000, D), lambda i: (i, 0)),
    out_shape=jax.ShapeDtypeStruct((N, D), jnp.float32),
)


@jax.jit
def kernel(x, edge_attr, edge_index):
    partials = _sc_scatter(x, edge_index.reshape(2 * E), edge_attr)
    return _combine(x, partials)

# --- scband reference (transcript-rebuilt; emitter-appended) ---
"""Pipeline reference for scband-homo-message-passing-24232205484250 (READ-ONLY COPY).

The authoritative reference and input builder live on the scoring server;
editing this copy changes nothing except your own understanding.
"""

import jax, jax.numpy as jnp
import numpy as np

N_NODES = 10000
N_EDGES = 320000
D_FEAT = 128


def setup_inputs(seed: int = 0) -> dict:
    key = jax.random.key(seed)
    k1, k2, k3 = jax.random.split(key, 3)
    x = jax.random.normal(k1, (N_NODES, D_FEAT), dtype=jnp.float32)
    edge_attr = jax.random.normal(k2, (N_EDGES, D_FEAT), dtype=jnp.float32)
    edge_index = jax.random.randint(k3, (2, N_EDGES), 0, N_NODES, dtype=jnp.int64 if jax.config.jax_enable_x64 else jnp.int32).astype(jnp.int32)
    return {"x": x, "edge_attr": edge_attr, "edge_index": edge_index}


def reference(x, edge_attr, edge_index):
    # propagate: gather src/dst node features along edges
    dim_size = x.shape[0]
    x_src_expanded = jnp.take(x, edge_index[0], axis=0)
    x_dst_expanded = jnp.take(x, edge_index[1], axis=0)
    index = edge_index[1]
    # message: x_src + edge_attr (concrete instantiation of abstract message)
    messages = x_src_expanded + edge_attr
    # aggregate: sum aggregation (scatter-add by dst index)
    aggr_messages = jax.ops.segment_sum(messages, index, num_segments=dim_size)
    # update: residual update x_dst + aggregated messages (concrete instantiation)
    return x + aggr_messages

if __name__ == "__main__":
    import jax
    _d = setup_inputs()
    print(jax.jit(kernel)(*tuple(_d.values())))

</pallas_src>

<mosaic_0001>
#map = affine_map<(d0, d1) -> (0, 0)>
#map1 = affine_map<(d0, d1) -> (0)>
#map2 = affine_map<(d0, d1) -> (0, 0, 0)>
module attributes {stable_mosaic.version = 14 : i64} {
  func.func @_sc_body(%arg0: i32, %arg1: i32, %arg2: memref<10000x128xf32, #tpu.memory_space<hbm>>, %arg3: memref<640000xi32, #tpu.memory_space<hbm>>, %arg4: memref<320000x128xf32, #tpu.memory_space<hbm>>, %arg5: memref<2x10000x128xf32, #tpu.memory_space<hbm>>, %arg6: memref<40xi32, #tpu.memory_space<vmem>>, %arg7: memref<40xi32, #tpu.memory_space<vmem>>, %arg8: memref<40xi32, #tpu.memory_space<vmem>>, %arg9: memref<40xi32, #tpu.memory_space<vmem>>, %arg10: memref<40xi32, #tpu.memory_space<vmem>>, %arg11: memref<40xi32, #tpu.memory_space<vmem>>, %arg12: memref<40xi32, #tpu.memory_space<vmem>>, %arg13: memref<40xi32, #tpu.memory_space<vmem>>, %arg14: memref<40xi32, #tpu.memory_space<vmem>>, %arg15: memref<40xi32, #tpu.memory_space<vmem>>, %arg16: memref<40xi32, #tpu.memory_space<vmem>>, %arg17: memref<40xi32, #tpu.memory_space<vmem>>, %arg18: memref<40x128xf32, #tpu.memory_space<vmem>>, %arg19: memref<40x128xf32, #tpu.memory_space<vmem>>, %arg20: memref<40x128xf32, #tpu.memory_space<vmem>>, %arg21: memref<40x128xf32, #tpu.memory_space<vmem>>, %arg22: memref<40x128xf32, #tpu.memory_space<vmem>>, %arg23: memref<40x128xf32, #tpu.memory_space<vmem>>, %arg24: memref<40x128xf32, #tpu.memory_space<vmem>>, %arg25: memref<10000x128xf32, #tpu.memory_space<vmem_shared>>, %arg26: memref<!tpu.dma_semaphore, #tpu.memory_space<semaphore_mem>>, %arg27: memref<!tpu.dma_semaphore, #tpu.memory_space<semaphore_mem>>, %arg28: memref<!tpu.dma_semaphore, #tpu.memory_space<semaphore_mem>>, %arg29: memref<!tpu.dma_semaphore, #tpu.memory_space<semaphore_mem>>, %arg30: memref<!tpu.dma_semaphore, #tpu.memory_space<semaphore_mem>>, %arg31: memref<!tpu.dma_semaphore, #tpu.memory_space<semaphore_mem>>, %arg32: memref<!tpu.dma_semaphore, #tpu.memory_space<semaphore_mem>>, %arg33: memref<!tpu.dma_semaphore, #tpu.memory_space<semaphore_mem>>, %arg34: memref<!tpu.dma_semaphore, #tpu.memory_space<semaphore_mem>>, %arg35: memref<!tpu.dma_semaphore, #tpu.memory_space<semaphore_mem>>, %arg36: memref<!tpu.dma_semaphore, #tpu.memory_space<semaphore_mem>>, %arg37: memref<!tpu.dma_semaphore, #tpu.memory_space<semaphore_mem>>, %arg38: memref<!tpu.dma_semaphore, #tpu.memory_space<semaphore_mem>>, %arg39: memref<!tpu.dma_semaphore, #tpu.memory_space<semaphore_mem>>, %arg40: memref<!tpu.dma_semaphore, #tpu.memory_space<semaphore_mem>>, %arg41: memref<!tpu.dma_semaphore, #tpu.memory_space<semaphore_mem>>, %arg42: memref<!tpu.dma_semaphore, #tpu.memory_space<semaphore_mem>>, %arg43: memref<!tpu.dma_semaphore, #tpu.memory_space<semaphore_mem>>, %arg44: memref<!tpu.dma_semaphore, #tpu.memory_space<semaphore_mem>>, %arg45: memref<!tpu.dma_semaphore, #tpu.memory_space<semaphore_mem>>) attributes {dimension_semantics = [#tpu.dimension_semantics<core_parallel>, #tpu.dimension_semantics<subcore_parallel>], iteration_bounds = array<i64: 2, 16>, scalar_prefetch = 0 : i64, scratch_operands = 40 : i64, tpu.core_type = #tpu.core_type<sc_vector_subcore>, window_params = [{transform_indices = #map}, {transform_indices = #map1}, {transform_indices = #map}, {transform_indices = #map2}]} {
    %mul3A = arith.constant 16 : i32
    %mul3A_0 = arith.muli %arg0, %mul3A : i32
    %add3A = arith.addi %mul3A_0, %arg1 : i32
    %mul3A_1 = arith.constant 10000 : i32
    %mul3A_2 = arith.muli %add3A, %mul3A_1 : i32
    %add3A_3 = arith.constant 0 : i32
    %add3A_4 = arith.addi %mul3A_2, %add3A_3 : i32
    %dma_start3A = tpu.memref_slice %arg3[%add3A_4] : memref<640000xi32, #tpu.memory_space<hbm>> -> memref<40xi32, #tpu.memory_space<hbm>>
    %dma_start3A_5 = tpu.memref_slice %arg3[%add3A_4] : memref<640000xi32, #tpu.memory_space<hbm>> -> memref<40xi32, #tpu.memory_space<hbm>>
    tpu.enqueue_dma source(%dma_start3A_5 : memref<40xi32, #tpu.memory_space<hbm>>) target(%arg6 : memref<40xi32, #tpu.memory_space<vmem>>) target_semaphore(%arg26 : memref<!tpu.dma_semaphore, #tpu.memory_space<semaphore_mem>>)
    %add3A_6 = arith.constant 320000 : i32
    %add3A_7 = arith.addi %add3A_6, %add3A_4 : i32
    %dma_start3A_8 = tpu.memref_slice %arg3[%add3A_7] : memref<640000xi32, #tpu.memory_space<hbm>> -> memref<40xi32, #tpu.memory_space<hbm>>
    %dma_start3A_9 = tpu.memref_slice %arg3[%add3A_7] : memref<640000xi32, #tpu.memory_space<hbm>> -> memref<40xi32, #tpu.memory_space<hbm>>
    tpu.enqueue_dma source(%dma_start3A_9 : memref<40xi32, #tpu.memory_space<hbm>>) target(%arg12 : memref<40xi32, #tpu.memory_space<vmem>>) target_semaphore(%arg26 : memref<!tpu.dma_semaphore, #tpu.memory_space<semaphore_mem>>)
    %add3A_10 = arith.constant 40 : i32
    %add3A_11 = arith.addi %mul3A_2, %add3A_10 : i32
    %dma_start3A_12 = tpu.memref_slice %arg3[%add3A_11] : memref<640000xi32, #tpu.memory_space<hbm>> -> memref<40xi32, #tpu.memory_space<hbm>>
    %dma_start3A_13 = tpu.memref_slice %arg3[%add3A_11] : memref<640000xi32, #tpu.memory_space<hbm>> -> memref<40xi32, #tpu.memory_space<hbm>>
    tpu.enqueue_dma source(%dma_start3A_13 : memref<40xi32, #tpu.memory_space<hbm>>) target(%arg7 : memref<40xi32, #tpu.memory_space<vmem>>) target_semaphore(%arg27 : memref<!tpu.dma_semaphore, #tpu.memory_space<semaphore_mem>>)
    %add3A_14 = arith.constant 320000 : i32
    %add3A_15 = arith.addi %add3A_14, %add3A_11 : i32
    %dma_start3A_16 = tpu.memref_slice %arg3[%add3A_15] : memref<640000xi32, #tpu.memory_space<hbm>> -> memref<40xi32, #tpu.memory_space<hbm>>
    %dma_start3A_17 = tpu.memref_slice %arg3[%add3A_15] : memref<640000xi32, #tpu.memory_space<hbm>> -> memref<40xi32, #tpu.memory_space<hbm>>
    tpu.enqueue_dma source(%dma_start3A_17 : memref<40xi32, #tpu.memory_space<hbm>>) target(%arg13 : memref<40xi32, #tpu.memory_space<vmem>>) target_semaphore(%arg27 : memref<!tpu.dma_semaphore, #tpu.memory_space<semaphore_mem>>)
    %broadcast_in_dim3A = arith.constant 0.000000e+00 : f32
    %broadcast_in_dim3A_18 = vector.broadcast %broadcast_in_dim3A : f32 to vector<16xf32>
    %scan3A = arith.constant 0 : i32
    %scan3A_19 = arith.constant 40 : i32
    %scan3A_20 = arith.addi %scan3A, %scan3A_19 : i32
    %scan3A_21 = arith.constant 1 : i32
    scf.for %scan3A_565 = %scan3A to %scan3A_20 step %scan3A_21  : i32 {
      %mul3A_566 = arith.constant 1 : i32
      %mul3A_567 = arith.muli %scan3A_565, %mul3A_566 : i32
      %add3A_568 = arith.constant 0 : i32
      %add3A_569 = arith.addi %add3A_568, %mul3A_567 : i32
      %swap3A = arith.index_cast %add3A_569 : i32 to index
      %swap3A_570 = arith.constant 0 : index
      %swap3A_571 = tpu.vector_load %arg18[%swap3A, %swap3A_570] {strides = array<i32>} : memref<40x128xf32, #tpu.memory_space<vmem>>, vector<1x16xf32>,
      %swap3A_572 = vector.shape_cast %swap3A_571 : vector<1x16xf32> to vector<16xf32>
      %swap3A_573 = vector.shape_cast %broadcast_in_dim3A_18 : vector<16xf32> to vector<1x16xf32>
      tpu.vector_store %arg18[%swap3A, %swap3A_570], %swap3A_573 {strides = array<i32>} : memref<40x128xf32, #tpu.memory_space<vmem>>, vector<1x16xf32>,
      %swap3A_574 = arith.index_cast %add3A_569 : i32 to index
      %swap3A_575 = arith.constant 16 : index
      %swap3A_576 = tpu.vector_load %arg18[%swap3A_574, %swap3A_575] {strides = array<i32>} : memref<40x128xf32, #tpu.memory_space<vmem>>, vector<1x16xf32>,
      %swap3A_577 = vector.shape_cast %swap3A_576 : vector<1x16xf32> to vector<16xf32>
      %swap3A_578 = vector.shape_cast %broadcast_in_dim3A_18 : vector<16xf32> to vector<1x16xf32>
      tpu.vector_store %arg18[%swap3A_574, %swap3A_575], %swap3A_578 {strides = array<i32>} : memref<40x128xf32, #tpu.memory_space<vmem>>, vector<1x16xf32>,
      %swap3A_579 = arith.index_cast %add3A_569 : i32 to index
      %swap3A_580 = arith.constant 32 : index
      %swap3A_581 = tpu.vector_load %arg18[%swap3A_579, %swap3A_580] {strides = array<i32>} : memref<40x128xf32, #tpu.memory_space<vmem>>, vector<1x16xf32>,
      %swap3A_582 = vector.shape_cast %swap3A_581 : vector<1x16xf32> to vector<16xf32>
      %swap3A_583 = vector.shape_cast %broadcast_in_dim3A_18 : vector<16xf32> to vector<1x16xf32>
      tpu.vector_store %arg18[%swap3A_579, %swap3A_580], %swap3A_583 {strides = array<i32>} : memref<40x128xf32, #tpu.memory_space<vmem>>, vector<1x16xf32>,
      %swap3A_584 = arith.index_cast %add3A_569 : i32 to index
      %swap3A_585 = arith.constant 48 : index
      %swap3A_586 = tpu.vector_load %arg18[%swap3A_584, %swap3A_585] {strides = array<i32>} : memref<40x128xf32, #tpu.memory_space<vmem>>, vector<1x16xf32>,
      %swap3A_587 = vector.shape_cast %swap3A_586 : vector<1x16xf32> to vector<16xf32>
      %swap3A_588 = vector.shape_cast %broadcast_in_dim3A_18 : vector<16xf32> to vector<1x16xf32>
      tpu.vector_store %arg18[%swap3A_584, %swap3A_585], %swap3A_588 {strides = array<i32>} : memref<40x128xf32, #tpu.memory_space<vmem>>, vector<1x16xf32>,
      %swap3A_589 = arith.index_cast %add3A_569 : i32 to index
      %swap3A_590 = arith.constant 64 : index
      %swap3A_591 = tpu.vector_load %arg18[%swap3A_589, %swap3A_590] {strides = array<i32>} : memref<40x128xf32, #tpu.memory_space<vmem>>, vector<1x16xf32>,
      %swap3A_592 = vector.shape_cast %swap3A_591 : vector<1x16xf32> to vector<16xf32>
      %swap3A_593 = vector.shape_cast %broadcast_in_dim3A_18 : vector<16xf32> to vector<1x16xf32>
      tpu.vector_store %arg18[%swap3A_589, %swap3A_590], %swap3A_593 {strides = array<i32>} : memref<40x128xf32, #tpu.memory_space<vmem>>, vector<1x16xf32>,
      %swap3A_594 = arith.index_cast %add3A_569 : i32 to index
      %swap3A_595 = arith.constant 80 : index
      %swap3A_596 = tpu.vector_load %arg18[%swap3A_594, %swap3A_595] {strides = array<i32>} : memref<40x128xf32, #tpu.memory_space<vmem>>, vector<1x16xf32>,
      %swap3A_597 = vector.shape_cast %swap3A_596 : vector<1x16xf32> to vector<16xf32>
      %swap3A_598 = vector.shape_cast %broadcast_in_dim3A_18 : vector<16xf32> to vector<1x16xf32>
      tpu.vector_store %arg18[%swap3A_594, %swap3A_595], %swap3A_598 {strides = array<i32>} : memref<40x128xf32, #tpu.memory_space<vmem>>, vector<1x16xf32>,
      %swap3A_599 = arith.index_cast %add3A_569 : i32 to index
      %swap3A_600 = arith.constant 96 : index
      %swap3A_601 = tpu.vector_load %arg18[%swap3A_599, %swap3A_600] {strides = array<i32>} : memref<40x128xf32, #tpu.memory_space<vmem>>, vector<1x16xf32>,
      %swap3A_602 = vector.shape_cast %swap3A_601 : vector<1x16xf32> to vector<16xf32>
      %swap3A_603 = vector.shape_cast %broadcast_in_dim3A_18 : vector<16xf32> to vector<1x16xf32>
      tpu.vector_store %arg18[%swap3A_599, %swap3A_600], %swap3A_603 {strides = array<i32>} : memref<40x128xf32, #tpu.memory_space<vmem>>, vector<1x16xf32>,
      %swap3A_604 = arith.index_cast %add3A_569 : i32 to index
      %swap3A_605 = arith.constant 112 : index
      %swap3A_606 = tpu.vector_load %arg18[%swap3A_604, %swap3A_605] {strides = array<i32>} : memref<40x128xf32, #tpu.memory_space<vmem>>, vector<1x16xf32>,
      %swap3A_607 = vector.shape_cast %swap3A_606 : vector<1x16xf32> to vector<16xf32>
      %swap3A_608 = vector.shape_cast %broadcast_in_dim3A_18 : vector<16xf32> to vector<1x16xf32>
      tpu.vector_store %arg18[%swap3A_604, %swap3A_605], %swap3A_608 {strides = array<i32>} : memref<40x128xf32, #tpu.memory_space<vmem>>, vector<1x16xf32>,
    }
    %scan3A_22 = arith.constant 40 : i32
    %mul3A_23 = arith.constant 624 : i32
    %mul3A_24 = arith.muli %arg1, %mul3A_23 : i32
    %add3A_25 = arith.constant 0 : i32
    %add3A_26 = arith.addi %mul3A_24, %add3A_25 : i32
    "tpu.region"() ({
      %run_scoped3A = tpu.sem_alloc : memref<!tpu.dma_semaphore, #tpu.memory_space<semaphore_mem>>
      %dma_start3A_565 = arith.constant 0 : i32
      %dma_start3A_566 = tpu.memref_slice %arg25[%add3A_26, %dma_start3A_565] : memref<10000x128xf32, #tpu.memory_space<vmem_shared>> -> memref<40x128xf32, #tpu.memory_space<vmem_shared>>
      %dma_start3A_567 = arith.constant 0 : i32
      %dma_start3A_568 = tpu.memref_slice %arg25[%add3A_26, %dma_start3A_567] : memref<10000x128xf32, #tpu.memory_space<vmem_shared>> -> memref<40x128xf32, #tpu.memory_space<vmem_shared>>
      tpu.enqueue_dma source(%arg18 : memref<40x128xf32, #tpu.memory_space<vmem>>) target(%dma_start3A_568 : memref<40x128xf32, #tpu.memory_space<vmem_shared>>) target_semaphore(%run_scoped3A : memref<!tpu.dma_semaphore, #tpu.memory_space<semaphore_mem>>)
      %dma_wait3A_569 = arith.constant 0 : i32
      %dma_wait3A_570 = tpu.memref_slice %arg25[%add3A_26, %dma_wait3A_569] : memref<10000x128xf32, #tpu.memory_space<vmem_shared>> -> memref<40x128xf32, #tpu.memory_space<vmem_shared>>
      %dma_wait3A_571 = arith.constant 0 : i32
      %dma_wait3A_572 = tpu.memref_slice %arg25[%add3A_26, %dma_wait3A_571] : memref<10000x128xf32, #tpu.memory_space<vmem_shared>> -> memref<40x128xf32, #tpu.memory_space<vmem_shared>>
      tpu.wait_dma2 semaphore(%run_scoped3A : memref<!tpu.dma_semaphore, #tpu.memory_space<semaphore_mem>>) src(%arg18 : memref<40x128xf32, #tpu.memory_space<vmem>>) dst(%dma_wait3A_572 : memref<40x128xf32, #tpu.memory_space<vmem_shared>>)
      tpu.yield
    }) : () -> ()
    %add3A_27 = arith.constant 40 : i32
    %add3A_28 = arith.addi %mul3A_24, %add3A_27 : i32
    "tpu.region"() ({
      %run_scoped3A = tpu.sem_alloc : memref<!tpu.dma_semaphore, #tpu.memory_space<semaphore_mem>>
      %dma_start3A_565 = arith.constant 0 : i32
      %dma_start3A_566 = tpu.memref_slice %arg25[%add3A_28, %dma_start3A_565] : memref<10000x128xf32, #tpu.memory_space<vmem_shared>> -> memref<40x128xf32, #tpu.memory_space<vmem_shared>>
      %dma_start3A_567 = arith.constant 0 : i32
      %dma_start3A_568 = tpu.memref_slice %arg25[%add3A_28, %dma_start3A_567] : memref<10000x128xf32, #tpu.memory_space<vmem_shared>> -> memref<40x128xf32, #tpu.memory_space<vmem_shared>>
      tpu.enqueue_dma source(%arg18 : memref<40x128xf32, #tpu.memory_space<vmem>>) target(%dma_start3A_568 : memref<40x128xf32, #tpu.memory_space<vmem_shared>>) target_semaphore(%run_scoped3A : memref<!tpu.dma_semaphore, #tpu.memory_space<semaphore_mem>>)
      %dma_wait3A_569 = arith.constant 0 : i32
      %dma_wait3A_570 = tpu.memref_slice %arg25[%add3A_28, %dma_wait3A_569] : memref<10000x128xf32, #tpu.memory_space<vmem_shared>> -> memref<40x128xf32, #tpu.memory_space<vmem_shared>>
      %dma_wait3A_571 = arith.constant 0 : i32
      %dma_wait3A_572 = tpu.memref_slice %arg25[%add3A_28, %dma_wait3A_571] : memref<10000x128xf32, #tpu.memory_space<vmem_shared>> -> memref<40x128xf32, #tpu.memory_space<vmem_shared>>
      tpu.wait_dma2 semaphore(%run_scoped3A : memref<!tpu.dma_semaphore, #tpu.memory_space<semaphore_mem>>) src(%arg18 : memref<40x128xf32, #tpu.memory_space<vmem>>) dst(%dma_wait3A_572 : memref<40x128xf32, #tpu.memory_space<vmem_shared>>)
      tpu.yield
    }) : () -> ()
    %add3A_29 = arith.constant 80 : i32
    %add3A_30 = arith.addi %mul3A_24, %add3A_29 : i32
    "tpu.region"() ({
      %run_scoped3A = tpu.sem_alloc : memref<!tpu.dma_semaphore, #tpu.memory_space<semaphore_mem>>
      %dma_start3A_565 = arith.constant 0 : i32
      %dma_start3A_566 = tpu.memref_slice %arg25[%add3A_30, %dma_start3A_565] : memref<10000x128xf32, #tpu.memory_space<vmem_shared>> -> memref<40x128xf32, #tpu.memory_space<vmem_shared>>
      %dma_start3A_567 = arith.constant 0 : i32
      %dma_start3A_568 = tpu.memref_slice %arg25[%add3A_30, %dma_start3A_567] : memref<10000x128xf32, #tpu.memory_space<vmem_shared>> -> memref<40x128xf32, #tpu.memory_space<vmem_shared>>
      tpu.enqueue_dma source(%arg18 : memref<40x128xf32, #tpu.memory_space<vmem>>) target(%dma_start3A_568 : memref<40x128xf32, #tpu.memory_space<vmem_shared>>) target_semaphore(%run_scoped3A : memref<!tpu.dma_semaphore, #tpu.memory_space<semaphore_mem>>)
      %dma_wait3A_569 = arith.constant 0 : i32
      %dma_wait3A_570 = tpu.memref_slice %arg25[%add3A_30, %dma_wait3A_569] : memref<10000x128xf32, #tpu.memory_space<vmem_shared>> -> memref<40x128xf32, #tpu.memory_space<vmem_shared>>
      %dma_wait3A_571 = arith.constant 0 : i32
      %dma_wait3A_572 = tpu.memref_slice %arg25[%add3A_30, %dma_wait3A_571] : memref<10000x128xf32, #tpu.memory_space<vmem_shared>> -> memref<40x128xf32, #tpu.memory_space<vmem_shared>>
      tpu.wait_dma2 semaphore(%run_scoped3A : memref<!tpu.dma_semaphore, #tpu.memory_space<semaphore_mem>>) src(%arg18 : memref<40x128xf32, #tpu.memory_space<vmem>>) dst(%dma_wait3A_572 : memref<40x128xf32, #tpu.memory_space<vmem_shared>>)
      tpu.yield
    }) : () -> ()
    %add3A_31 = arith.constant 120 : i32
    %add3A_32 = arith.addi %mul3A_24, %add3A_31 : i32
    "tpu.region"() ({
      %run_scoped3A = tpu.sem_alloc : memref<!tpu.dma_semaphore, #tpu.memory_space<semaphore_mem>>
      %dma_start3A_565 = arith.constant 0 : i32
      %dma_start3A_566 = tpu.memref_slice %arg25[%add3A_32, %dma_start3A_565] : memref<10000x128xf32, #tpu.memory_space<vmem_shared>> -> memref<40x128xf32, #tpu.memory_space<vmem_shared>>
      %dma_start3A_567 = arith.constant 0 : i32
      %dma_start3A_568 = tpu.memref_slice %arg25[%add3A_32, %dma_start3A_567] : memref<10000x128xf32, #tpu.memory_space<vmem_shared>> -> memref<40x128xf32, #tpu.memory_space<vmem_shared>>
      tpu.enqueue_dma source(%arg18 : memref<40x128xf32, #tpu.memory_space<vmem>>) target(%dma_start3A_568 : memref<40x128xf32, #tpu.memory_space<vmem_shared>>) target_semaphore(%run_scoped3A : memref<!tpu.dma_semaphore, #tpu.memory_space<semaphore_mem>>)
      %dma_wait3A_569 = arith.constant 0 : i32
      %dma_wait3A_570 = tpu.memref_slice %arg25[%add3A_32, %dma_wait3A_569] : memref<10000x128xf32, #tpu.memory_space<vmem_shared>> -> memref<40x128xf32, #tpu.memory_space<vmem_shared>>
      %dma_wait3A_571 = arith.constant 0 : i32
      %dma_wait3A_572 = tpu.memref_slice %arg25[%add3A_32, %dma_wait3A_571] : memref<10000x128xf32, #tpu.memory_space<vmem_shared>> -> memref<40x128xf32, #tpu.memory_space<vmem_shared>>
      tpu.wait_dma2 semaphore(%run_scoped3A : memref<!tpu.dma_semaphore, #tpu.memory_space<semaphore_mem>>) src(%arg18 : memref<40x128xf32, #tpu.memory_space<vmem>>) dst(%dma_wait3A_572 : memref<40x128xf32, #tpu.memory_space<vmem_shared>>)
      tpu.yield
    }) : () -> ()
    %add3A_33 = arith.constant 160 : i32
    %add3A_34 = arith.addi %mul3A_24, %add3A_33 : i32
    "tpu.region"() ({
      %run_scoped3A = tpu.sem_alloc : memref<!tpu.dma_semaphore, #tpu.memory_space<semaphore_mem>>
      %dma_start3A_565 = arith.constant 0 : i32
      %dma_start3A_566 = tpu.memref_slice %arg25[%add3A_34, %dma_start3A_565] : memref<10000x128xf32, #tpu.memory_space<vmem_shared>> -> memref<40x128xf32, #tpu.memory_space<vmem_shared>>
      %dma_start3A_567 = arith.constant 0 : i32
      %dma_start3A_568 = tpu.memref_slice %arg25[%add3A_34, %dma_start3A_567] : memref<10000x128xf32, #tpu.memory_space<vmem_shared>> -> memref<40x128xf32, #tpu.memory_space<vmem_shared>>
      tpu.enqueue_dma source(%arg18 : memref<40x128xf32, #tpu.memory_space<vmem>>) target(%dma_start3A_568 : memref<40x128xf32, #tpu.memory_space<vmem_shared>>) target_semaphore(%run_scoped3A : memref<!tpu.dma_semaphore, #tpu.memory_space<semaphore_mem>>)
      %dma_wait3A_569 = arith.constant 0 : i32
      %dma_wait3A_570 = tpu.memref_slice %arg25[%add3A_34, %dma_wait3A_569] : memref<10000x128xf32, #tpu.memory_space<vmem_shared>> -> memref<40x128xf32, #tpu.memory_space<vmem_shared>>
      %dma_wait3A_571 = arith.constant 0 : i32
      %dma_wait3A_572 = tpu.memref_slice %arg25[%add3A_34, %dma_wait3A_571] : memref<10000x128xf32, #tpu.memory_space<vmem_shared>> -> memref<40x128xf32, #tpu.memory_space<vmem_shared>>
      tpu.wait_dma2 semaphore(%run_scoped3A : memref<!tpu.dma_semaphore, #tpu.memory_space<semaphore_mem>>) src(%arg18 : memref<40x128xf32, #tpu.memory_space<vmem>>) dst(%dma_wait3A_572 : memref<40x128xf32, #tpu.memory_space<vmem_shared>>)
      tpu.yield
    }) : () -> ()
    %add3A_35 = arith.constant 200 : i32
    %add3A_36 = arith.addi %mul3A_24, %add3A_35 : i32
    "tpu.region"() ({
      %run_scoped3A = tpu.sem_alloc : memref<!tpu.dma_semaphore, #tpu.memory_space<semaphore_mem>>
      %dma_start3A_565 = arith.constant 0 : i32
      %dma_start3A_566 = tpu.memref_slice %arg25[%add3A_36, %dma_start3A_565] : memref<10000x128xf32, #tpu.memory_space<vmem_shared>> -> memref<40x128xf32, #tpu.memory_space<vmem_shared>>
      %dma_start3A_567 = arith.constant 0 : i32
      %dma_start3A_568 = tpu.memref_slice %arg25[%add3A_36, %dma_start3A_567] : memref<10000x128xf32, #tpu.memory_space<vmem_shared>> -> memref<40x128xf32, #tpu.memory_space<vmem_shared>>
      tpu.enqueue_dma source(%arg18 : memref<40x128xf32, #tpu.memory_space<vmem>>) target(%dma_start3A_568 : memref<40x128xf32, #tpu.memory_space<vmem_shared>>) target_semaphore(%run_scoped3A : memref<!tpu.dma_semaphore, #tpu.memory_space<semaphore_mem>>)
      %dma_wait3A_569 = arith.constant 0 : i32
      %dma_wait3A_570 = tpu.memref_slice %arg25[%add3A_36, %dma_wait3A_569] : memref<10000x128xf32, #tpu.memory_space<vmem_shared>> -> memref<40x128xf32, #tpu.memory_space<vmem_shared>>
      %dma_wait3A_571 = arith.constant 0 : i32
      %dma_wait3A_572 = tpu.memref_slice %arg25[%add3A_36, %dma_wait3A_571] : memref<10000x128xf32, #tpu.memory_space<vmem_shared>> -> memref<40x128xf32, #tpu.memory_space<vmem_shared>>
      tpu.wait_dma2 semaphore(%run_scoped3A : memref<!tpu.dma_semaphore, #tpu.memory_space<semaphore_mem>>) src(%arg18 : memref<40x128xf32, #tpu.memory_space<vmem>>) dst(%dma_wait3A_572 : memref<40x128xf32, #tpu.memory_space<vmem_shared>>)
      tpu.yield
    }) : () -> ()
    %add3A_37 = arith.constant 240 : i32
    %add3A_38 = arith.addi %mul3A_24, %add3A_37 : i32
    "tpu.region"() ({
      %run_scoped3A = tpu.sem_alloc : memref<!tpu.dma_semaphore, #tpu.memory_space<semaphore_mem>>
      %dma_start3A_565 = arith.constant 0 : i32
      %dma_start3A_566 = tpu.memref_slice %arg25[%add3A_38, %dma_start3A_565] : memref<10000x128xf32, #tpu.memory_space<vmem_shared>> -> memref<40x128xf32, #tpu.memory_space<vmem_shared>>
      %dma_start3A_567 = arith.constant 0 : i32
      %dma_start3A_568 = tpu.memref_slice %arg25[%add3A_38, %dma_start3A_567] : memref<10000x128xf32, #tpu.memory_space<vmem_shared>> -> memref<40x128xf32, #tpu.memory_space<vmem_shared>>
      tpu.enqueue_dma source(%arg18 : memref<40x128xf32, #tpu.memory_space<vmem>>) target(%dma_start3A_568 : memref<40x128xf32, #tpu.memory_space<vmem_shared>>) target_semaphore(%run_scoped3A : memref<!tpu.dma_semaphore, #tpu.memory_space<semaphore_mem>>)
      %dma_wait3A_569 = arith.constant 0 : i32
      %dma_wait3A_570 = tpu.memref_slice %arg25[%add3A_38, %dma_wait3A_569] : memref<10000x128xf32, #tpu.memory_space<vmem_shared>> -> memref<40x128xf32, #tpu.memory_space<vmem_shared>>
      %dma_wait3A_571 = arith.constant 0 : i32
      %dma_wait3A_572 = tpu.memref_slice %arg25[%add3A_38, %dma_wait3A_571] : memref<10000x128xf32, #tpu.memory_space<vmem_shared>> -> memref<40x128xf32, #tpu.memory_space<vmem_shared>>
      tpu.wait_dma2 semaphore(%run_scoped3A : memref<!tpu.dma_semaphore, #tpu.memory_space<semaphore_mem>>) src(%arg18 : memref<40x128xf32, #tpu.memory_space<vmem>>) dst(%dma_wait3A_572 : memref<40x128xf32, #tpu.memory_space<vmem_shared>>)
      tpu.yield
    }) : () -> ()
    %add3A_39 = arith.constant 280 : i32
    %add3A_40 = arith.addi %mul3A_24, %add3A_39 : i32
    "tpu.region"() ({
      %run_scoped3A = tpu.sem_alloc : memref<!tpu.dma_semaphore, #tpu.memory_space<semaphore_mem>>
      %dma_start3A_565 = arith.constant 0 : i32
      %dma_start3A_566 = tpu.memref_slice %arg25[%add3A_40, %dma_start3A_565] : memref<10000x128xf32, #tpu.memory_space<vmem_shared>> -> memref<40x128xf32, #tpu.memory_space<vmem_shared>>
      %dma_start3A_567 = arith.constant 0 : i32
      %dma_start3A_568 = tpu.memref_slice %arg25[%add3A_40, %dma_start3A_567] : memref<10000x128xf32, #tpu.memory_space<vmem_shared>> -> memref<40x128xf32, #tpu.memory_space<vmem_shared>>
      tpu.enqueue_dma source(%arg18 : memref<40x128xf32, #tpu.memory_space<vmem>>) target(%dma_start3A_568 : memref<40x128xf32, #tpu.memory_space<vmem_shared>>) target_semaphore(%run_scoped3A : memref<!tpu.dma_semaphore, #tpu.memory_space<semaphore_mem>>)
      %dma_wait3A_569 = arith.constant 0 : i32
      %dma_wait3A_570 = tpu.memref_slice %arg25[%add3A_40, %dma_wait3A_569] : memref<10000x128xf32, #tpu.memory_space<vmem_shared>> -> memref<40x128xf32, #tpu.memory_space<vmem_shared>>
      %dma_wait3A_571 = arith.constant 0 : i32
      %dma_wait3A_572 = tpu.memref_slice %arg25[%add3A_40, %dma_wait3A_571] : memref<10000x128xf32, #tpu.memory_space<vmem_shared>> -> memref<40x128xf32, #tpu.memory_space<vmem_shared>>
      tpu.wait_dma2 semaphore(%run_scoped3A : memref<!tpu.dma_semaphore, #tpu.memory_space<semaphore_mem>>) src(%arg18 : memref<40x128xf32, #tpu.memory_space<vmem>>) dst(%dma_wait3A_572 : memref<40x128xf32, #tpu.memory_space<vmem_shared>>)
      tpu.yield
    }) : () -> ()
    %add3A_41 = arith.constant 320 : i32
    %add3A_42 = arith.addi %mul3A_24, %add3A_41 : i32
    "tpu.region"() ({
      %run_scoped3A = tpu.sem_alloc : memref<!tpu.dma_semaphore, #tpu.memory_space<semaphore_mem>>
      %dma_start3A_565 = arith.constant 0 : i32
      %dma_start3A_566 = tpu.memref_slice %arg25[%add3A_42, %dma_start3A_565] : memref<10000x128xf32, #tpu.memory_space<vmem_shared>> -> memref<40x128xf32, #tpu.memory_space<vmem_shared>>
      %dma_start3A_567 = arith.constant 0 : i32
      %dma_start3A_568 = tpu.memref_slice %arg25[%add3A_42, %dma_start3A_567] : memref<10000x128xf32, #tpu.memory_space<vmem_shared>> -> memref<40x128xf32, #tpu.memory_space<vmem_shared>>
      tpu.enqueue_dma source(%arg18 : memref<40x128xf32, #tpu.memory_space<vmem>>) target(%dma_start3A_568 : memref<40x128xf32, #tpu.memory_space<vmem_shared>>) target_semaphore(%run_scoped3A : memref<!tpu.dma_semaphore, #tpu.memory_space<semaphore_mem>>)
      %dma_wait3A_569 = arith.constant 0 : i32
      %dma_wait3A_570 = tpu.memref_slice %arg25[%add3A_42, %dma_wait3A_569] : memref<10000x128xf32, #tpu.memory_space<vmem_shared>> -> memref<40x128xf32, #tpu.memory_space<vmem_shared>>
      %dma_wait3A_571 = arith.constant 0 : i32
      %dma_wait3A_572 = tpu.memref_slice %arg25[%add3A_42, %dma_wait3A_571] : memref<10000x128xf32, #tpu.memory_space<vmem_shared>> -> memref<40x128xf32, #tpu.memory_space<vmem_shared>>
      tpu.wait_dma2 semaphore(%run_scoped3A : memref<!tpu.dma_semaphore, #tpu.memory_space<semaphore_mem>>) src(%arg18 : memref<40x128xf32, #tpu.memory_space<vmem>>) dst(%dma_wait3A_572 : memref<40x128xf32, #tpu.memory_space<vmem_shared>>)
      tpu.yield
    }) : () -> ()
    %add3A_43 = arith.constant 360 : i32
    %add3A_44 = arith.addi %mul3A_24, %add3A_43 : i32
    "tpu.region"() ({
      %run_scoped3A = tpu.sem_alloc : memref<!tpu.dma_semaphore, #tpu.memory_space<semaphore_mem>>
      %dma_start3A_565 = arith.constant 0 : i32
      %dma_start3A_566 = tpu.memref_slice %arg25[%add3A_44, %dma_start3A_565] : memref<10000x128xf32, #tpu.memory_space<vmem_shared>> -> memref<40x128xf32, #tpu.memory_space<vmem_shared>>
      %dma_start3A_567 = arith.constant 0 : i32
      %dma_start3A_568 = tpu.memref_slice %arg25[%add3A_44, %dma_start3A_567] : memref<10000x128xf32, #tpu.memory_space<vmem_shared>> -> memref<40x128xf32, #tpu.memory_space<vmem_shared>>
      tpu.enqueue_dma source(%arg18 : memref<40x128xf32, #tpu.memory_space<vmem>>) target(%dma_start3A_568 : memref<40x128xf32, #tpu.memory_space<vmem_shared>>) target_semaphore(%run_scoped3A : memref<!tpu.dma_semaphore, #tpu.memory_space<semaphore_mem>>)
      %dma_wait3A_569 = arith.constant 0 : i32
      %dma_wait3A_570 = tpu.memref_slice %arg25[%add3A_44, %dma_wait3A_569] : memref<10000x128xf32, #tpu.memory_space<vmem_shared>> -> memref<40x128xf32, #tpu.memory_space<vmem_shared>>
      %dma_wait3A_571 = arith.constant 0 : i32
      %dma_wait3A_572 = tpu.memref_slice %arg25[%add3A_44, %dma_wait3A_571] : memref<10000x128xf32, #tpu.memory_space<vmem_shared>> -> memref<40x128xf32, #tpu.memory_space<vmem_shared>>
      tpu.wait_dma2 semaphore(%run_scoped3A : memref<!tpu.dma_semaphore, #tpu.memory_space<semaphore_mem>>) src(%arg18 : memref<40x128xf32, #tpu.memory_space<vmem>>) dst(%dma_wait3A_572 : memref<40x128xf32, #tpu.memory_space<vmem_shared>>)
      tpu.yield
    }) : () -> ()
    %add3A_45 = arith.constant 400 : i32
    %add3A_46 = arith.addi %mul3A_24, %add3A_45 : i32
    "tpu.region"() ({
      %run_scoped3A = tpu.sem_alloc : memref<!tpu.dma_semaphore, #tpu.memory_space<semaphore_mem>>
      %dma_start3A_565 = arith.constant 0 : i32
      %dma_start3A_566 = tpu.memref_slice %arg25[%add3A_46, %dma_start3A_565] : memref<10000x128xf32, #tpu.memory_space<vmem_shared>> -> memref<40x128xf32, #tpu.memory_space<vmem_shared>>
      %dma_start3A_567 = arith.constant 0 : i32
      %dma_start3A_568 = tpu.memref_slice %arg25[%add3A_46, %dma_start3A_567] : memref<10000x128xf32, #tpu.memory_space<vmem_shared>> -> memref<40x128xf32, #tpu.memory_space<vmem_shared>>
      tpu.enqueue_dma source(%arg18 : memref<40x128xf32, #tpu.memory_space<vmem>>) target(%dma_start3A_568 : memref<40x128xf32, #tpu.memory_space<vmem_shared>>) target_semaphore(%run_scoped3A : memref<!tpu.dma_semaphore, #tpu.memory_space<semaphore_mem>>)
      %dma_wait3A_569 = arith.constant 0 : i32
      %dma_wait3A_570 = tpu.memref_slice %arg25[%add3A_46, %dma_wait3A_569] : memref<10000x128xf32, #tpu.memory_space<vmem_shared>> -> memref<40x128xf32, #tpu.memory_space<vmem_shared>>
      %dma_wait3A_571 = arith.constant 0 : i32
      %dma_wait3A_572 = tpu.memref_slice %arg25[%add3A_46, %dma_wait3A_571] : memref<10000x128xf32, #tpu.memory_space<vmem_shared>> -> memref<40x128xf32, #tpu.memory_space<vmem_shared>>
      tpu.wait_dma2 semaphore(%run_scoped3A : memref<!tpu.dma_semaphore, #tpu.memory_space<semaphore_mem>>) src(%arg18 : memref<40x128xf32, #tpu.memory_space<vmem>>) dst(%dma_wait3A_572 : memref<40x128xf32, #tpu.memory_space<vmem_shared>>)
      tpu.yield
    }) : () -> ()
    %add3A_47 = arith.constant 440 : i32
    %add3A_48 = arith.addi %mul3A_24, %add3A_47 : i32
    "tpu.region"() ({
      %run_scoped3A = tpu.sem_alloc : memref<!tpu.dma_semaphore, #tpu.memory_space<semaphore_mem>>
      %dma_start3A_565 = arith.constant 0 : i32
      %dma_start3A_566 = tpu.memref_slice %arg25[%add3A_48, %dma_start3A_565] : memref<10000x128xf32, #tpu.memory_space<vmem_shared>> -> memref<40x128xf32, #tpu.memory_space<vmem_shared>>
      %dma_start3A_567 = arith.constant 0 : i32
      %dma_start3A_568 = tpu.memref_slice %arg25[%add3A_48, %dma_start3A_567] : memref<10000x128xf32, #tpu.memory_space<vmem_shared>> -> memref<40x128xf32, #tpu.memory_space<vmem_shared>>
      tpu.enqueue_dma source(%arg18 : memref<40x128xf32, #tpu.memory_space<vmem>>) target(%dma_start3A_568 : memref<40x128xf32, #tpu.memory_space<vmem_shared>>) target_semaphore(%run_scoped3A : memref<!tpu.dma_semaphore, #tpu.memory_space<semaphore_mem>>)
      %dma_wait3A_569 = arith.constant 0 : i32
      %dma_wait3A_570 = tpu.memref_slice %arg25[%add3A_48, %dma_wait3A_569] : memref<10000x128xf32, #tpu.memory_space<vmem_shared>> -> memref<40x128xf32, #tpu.memory_space<vmem_shared>>
      %dma_wait3A_571 = arith.constant 0 : i32
      %dma_wait3A_572 = tpu.memref_slice %arg25[%add3A_48, %dma_wait3A_571] : memref<10000x128xf32, #tpu.memory_space<vmem_shared>> -> memref<40x128xf32, #tpu.memory_space<vmem_shared>>
      tpu.wait_dma2 semaphore(%run_scoped3A : memref<!tpu.dma_semaphore, #tpu.memory_space<semaphore_mem>>) src(%arg18 : memref<40x128xf32, #tpu.memory_space<vmem>>) dst(%dma_wait3A_572 : memref<40x128xf32, #tpu.memory_space<vmem_shared>>)
      tpu.yield
    }) : () -> ()
    %add3A_49 = arith.constant 480 : i32
    %add3A_50 = arith.addi %mul3A_24, %add3A_49 : i32
    "tpu.region"() ({
      %run_scoped3A = tpu.sem_alloc : memref<!tpu.dma_semaphore, #tpu.memory_space<semaphore_mem>>
      %dma_start3A_565 = arith.constant 0 : i32
      %dma_start3A_566 = tpu.memref_slice %arg25[%add3A_50, %dma_start3A_565] : memref<10000x128xf32, #tpu.memory_space<vmem_shared>> -> memref<40x128xf32, #tpu.memory_space<vmem_shared>>
      %dma_start3A_567 = arith.constant 0 : i32
      %dma_start3A_568 = tpu.memref_slice %arg25[%add3A_50, %dma_start3A_567] : memref<10000x128xf32, #tpu.memory_space<vmem_shared>> -> memref<40x128xf32, #tpu.memory_space<vmem_shared>>
      tpu.enqueue_dma source(%arg18 : memref<40x128xf32, #tpu.memory_space<vmem>>) target(%dma_start3A_568 : memref<40x128xf32, #tpu.memory_space<vmem_shared>>) target_semaphore(%run_scoped3A : memref<!tpu.dma_semaphore, #tpu.memory_space<semaphore_mem>>)
      %dma_wait3A_569 = arith.constant 0 : i32
      %dma_wait3A_570 = tpu.memref_slice %arg25[%add3A_50, %dma_wait3A_569] : memref<10000x128xf32, #tpu.memory_space<vmem_shared>> -> memref<40x128xf32, #tpu.memory_space<vmem_shared>>
      %dma_wait3A_571 = arith.constant 0 : i32
      %dma_wait3A_572 = tpu.memref_slice %arg25[%add3A_50, %dma_wait3A_571] : memref<10000x128xf32, #tpu.memory_space<vmem_shared>> -> memref<40x128xf32, #tpu.memory_space<vmem_shared>>
      tpu.wait_dma2 semaphore(%run_scoped3A : memref<!tpu.dma_semaphore, #tpu.memory_space<semaphore_mem>>) src(%arg18 : memref<40x128xf32, #tpu.memory_space<vmem>>) dst(%dma_wait3A_572 : memref<40x128xf32, #tpu.memory_space<vmem_shared>>)
      tpu.yield
    }) : () -> ()
    %add3A_51 = arith.constant 520 : i32
    %add3A_52 = arith.addi %mul3A_24, %add3A_51 : i32
    "tpu.region"() ({
      %run_scoped3A = tpu.sem_alloc : memref<!tpu.dma_semaphore, #tpu.memory_space<semaphore_mem>>
      %dma_start3A_565 = arith.constant 0 : i32
      %dma_start3A_566 = tpu.memref_slice %arg25[%add3A_52, %dma_start3A_565] : memref<10000x128xf32, #tpu.memory_space<vmem_shared>> -> memref<40x128xf32, #tpu.memory_space<vmem_shared>>
      %dma_start3A_567 = arith.constant 0 : i32
      %dma_start3A_568 = tpu.memref_slice %arg25[%add3A_52, %dma_start3A_567] : memref<10000x128xf32, #tpu.memory_space<vmem_shared>> -> memref<40x128xf32, #tpu.memory_space<vmem_shared>>
      tpu.enqueue_dma source(%arg18 : memref<40x128xf32, #tpu.memory_space<vmem>>) target(%dma_start3A_568 : memref<40x128xf32, #tpu.memory_space<vmem_shared>>) target_semaphore(%run_scoped3A : memref<!tpu.dma_semaphore, #tpu.memory_space<semaphore_mem>>)
      %dma_wait3A_569 = arith.constant 0 : i32
      %dma_wait3A_570 = tpu.memref_slice %arg25[%add3A_52, %dma_wait3A_569] : memref<10000x128xf32, #tpu.memory_space<vmem_shared>> -> memref<40x128xf32, #tpu.memory_space<vmem_shared>>
      %dma_wait3A_571 = arith.constant 0 : i32
      %dma_wait3A_572 = tpu.memref_slice %arg25[%add3A_52, %dma_wait3A_571] : memref<10000x128xf32, #tpu.memory_space<vmem_shared>> -> memref<40x128xf32, #tpu.memory_space<vmem_shared>>
      tpu.wait_dma2 semaphore(%run_scoped3A : memref<!tpu.dma_semaphore, #tpu.memory_space<semaphore_mem>>) src(%arg18 : memref<40x128xf32, #tpu.memory_space<vmem>>) dst(%dma_wait3A_572 : memref<40x128xf32, #tpu.memory_space<vmem_shared>>)
      tpu.yield
    }) : () -> ()
    %add3A_53 = arith.constant 560 : i32
    %add3A_54 = arith.addi %mul3A_24, %add3A_53 : i32
    "tpu.region"() ({
      %run_scoped3A = tpu.sem_alloc : memref<!tpu.dma_semaphore, #tpu.memory_space<semaphore_mem>>
      %dma_start3A_565 = arith.constant 0 : i32
      %dma_start3A_566 = tpu.memref_slice %arg25[%add3A_54, %dma_start3A_565] : memref<10000x128xf32, #tpu.memory_space<vmem_shared>> -> memref<40x128xf32, #tpu.memory_space<vmem_shared>>
      %dma_start3A_567 = arith.constant 0 : i32
      %dma_start3A_568 = tpu.memref_slice %arg25[%add3A_54, %dma_start3A_567] : memref<10000x128xf32, #tpu.memory_space<vmem_shared>> -> memref<40x128xf32, #tpu.memory_space<vmem_shared>>
      tpu.enqueue_dma source(%arg18 : memref<40x128xf32, #tpu.memory_space<vmem>>) target(%dma_start3A_568 : memref<40x128xf32, #tpu.memory_space<vmem_shared>>) target_semaphore(%run_scoped3A : memref<!tpu.dma_semaphore, #tpu.memory_space<semaphore_mem>>)
      %dma_wait3A_569 = arith.constant 0 : i32
      %dma_wait3A_570 = tpu.memref_slice %arg25[%add3A_54, %dma_wait3A_569] : memref<10000x128xf32, #tpu.memory_space<vmem_shared>> -> memref<40x128xf32, #tpu.memory_space<vmem_shared>>
      %dma_wait3A_571 = arith.constant 0 : i32
      %dma_wait3A_572 = tpu.memref_slice %arg25[%add3A_54, %dma_wait3A_571] : memref<10000x128xf32, #tpu.memory_space<vmem_shared>> -> memref<40x128xf32, #tpu.memory_space<vmem_shared>>
      tpu.wait_dma2 semaphore(%run_scoped3A : memref<!tpu.dma_semaphore, #tpu.memory_space<semaphore_mem>>) src(%arg18 : memref<40x128xf32, #tpu.memory_space<vmem>>) dst(%dma_wait3A_572 : memref<40x128xf32, #tpu.memory_space<vmem_shared>>)
      tpu.yield
    }) : () -> ()
    %add3A_55 = arith.constant 624 : i32
    %add3A_56 = arith.addi %mul3A_24, %add3A_55 : i32
    %sub3A = arith.constant 24 : i32
    %sub3A_57 = arith.subi %add3A_56, %sub3A : i32
    "tpu.region"() ({
      %run_scoped3A = tpu.sem_alloc : memref<!tpu.dma_semaphore, #tpu.memory_space<semaphore_mem>>
      %dma_start3A_565 = arith.constant 0 : i32
      %dma_start3A_566 = arith.constant 0 : i32
      %dma_start3A_567 = tpu.memref_slice %arg18[%dma_start3A_565, %dma_start3A_566] : memref<40x128xf32, #tpu.memory_space<vmem>> -> memref<24x128xf32, #tpu.memory_space<vmem>>
      %dma_start3A_568 = arith.constant 0 : i32
      %dma_start3A_569 = tpu.memref_slice %arg25[%sub3A_57, %dma_start3A_568] : memref<10000x128xf32, #tpu.memory_space<vmem_shared>> -> memref<24x128xf32, #tpu.memory_space<vmem_shared>>
      %dma_start3A_570 = arith.constant 0 : i32
      %dma_start3A_571 = tpu.memref_slice %arg25[%sub3A_57, %dma_start3A_570] : memref<10000x128xf32, #tpu.memory_space<vmem_shared>> -> memref<24x128xf32, #tpu.memory_space<vmem_shared>>
      %dma_start3A_572 = arith.constant 0 : i32
      %dma_start3A_573 = arith.constant 0 : i32
      %dma_start3A_574 = tpu.memref_slice %arg18[%dma_start3A_572, %dma_start3A_573] : memref<40x128xf32, #tpu.memory_space<vmem>> -> memref<24x128xf32, #tpu.memory_space<vmem>>
      tpu.enqueue_dma source(%dma_start3A_574 : memref<24x128xf32, #tpu.memory_space<vmem>>) target(%dma_start3A_571 : memref<24x128xf32, #tpu.memory_space<vmem_shared>>) target_semaphore(%run_scoped3A : memref<!tpu.dma_semaphore, #tpu.memory_space<semaphore_mem>>)
      %dma_wait3A_575 = arith.constant 0 : i32
      %dma_wait3A_576 = arith.constant 0 : i32
      %dma_wait3A_577 = tpu.memref_slice %arg18[%dma_wait3A_575, %dma_wait3A_576] : memref<40x128xf32, #tpu.memory_space<vmem>> -> memref<24x128xf32, #tpu.memory_space<vmem>>
      %dma_wait3A_578 = arith.constant 0 : i32
      %dma_wait3A_579 = tpu.memref_slice %arg25[%sub3A_57, %dma_wait3A_578] : memref<10000x128xf32, #tpu.memory_space<vmem_shared>> -> memref<24x128xf32, #tpu.memory_space<vmem_shared>>
      %dma_wait3A_580 = arith.constant 0 : i32
      %dma_wait3A_581 = tpu.memref_slice %arg25[%sub3A_57, %dma_wait3A_580] : memref<10000x128xf32, #tpu.memory_space<vmem_shared>> -> memref<24x128xf32, #tpu.memory_space<vmem_shared>>
      %dma_wait3A_582 = arith.constant 0 : i32
      %dma_wait3A_583 = arith.constant 0 : i32
      %dma_wait3A_584 = tpu.memref_slice %arg18[%dma_wait3A_582, %dma_wait3A_583] : memref<40x128xf32, #tpu.memory_space<vmem>> -> memref<24x128xf32, #tpu.memory_space<vmem>>
      tpu.wait_dma2 semaphore(%run_scoped3A : memref<!tpu.dma_semaphore, #tpu.memory_space<semaphore_mem>>) src(%dma_wait3A_584 : memref<24x128xf32, #tpu.memory_space<vmem>>) dst(%dma_wait3A_581 : memref<24x128xf32, #tpu.memory_space<vmem_shared>>)
      tpu.yield
    }) : () -> ()
    %eq3A = arith.constant 15 : i32
    %eq3A_58 = arith.cmpi eq, %arg1, %eq3A : i32
    %convert_element_type3A = arith.extui %eq3A_58 : i1 to i32
    %cond3A = arith.constant 0 : i32
    %cond3A_59 = arith.cmpi ne, %convert_element_type3A, %cond3A : i32
    scf.if %cond3A_59 {
      "tpu.region"() ({
        %run_scoped3A = tpu.sem_alloc : memref<!tpu.dma_semaphore, #tpu.memory_space<semaphore_mem>>
        %dma_start3A_565 = arith.constant 0 : i32
        %dma_start3A_566 = arith.constant 0 : i32
        %dma_start3A_567 = tpu.memref_slice %arg18[%dma_start3A_565, %dma_start3A_566] : memref<40x128xf32, #tpu.memory_space<vmem>> -> memref<16x128xf32, #tpu.memory_space<vmem>>
        %dma_start3A_568 = arith.constant 9984 : i32
        %dma_start3A_569 = arith.constant 0 : i32
        %dma_start3A_570 = tpu.memref_slice %arg25[%dma_start3A_568, %dma_start3A_569] : memref<10000x128xf32, #tpu.memory_space<vmem_shared>> -> memref<16x128xf32, #tpu.memory_space<vmem_shared>>
        %dma_start3A_571 = arith.constant 9984 : i32
        %dma_start3A_572 = arith.constant 0 : i32
        %dma_start3A_573 = tpu.memref_slice %arg25[%dma_start3A_571, %dma_start3A_572] : memref<10000x128xf32, #tpu.memory_space<vmem_shared>> -> memref<16x128xf32, #tpu.memory_space<vmem_shared>>
        %dma_start3A_574 = arith.constant 0 : i32
        %dma_start3A_575 = arith.constant 0 : i32
        %dma_start3A_576 = tpu.memref_slice %arg18[%dma_start3A_574, %dma_start3A_575] : memref<40x128xf32, #tpu.memory_space<vmem>> -> memref<16x128xf32, #tpu.memory_space<vmem>>
        tpu.enqueue_dma source(%dma_start3A_576 : memref<16x128xf32, #tpu.memory_space<vmem>>) target(%dma_start3A_573 : memref<16x128xf32, #tpu.memory_space<vmem_shared>>) target_semaphore(%run_scoped3A : memref<!tpu.dma_semaphore, #tpu.memory_space<semaphore_mem>>)
        %dma_wait3A_577 = arith.constant 0 : i32
        %dma_wait3A_578 = arith.constant 0 : i32
        %dma_wait3A_579 = tpu.memref_slice %arg18[%dma_wait3A_577, %dma_wait3A_578] : memref<40x128xf32, #tpu.memory_space<vmem>> -> memref<16x128xf32, #tpu.memory_space<vmem>>
        %dma_wait3A_580 = arith.constant 9984 : i32
        %dma_wait3A_581 = arith.constant 0 : i32
        %dma_wait3A_582 = tpu.memref_slice %arg25[%dma_wait3A_580, %dma_wait3A_581] : memref<10000x128xf32, #tpu.memory_space<vmem_shared>> -> memref<16x128xf32, #tpu.memory_space<vmem_shared>>
        %dma_wait3A_583 = arith.constant 9984 : i32
        %dma_wait3A_584 = arith.constant 0 : i32
        %dma_wait3A_585 = tpu.memref_slice %arg25[%dma_wait3A_583, %dma_wait3A_584] : memref<10000x128xf32, #tpu.memory_space<vmem_shared>> -> memref<16x128xf32, #tpu.memory_space<vmem_shared>>
        %dma_wait3A_586 = arith.constant 0 : i32
        %dma_wait3A_587 = arith.constant 0 : i32
        %dma_wait3A_588 = tpu.memref_slice %arg18[%dma_wait3A_586, %dma_wait3A_587] : memref<40x128xf32, #tpu.memory_space<vmem>> -> memref<16x128xf32, #tpu.memory_space<vmem>>
        tpu.wait_dma2 semaphore(%run_scoped3A : memref<!tpu.dma_semaphore, #tpu.memory_space<semaphore_mem>>) src(%dma_wait3A_588 : memref<16x128xf32, #tpu.memory_space<vmem>>) dst(%dma_wait3A_585 : memref<16x128xf32, #tpu.memory_space<vmem_shared>>)
        tpu.yield
      }) : () -> ()
    } else {
    }
    %barrier3A = arith.constant 0 : index
    tpu.barrier barrier_id(%barrier3A)
    %add3A_60 = arith.constant 0 : i32
    %add3A_61 = arith.addi %mul3A_2, %add3A_60 : i32
    %add3A_62 = arith.constant 80 : i32
    %add3A_63 = arith.addi %mul3A_2, %add3A_62 : i32
    %multiple_of3A = tpu.assume_multiple %add3A_63, 8 : i32
    %dma_start3A_64 = tpu.memref_slice %arg3[%multiple_of3A] : memref<640000xi32, #tpu.memory_space<hbm>> -> memref<40xi32, #tpu.memory_space<hbm>>
    %dma_start3A_65 = tpu.memref_slice %arg3[%multiple_of3A] : memref<640000xi32, #tpu.memory_space<hbm>> -> memref<40xi32, #tpu.memory_space<hbm>>
    tpu.enqueue_dma source(%dma_start3A_65 : memref<40xi32, #tpu.memory_space<hbm>>) target(%arg8 : memref<40xi32, #tpu.memory_space<vmem>>) target_semaphore(%arg28 : memref<!tpu.dma_semaphore, #tpu.memory_space<semaphore_mem>>)
    %add3A_66 = arith.constant 320000 : i32
    %add3A_67 = arith.addi %add3A_66, %multiple_of3A : i32
    %dma_start3A_68 = tpu.memref_slice %arg3[%add3A_67] : memref<640000xi32, #tpu.memory_space<hbm>> -> memref<40xi32, #tpu.memory_space<hbm>>
    %dma_start3A_69 = tpu.memref_slice %arg3[%add3A_67] : memref<640000xi32, #tpu.memory_space<hbm>> -> memref<40xi32, #tpu.memory_space<hbm>>
    tpu.enqueue_dma source(%dma_start3A_69 : memref<40xi32, #tpu.memory_space<hbm>>) target(%arg14 : memref<40xi32, #tpu.memory_space<vmem>>) target_semaphore(%arg28 : memref<!tpu.dma_semaphore, #tpu.memory_space<semaphore_mem>>)
    %dma_wait3A = arith.constant 0 : i32
    %dma_wait3A_70 = tpu.memref_slice %arg3[%dma_wait3A] : memref<640000xi32, #tpu.memory_space<hbm>> -> memref<40xi32, #tpu.memory_space<hbm>>
    %dma_wait3A_71 = arith.constant 0 : i32
    %dma_wait3A_72 = tpu.memref_slice %arg3[%dma_wait3A_71] : memref<640000xi32, #tpu.memory_space<hbm>> -> memref<40xi32, #tpu.memory_space<hbm>>
    tpu.wait_dma2 semaphore(%arg26 : memref<!tpu.dma_semaphore, #tpu.memory_space<semaphore_mem>>) src(%dma_wait3A_72 : memref<40xi32, #tpu.memory_space<hbm>>) dst(%arg6 : memref<40xi32, #tpu.memory_space<vmem>>)
    %dma_wait3A_73 = arith.constant 0 : i32
    %dma_wait3A_74 = tpu.memref_slice %arg3[%dma_wait3A_73] : memref<640000xi32, #tpu.memory_space<hbm>> -> memref<40xi32, #tpu.memory_space<hbm>>
    %dma_wait3A_75 = arith.constant 0 : i32
    %dma_wait3A_76 = tpu.memref_slice %arg3[%dma_wait3A_75] : memref<640000xi32, #tpu.memory_space<hbm>> -> memref<40xi32, #tpu.memory_space<hbm>>
    tpu.wait_dma2 semaphore(%arg26 : memref<!tpu.dma_semaphore, #tpu.memory_space<semaphore_mem>>) src(%dma_wait3A_76 : memref<40xi32, #tpu.memory_space<hbm>>) dst(%arg12 : memref<40xi32, #tpu.memory_space<vmem>>)
    %multiple_of3A_77 = tpu.assume_multiple %add3A_61, 8 : i32
    %dma_start3A_78 = arith.constant 0 : i32
    %dma_start3A_79 = arith.constant 0 : i32
    %dma_start3A_80 = tpu.memref_slice %arg2[%dma_start3A_78, %dma_start3A_79] : memref<10000x128xf32, #tpu.memory_space<hbm>> -> memref<10000x128xf32, #tpu.memory_space<hbm>>
    tpu.enqueue_indirect_dma source(%dma_start3A_80 : memref<10000x128xf32, #tpu.memory_space<hbm>>) target(%arg18 : memref<40x128xf32, #tpu.memory_space<vmem>>) offsets(%arg6 : memref<40xi32, #tpu.memory_space<vmem>>) semaphore(%arg32 : memref<!tpu.dma_semaphore, #tpu.memory_space<semaphore_mem>>)
    %dma_start3A_81 = arith.constant 0 : i32
    %dma_start3A_82 = tpu.memref_slice %arg4[%multiple_of3A_77, %dma_start3A_81] : memref<320000x128xf32, #tpu.memory_space<hbm>> -> memref<40x128xf32, #tpu.memory_space<hbm>>
    %dma_start3A_83 = arith.constant 0 : i32
    %dma_start3A_84 = tpu.memref_slice %arg4[%multiple_of3A_77, %dma_start3A_83] : memref<320000x128xf32, #tpu.memory_space<hbm>> -> memref<40x128xf32, #tpu.memory_space<hbm>>
    tpu.enqueue_dma source(%dma_start3A_84 : memref<40x128xf32, #tpu.memory_space<hbm>>) target(%arg22 : memref<40x128xf32, #tpu.memory_space<vmem>>) target_semaphore(%arg36 : memref<!tpu.dma_semaphore, #tpu.memory_space<semaphore_mem>>)
    %add3A_85 = arith.constant 40 : i32
    %add3A_86 = arith.addi %mul3A_2, %add3A_85 : i32
    %add3A_87 = arith.constant 120 : i32
    %add3A_88 = arith.addi %mul3A_2, %add3A_87 : i32
    %multiple_of3A_89 = tpu.assume_multiple %add3A_88, 8 : i32
    %dma_start3A_90 = tpu.memref_slice %arg3[%multiple_of3A_89] : memref<640000xi32, #tpu.memory_space<hbm>> -> memref<40xi32, #tpu.memory_space<hbm>>
    %dma_start3A_91 = tpu.memref_slice %arg3[%multiple_of3A_89] : memref<640000xi32, #tpu.memory_space<hbm>> -> memref<40xi32, #tpu.memory_space<hbm>>
    tpu.enqueue_dma source(%dma_start3A_91 : memref<40xi32, #tpu.memory_space<hbm>>) target(%arg9 : memref<40xi32, #tpu.memory_space<vmem>>) target_semaphore(%arg29 : memref<!tpu.dma_semaphore, #tpu.memory_space<semaphore_mem>>)
    %add3A_92 = arith.constant 320000 : i32
    %add3A_93 = arith.addi %add3A_92, %multiple_of3A_89 : i32
    %dma_start3A_94 = tpu.memref_slice %arg3[%add3A_93] : memref<640000xi32, #tpu.memory_space<hbm>> -> memref<40xi32, #tpu.memory_space<hbm>>
    %dma_start3A_95 = tpu.memref_slice %arg3[%add3A_93] : memref<640000xi32, #tpu.memory_space<hbm>> -> memref<40xi32, #tpu.memory_space<hbm>>
    tpu.enqueue_dma source(%dma_start3A_95 : memref<40xi32, #tpu.memory_space<hbm>>) target(%arg15 : memref<40xi32, #tpu.memory_space<vmem>>) target_semaphore(%arg29 : memref<!tpu.dma_semaphore, #tpu.memory_space<semaphore_mem>>)
    %dma_wait3A_96 = arith.constant 0 : i32
    %dma_wait3A_97 = tpu.memref_slice %arg3[%dma_wait3A_96] : memref<640000xi32, #tpu.memory_space<hbm>> -> memref<40xi32, #tpu.memory_space<hbm>>
    %dma_wait3A_98 = arith.constant 0 : i32
    %dma_wait3A_99 = tpu.memref_slice %arg3[%dma_wait3A_98] : memref<640000xi32, #tpu.memory_space<hbm>> -> memref<40xi32, #tpu.memory_space<hbm>>
    tpu.wait_dma2 semaphore(%arg27 : memref<!tpu.dma_semaphore, #tpu.memory_space<semaphore_mem>>) src(%dma_wait3A_99 : memref<40xi32, #tpu.memory_space<hbm>>) dst(%arg7 : memref<40xi32, #tpu.memory_space<vmem>>)
    %dma_wait3A_100 = arith.constant 0 : i32
    %dma_wait3A_101 = tpu.memref_slice %arg3[%dma_wait3A_100] : memref<640000xi32, #tpu.memory_space<hbm>> -> memref<40xi32, #tpu.memory_space<hbm>>
    %dma_wait3A_102 = arith.constant 0 : i32
    %dma_wait3A_103 = tpu.memref_slice %arg3[%dma_wait3A_102] : memref<640000xi32, #tpu.memory_space<hbm>> -> memref<40xi32, #tpu.memory_space<hbm>>
    tpu.wait_dma2 semaphore(%arg27 : memref<!tpu.dma_semaphore, #tpu.memory_space<semaphore_mem>>) src(%dma_wait3A_103 : memref<40xi32, #tpu.memory_space<hbm>>) dst(%arg13 : memref<40xi32, #tpu.memory_space<vmem>>)
    %multiple_of3A_104 = tpu.assume_multiple %add3A_86, 8 : i32
    %dma_start3A_105 = arith.constant 0 : i32
    %dma_start3A_106 = arith.constant 0 : i32
    %dma_start3A_107 = tpu.memref_slice %arg2[%dma_start3A_105, %dma_start3A_106] : memref<10000x128xf32, #tpu.memory_space<hbm>> -> memref<10000x128xf32, #tpu.memory_space<hbm>>
    tpu.enqueue_indirect_dma source(%dma_start3A_107 : memref<10000x128xf32, #tpu.memory_space<hbm>>) target(%arg19 : memref<40x128xf32, #tpu.memory_space<vmem>>) offsets(%arg7 : memref<40xi32, #tpu.memory_space<vmem>>) semaphore(%arg33 : memref<!tpu.dma_semaphore, #tpu.memory_space<semaphore_mem>>)
    %dma_start3A_108 = arith.constant 0 : i32
    %dma_start3A_109 = tpu.memref_slice %arg4[%multiple_of3A_104, %dma_start3A_108] : memref<320000x128xf32, #tpu.memory_space<hbm>> -> memref<40x128xf32, #tpu.memory_space<hbm>>
    %dma_start3A_110 = arith.constant 0 : i32
    %dma_start3A_111 = tpu.memref_slice %arg4[%multiple_of3A_104, %dma_start3A_110] : memref<320000x128xf32, #tpu.memory_space<hbm>> -> memref<40x128xf32, #tpu.memory_space<hbm>>
    tpu.enqueue_dma source(%dma_start3A_111 : memref<40x128xf32, #tpu.memory_space<hbm>>) target(%arg23 : memref<40x128xf32, #tpu.memory_space<vmem>>) target_semaphore(%arg37 : memref<!tpu.dma_semaphore, #tpu.memory_space<semaphore_mem>>)
    %dma_wait3A_112 = arith.constant 0 : i32
    %dma_wait3A_113 = arith.constant 0 : i32
    %dma_wait3A_114 = tpu.memref_slice %arg2[%dma_wait3A_112, %dma_wait3A_113] : memref<10000x128xf32, #tpu.memory_space<hbm>> -> memref<10000x128xf32, #tpu.memory_space<hbm>>
    tpu.wait_indirect_dma semaphore(%arg32 : memref<!tpu.dma_semaphore, #tpu.memory_space<semaphore_mem>>) src(%dma_wait3A_114 : memref<10000x128xf32, #tpu.memory_space<hbm>>) dst(%arg18 : memref<40x128xf32, #tpu.memory_space<vmem>>)
    %dma_wait3A_115 = arith.constant 0 : i32
    %dma_wait3A_116 = arith.constant 0 : i32
    %dma_wait3A_117 = tpu.memref_slice %arg4[%dma_wait3A_115, %dma_wait3A_116] : memref<320000x128xf32, #tpu.memory_space<hbm>> -> memref<40x128xf32, #tpu.memory_space<hbm>>
    %dma_wait3A_118 = arith.constant 0 : i32
    %dma_wait3A_119 = arith.constant 0 : i32
    %dma_wait3A_120 = tpu.memref_slice %arg4[%dma_wait3A_118, %dma_wait3A_119] : memref<320000x128xf32, #tpu.memory_space<hbm>> -> memref<40x128xf32, #tpu.memory_space<hbm>>
    tpu.wait_dma2 semaphore(%arg36 : memref<!tpu.dma_semaphore, #tpu.memory_space<semaphore_mem>>) src(%dma_wait3A_120 : memref<40x128xf32, #tpu.memory_space<hbm>>) dst(%arg22 : memref<40x128xf32, #tpu.memory_space<vmem>>)
    %dma_start3A_121 = arith.constant 0 : i32
    %dma_start3A_122 = arith.constant 0 : i32
    %dma_start3A_123 = tpu.memref_slice %arg25[%dma_start3A_121, %dma_start3A_122] : memref<10000x128xf32, #tpu.memory_space<vmem_shared>> -> memref<10000x128xf32, #tpu.memory_space<vmem_shared>>
    tpu.enqueue_indirect_dma source(%arg18 : memref<40x128xf32, #tpu.memory_space<vmem>>) target(%dma_start3A_123 : memref<10000x128xf32, #tpu.memory_space<vmem_shared>>) offsets(%arg12 : memref<40xi32, #tpu.memory_space<vmem>>) semaphore(%arg39 : memref<!tpu.dma_semaphore, #tpu.memory_space<semaphore_mem>>) {add = true}
    %dma_start3A_124 = arith.constant 0 : i32
    %dma_start3A_125 = arith.constant 0 : i32
    %dma_start3A_126 = tpu.memref_slice %arg25[%dma_start3A_124, %dma_start3A_125] : memref<10000x128xf32, #tpu.memory_space<vmem_shared>> -> memref<10000x128xf32, #tpu.memory_space<vmem_shared>>
    tpu.enqueue_indirect_dma source(%arg22 : memref<40x128xf32, #tpu.memory_space<vmem>>) target(%dma_start3A_126 : memref<10000x128xf32, #tpu.memory_space<vmem_shared>>) offsets(%arg12 : memref<40xi32, #tpu.memory_space<vmem>>) semaphore(%arg43 : memref<!tpu.dma_semaphore, #tpu.memory_space<semaphore_mem>>) {add = true}
    %add3A_127 = arith.constant 80 : i32
    %add3A_128 = arith.addi %mul3A_2, %add3A_127 : i32
    %add3A_129 = arith.constant 160 : i32
    %add3A_130 = arith.addi %mul3A_2, %add3A_129 : i32
    %multiple_of3A_131 = tpu.assume_multiple %add3A_130, 8 : i32
    %dma_start3A_132 = tpu.memref_slice %arg3[%multiple_of3A_131] : memref<640000xi32, #tpu.memory_space<hbm>> -> memref<40xi32, #tpu.memory_space<hbm>>
    %dma_start3A_133 = tpu.memref_slice %arg3[%multiple_of3A_131] : memref<640000xi32, #tpu.memory_space<hbm>> -> memref<40xi32, #tpu.memory_space<hbm>>
    tpu.enqueue_dma source(%dma_start3A_133 : memref<40xi32, #tpu.memory_space<hbm>>) target(%arg10 : memref<40xi32, #tpu.memory_space<vmem>>) target_semaphore(%arg30 : memref<!tpu.dma_semaphore, #tpu.memory_space<semaphore_mem>>)
    %add3A_134 = arith.constant 320000 : i32
    %add3A_135 = arith.addi %add3A_134, %multiple_of3A_131 : i32
    %dma_start3A_136 = tpu.memref_slice %arg3[%add3A_135] : memref<640000xi32, #tpu.memory_space<hbm>> -> memref<40xi32, #tpu.memory_space<hbm>>
    %dma_start3A_137 = tpu.memref_slice %arg3[%add3A_135] : memref<640000xi32, #tpu.memory_space<hbm>> -> memref<40xi32, #tpu.memory_space<hbm>>
    tpu.enqueue_dma source(%dma_start3A_137 : memref<40xi32, #tpu.memory_space<hbm>>) target(%arg16 : memref<40xi32, #tpu.memory_space<vmem>>) target_semaphore(%arg30 : memref<!tpu.dma_semaphore, #tpu.memory_space<semaphore_mem>>)
    %dma_wait3A_138 = arith.constant 0 : i32
    %dma_wait3A_139 = tpu.memref_slice %arg3[%dma_wait3A_138] : memref<640000xi32, #tpu.memory_space<hbm>> -> memref<40xi32, #tpu.memory_space<hbm>>
    %dma_wait3A_140 = arith.constant 0 : i32
    %dma_wait3A_141 = tpu.memref_slice %arg3[%dma_wait3A_140] : memref<640000xi32, #tpu.memory_space<hbm>> -> memref<40xi32, #tpu.memory_space<hbm>>
    tpu.wait_dma2 semaphore(%arg28 : memref<!tpu.dma_semaphore, #tpu.memory_space<semaphore_mem>>) src(%dma_wait3A_141 : memref<40xi32, #tpu.memory_space<hbm>>) dst(%arg8 : memref<40xi32, #tpu.memory_space<vmem>>)
    %dma_wait3A_142 = arith.constant 0 : i32
    %dma_wait3A_143 = tpu.memref_slice %arg3[%dma_wait3A_142] : memref<640000xi32, #tpu.memory_space<hbm>> -> memref<40xi32, #tpu.memory_space<hbm>>
    %dma_wait3A_144 = arith.constant 0 : i32
    %dma_wait3A_145 = tpu.memref_slice %arg3[%dma_wait3A_144] : memref<640000xi32, #tpu.memory_space<hbm>> -> memref<40xi32, #tpu.memory_space<hbm>>
    tpu.wait_dma2 semaphore(%arg28 : memref<!tpu.dma_semaphore, #tpu.memory_space<semaphore_mem>>) src(%dma_wait3A_145 : memref<40xi32, #tpu.memory_space<hbm>>) dst(%arg14 : memref<40xi32, #tpu.memory_space<vmem>>)
    %multiple_of3A_146 = tpu.assume_multiple %add3A_128, 8 : i32
    %dma_start3A_147 = arith.constant 0 : i32
    %dma_start3A_148 = arith.constant 0 : i32
    %dma_start3A_149 = tpu.memref_slice %arg2[%dma_start3A_147, %dma_start3A_148] : memref<10000x128xf32, #tpu.memory_space<hbm>> -> memref<10000x128xf32, #tpu.memory_space<hbm>>
    tpu.enqueue_indirect_dma source(%dma_start3A_149 : memref<10000x128xf32, #tpu.memory_space<hbm>>) target(%arg20 : memref<40x128xf32, #tpu.memory_space<vmem>>) offsets(%arg8 : memref<40xi32, #tpu.memory_space<vmem>>) semaphore(%arg34 : memref<!tpu.dma_semaphore, #tpu.memory_space<semaphore_mem>>)
    %dma_start3A_150 = arith.constant 0 : i32
    %dma_start3A_151 = tpu.memref_slice %arg4[%multiple_of3A_146, %dma_start3A_150] : memref<320000x128xf32, #tpu.memory_space<hbm>> -> memref<40x128xf32, #tpu.memory_space<hbm>>
    %dma_start3A_152 = arith.constant 0 : i32
    %dma_start3A_153 = tpu.memref_slice %arg4[%multiple_of3A_146, %dma_start3A_152] : memref<320000x128xf32, #tpu.memory_space<hbm>> -> memref<40x128xf32, #tpu.memory_space<hbm>>
    tpu.enqueue_dma source(%dma_start3A_153 : memref<40x128xf32, #tpu.memory_space<hbm>>) target(%arg24 : memref<40x128xf32, #tpu.memory_space<vmem>>) target_semaphore(%arg38 : memref<!tpu.dma_semaphore, #tpu.memory_space<semaphore_mem>>)
    %dma_wait3A_154 = arith.constant 0 : i32
    %dma_wait3A_155 = arith.constant 0 : i32
    %dma_wait3A_156 = tpu.memref_slice %arg2[%dma_wait3A_154, %dma_wait3A_155] : memref<10000x128xf32, #tpu.memory_space<hbm>> -> memref<10000x128xf32, #tpu.memory_space<hbm>>
    tpu.wait_indirect_dma semaphore(%arg33 : memref<!tpu.dma_semaphore, #tpu.memory_space<semaphore_mem>>) src(%dma_wait3A_156 : memref<10000x128xf32, #tpu.memory_space<hbm>>) dst(%arg19 : memref<40x128xf32, #tpu.memory_space<vmem>>)
    %dma_wait3A_157 = arith.constant 0 : i32
    %dma_wait3A_158 = arith.constant 0 : i32
    %dma_wait3A_159 = tpu.memref_slice %arg4[%dma_wait3A_157, %dma_wait3A_158] : memref<320000x128xf32, #tpu.memory_space<hbm>> -> memref<40x128xf32, #tpu.memory_space<hbm>>
    %dma_wait3A_160 = arith.constant 0 : i32
    %dma_wait3A_161 = arith.constant 0 : i32
    %dma_wait3A_162 = tpu.memref_slice %arg4[%dma_wait3A_160, %dma_wait3A_161] : memref<320000x128xf32, #tpu.memory_space<hbm>> -> memref<40x128xf32, #tpu.memory_space<hbm>>
    tpu.wait_dma2 semaphore(%arg37 : memref<!tpu.dma_semaphore, #tpu.memory_space<semaphore_mem>>) src(%dma_wait3A_162 : memref<40x128xf32, #tpu.memory_space<hbm>>) dst(%arg23 : memref<40x128xf32, #tpu.memory_space<vmem>>)
    %dma_start3A_163 = arith.constant 0 : i32
    %dma_start3A_164 = arith.constant 0 : i32
    %dma_start3A_165 = tpu.memref_slice %arg25[%dma_start3A_163, %dma_start3A_164] : memref<10000x128xf32, #tpu.memory_space<vmem_shared>> -> memref<10000x128xf32, #tpu.memory_space<vmem_shared>>
    tpu.enqueue_indirect_dma source(%arg19 : memref<40x128xf32, #tpu.memory_space<vmem>>) target(%dma_start3A_165 : memref<10000x128xf32, #tpu.memory_space<vmem_shared>>) offsets(%arg13 : memref<40xi32, #tpu.memory_space<vmem>>) semaphore(%arg40 : memref<!tpu.dma_semaphore, #tpu.memory_space<semaphore_mem>>) {add = true}
    %dma_start3A_166 = arith.constant 0 : i32
    %dma_start3A_167 = arith.constant 0 : i32
    %dma_start3A_168 = tpu.memref_slice %arg25[%dma_start3A_166, %dma_start3A_167] : memref<10000x128xf32, #tpu.memory_space<vmem_shared>> -> memref<10000x128xf32, #tpu.memory_space<vmem_shared>>
    tpu.enqueue_indirect_dma source(%arg23 : memref<40x128xf32, #tpu.memory_space<vmem>>) target(%dma_start3A_168 : memref<10000x128xf32, #tpu.memory_space<vmem_shared>>) offsets(%arg13 : memref<40xi32, #tpu.memory_space<vmem>>) semaphore(%arg44 : memref<!tpu.dma_semaphore, #tpu.memory_space<semaphore_mem>>) {add = true}
    %add3A_169 = arith.constant 120 : i32
    %add3A_170 = arith.addi %mul3A_2, %add3A_169 : i32
    %add3A_171 = arith.constant 200 : i32
    %add3A_172 = arith.addi %mul3A_2, %add3A_171 : i32
    %dma_wait3A_173 = arith.constant 0 : i32
    %dma_wait3A_174 = arith.constant 0 : i32
    %dma_wait3A_175 = tpu.memref_slice %arg25[%dma_wait3A_173, %dma_wait3A_174] : memref<10000x128xf32, #tpu.memory_space<vmem_shared>> -> memref<10000x128xf32, #tpu.memory_space<vmem_shared>>
    tpu.wait_indirect_dma semaphore(%arg43 : memref<!tpu.dma_semaphore, #tpu.memory_space<semaphore_mem>>) src(%arg22 : memref<40x128xf32, #tpu.memory_space<vmem>>) dst(%dma_wait3A_175 : memref<10000x128xf32, #tpu.memory_space<vmem_shared>>)
    %multiple_of3A_176 = tpu.assume_multiple %add3A_172, 8 : i32
    %dma_start3A_177 = tpu.memref_slice %arg3[%multiple_of3A_176] : memref<640000xi32, #tpu.memory_space<hbm>> -> memref<40xi32, #tpu.memory_space<hbm>>
    %dma_start3A_178 = tpu.memref_slice %arg3[%multiple_of3A_176] : memref<640000xi32, #tpu.memory_space<hbm>> -> memref<40xi32, #tpu.memory_space<hbm>>
    tpu.enqueue_dma source(%dma_start3A_178 : memref<40xi32, #tpu.memory_space<hbm>>) target(%arg11 : memref<40xi32, #tpu.memory_space<vmem>>) target_semaphore(%arg31 : memref<!tpu.dma_semaphore, #tpu.memory_space<semaphore_mem>>)
    %add3A_179 = arith.constant 320000 : i32
    %add3A_180 = arith.addi %add3A_179, %multiple_of3A_176 : i32
    %dma_start3A_181 = tpu.memref_slice %arg3[%add3A_180] : memref<640000xi32, #tpu.memory_space<hbm>> -> memref<40xi32, #tpu.memory_space<hbm>>
    %dma_start3A_182 = tpu.memref_slice %arg3[%add3A_180] : memref<640000xi32, #tpu.memory_space<hbm>> -> memref<40xi32, #tpu.memory_space<hbm>>
    tpu.enqueue_dma source(%dma_start3A_182 : memref<40xi32, #tpu.memory_space<hbm>>) target(%arg17 : memref<40xi32, #tpu.memory_space<vmem>>) target_semaphore(%arg31 : memref<!tpu.dma_semaphore, #tpu.memory_space<semaphore_mem>>)
    %dma_wait3A_183 = arith.constant 0 : i32
    %dma_wait3A_184 = tpu.memref_slice %arg3[%dma_wait3A_183] : memref<640000xi32, #tpu.memory_space<hbm>> -> memref<40xi32, #tpu.memory_space<hbm>>
    %dma_wait3A_185 = arith.constant 0 : i32
    %dma_wait3A_186 = tpu.memref_slice %arg3[%dma_wait3A_185] : memref<640000xi32, #tpu.memory_space<hbm>> -> memref<40xi32, #tpu.memory_space<hbm>>
    tpu.wait_dma2 semaphore(%arg29 : memref<!tpu.dma_semaphore, #tpu.memory_space<semaphore_mem>>) src(%dma_wait3A_186 : memref<40xi32, #tpu.memory_space<hbm>>) dst(%arg9 : memref<40xi32, #tpu.memory_space<vmem>>)
    %dma_wait3A_187 = arith.constant 0 : i32
    %dma_wait3A_188 = tpu.memref_slice %arg3[%dma_wait3A_187] : memref<640000xi32, #tpu.memory_space<hbm>> -> memref<40xi32, #tpu.memory_space<hbm>>
    %dma_wait3A_189 = arith.constant 0 : i32
    %dma_wait3A_190 = tpu.memref_slice %arg3[%dma_wait3A_189] : memref<640000xi32, #tpu.memory_space<hbm>> -> memref<40xi32, #tpu.memory_space<hbm>>
    tpu.wait_dma2 semaphore(%arg29 : memref<!tpu.dma_semaphore, #tpu.memory_space<semaphore_mem>>) src(%dma_wait3A_190 : memref<40xi32, #tpu.memory_space<hbm>>) dst(%arg15 : memref<40xi32, #tpu.memory_space<vmem>>)
    %multiple_of3A_191 = tpu.assume_multiple %add3A_170, 8 : i32
    %dma_start3A_192 = arith.constant 0 : i32
    %dma_start3A_193 = arith.constant 0 : i32
    %dma_start3A_194 = tpu.memref_slice %arg2[%dma_start3A_192, %dma_start3A_193] : memref<10000x128xf32, #tpu.memory_space<hbm>> -> memref<10000x128xf32, #tpu.memory_space<hbm>>
    tpu.enqueue_indirect_dma source(%dma_start3A_194 : memref<10000x128xf32, #tpu.memory_space<hbm>>) target(%arg21 : memref<40x128xf32, #tpu.memory_space<vmem>>) offsets(%arg9 : memref<40xi32, #tpu.memory_space<vmem>>) semaphore(%arg35 : memref<!tpu.dma_semaphore, #tpu.memory_space<semaphore_mem>>)
    %dma_start3A_195 = arith.constant 0 : i32
    %dma_start3A_196 = tpu.memref_slice %arg4[%multiple_of3A_191, %dma_start3A_195] : memref<320000x128xf32, #tpu.memory_space<hbm>> -> memref<40x128xf32, #tpu.memory_space<hbm>>
    %dma_start3A_197 = arith.constant 0 : i32
    %dma_start3A_198 = tpu.memref_slice %arg4[%multiple_of3A_191, %dma_start3A_197] : memref<320000x128xf32, #tpu.memory_space<hbm>> -> memref<40x128xf32, #tpu.memory_space<hbm>>
    tpu.enqueue_dma source(%dma_start3A_198 : memref<40x128xf32, #tpu.memory_space<hbm>>) target(%arg22 : memref<40x128xf32, #tpu.memory_space<vmem>>) target_semaphore(%arg36 : memref<!tpu.dma_semaphore, #tpu.memory_space<semaphore_mem>>)
    %dma_wait3A_199 = arith.constant 0 : i32
    %dma_wait3A_200 = arith.constant 0 : i32
    %dma_wait3A_201 = tpu.memref_slice %arg2[%dma_wait3A_199, %dma_wait3A_200] : memref<10000x128xf32, #tpu.memory_space<hbm>> -> memref<10000x128xf32, #tpu.memory_space<hbm>>
    tpu.wait_indirect_dma semaphore(%arg34 : memref<!tpu.dma_semaphore, #tpu.memory_space<semaphore_mem>>) src(%dma_wait3A_201 : memref<10000x128xf32, #tpu.memory_space<hbm>>) dst(%arg20 : memref<40x128xf32, #tpu.memory_space<vmem>>)
    %dma_wait3A_202 = arith.constant 0 : i32
    %dma_wait3A_203 = arith.constant 0 : i32
    %dma_wait3A_204 = tpu.memref_slice %arg4[%dma_wait3A_202, %dma_wait3A_203] : memref<320000x128xf32, #tpu.memory_space<hbm>> -> memref<40x128xf32, #tpu.memory_space<hbm>>
    %dma_wait3A_205 = arith.constant 0 : i32
    %dma_wait3A_206 = arith.constant 0 : i32
    %dma_wait3A_207 = tpu.memref_slice %arg4[%dma_wait3A_205, %dma_wait3A_206] : memref<320000x128xf32, #tpu.memory_space<hbm>> -> memref<40x128xf32, #tpu.memory_space<hbm>>
    tpu.wait_dma2 semaphore(%arg38 : memref<!tpu.dma_semaphore, #tpu.memory_space<semaphore_mem>>) src(%dma_wait3A_207 : memref<40x128xf32, #tpu.memory_space<hbm>>) dst(%arg24 : memref<40x128xf32, #tpu.memory_space<vmem>>)
    %dma_start3A_208 = arith.constant 0 : i32
    %dma_start3A_209 = arith.constant 0 : i32
    %dma_start3A_210 = tpu.memref_slice %arg25[%dma_start3A_208, %dma_start3A_209] : memref<10000x128xf32, #tpu.memory_space<vmem_shared>> -> memref<10000x128xf32, #tpu.memory_space<vmem_shared>>
    tpu.enqueue_indirect_dma source(%arg20 : memref<40x128xf32, #tpu.memory_space<vmem>>) target(%dma_start3A_210 : memref<10000x128xf32, #tpu.memory_space<vmem_shared>>) offsets(%arg14 : memref<40xi32, #tpu.memory_space<vmem>>) semaphore(%arg41 : memref<!tpu.dma_semaphore, #tpu.memory_space<semaphore_mem>>) {add = true}
    %dma_start3A_211 = arith.constant 0 : i32
    %dma_start3A_212 = arith.constant 0 : i32
    %dma_start3A_213 = tpu.memref_slice %arg25[%dma_start3A_211, %dma_start3A_212] : memref<10000x128xf32, #tpu.memory_space<vmem_shared>> -> memref<10000x128xf32, #tpu.memory_space<vmem_shared>>
    tpu.enqueue_indirect_dma source(%arg24 : memref<40x128xf32, #tpu.memory_space<vmem>>) target(%dma_start3A_213 : memref<10000x128xf32, #tpu.memory_space<vmem_shared>>) offsets(%arg14 : memref<40xi32, #tpu.memory_space<vmem>>) semaphore(%arg45 : memref<!tpu.dma_semaphore, #tpu.memory_space<semaphore_mem>>) {add = true}
    %add3A_214 = arith.constant 160 : i32
    %add3A_215 = arith.addi %mul3A_2, %add3A_214 : i32
    %add3A_216 = arith.constant 240 : i32
    %add3A_217 = arith.addi %mul3A_2, %add3A_216 : i32
    %dma_wait3A_218 = arith.constant 0 : i32
    %dma_wait3A_219 = arith.constant 0 : i32
    %dma_wait3A_220 = tpu.memref_slice %arg25[%dma_wait3A_218, %dma_wait3A_219] : memref<10000x128xf32, #tpu.memory_space<vmem_shared>> -> memref<10000x128xf32, #tpu.memory_space<vmem_shared>>
    tpu.wait_indirect_dma semaphore(%arg39 : memref<!tpu.dma_semaphore, #tpu.memory_space<semaphore_mem>>) src(%arg18 : memref<40x128xf32, #tpu.memory_space<vmem>>) dst(%dma_wait3A_220 : memref<10000x128xf32, #tpu.memory_space<vmem_shared>>)
    %dma_wait3A_221 = arith.constant 0 : i32
    %dma_wait3A_222 = arith.constant 0 : i32
    %dma_wait3A_223 = tpu.memref_slice %arg25[%dma_wait3A_221, %dma_wait3A_222] : memref<10000x128xf32, #tpu.memory_space<vmem_shared>> -> memref<10000x128xf32, #tpu.memory_space<vmem_shared>>
    tpu.wait_indirect_dma semaphore(%arg44 : memref<!tpu.dma_semaphore, #tpu.memory_space<semaphore_mem>>) src(%arg23 : memref<40x128xf32, #tpu.memory_space<vmem>>) dst(%dma_wait3A_223 : memref<10000x128xf32, #tpu.memory_space<vmem_shared>>)
    %multiple_of3A_224 = tpu.assume_multiple %add3A_217, 8 : i32
    %dma_start3A_225 = tpu.memref_slice %arg3[%multiple_of3A_224] : memref<640000xi32, #tpu.memory_space<hbm>> -> memref<40xi32, #tpu.memory_space<hbm>>
    %dma_start3A_226 = tpu.memref_slice %arg3[%multiple_of3A_224] : memref<640000xi32, #tpu.memory_space<hbm>> -> memref<40xi32, #tpu.memory_space<hbm>>
    tpu.enqueue_dma source(%dma_start3A_226 : memref<40xi32, #tpu.memory_space<hbm>>) target(%arg6 : memref<40xi32, #tpu.memory_space<vmem>>) target_semaphore(%arg26 : memref<!tpu.dma_semaphore, #tpu.memory_space<semaphore_mem>>)
    %add3A_227 = arith.constant 320000 : i32
    %add3A_228 = arith.addi %add3A_227, %multiple_of3A_224 : i32
    %dma_start3A_229 = tpu.memref_slice %arg3[%add3A_228] : memref<640000xi32, #tpu.memory_space<hbm>> -> memref<40xi32, #tpu.memory_space<hbm>>
    %dma_start3A_230 = tpu.memref_slice %arg3[%add3A_228] : memref<640000xi32, #tpu.memory_space<hbm>> -> memref<40xi32, #tpu.memory_space<hbm>>
    tpu.enqueue_dma source(%dma_start3A_230 : memref<40xi32, #tpu.memory_space<hbm>>) target(%arg12 : memref<40xi32, #tpu.memory_space<vmem>>) target_semaphore(%arg26 : memref<!tpu.dma_semaphore, #tpu.memory_space<semaphore_mem>>)
    %dma_wait3A_231 = arith.constant 0 : i32
    %dma_wait3A_232 = tpu.memref_slice %arg3[%dma_wait3A_231] : memref<640000xi32, #tpu.memory_space<hbm>> -> memref<40xi32, #tpu.memory_space<hbm>>
    %dma_wait3A_233 = arith.constant 0 : i32
    %dma_wait3A_234 = tpu.memref_slice %arg3[%dma_wait3A_233] : memref<640000xi32, #tpu.memory_space<hbm>> -> memref<40xi32, #tpu.memory_space<hbm>>
    tpu.wait_dma2 semaphore(%arg30 : memref<!tpu.dma_semaphore, #tpu.memory_space<semaphore_mem>>) src(%dma_wait3A_234 : memref<40xi32, #tpu.memory_space<hbm>>) dst(%arg10 : memref<40xi32, #tpu.memory_space<vmem>>)
    %dma_wait3A_235 = arith.constant 0 : i32
    %dma_wait3A_236 = tpu.memref_slice %arg3[%dma_wait3A_235] : memref<640000xi32, #tpu.memory_space<hbm>> -> memref<40xi32, #tpu.memory_space<hbm>>
    %dma_wait3A_237 = arith.constant 0 : i32
    %dma_wait3A_238 = tpu.memref_slice %arg3[%dma_wait3A_237] : memref<640000xi32, #tpu.memory_space<hbm>> -> memref<40xi32, #tpu.memory_space<hbm>>
    tpu.wait_dma2 semaphore(%arg30 : memref<!tpu.dma_semaphore, #tpu.memory_space<semaphore_mem>>) src(%dma_wait3A_238 : memref<40xi32, #tpu.memory_space<hbm>>) dst(%arg16 : memref<40xi32, #tpu.memory_space<vmem>>)
    %multiple_of3A_239 = tpu.assume_multiple %add3A_215, 8 : i32
    %dma_start3A_240 = arith.constant 0 : i32
    %dma_start3A_241 = arith.constant 0 : i32
    %dma_start3A_242 = tpu.memref_slice %arg2[%dma_start3A_240, %dma_start3A_241] : memref<10000x128xf32, #tpu.memory_space<hbm>> -> memref<10000x128xf32, #tpu.memory_space<hbm>>
    tpu.enqueue_indirect_dma source(%dma_start3A_242 : memref<10000x128xf32, #tpu.memory_space<hbm>>) target(%arg18 : memref<40x128xf32, #tpu.memory_space<vmem>>) offsets(%arg10 : memref<40xi32, #tpu.memory_space<vmem>>) semaphore(%arg32 : memref<!tpu.dma_semaphore, #tpu.memory_space<semaphore_mem>>)
    %dma_start3A_243 = arith.constant 0 : i32
    %dma_start3A_244 = tpu.memref_slice %arg4[%multiple_of3A_239, %dma_start3A_243] : memref<320000x128xf32, #tpu.memory_space<hbm>> -> memref<40x128xf32, #tpu.memory_space<hbm>>
    %dma_start3A_245 = arith.constant 0 : i32
    %dma_start3A_246 = tpu.memref_slice %arg4[%multiple_of3A_239, %dma_start3A_245] : memref<320000x128xf32, #tpu.memory_space<hbm>> -> memref<40x128xf32, #tpu.memory_space<hbm>>
    tpu.enqueue_dma source(%dma_start3A_246 : memref<40x128xf32, #tpu.memory_space<hbm>>) target(%arg23 : memref<40x128xf32, #tpu.memory_space<vmem>>) target_semaphore(%arg37 : memref<!tpu.dma_semaphore, #tpu.memory_space<semaphore_mem>>)
    %dma_wait3A_247 = arith.constant 0 : i32
    %dma_wait3A_248 = arith.constant 0 : i32
    %dma_wait3A_249 = tpu.memref_slice %arg2[%dma_wait3A_247, %dma_wait3A_248] : memref<10000x128xf32, #tpu.memory_space<hbm>> -> memref<10000x128xf32, #tpu.memory_space<hbm>>
    tpu.wait_indirect_dma semaphore(%arg35 : memref<!tpu.dma_semaphore, #tpu.memory_space<semaphore_mem>>) src(%dma_wait3A_249 : memref<10000x128xf32, #tpu.memory_space<hbm>>) dst(%arg21 : memref<40x128xf32, #tpu.memory_space<vmem>>)
    %dma_wait3A_250 = arith.constant 0 : i32
    %dma_wait3A_251 = arith.constant 0 : i32
    %dma_wait3A_252 = tpu.memref_slice %arg4[%dma_wait3A_250, %dma_wait3A_251] : memref<320000x128xf32, #tpu.memory_space<hbm>> -> memref<40x128xf32, #tpu.memory_space<hbm>>
    %dma_wait3A_253 = arith.constant 0 : i32
    %dma_wait3A_254 = arith.constant 0 : i32
    %dma_wait3A_255 = tpu.memref_slice %arg4[%dma_wait3A_253, %dma_wait3A_254] : memref<320000x128xf32, #tpu.memory_space<hbm>> -> memref<40x128xf32, #tpu.memory_space<hbm>>
    tpu.wait_dma2 semaphore(%arg36 : memref<!tpu.dma_semaphore, #tpu.memory_space<semaphore_mem>>) src(%dma_wait3A_255 : memref<40x128xf32, #tpu.memory_space<hbm>>) dst(%arg22 : memref<40x128xf32, #tpu.memory_space<vmem>>)
    %dma_start3A_256 = arith.constant 0 : i32
    %dma_start3A_257 = arith.constant 0 : i32
    %dma_start3A_258 = tpu.memref_slice %arg25[%dma_start3A_256, %dma_start3A_257] : memref<10000x128xf32, #tpu.memory_space<vmem_shared>> -> memref<10000x128xf32, #tpu.memory_space<vmem_shared>>
    tpu.enqueue_indirect_dma source(%arg21 : memref<40x128xf32, #tpu.memory_space<vmem>>) target(%dma_start3A_258 : memref<10000x128xf32, #tpu.memory_space<vmem_shared>>) offsets(%arg15 : memref<40xi32, #tpu.memory_space<vmem>>) semaphore(%arg42 : memref<!tpu.dma_semaphore, #tpu.memory_space<semaphore_mem>>) {add = true}
    %dma_start3A_259 = arith.constant 0 : i32
    %dma_start3A_260 = arith.constant 0 : i32
    %dma_start3A_261 = tpu.memref_slice %arg25[%dma_start3A_259, %dma_start3A_260] : memref<10000x128xf32, #tpu.memory_space<vmem_shared>> -> memref<10000x128xf32, #tpu.memory_space<vmem_shared>>
    tpu.enqueue_indirect_dma source(%arg22 : memref<40x128xf32, #tpu.memory_space<vmem>>) target(%dma_start3A_261 : memref<10000x128xf32, #tpu.memory_space<vmem_shared>>) offsets(%arg15 : memref<40xi32, #tpu.memory_space<vmem>>) semaphore(%arg43 : memref<!tpu.dma_semaphore, #tpu.memory_space<semaphore_mem>>) {add = true}
    %add3A_262 = arith.constant 200 : i32
    %add3A_263 = arith.addi %mul3A_2, %add3A_262 : i32
    %add3A_264 = arith.constant 280 : i32
    %add3A_265 = arith.addi %mul3A_2, %add3A_264 : i32
    %dma_wait3A_266 = arith.constant 0 : i32
    %dma_wait3A_267 = arith.constant 0 : i32
    %dma_wait3A_268 = tpu.memref_slice %arg25[%dma_wait3A_266, %dma_wait3A_267] : memref<10000x128xf32, #tpu.memory_space<vmem_shared>> -> memref<10000x128xf32, #tpu.memory_space<vmem_shared>>
    tpu.wait_indirect_dma semaphore(%arg40 : memref<!tpu.dma_semaphore, #tpu.memory_space<semaphore_mem>>) src(%arg19 : memref<40x128xf32, #tpu.memory_space<vmem>>) dst(%dma_wait3A_268 : memref<10000x128xf32, #tpu.memory_space<vmem_shared>>)
    %dma_wait3A_269 = arith.constant 0 : i32
    %dma_wait3A_270 = arith.constant 0 : i32
    %dma_wait3A_271 = tpu.memref_slice %arg25[%dma_wait3A_269, %dma_wait3A_270] : memref<10000x128xf32, #tpu.memory_space<vmem_shared>> -> memref<10000x128xf32, #tpu.memory_space<vmem_shared>>
    tpu.wait_indirect_dma semaphore(%arg45 : memref<!tpu.dma_semaphore, #tpu.memory_space<semaphore_mem>>) src(%arg24 : memref<40x128xf32, #tpu.memory_space<vmem>>) dst(%dma_wait3A_271 : memref<10000x128xf32, #tpu.memory_space<vmem_shared>>)
    %multiple_of3A_272 = tpu.assume_multiple %add3A_265, 8 : i32
    %dma_start3A_273 = tpu.memref_slice %arg3[%multiple_of3A_272] : memref<640000xi32, #tpu.memory_space<hbm>> -> memref<40xi32, #tpu.memory_space<hbm>>
    %dma_start3A_274 = tpu.memref_slice %arg3[%multiple_of3A_272] : memref<640000xi32, #tpu.memory_space<hbm>> -> memref<40xi32, #tpu.memory_space<hbm>>
    tpu.enqueue_dma source(%dma_start3A_274 : memref<40xi32, #tpu.memory_space<hbm>>) target(%arg7 : memref<40xi32, #tpu.memory_space<vmem>>) target_semaphore(%arg27 : memref<!tpu.dma_semaphore, #tpu.memory_space<semaphore_mem>>)
    %add3A_275 = arith.constant 320000 : i32
    %add3A_276 = arith.addi %add3A_275, %multiple_of3A_272 : i32
    %dma_start3A_277 = tpu.memref_slice %arg3[%add3A_276] : memref<640000xi32, #tpu.memory_space<hbm>> -> memref<40xi32, #tpu.memory_space<hbm>>
    %dma_start3A_278 = tpu.memref_slice %arg3[%add3A_276] : memref<640000xi32, #tpu.memory_space<hbm>> -> memref<40xi32, #tpu.memory_space<hbm>>
    tpu.enqueue_dma source(%dma_start3A_278 : memref<40xi32, #tpu.memory_space<hbm>>) target(%arg13 : memref<40xi32, #tpu.memory_space<vmem>>) target_semaphore(%arg27 : memref<!tpu.dma_semaphore, #tpu.memory_space<semaphore_mem>>)
    %dma_wait3A_279 = arith.constant 0 : i32
    %dma_wait3A_280 = tpu.memref_slice %arg3[%dma_wait3A_279] : memref<640000xi32, #tpu.memory_space<hbm>> -> memref<40xi32, #tpu.memory_space<hbm>>
    %dma_wait3A_281 = arith.constant 0 : i32
    %dma_wait3A_282 = tpu.memref_slice %arg3[%dma_wait3A_281] : memref<640000xi32, #tpu.memory_space<hbm>> -> memref<40xi32, #tpu.memory_space<hbm>>
    tpu.wait_dma2 semaphore(%arg31 : memref<!tpu.dma_semaphore, #tpu.memory_space<semaphore_mem>>) src(%dma_wait3A_282 : memref<40xi32, #tpu.memory_space<hbm>>) dst(%arg11 : memref<40xi32, #tpu.memory_space<vmem>>)
    %dma_wait3A_283 = arith.constant 0 : i32
    %dma_wait3A_284 = tpu.memref_slice %arg3[%dma_wait3A_283] : memref<640000xi32, #tpu.memory_space<hbm>> -> memref<40xi32, #tpu.memory_space<hbm>>
    %dma_wait3A_285 = arith.constant 0 : i32
    %dma_wait3A_286 = tpu.memref_slice %arg3[%dma_wait3A_285] : memref<640000xi32, #tpu.memory_space<hbm>> -> memref<40xi32, #tpu.memory_space<hbm>>
    tpu.wait_dma2 semaphore(%arg31 : memref<!tpu.dma_semaphore, #tpu.memory_space<semaphore_mem>>) src(%dma_wait3A_286 : memref<40xi32, #tpu.memory_space<hbm>>) dst(%arg17 : memref<40xi32, #tpu.memory_space<vmem>>)
    %multiple_of3A_287 = tpu.assume_multiple %add3A_263, 8 : i32
    %dma_start3A_288 = arith.constant 0 : i32
    %dma_start3A_289 = arith.constant 0 : i32
    %dma_start3A_290 = tpu.memref_slice %arg2[%dma_start3A_288, %dma_start3A_289] : memref<10000x128xf32, #tpu.memory_space<hbm>> -> memref<10000x128xf32, #tpu.memory_space<hbm>>
    tpu.enqueue_indirect_dma source(%dma_start3A_290 : memref<10000x128xf32, #tpu.memory_space<hbm>>) target(%arg19 : memref<40x128xf32, #tpu.memory_space<vmem>>) offsets(%arg11 : memref<40xi32, #tpu.memory_space<vmem>>) semaphore(%arg33 : memref<!tpu.dma_semaphore, #tpu.memory_space<semaphore_mem>>)
    %dma_start3A_291 = arith.constant 0 : i32
    %dma_start3A_292 = tpu.memref_slice %arg4[%multiple_of3A_287, %dma_start3A_291] : memref<320000x128xf32, #tpu.memory_space<hbm>> -> memref<40x128xf32, #tpu.memory_space<hbm>>
    %dma_start3A_293 = arith.constant 0 : i32
    %dma_start3A_294 = tpu.memref_slice %arg4[%multiple_of3A_287, %dma_start3A_293] : memref<320000x128xf32, #tpu.memory_space<hbm>> -> memref<40x128xf32, #tpu.memory_space<hbm>>
    tpu.enqueue_dma source(%dma_start3A_294 : memref<40x128xf32, #tpu.memory_space<hbm>>) target(%arg24 : memref<40x128xf32, #tpu.memory_space<vmem>>) target_semaphore(%arg38 : memref<!tpu.dma_semaphore, #tpu.memory_space<semaphore_mem>>)
    %dma_wait3A_295 = arith.constant 0 : i32
    %dma_wait3A_296 = arith.constant 0 : i32
    %dma_wait3A_297 = tpu.memref_slice %arg2[%dma_wait3A_295, %dma_wait3A_296] : memref<10000x128xf32, #tpu.memory_space<hbm>> -> memref<10000x128xf32, #tpu.memory_space<hbm>>
    tpu.wait_indirect_dma semaphore(%arg32 : memref<!tpu.dma_semaphore, #tpu.memory_space<semaphore_mem>>) src(%dma_wait3A_297 : memref<10000x128xf32, #tpu.memory_space<hbm>>) dst(%arg18 : memref<40x128xf32, #tpu.memory_space<vmem>>)
    %dma_wait3A_298 = arith.constant 0 : i32
    %dma_wait3A_299 = arith.constant 0 : i32
    %dma_wait3A_300 = tpu.memref_slice %arg4[%dma_wait3A_298, %dma_wait3A_299] : memref<320000x128xf32, #tpu.memory_space<hbm>> -> memref<40x128xf32, #tpu.memory_space<hbm>>
    %dma_wait3A_301 = arith.constant 0 : i32
    %dma_wait3A_302 = arith.constant 0 : i32
    %dma_wait3A_303 = tpu.memref_slice %arg4[%dma_wait3A_301, %dma_wait3A_302] : memref<320000x128xf32, #tpu.memory_space<hbm>> -> memref<40x128xf32, #tpu.memory_space<hbm>>
    tpu.wait_dma2 semaphore(%arg37 : memref<!tpu.dma_semaphore, #tpu.memory_space<semaphore_mem>>) src(%dma_wait3A_303 : memref<40x128xf32, #tpu.memory_space<hbm>>) dst(%arg23 : memref<40x128xf32, #tpu.memory_space<vmem>>)
    %dma_start3A_304 = arith.constant 0 : i32
    %dma_start3A_305 = arith.constant 0 : i32
    %dma_start3A_306 = tpu.memref_slice %arg25[%dma_start3A_304, %dma_start3A_305] : memref<10000x128xf32, #tpu.memory_space<vmem_shared>> -> memref<10000x128xf32, #tpu.memory_space<vmem_shared>>
    tpu.enqueue_indirect_dma source(%arg18 : memref<40x128xf32, #tpu.memory_space<vmem>>) target(%dma_start3A_306 : memref<10000x128xf32, #tpu.memory_space<vmem_shared>>) offsets(%arg16 : memref<40xi32, #tpu.memory_space<vmem>>) semaphore(%arg39 : memref<!tpu.dma_semaphore, #tpu.memory_space<semaphore_mem>>) {add = true}
    %dma_start3A_307 = arith.constant 0 : i32
    %dma_start3A_308 = arith.constant 0 : i32
    %dma_start3A_309 = tpu.memref_slice %arg25[%dma_start3A_307, %dma_start3A_308] : memref<10000x128xf32, #tpu.memory_space<vmem_shared>> -> memref<10000x128xf32, #tpu.memory_space<vmem_shared>>
    tpu.enqueue_indirect_dma source(%arg23 : memref<40x128xf32, #tpu.memory_space<vmem>>) target(%dma_start3A_309 : memref<10000x128xf32, #tpu.memory_space<vmem_shared>>) offsets(%arg16 : memref<40xi32, #tpu.memory_space<vmem>>) semaphore(%arg44 : memref<!tpu.dma_semaphore, #tpu.memory_space<semaphore_mem>>) {add = true}
    %add3A_310 = arith.constant 240 : i32
    %add3A_311 = arith.addi %mul3A_2, %add3A_310 : i32
    %add3A_312 = arith.constant 320 : i32
    %add3A_313 = arith.addi %mul3A_2, %add3A_312 : i32
    %dma_wait3A_314 = arith.constant 0 : i32
    %dma_wait3A_315 = arith.constant 0 : i32
    %dma_wait3A_316 = tpu.memref_slice %arg25[%dma_wait3A_314, %dma_wait3A_315] : memref<10000x128xf32, #tpu.memory_space<vmem_shared>> -> memref<10000x128xf32, #tpu.memory_space<vmem_shared>>
    tpu.wait_indirect_dma semaphore(%arg41 : memref<!tpu.dma_semaphore, #tpu.memory_space<semaphore_mem>>) src(%arg20 : memref<40x128xf32, #tpu.memory_space<vmem>>) dst(%dma_wait3A_316 : memref<10000x128xf32, #tpu.memory_space<vmem_shared>>)
    %dma_wait3A_317 = arith.constant 0 : i32
    %dma_wait3A_318 = arith.constant 0 : i32
    %dma_wait3A_319 = tpu.memref_slice %arg25[%dma_wait3A_317, %dma_wait3A_318] : memref<10000x128xf32, #tpu.memory_space<vmem_shared>> -> memref<10000x128xf32, #tpu.memory_space<vmem_shared>>
    tpu.wait_indirect_dma semaphore(%arg43 : memref<!tpu.dma_semaphore, #tpu.memory_space<semaphore_mem>>) src(%arg22 : memref<40x128xf32, #tpu.memory_space<vmem>>) dst(%dma_wait3A_319 : memref<10000x128xf32, #tpu.memory_space<vmem_shared>>)
    %multiple_of3A_320 = tpu.assume_multiple %add3A_313, 8 : i32
    %dma_start3A_321 = tpu.memref_slice %arg3[%multiple_of3A_320] : memref<640000xi32, #tpu.memory_space<hbm>> -> memref<40xi32, #tpu.memory_space<hbm>>
    %dma_start3A_322 = tpu.memref_slice %arg3[%multiple_of3A_320] : memref<640000xi32, #tpu.memory_space<hbm>> -> memref<40xi32, #tpu.memory_space<hbm>>
    tpu.enqueue_dma source(%dma_start3A_322 : memref<40xi32, #tpu.memory_space<hbm>>) target(%arg8 : memref<40xi32, #tpu.memory_space<vmem>>) target_semaphore(%arg28 : memref<!tpu.dma_semaphore, #tpu.memory_space<semaphore_mem>>)
    %add3A_323 = arith.constant 320000 : i32
    %add3A_324 = arith.addi %add3A_323, %multiple_of3A_320 : i32
    %dma_start3A_325 = tpu.memref_slice %arg3[%add3A_324] : memref<640000xi32, #tpu.memory_space<hbm>> -> memref<40xi32, #tpu.memory_space<hbm>>
    %dma_start3A_326 = tpu.memref_slice %arg3[%add3A_324] : memref<640000xi32, #tpu.memory_space<hbm>> -> memref<40xi32, #tpu.memory_space<hbm>>
    tpu.enqueue_dma source(%dma_start3A_326 : memref<40xi32, #tpu.memory_space<hbm>>) target(%arg14 : memref<40xi32, #tpu.memory_space<vmem>>) target_semaphore(%arg28 : memref<!tpu.dma_semaphore, #tpu.memory_space<semaphore_mem>>)
    %dma_wait3A_327 = arith.constant 0 : i32
    %dma_wait3A_328 = tpu.memref_slice %arg3[%dma_wait3A_327] : memref<640000xi32, #tpu.memory_space<hbm>> -> memref<40xi32, #tpu.memory_space<hbm>>
    %dma_wait3A_329 = arith.constant 0 : i32
    %dma_wait3A_330 = tpu.memref_slice %arg3[%dma_wait3A_329] : memref<640000xi32, #tpu.memory_space<hbm>> -> memref<40xi32, #tpu.memory_space<hbm>>
    tpu.wait_dma2 semaphore(%arg26 : memref<!tpu.dma_semaphore, #tpu.memory_space<semaphore_mem>>) src(%dma_wait3A_330 : memref<40xi32, #tpu.memory_space<hbm>>) dst(%arg6 : memref<40xi32, #tpu.memory_space<vmem>>)
    %dma_wait3A_331 = arith.constant 0 : i32
    %dma_wait3A_332 = tpu.memref_slice %arg3[%dma_wait3A_331] : memref<640000xi32, #tpu.memory_space<hbm>> -> memref<40xi32, #tpu.memory_space<hbm>>
    %dma_wait3A_333 = arith.constant 0 : i32
    %dma_wait3A_334 = tpu.memref_slice %arg3[%dma_wait3A_333] : memref<640000xi32, #tpu.memory_space<hbm>> -> memref<40xi32, #tpu.memory_space<hbm>>
    tpu.wait_dma2 semaphore(%arg26 : memref<!tpu.dma_semaphore, #tpu.memory_space<semaphore_mem>>) src(%dma_wait3A_334 : memref<40xi32, #tpu.memory_space<hbm>>) dst(%arg12 : memref<40xi32, #tpu.memory_space<vmem>>)
    %multiple_of3A_335 = tpu.assume_multiple %add3A_311, 8 : i32
    %dma_start3A_336 = arith.constant 0 : i32
    %dma_start3A_337 = arith.constant 0 : i32
    %dma_start3A_338 = tpu.memref_slice %arg2[%dma_start3A_336, %dma_start3A_337] : memref<10000x128xf32, #tpu.memory_space<hbm>> -> memref<10000x128xf32, #tpu.memory_space<hbm>>
    tpu.enqueue_indirect_dma source(%dma_start3A_338 : memref<10000x128xf32, #tpu.memory_space<hbm>>) target(%arg20 : memref<40x128xf32, #tpu.memory_space<vmem>>) offsets(%arg6 : memref<40xi32, #tpu.memory_space<vmem>>) semaphore(%arg34 : memref<!tpu.dma_semaphore, #tpu.memory_space<semaphore_mem>>)
    %dma_start3A_339 = arith.constant 0 : i32
    %dma_start3A_340 = tpu.memref_slice %arg4[%multiple_of3A_335, %dma_start3A_339] : memref<320000x128xf32, #tpu.memory_space<hbm>> -> memref<40x128xf32, #tpu.memory_space<hbm>>
    %dma_start3A_341 = arith.constant 0 : i32
    %dma_start3A_342 = tpu.memref_slice %arg4[%multiple_of3A_335, %dma_start3A_341] : memref<320000x128xf32, #tpu.memory_space<hbm>> -> memref<40x128xf32, #tpu.memory_space<hbm>>
    tpu.enqueue_dma source(%dma_start3A_342 : memref<40x128xf32, #tpu.memory_space<hbm>>) target(%arg22 : memref<40x128xf32, #tpu.memory_space<vmem>>) target_semaphore(%arg36 : memref<!tpu.dma_semaphore, #tpu.memory_space<semaphore_mem>>)
    %dma_wait3A_343 = arith.constant 0 : i32
    %dma_wait3A_344 = arith.constant 0 : i32
    %dma_wait3A_345 = tpu.memref_slice %arg2[%dma_wait3A_343, %dma_wait3A_344] : memref<10000x128xf32, #tpu.memory_space<hbm>> -> memref<10000x128xf32, #tpu.memory_space<hbm>>
    tpu.wait_indirect_dma semaphore(%arg33 : memref<!tpu.dma_semaphore, #tpu.memory_space<semaphore_mem>>) src(%dma_wait3A_345 : memref<10000x128xf32, #tpu.memory_space<hbm>>) dst(%arg19 : memref<40x128xf32, #tpu.memory_space<vmem>>)
    %dma_wait3A_346 = arith.constant 0 : i32
    %dma_wait3A_347 = arith.constant 0 : i32
    %dma_wait3A_348 = tpu.memref_slice %arg4[%dma_wait3A_346, %dma_wait3A_347] : memref<320000x128xf32, #tpu.memory_space<hbm>> -> memref<40x128xf32, #tpu.memory_space<hbm>>
    %dma_wait3A_349 = arith.constant 0 : i32
    %dma_wait3A_350 = arith.constant 0 : i32
    %dma_wait3A_351 = tpu.memref_slice %arg4[%dma_wait3A_349, %dma_wait3A_350] : memref<320000x128xf32, #tpu.memory_space<hbm>> -> memref<40x128xf32, #tpu.memory_space<hbm>>
    tpu.wait_dma2 semaphore(%arg38 : memref<!tpu.dma_semaphore, #tpu.memory_space<semaphore_mem>>) src(%dma_wait3A_351 : memref<40x128xf32, #tpu.memory_space<hbm>>) dst(%arg24 : memref<40x128xf32, #tpu.memory_space<vmem>>)
    %dma_start3A_352 = arith.constant 0 : i32
    %dma_start3A_353 = arith.constant 0 : i32
    %dma_start3A_354 = tpu.memref_slice %arg25[%dma_start3A_352, %dma_start3A_353] : memref<10000x128xf32, #tpu.memory_space<vmem_shared>> -> memref<10000x128xf32, #tpu.memory_space<vmem_shared>>
    tpu.enqueue_indirect_dma source(%arg19 : memref<40x128xf32, #tpu.memory_space<vmem>>) target(%dma_start3A_354 : memref<10000x128xf32, #tpu.memory_space<vmem_shared>>) offsets(%arg17 : memref<40xi32, #tpu.memory_space<vmem>>) semaphore(%arg40 : memref<!tpu.dma_semaphore, #tpu.memory_space<semaphore_mem>>) {add = true}
    %dma_start3A_355 = arith.constant 0 : i32
    %dma_start3A_356 = arith.constant 0 : i32
    %dma_start3A_357 = tpu.memref_slice %arg25[%dma_start3A_355, %dma_start3A_356] : memref<10000x128xf32, #tpu.memory_space<vmem_shared>> -> memref<10000x128xf32, #tpu.memory_space<vmem_shared>>
    tpu.enqueue_indirect_dma source(%arg24 : memref<40x128xf32, #tpu.memory_space<vmem>>) target(%dma_start3A_357 : memref<10000x128xf32, #tpu.memory_space<vmem_shared>>) offsets(%arg17 : memref<40xi32, #tpu.memory_space<vmem>>) semaphore(%arg45 : memref<!tpu.dma_semaphore, #tpu.memory_space<semaphore_mem>>) {add = true}
    %add3A_358 = arith.constant 280 : i32
    %add3A_359 = arith.addi %mul3A_2, %add3A_358 : i32
    %add3A_360 = arith.constant 360 : i32
    %add3A_361 = arith.addi %mul3A_2, %add3A_360 : i32
    %dma_wait3A_362 = arith.constant 0 : i32
    %dma_wait3A_363 = arith.constant 0 : i32
    %dma_wait3A_364 = tpu.memref_slice %arg25[%dma_wait3A_362, %dma_wait3A_363] : memref<10000x128xf32, #tpu.memory_space<vmem_shared>> -> memref<10000x128xf32, #tpu.memory_space<vmem_shared>>
    tpu.wait_indirect_dma semaphore(%arg42 : memref<!tpu.dma_semaphore, #tpu.memory_space<semaphore_mem>>) src(%arg21 : memref<40x128xf32, #tpu.memory_space<vmem>>) dst(%dma_wait3A_364 : memref<10000x128xf32, #tpu.memory_space<vmem_shared>>)
    %dma_wait3A_365 = arith.constant 0 : i32
    %dma_wait3A_366 = arith.constant 0 : i32
    %dma_wait3A_367 = tpu.memref_slice %arg25[%dma_wait3A_365, %dma_wait3A_366] : memref<10000x128xf32, #tpu.memory_space<vmem_shared>> -> memref<10000x128xf32, #tpu.memory_space<vmem_shared>>
    tpu.wait_indirect_dma semaphore(%arg44 : memref<!tpu.dma_semaphore, #tpu.memory_space<semaphore_mem>>) src(%arg23 : memref<40x128xf32, #tpu.memory_space<vmem>>) dst(%dma_wait3A_367 : memref<10000x128xf32, #tpu.memory_space<vmem_shared>>)
    %multiple_of3A_368 = tpu.assume_multiple %add3A_361, 8 : i32
    %dma_start3A_369 = tpu.memref_slice %arg3[%multiple_of3A_368] : memref<640000xi32, #tpu.memory_space<hbm>> -> memref<40xi32, #tpu.memory_space<hbm>>
    %dma_start3A_370 = tpu.memref_slice %arg3[%multiple_of3A_368] : memref<640000xi32, #tpu.memory_space<hbm>> -> memref<40xi32, #tpu.memory_space<hbm>>
    tpu.enqueue_dma source(%dma_start3A_370 : memref<40xi32, #tpu.memory_space<hbm>>) target(%arg9 : memref<40xi32, #tpu.memory_space<vmem>>) target_semaphore(%arg29 : memref<!tpu.dma_semaphore, #tpu.memory_space<semaphore_mem>>)
    %add3A_371 = arith.constant 320000 : i32
    %add3A_372 = arith.addi %add3A_371, %multiple_of3A_368 : i32
    %dma_start3A_373 = tpu.memref_slice %arg3[%add3A_372] : memref<640000xi32, #tpu.memory_space<hbm>> -> memref<40xi32, #tpu.memory_space<hbm>>
    %dma_start3A_374 = tpu.memref_slice %arg3[%add3A_372] : memref<640000xi32, #tpu.memory_space<hbm>> -> memref<40xi32, #tpu.memory_space<hbm>>
    tpu.enqueue_dma source(%dma_start3A_374 : memref<40xi32, #tpu.memory_space<hbm>>) target(%arg15 : memref<40xi32, #tpu.memory_space<vmem>>) target_semaphore(%arg29 : memref<!tpu.dma_semaphore, #tpu.memory_space<semaphore_mem>>)
    %dma_wait3A_375 = arith.constant 0 : i32
    %dma_wait3A_376 = tpu.memref_slice %arg3[%dma_wait3A_375] : memref<640000xi32, #tpu.memory_space<hbm>> -> memref<40xi32, #tpu.memory_space<hbm>>
    %dma_wait3A_377 = arith.constant 0 : i32
    %dma_wait3A_378 = tpu.memref_slice %arg3[%dma_wait3A_377] : memref<640000xi32, #tpu.memory_space<hbm>> -> memref<40xi32, #tpu.memory_space<hbm>>
    tpu.wait_dma2 semaphore(%arg27 : memref<!tpu.dma_semaphore, #tpu.memory_space<semaphore_mem>>) src(%dma_wait3A_378 : memref<40xi32, #tpu.memory_space<hbm>>) dst(%arg7 : memref<40xi32, #tpu.memory_space<vmem>>)
    %dma_wait3A_379 = arith.constant 0 : i32
    %dma_wait3A_380 = tpu.memref_slice %arg3[%dma_wait3A_379] : memref<640000xi32, #tpu.memory_space<hbm>> -> memref<40xi32, #tpu.memory_space<hbm>>
    %dma_wait3A_381 = arith.constant 0 : i32
    %dma_wait3A_382 = tpu.memref_slice %arg3[%dma_wait3A_381] : memref<640000xi32, #tpu.memory_space<hbm>> -> memref<40xi32, #tpu.memory_space<hbm>>
    tpu.wait_dma2 semaphore(%arg27 : memref<!tpu.dma_semaphore, #tpu.memory_space<semaphore_mem>>) src(%dma_wait3A_382 : memref<40xi32, #tpu.memory_space<hbm>>) dst(%arg13 : memref<40xi32, #tpu.memory_space<vmem>>)
    %multiple_of3A_383 = tpu.assume_multiple %add3A_359, 8 : i32
    %dma_start3A_384 = arith.constant 0 : i32
    %dma_start3A_385 = arith.constant 0 : i32
    %dma_start3A_386 = tpu.memref_slice %arg2[%dma_start3A_384, %dma_start3A_385] : memref<10000x128xf32, #tpu.memory_space<hbm>> -> memref<10000x128xf32, #tpu.memory_space<hbm>>
    tpu.enqueue_indirect_dma source(%dma_start3A_386 : memref<10000x128xf32, #tpu.memory_space<hbm>>) target(%arg21 : memref<40x128xf32, #tpu.memory_space<vmem>>) offsets(%arg7 : memref<40xi32, #tpu.memory_space<vmem>>) semaphore(%arg35 : memref<!tpu.dma_semaphore, #tpu.memory_space<semaphore_mem>>)
    %dma_start3A_387 = arith.constant 0 : i32
    %dma_start3A_388 = tpu.memref_slice %arg4[%multiple_of3A_383, %dma_start3A_387] : memref<320000x128xf32, #tpu.memory_space<hbm>> -> memref<40x128xf32, #tpu.memory_space<hbm>>
    %dma_start3A_389 = arith.constant 0 : i32
    %dma_start3A_390 = tpu.memref_slice %arg4[%multiple_of3A_383, %dma_start3A_389] : memref<320000x128xf32, #tpu.memory_space<hbm>> -> memref<40x128xf32, #tpu.memory_space<hbm>>
    tpu.enqueue_dma source(%dma_start3A_390 : memref<40x128xf32, #tpu.memory_space<hbm>>) target(%arg23 : memref<40x128xf32, #tpu.memory_space<vmem>>) target_semaphore(%arg37 : memref<!tpu.dma_semaphore, #tpu.memory_space<semaphore_mem>>)
    %dma_wait3A_391 = arith.constant 0 : i32
    %dma_wait3A_392 = arith.constant 0 : i32
    %dma_wait3A_393 = tpu.memref_slice %arg2[%dma_wait3A_391, %dma_wait3A_392] : memref<10000x128xf32, #tpu.memory_space<hbm>> -> memref<10000x128xf32, #tpu.memory_space<hbm>>
    tpu.wait_indirect_dma semaphore(%arg34 : memref<!tpu.dma_semaphore, #tpu.memory_space<semaphore_mem>>) src(%dma_wait3A_393 : memref<10000x128xf32, #tpu.memory_space<hbm>>) dst(%arg20 : memref<40x128xf32, #tpu.memory_space<vmem>>)
    %dma_wait3A_394 = arith.constant 0 : i32
    %dma_wait3A_395 = arith.constant 0 : i32
    %dma_wait3A_396 = tpu.memref_slice %arg4[%dma_wait3A_394, %dma_wait3A_395] : memref<320000x128xf32, #tpu.memory_space<hbm>> -> memref<40x128xf32, #tpu.memory_space<hbm>>
    %dma_wait3A_397 = arith.constant 0 : i32
    %dma_wait3A_398 = arith.constant 0 : i32
    %dma_wait3A_399 = tpu.memref_slice %arg4[%dma_wait3A_397, %dma_wait3A_398] : memref<320000x128xf32, #tpu.memory_space<hbm>> -> memref<40x128xf32, #tpu.memory_space<hbm>>
    tpu.wait_dma2 semaphore(%arg36 : memref<!tpu.dma_semaphore, #tpu.memory_space<semaphore_mem>>) src(%dma_wait3A_399 : memref<40x128xf32, #tpu.memory_space<hbm>>) dst(%arg22 : memref<40x128xf32, #tpu.memory_space<vmem>>)
    %dma_start3A_400 = arith.constant 0 : i32
    %dma_start3A_401 = arith.constant 0 : i32
    %dma_start3A_402 = tpu.memref_slice %arg25[%dma_start3A_400, %dma_start3A_401] : memref<10000x128xf32, #tpu.memory_space<vmem_shared>> -> memref<10000x128xf32, #tpu.memory_space<vmem_shared>>
    tpu.enqueue_indirect_dma source(%arg20 : memref<40x128xf32, #tpu.memory_space<vmem>>) target(%dma_start3A_402 : memref<10000x128xf32, #tpu.memory_space<vmem_shared>>) offsets(%arg12 : memref<40xi32, #tpu.memory_space<vmem>>) semaphore(%arg41 : memref<!tpu.dma_semaphore, #tpu.memory_space<semaphore_mem>>) {add = true}
    %dma_start3A_403 = arith.constant 0 : i32
    %dma_start3A_404 = arith.constant 0 : i32
    %dma_start3A_405 = tpu.memref_slice %arg25[%dma_start3A_403, %dma_start3A_404] : memref<10000x128xf32, #tpu.memory_space<vmem_shared>> -> memref<10000x128xf32, #tpu.memory_space<vmem_shared>>
    tpu.enqueue_indirect_dma source(%arg22 : memref<40x128xf32, #tpu.memory_space<vmem>>) target(%dma_start3A_405 : memref<10000x128xf32, #tpu.memory_space<vmem_shared>>) offsets(%arg12 : memref<40xi32, #tpu.memory_space<vmem>>) semaphore(%arg43 : memref<!tpu.dma_semaphore, #tpu.memory_space<semaphore_mem>>) {add = true}
    %add3A_406 = arith.constant 320 : i32
    %add3A_407 = arith.addi %mul3A_2, %add3A_406 : i32
    %add3A_408 = arith.constant 400 : i32
    %add3A_409 = arith.addi %mul3A_2, %add3A_408 : i32
    %dma_wait3A_410 = arith.constant 0 : i32
    %dma_wait3A_411 = arith.constant 0 : i32
    %dma_wait3A_412 = tpu.memref_slice %arg25[%dma_wait3A_410, %dma_wait3A_411] : memref<10000x128xf32, #tpu.memory_space<vmem_shared>> -> memref<10000x128xf32, #tpu.memory_space<vmem_shared>>
    tpu.wait_indirect_dma semaphore(%arg39 : memref<!tpu.dma_semaphore, #tpu.memory_space<semaphore_mem>>) src(%arg18 : memref<40x128xf32, #tpu.memory_space<vmem>>) dst(%dma_wait3A_412 : memref<10000x128xf32, #tpu.memory_space<vmem_shared>>)
    %dma_wait3A_413 = arith.constant 0 : i32
    %dma_wait3A_414 = arith.constant 0 : i32
    %dma_wait3A_415 = tpu.memref_slice %arg25[%dma_wait3A_413, %dma_wait3A_414] : memref<10000x128xf32, #tpu.memory_space<vmem_shared>> -> memref<10000x128xf32, #tpu.memory_space<vmem_shared>>
    tpu.wait_indirect_dma semaphore(%arg45 : memref<!tpu.dma_semaphore, #tpu.memory_space<semaphore_mem>>) src(%arg24 : memref<40x128xf32, #tpu.memory_space<vmem>>) dst(%dma_wait3A_415 : memref<10000x128xf32, #tpu.memory_space<vmem_shared>>)
    %multiple_of3A_416 = tpu.assume_multiple %add3A_409, 8 : i32
    %dma_start3A_417 = tpu.memref_slice %arg3[%multiple_of3A_416] : memref<640000xi32, #tpu.memory_space<hbm>> -> memref<40xi32, #tpu.memory_space<hbm>>
    %dma_start3A_418 = tpu.memref_slice %arg3[%multiple_of3A_416] : memref<640000xi32, #tpu.memory_space<hbm>> -> memref<40xi32, #tpu.memory_space<hbm>>
    tpu.enqueue_dma source(%dma_start3A_418 : memref<40xi32, #tpu.memory_space<hbm>>) target(%arg10 : memref<40xi32, #tpu.memory_space<vmem>>) target_semaphore(%arg30 : memref<!tpu.dma_semaphore, #tpu.memory_space<semaphore_mem>>)
    %add3A_419 = arith.constant 320000 : i32
    %add3A_420 = arith.addi %add3A_419, %multiple_of3A_416 : i32
    %dma_start3A_421 = tpu.memref_slice %arg3[%add3A_420] : memref<640000xi32, #tpu.memory_space<hbm>> -> memref<40xi32, #tpu.memory_space<hbm>>
    %dma_start3A_422 = tpu.memref_slice %arg3[%add3A_420] : memref<640000xi32, #tpu.memory_space<hbm>> -> memref<40xi32, #tpu.memory_space<hbm>>
    tpu.enqueue_dma source(%dma_start3A_422 : memref<40xi32, #tpu.memory_space<hbm>>) target(%arg16 : memref<40xi32, #tpu.memory_space<vmem>>) target_semaphore(%arg30 : memref<!tpu.dma_semaphore, #tpu.memory_space<semaphore_mem>>)
    %dma_wait3A_423 = arith.constant 0 : i32
    %dma_wait3A_424 = tpu.memref_slice %arg3[%dma_wait3A_423] : memref<640000xi32, #tpu.memory_space<hbm>> -> memref<40xi32, #tpu.memory_space<hbm>>
    %dma_wait3A_425 = arith.constant 0 : i32
    %dma_wait3A_426 = tpu.memref_slice %arg3[%dma_wait3A_425] : memref<640000xi32, #tpu.memory_space<hbm>> -> memref<40xi32, #tpu.memory_space<hbm>>
    tpu.wait_dma2 semaphore(%arg28 : memref<!tpu.dma_semaphore, #tpu.memory_space<semaphore_mem>>) src(%dma_wait3A_426 : memref<40xi32, #tpu.memory_space<hbm>>) dst(%arg8 : memref<40xi32, #tpu.memory_space<vmem>>)
    %dma_wait3A_427 = arith.constant 0 : i32
    %dma_wait3A_428 = tpu.memref_slice %arg3[%dma_wait3A_427] : memref<640000xi32, #tpu.memory_space<hbm>> -> memref<40xi32, #tpu.memory_space<hbm>>
    %dma_wait3A_429 = arith.constant 0 : i32
    %dma_wait3A_430 = tpu.memref_slice %arg3[%dma_wait3A_429] : memref<640000xi32, #tpu.memory_space<hbm>> -> memref<40xi32, #tpu.memory_space<hbm>>
    tpu.wait_dma2 semaphore(%arg28 : memref<!tpu.dma_semaphore, #tpu.memory_space<semaphore_mem>>) src(%dma_wait3A_430 : memref<40xi32, #tpu.memory_space<hbm>>) dst(%arg14 : memref<40xi32, #tpu.memory_space<vmem>>)
    %multiple_of3A_431 = tpu.assume_multiple %add3A_407, 8 : i32
    %dma_start3A_432 = arith.constant 0 : i32
    %dma_start3A_433 = arith.constant 0 : i32
    %dma_start3A_434 = tpu.memref_slice %arg2[%dma_start3A_432, %dma_start3A_433] : memref<10000x128xf32, #tpu.memory_space<hbm>> -> memref<10000x128xf32, #tpu.memory_space<hbm>>
    tpu.enqueue_indirect_dma source(%dma_start3A_434 : memref<10000x128xf32, #tpu.memory_space<hbm>>) target(%arg18 : memref<40x128xf32, #tpu.memory_space<vmem>>) offsets(%arg8 : memref<40xi32, #tpu.memory_space<vmem>>) semaphore(%arg32 : memref<!tpu.dma_semaphore, #tpu.memory_space<semaphore_mem>>)
    %dma_start3A_435 = arith.constant 0 : i32
    %dma_start3A_436 = tpu.memref_slice %arg4[%multiple_of3A_431, %dma_start3A_435] : memref<320000x128xf32, #tpu.memory_space<hbm>> -> memref<40x128xf32, #tpu.memory_space<hbm>>
    %dma_start3A_437 = arith.constant 0 : i32
    %dma_start3A_438 = tpu.memref_slice %arg4[%multiple_of3A_431, %dma_start3A_437] : memref<320000x128xf32, #tpu.memory_space<hbm>> -> memref<40x128xf32, #tpu.memory_space<hbm>>
    tpu.enqueue_dma source(%dma_start3A_438 : memref<40x128xf32, #tpu.memory_space<hbm>>) target(%arg24 : memref<40x128xf32, #tpu.memory_space<vmem>>) target_semaphore(%arg38 : memref<!tpu.dma_semaphore, #tpu.memory_space<semaphore_mem>>)
    %dma_wait3A_439 = arith.constant 0 : i32
    %dma_wait3A_440 = arith.constant 0 : i32
    %dma_wait3A_441 = tpu.memref_slice %arg2[%dma_wait3A_439, %dma_wait3A_440] : memref<10000x128xf32, #tpu.memory_space<hbm>> -> memref<10000x128xf32, #tpu.memory_space<hbm>>
    tpu.wait_indirect_dma semaphore(%arg35 : memref<!tpu.dma_semaphore, #tpu.memory_space<semaphore_mem>>) src(%dma_wait3A_441 : memref<10000x128xf32, #tpu.memory_space<hbm>>) dst(%arg21 : memref<40x128xf32, #tpu.memory_space<vmem>>)
    %dma_wait3A_442 = arith.constant 0 : i32
    %dma_wait3A_443 = arith.constant 0 : i32
    %dma_wait3A_444 = tpu.memref_slice %arg4[%dma_wait3A_442, %dma_wait3A_443] : memref<320000x128xf32, #tpu.memory_space<hbm>> -> memref<40x128xf32, #tpu.memory_space<hbm>>
    %dma_wait3A_445 = arith.constant 0 : i32
    %dma_wait3A_446 = arith.constant 0 : i32
    %dma_wait3A_447 = tpu.memref_slice %arg4[%dma_wait3A_445, %dma_wait3A_446] : memref<320000x128xf32, #tpu.memory_space<hbm>> -> memref<40x128xf32, #tpu.memory_space<hbm>>
    tpu.wait_dma2 semaphore(%arg37 : memref<!tpu.dma_semaphore, #tpu.memory_space<semaphore_mem>>) src(%dma_wait3A_447 : memref<40x128xf32, #tpu.memory_space<hbm>>) dst(%arg23 : memref<40x128xf32, #tpu.memory_space<vmem>>)
    %dma_start3A_448 = arith.constant 0 : i32
    %dma_start3A_449 = arith.constant 0 : i32
    %dma_start3A_450 = tpu.memref_slice %arg25[%dma_start3A_448, %dma_start3A_449] : memref<10000x128xf32, #tpu.memory_space<vmem_shared>> -> memref<10000x128xf32, #tpu.memory_space<vmem_shared>>
    tpu.enqueue_indirect_dma source(%arg21 : memref<40x128xf32, #tpu.memory_space<vmem>>) target(%dma_start3A_450 : memref<10000x128xf32, #tpu.memory_space<vmem_shared>>) offsets(%arg13 : memref<40xi32, #tpu.memory_space<vmem>>) semaphore(%arg42 : memref<!tpu.dma_semaphore, #tpu.memory_space<semaphore_mem>>) {add = true}
    %dma_start3A_451 = arith.constant 0 : i32
    %dma_start3A_452 = arith.constant 0 : i32
    %dma_start3A_453 = tpu.memref_slice %arg25[%dma_start3A_451, %dma_start3A_452] : memref<10000x128xf32, #tpu.memory_space<vmem_shared>> -> memref<10000x128xf32, #tpu.memory_space<vmem_shared>>
    tpu.enqueue_indirect_dma source(%arg23 : memref<40x128xf32, #tpu.memory_space<vmem>>) target(%dma_start3A_453 : memref<10000x128xf32, #tpu.memory_space<vmem_shared>>) offsets(%arg13 : memref<40xi32, #tpu.memory_space<vmem>>) semaphore(%arg44 : memref<!tpu.dma_semaphore, #tpu.memory_space<semaphore_mem>>) {add = true}
    %add3A_454 = arith.constant 360 : i32
    %add3A_455 = arith.addi %mul3A_2, %add3A_454 : i32
    %add3A_456 = arith.constant 440 : i32
    %add3A_457 = arith.addi %mul3A_2, %add3A_456 : i32
    %dma_wait3A_458 = arith.constant 0 : i32
    %dma_wait3A_459 = arith.constant 0 : i32
    %dma_wait3A_460 = tpu.memref_slice %arg25[%dma_wait3A_458, %dma_wait3A_459] : memref<10000x128xf32, #tpu.memory_space<vmem_shared>> -> memref<10000x128xf32, #tpu.memory_space<vmem_shared>>
    tpu.wait_indirect_dma semaphore(%arg40 : memref<!tpu.dma_semaphore, #tpu.memory_space<semaphore_mem>>) src(%arg19 : memref<40x128xf32, #tpu.memory_space<vmem>>) dst(%dma_wait3A_460 : memref<10000x128xf32, #tpu.memory_space<vmem_shared>>)
    %dma_wait3A_461 = arith.constant 0 : i32
    %dma_wait3A_462 = arith.constant 0 : i32
    %dma_wait3A_463 = tpu.memref_slice %arg25[%dma_wait3A_461, %dma_wait3A_462] : memref<10000x128xf32, #tpu.memory_space<vmem_shared>> -> memref<10000x128xf32, #tpu.memory_space<vmem_shared>>
    tpu.wait_indirect_dma semaphore(%arg43 : memref<!tpu.dma_semaphore, #tpu.memory_space<semaphore_mem>>) src(%arg22 : memref<40x128xf32, #tpu.memory_space<vmem>>) dst(%dma_wait3A_463 : memref<10000x128xf32, #tpu.memory_space<vmem_shared>>)
    %multiple_of3A_464 = tpu.assume_multiple %add3A_457, 8 : i32
    %dma_start3A_465 = tpu.memref_slice %arg3[%multiple_of3A_464] : memref<640000xi32, #tpu.memory_space<hbm>> -> memref<40xi32, #tpu.memory_space<hbm>>
    %dma_start3A_466 = tpu.memref_slice %arg3[%multiple_of3A_464] : memref<640000xi32, #tpu.memory_space<hbm>> -> memref<40xi32, #tpu.memory_space<hbm>>
    tpu.enqueue_dma source(%dma_start3A_466 : memref<40xi32, #tpu.memory_space<hbm>>) target(%arg11 : memref<40xi32, #tpu.memory_space<vmem>>) target_semaphore(%arg31 : memref<!tpu.dma_semaphore, #tpu.memory_space<semaphore_mem>>)
    %add3A_467 = arith.constant 320000 : i32
    %add3A_468 = arith.addi %add3A_467, %multiple_of3A_464 : i32
    %dma_start3A_469 = tpu.memref_slice %arg3[%add3A_468] : memref<640000xi32, #tpu.memory_space<hbm>> -> memref<40xi32, #tpu.memory_space<hbm>>
    %dma_start3A_470 = tpu.memref_slice %arg3[%add3A_468] : memref<640000xi32, #tpu.memory_space<hbm>> -> memref<40xi32, #tpu.memory_space<hbm>>
    tpu.enqueue_dma source(%dma_start3A_470 : memref<40xi32, #tpu.memory_space<hbm>>) target(%arg17 : memref<40xi32, #tpu.memory_space<vmem>>) target_semaphore(%arg31 : memref<!tpu.dma_semaphore, #tpu.memory_space<semaphore_mem>>)
    %dma_wait3A_471 = arith.constant 0 : i32
    %dma_wait3A_472 = tpu.memref_slice %arg3[%dma_wait3A_471] : memref<640000xi32, #tpu.memory_space<hbm>> -> memref<40xi32, #tpu.memory_space<hbm>>
    %dma_wait3A_473 = arith.constant 0 : i32
    %dma_wait3A_474 = tpu.memref_slice %arg3[%dma_wait3A_473] : memref<640000xi32, #tpu.memory_space<hbm>> -> memref<40xi32, #tpu.memory_space<hbm>>
    tpu.wait_dma2 semaphore(%arg29 : memref<!tpu.dma_semaphore, #tpu.memory_space<semaphore_mem>>) src(%dma_wait3A_474 : memref<40xi32, #tpu.memory_space<hbm>>) dst(%arg9 : memref<40xi32, #tpu.memory_space<vmem>>)
    %dma_wait3A_475 = arith.constant 0 : i32
    %dma_wait3A_476 = tpu.memref_slice %arg3[%dma_wait3A_475] : memref<640000xi32, #tpu.memory_space<hbm>> -> memref<40xi32, #tpu.memory_space<hbm>>
    %dma_wait3A_477 = arith.constant 0 : i32
    %dma_wait3A_478 = tpu.memref_slice %arg3[%dma_wait3A_477] : memref<640000xi32, #tpu.memory_space<hbm>> -> memref<40xi32, #tpu.memory_space<hbm>>
    tpu.wait_dma2 semaphore(%arg29 : memref<!tpu.dma_semaphore, #tpu.memory_space<semaphore_mem>>) src(%dma_wait3A_478 : memref<40xi32, #tpu.memory_space<hbm>>) dst(%arg15 : memref<40xi32, #tpu.memory_space<vmem>>)
    %multiple_of3A_479 = tpu.assume_multiple %add3A_455, 8 : i32
    %dma_start3A_480 = arith.constant 0 : i32
    %dma_start3A_481 = arith.constant 0 : i32
    %dma_start3A_482 = tpu.memref_slice %arg2[%dma_start3A_480, %dma_start3A_481] : memref<10000x128xf32, #tpu.memory_space<hbm>> -> memref<10000x128xf32, #tpu.memory_space<hbm>>
    tpu.enqueue_indirect_dma source(%dma_start3A_482 : memref<10000x128xf32, #tpu.memory_space<hbm>>) target(%arg19 : memref<40x128xf32, #tpu.memory_space<vmem>>) offsets(%arg9 : memref<40xi32, #tpu.memory_space<vmem>>) semaphore(%arg33 : memref<!tpu.dma_semaphore, #tpu.memory_space<semaphore_mem>>)
    %dma_start3A_483 = arith.constant 0 : i32
    %dma_start3A_484 = tpu.memref_slice %arg4[%multiple_of3A_479, %dma_start3A_483] : memref<320000x128xf32, #tpu.memory_space<hbm>> -> memref<40x128xf32, #tpu.memory_space<hbm>>
    %dma_start3A_485 = arith.constant 0 : i32
    %dma_start3A_486 = tpu.memref_slice %arg4[%multiple_of3A_479, %dma_start3A_485] : memref<320000x128xf32, #tpu.memory_space<hbm>> -> memref<40x128xf32, #tpu.memory_space<hbm>>
    tpu.enqueue_dma source(%dma_start3A_486 : memref<40x128xf32, #tpu.memory_space<hbm>>) target(%arg22 : memref<40x128xf32, #tpu.memory_space<vmem>>) target_semaphore(%arg36 : memref<!tpu.dma_semaphore, #tpu.memory_space<semaphore_mem>>)
    %dma_wait3A_487 = arith.constant 0 : i32
    %dma_wait3A_488 = arith.constant 0 : i32
    %dma_wait3A_489 = tpu.memref_slice %arg2[%dma_wait3A_487, %dma_wait3A_488] : memref<10000x128xf32, #tpu.memory_space<hbm>> -> memref<10000x128xf32, #tpu.memory_space<hbm>>
    tpu.wait_indirect_dma semaphore(%arg32 : memref<!tpu.dma_semaphore, #tpu.memory_space<semaphore_mem>>) src(%dma_wait3A_489 : memref<10000x128xf32, #tpu.memory_space<hbm>>) dst(%arg18 : memref<40x128xf32, #tpu.memory_space<vmem>>)
    %dma_wait3A_490 = arith.constant 0 : i32
    %dma_wait3A_491 = arith.constant 0 : i32
    %dma_wait3A_492 = tpu.memref_slice %arg4[%dma_wait3A_490, %dma_wait3A_491] : memref<320000x128xf32, #tpu.memory_space<hbm>> -> memref<40x128xf32, #tpu.memory_space<hbm>>
    %dma_wait3A_493 = arith.constant 0 : i32
    %dma_wait3A_494 = arith.constant 0 : i32
    %dma_wait3A_495 = tpu.memref_slice %arg4[%dma_wait3A_493, %dma_wait3A_494] : memref<320000x128xf32, #tpu.memory_space<hbm>> -> memref<40x128xf32, #tpu.memory_space<hbm>>
    tpu.wait_dma2 semaphore(%arg38 : memref<!tpu.dma_semaphore, #tpu.memory_space<semaphore_mem>>) src(%dma_wait3A_495 : memref<40x128xf32, #tpu.memory_space<hbm>>) dst(%arg24 : memref<40x128xf32, #tpu.memory_space<vmem>>)
    %dma_start3A_496 = arith.constant 0 : i32
    %dma_start3A_497 = arith.constant 0 : i32
    %dma_start3A_498 = tpu.memref_slice %arg25[%dma_start3A_496, %dma_start3A_497] : memref<10000x128xf32, #tpu.memory_space<vmem_shared>> -> memref<10000x128xf32, #tpu.memory_space<vmem_shared>>
    tpu.enqueue_indirect_dma source(%arg18 : memref<40x128xf32, #tpu.memory_space<vmem>>) target(%dma_start3A_498 : memref<10000x128xf32, #tpu.memory_space<vmem_shared>>) offsets(%arg14 : memref<40xi32, #tpu.memory_space<vmem>>) semaphore(%arg39 : memref<!tpu.dma_semaphore, #tpu.memory_space<semaphore_mem>>) {add = true}
    %dma_start3A_499 = arith.constant 0 : i32
    %dma_start3A_500 = arith.constant 0 : i32
    %dma_start3A_501 = tpu.memref_slice %arg25[%dma_start3A_499, %dma_start3A_500] : memref<10000x128xf32, #tpu.memory_space<vmem_shared>> -> memref<10000x128xf32, #tpu.memory_space<vmem_shared>>
    tpu.enqueue_indirect_dma source(%arg24 : memref<40x128xf32, #tpu.memory_space<vmem>>) target(%dma_start3A_501 : memref<10000x128xf32, #tpu.memory_space<vmem_shared>>) offsets(%arg14 : memref<40xi32, #tpu.memory_space<vmem>>) semaphore(%arg45 : memref<!tpu.dma_semaphore, #tpu.memory_space<semaphore_mem>>) {add = true}
    %scan3A_502 = arith.constant 0 : i32
    %scan3A_503 = arith.constant 20 : i32
    %scan3A_504 = arith.addi %scan3A_502, %scan3A_503 : i32
    %scan3A_505 = arith.constant 1 : i32
    scf.for %scan3A_565 = %scan3A_502 to %scan3A_504 step %scan3A_505  : i32 {
      %mul3A_566 = arith.constant 1 : i32
      %mul3A_567 = arith.muli %scan3A_565, %mul3A_566 : i32
      %add3A_568 = arith.constant 0 : i32
      %add3A_569 = arith.addi %add3A_568, %mul3A_567 : i32
      %mul3A_570 = arith.constant 12 : i32
      %mul3A_571 = arith.muli %mul3A_570, %add3A_569 : i32
      %add3A_572 = arith.constant 10 : i32
      %add3A_573 = arith.addi %add3A_572, %mul3A_571 : i32
      %add3A_574 = arith.constant 0 : i32
      %add3A_575 = arith.addi %add3A_573, %add3A_574 : i32
      %add3A_576 = arith.constant 2 : i32
      %add3A_577 = arith.addi %add3A_575, %add3A_576 : i32
      %lt3A = arith.constant 250 : i32
      %lt3A_578 = arith.cmpi slt, %add3A_577, %lt3A : i32
      %mul3A_579 = arith.constant 40 : i32
      %mul3A_580 = arith.muli %add3A_577, %mul3A_579 : i32
      %add3A_581 = arith.addi %mul3A_2, %mul3A_580 : i32
      %jit3A = arith.constant 0 : i32
      %select_n3A = arith.select %lt3A_578, %add3A_581, %jit3A : i32
      %mul3A_582 = arith.constant 40 : i32
      %mul3A_583 = arith.muli %add3A_575, %mul3A_582 : i32
      %add3A_584 = arith.addi %mul3A_2, %mul3A_583 : i32
      %dma_wait3A_585 = arith.constant 0 : i32
      %dma_wait3A_586 = arith.constant 0 : i32
      %dma_wait3A_587 = tpu.memref_slice %arg25[%dma_wait3A_585, %dma_wait3A_586] : memref<10000x128xf32, #tpu.memory_space<vmem_shared>> -> memref<10000x128xf32, #tpu.memory_space<vmem_shared>>
      tpu.wait_indirect_dma semaphore(%arg41 : memref<!tpu.dma_semaphore, #tpu.memory_space<semaphore_mem>>) src(%arg20 : memref<40x128xf32, #tpu.memory_space<vmem>>) dst(%dma_wait3A_587 : memref<10000x128xf32, #tpu.memory_space<vmem_shared>>)
      %dma_wait3A_588 = arith.constant 0 : i32
      %dma_wait3A_589 = arith.constant 0 : i32
      %dma_wait3A_590 = tpu.memref_slice %arg25[%dma_wait3A_588, %dma_wait3A_589] : memref<10000x128xf32, #tpu.memory_space<vmem_shared>> -> memref<10000x128xf32, #tpu.memory_space<vmem_shared>>
      tpu.wait_indirect_dma semaphore(%arg44 : memref<!tpu.dma_semaphore, #tpu.memory_space<semaphore_mem>>) src(%arg23 : memref<40x128xf32, #tpu.memory_space<vmem>>) dst(%dma_wait3A_590 : memref<10000x128xf32, #tpu.memory_space<vmem_shared>>)
      %multiple_of3A_591 = tpu.assume_multiple %select_n3A, 8 : i32
      %dma_start3A_592 = tpu.memref_slice %arg3[%multiple_of3A_591] : memref<640000xi32, #tpu.memory_space<hbm>> -> memref<40xi32, #tpu.memory_space<hbm>>
      %dma_start3A_593 = tpu.memref_slice %arg3[%multiple_of3A_591] : memref<640000xi32, #tpu.memory_space<hbm>> -> memref<40xi32, #tpu.memory_space<hbm>>
      tpu.enqueue_dma source(%dma_start3A_593 : memref<40xi32, #tpu.memory_space<hbm>>) target(%arg6 : memref<40xi32, #tpu.memory_space<vmem>>) target_semaphore(%arg26 : memref<!tpu.dma_semaphore, #tpu.memory_space<semaphore_mem>>)
      %add3A_594 = arith.constant 320000 : i32
      %add3A_595 = arith.addi %add3A_594, %multiple_of3A_591 : i32
      %dma_start3A_596 = tpu.memref_slice %arg3[%add3A_595] : memref<640000xi32, #tpu.memory_space<hbm>> -> memref<40xi32, #tpu.memory_space<hbm>>
      %dma_start3A_597 = tpu.memref_slice %arg3[%add3A_595] : memref<640000xi32, #tpu.memory_space<hbm>> -> memref<40xi32, #tpu.memory_space<hbm>>
      tpu.enqueue_dma source(%dma_start3A_597 : memref<40xi32, #tpu.memory_space<hbm>>) target(%arg12 : memref<40xi32, #tpu.memory_space<vmem>>) target_semaphore(%arg26 : memref<!tpu.dma_semaphore, #tpu.memory_space<semaphore_mem>>)
      %dma_wait3A_598 = arith.constant 0 : i32
      %dma_wait3A_599 = tpu.memref_slice %arg3[%dma_wait3A_598] : memref<640000xi32, #tpu.memory_space<hbm>> -> memref<40xi32, #tpu.memory_space<hbm>>
      %dma_wait3A_600 = arith.constant 0 : i32
      %dma_wait3A_601 = tpu.memref_slice %arg3[%dma_wait3A_600] : memref<640000xi32, #tpu.memory_space<hbm>> -> memref<40xi32, #tpu.memory_space<hbm>>
      tpu.wait_dma2 semaphore(%arg30 : memref<!tpu.dma_semaphore, #tpu.memory_space<semaphore_mem>>) src(%dma_wait3A_601 : memref<40xi32, #tpu.memory_space<hbm>>) dst(%arg10 : memref<40xi32, #tpu.memory_space<vmem>>)
      %dma_wait3A_602 = arith.constant 0 : i32
      %dma_wait3A_603 = tpu.memref_slice %arg3[%dma_wait3A_602] : memref<640000xi32, #tpu.memory_space<hbm>> -> memref<40xi32, #tpu.memory_space<hbm>>
      %dma_wait3A_604 = arith.constant 0 : i32
      %dma_wait3A_605 = tpu.memref_slice %arg3[%dma_wait3A_604] : memref<640000xi32, #tpu.memory_space<hbm>> -> memref<40xi32, #tpu.memory_space<hbm>>
      tpu.wait_dma2 semaphore(%arg30 : memref<!tpu.dma_semaphore, #tpu.memory_space<semaphore_mem>>) src(%dma_wait3A_605 : memref<40xi32, #tpu.memory_space<hbm>>) dst(%arg16 : memref<40xi32, #tpu.memory_space<vmem>>)
      %multiple_of3A_606 = tpu.assume_multiple %add3A_584, 8 : i32
      %dma_start3A_607 = arith.constant 0 : i32
      %dma_start3A_608 = arith.constant 0 : i32
      %dma_start3A_609 = tpu.memref_slice %arg2[%dma_start3A_607, %dma_start3A_608] : memref<10000x128xf32, #tpu.memory_space<hbm>> -> memref<10000x128xf32, #tpu.memory_space<hbm>>
      tpu.enqueue_indirect_dma source(%dma_start3A_609 : memref<10000x128xf32, #tpu.memory_space<hbm>>) target(%arg20 : memref<40x128xf32, #tpu.memory_space<vmem>>) offsets(%arg10 : memref<40xi32, #tpu.memory_space<vmem>>) semaphore(%arg34 : memref<!tpu.dma_semaphore, #tpu.memory_space<semaphore_mem>>)
      %dma_start3A_610 = arith.constant 0 : i32
      %dma_start3A_611 = tpu.memref_slice %arg4[%multiple_of3A_606, %dma_start3A_610] : memref<320000x128xf32, #tpu.memory_space<hbm>> -> memref<40x128xf32, #tpu.memory_space<hbm>>
      %dma_start3A_612 = arith.constant 0 : i32
      %dma_start3A_613 = tpu.memref_slice %arg4[%multiple_of3A_606, %dma_start3A_612] : memref<320000x128xf32, #tpu.memory_space<hbm>> -> memref<40x128xf32, #tpu.memory_space<hbm>>
      tpu.enqueue_dma source(%dma_start3A_613 : memref<40x128xf32, #tpu.memory_space<hbm>>) target(%arg23 : memref<40x128xf32, #tpu.memory_space<vmem>>) target_semaphore(%arg37 : memref<!tpu.dma_semaphore, #tpu.memory_space<semaphore_mem>>)
      %dma_wait3A_614 = arith.constant 0 : i32
      %dma_wait3A_615 = arith.constant 0 : i32
      %dma_wait3A_616 = tpu.memref_slice %arg2[%dma_wait3A_614, %dma_wait3A_615] : memref<10000x128xf32, #tpu.memory_space<hbm>> -> memref<10000x128xf32, #tpu.memory_space<hbm>>
      tpu.wait_indirect_dma semaphore(%arg33 : memref<!tpu.dma_semaphore, #tpu.memory_space<semaphore_mem>>) src(%dma_wait3A_616 : memref<10000x128xf32, #tpu.memory_space<hbm>>) dst(%arg19 : memref<40x128xf32, #tpu.memory_space<vmem>>)
      %dma_wait3A_617 = arith.constant 0 : i32
      %dma_wait3A_618 = arith.constant 0 : i32
      %dma_wait3A_619 = tpu.memref_slice %arg4[%dma_wait3A_617, %dma_wait3A_618] : memref<320000x128xf32, #tpu.memory_space<hbm>> -> memref<40x128xf32, #tpu.memory_space<hbm>>
      %dma_wait3A_620 = arith.constant 0 : i32
      %dma_wait3A_621 = arith.constant 0 : i32
      %dma_wait3A_622 = tpu.memref_slice %arg4[%dma_wait3A_620, %dma_wait3A_621] : memref<320000x128xf32, #tpu.memory_space<hbm>> -> memref<40x128xf32, #tpu.memory_space<hbm>>
      tpu.wait_dma2 semaphore(%arg36 : memref<!tpu.dma_semaphore, #tpu.memory_space<semaphore_mem>>) src(%dma_wait3A_622 : memref<40x128xf32, #tpu.memory_space<hbm>>) dst(%arg22 : memref<40x128xf32, #tpu.memory_space<vmem>>)
      %dma_start3A_623 = arith.constant 0 : i32
      %dma_start3A_624 = arith.constant 0 : i32
      %dma_start3A_625 = tpu.memref_slice %arg25[%dma_start3A_623, %dma_start3A_624] : memref<10000x128xf32, #tpu.memory_space<vmem_shared>> -> memref<10000x128xf32, #tpu.memory_space<vmem_shared>>
      tpu.enqueue_indirect_dma source(%arg19 : memref<40x128xf32, #tpu.memory_space<vmem>>) target(%dma_start3A_625 : memref<10000x128xf32, #tpu.memory_space<vmem_shared>>) offsets(%arg15 : memref<40xi32, #tpu.memory_space<vmem>>) semaphore(%arg40 : memref<!tpu.dma_semaphore, #tpu.memory_space<semaphore_mem>>) {add = true}
      %dma_start3A_626 = arith.constant 0 : i32
      %dma_start3A_627 = arith.constant 0 : i32
      %dma_start3A_628 = tpu.memref_slice %arg25[%dma_start3A_626, %dma_start3A_627] : memref<10000x128xf32, #tpu.memory_space<vmem_shared>> -> memref<10000x128xf32, #tpu.memory_space<vmem_shared>>
      tpu.enqueue_indirect_dma source(%arg22 : memref<40x128xf32, #tpu.memory_space<vmem>>) target(%dma_start3A_628 : memref<10000x128xf32, #tpu.memory_space<vmem_shared>>) offsets(%arg15 : memref<40xi32, #tpu.memory_space<vmem>>) semaphore(%arg43 : memref<!tpu.dma_semaphore, #tpu.memory_space<semaphore_mem>>) {add = true}
      %add3A_629 = arith.constant 1 : i32
      %add3A_630 = arith.addi %add3A_573, %add3A_629 : i32
      %add3A_631 = arith.constant 2 : i32
      %add3A_632 = arith.addi %add3A_630, %add3A_631 : i32
      %lt3A_633 = arith.constant 250 : i32
      %lt3A_634 = arith.cmpi slt, %add3A_632, %lt3A_633 : i32
      %mul3A_635 = arith.constant 40 : i32
      %mul3A_636 = arith.muli %add3A_632, %mul3A_635 : i32
      %add3A_637 = arith.addi %mul3A_2, %mul3A_636 : i32
      %jit3A_638 = arith.constant 0 : i32
      %select_n3A_639 = arith.select %lt3A_634, %add3A_637, %jit3A_638 : i32
      %mul3A_640 = arith.constant 40 : i32
      %mul3A_641 = arith.muli %add3A_630, %mul3A_640 : i32
      %add3A_642 = arith.addi %mul3A_2, %mul3A_641 : i32
      %dma_wait3A_643 = arith.constant 0 : i32
      %dma_wait3A_644 = arith.constant 0 : i32
      %dma_wait3A_645 = tpu.memref_slice %arg25[%dma_wait3A_643, %dma_wait3A_644] : memref<10000x128xf32, #tpu.memory_space<vmem_shared>> -> memref<10000x128xf32, #tpu.memory_space<vmem_shared>>
      tpu.wait_indirect_dma semaphore(%arg42 : memref<!tpu.dma_semaphore, #tpu.memory_space<semaphore_mem>>) src(%arg21 : memref<40x128xf32, #tpu.memory_space<vmem>>) dst(%dma_wait3A_645 : memref<10000x128xf32, #tpu.memory_space<vmem_shared>>)
      %dma_wait3A_646 = arith.constant 0 : i32
      %dma_wait3A_647 = arith.constant 0 : i32
      %dma_wait3A_648 = tpu.memref_slice %arg25[%dma_wait3A_646, %dma_wait3A_647] : memref<10000x128xf32, #tpu.memory_space<vmem_shared>> -> memref<10000x128xf32, #tpu.memory_space<vmem_shared>>
      tpu.wait_indirect_dma semaphore(%arg45 : memref<!tpu.dma_semaphore, #tpu.memory_space<semaphore_mem>>) src(%arg24 : memref<40x128xf32, #tpu.memory_space<vmem>>) dst(%dma_wait3A_648 : memref<10000x128xf32, #tpu.memory_space<vmem_shared>>)
      %multiple_of3A_649 = tpu.assume_multiple %select_n3A_639, 8 : i32
      %dma_start3A_650 = tpu.memref_slice %arg3[%multiple_of3A_649] : memref<640000xi32, #tpu.memory_space<hbm>> -> memref<40xi32, #tpu.memory_space<hbm>>
      %dma_start3A_651 = tpu.memref_slice %arg3[%multiple_of3A_649] : memref<640000xi32, #tpu.memory_space<hbm>> -> memref<40xi32, #tpu.memory_space<hbm>>
      tpu.enqueue_dma source(%dma_start3A_651 : memref<40xi32, #tpu.memory_space<hbm>>) target(%arg7 : memref<40xi32, #tpu.memory_space<vmem>>) target_semaphore(%arg27 : memref<!tpu.dma_semaphore, #tpu.memory_space<semaphore_mem>>)
      %add3A_652 = arith.constant 320000 : i32
      %add3A_653 = arith.addi %add3A_652, %multiple_of3A_649 : i32
      %dma_start3A_654 = tpu.memref_slice %arg3[%add3A_653] : memref<640000xi32, #tpu.memory_space<hbm>> -> memref<40xi32, #tpu.memory_space<hbm>>
      %dma_start3A_655 = tpu.memref_slice %arg3[%add3A_653] : memref<640000xi32, #tpu.memory_space<hbm>> -> memref<40xi32, #tpu.memory_space<hbm>>
      tpu.enqueue_dma source(%dma_start3A_655 : memref<40xi32, #tpu.memory_space<hbm>>) target(%arg13 : memref<40xi32, #tpu.memory_space<vmem>>) target_semaphore(%arg27 : memref<!tpu.dma_semaphore, #tpu.memory_space<semaphore_mem>>)
      %dma_wait3A_656 = arith.constant 0 : i32
      %dma_wait3A_657 = tpu.memref_slice %arg3[%dma_wait3A_656] : memref<640000xi32, #tpu.memory_space<hbm>> -> memref<40xi32, #tpu.memory_space<hbm>>
      %dma_wait3A_658 = arith.constant 0 : i32
      %dma_wait3A_659 = tpu.memref_slice %arg3[%dma_wait3A_658] : memref<640000xi32, #tpu.memory_space<hbm>> -> memref<40xi32, #tpu.memory_space<hbm>>
      tpu.wait_dma2 semaphore(%arg31 : memref<!tpu.dma_semaphore, #tpu.memory_space<semaphore_mem>>) src(%dma_wait3A_659 : memref<40xi32, #tpu.memory_space<hbm>>) dst(%arg11 : memref<40xi32, #tpu.memory_space<vmem>>)
      %dma_wait3A_660 = arith.constant 0 : i32
      %dma_wait3A_661 = tpu.memref_slice %arg3[%dma_wait3A_660] : memref<640000xi32, #tpu.memory_space<hbm>> -> memref<40xi32, #tpu.memory_space<hbm>>
      %dma_wait3A_662 = arith.constant 0 : i32
      %dma_wait3A_663 = tpu.memref_slice %arg3[%dma_wait3A_662] : memref<640000xi32, #tpu.memory_space<hbm>> -> memref<40xi32, #tpu.memory_space<hbm>>
      tpu.wait_dma2 semaphore(%arg31 : memref<!tpu.dma_semaphore, #tpu.memory_space<semaphore_mem>>) src(%dma_wait3A_663 : memref<40xi32, #tpu.memory_space<hbm>>) dst(%arg17 : memref<40xi32, #tpu.memory_space<vmem>>)
      %multiple_of3A_664 = tpu.assume_multiple %add3A_642, 8 : i32
      %dma_start3A_665 = arith.constant 0 : i32
      %dma_start3A_666 = arith.constant 0 : i32
      %dma_start3A_667 = tpu.memref_slice %arg2[%dma_start3A_665, %dma_start3A_666] : memref<10000x128xf32, #tpu.memory_space<hbm>> -> memref<10000x128xf32, #tpu.memory_space<hbm>>
      tpu.enqueue_indirect_dma source(%dma_start3A_667 : memref<10000x128xf32, #tpu.memory_space<hbm>>) target(%arg21 : memref<40x128xf32, #tpu.memory_space<vmem>>) offsets(%arg11 : memref<40xi32, #tpu.memory_space<vmem>>) semaphore(%arg35 : memref<!tpu.dma_semaphore, #tpu.memory_space<semaphore_mem>>)
      %dma_start3A_668 = arith.constant 0 : i32
      %dma_start3A_669 = tpu.memref_slice %arg4[%multiple_of3A_664, %dma_start3A_668] : memref<320000x128xf32, #tpu.memory_space<hbm>> -> memref<40x128xf32, #tpu.memory_space<hbm>>
      %dma_start3A_670 = arith.constant 0 : i32
      %dma_start3A_671 = tpu.memref_slice %arg4[%multiple_of3A_664, %dma_start3A_670] : memref<320000x128xf32, #tpu.memory_space<hbm>> -> memref<40x128xf32, #tpu.memory_space<hbm>>
      tpu.enqueue_dma source(%dma_start3A_671 : memref<40x128xf32, #tpu.memory_space<hbm>>) target(%arg24 : memref<40x128xf32, #tpu.memory_space<vmem>>) target_semaphore(%arg38 : memref<!tpu.dma_semaphore, #tpu.memory_space<semaphore_mem>>)
      %dma_wait3A_672 = arith.constant 0 : i32
      %dma_wait3A_673 = arith.constant 0 : i32
      %dma_wait3A_674 = tpu.memref_slice %arg2[%dma_wait3A_672, %dma_wait3A_673] : memref<10000x128xf32, #tpu.memory_space<hbm>> -> memref<10000x128xf32, #tpu.memory_space<hbm>>
      tpu.wait_indirect_dma semaphore(%arg34 : memref<!tpu.dma_semaphore, #tpu.memory_space<semaphore_mem>>) src(%dma_wait3A_674 : memref<10000x128xf32, #tpu.memory_space<hbm>>) dst(%arg20 : memref<40x128xf32, #tpu.memory_space<vmem>>)
      %dma_wait3A_675 = arith.constant 0 : i32
      %dma_wait3A_676 = arith.constant 0 : i32
      %dma_wait3A_677 = tpu.memref_slice %arg4[%dma_wait3A_675, %dma_wait3A_676] : memref<320000x128xf32, #tpu.memory_space<hbm>> -> memref<40x128xf32, #tpu.memory_space<hbm>>
      %dma_wait3A_678 = arith.constant 0 : i32
      %dma_wait3A_679 = arith.constant 0 : i32
      %dma_wait3A_680 = tpu.memref_slice %arg4[%dma_wait3A_678, %dma_wait3A_679] : memref<320000x128xf32, #tpu.memory_space<hbm>> -> memref<40x128xf32, #tpu.memory_space<hbm>>
      tpu.wait_dma2 semaphore(%arg37 : memref<!tpu.dma_semaphore, #tpu.memory_space<semaphore_mem>>) src(%dma_wait3A_680 : memref<40x128xf32, #tpu.memory_space<hbm>>) dst(%arg23 : memref<40x128xf32, #tpu.memory_space<vmem>>)
      %dma_start3A_681 = arith.constant 0 : i32
      %dma_start3A_682 = arith.constant 0 : i32
      %dma_start3A_683 = tpu.memref_slice %arg25[%dma_start3A_681, %dma_start3A_682] : memref<10000x128xf32, #tpu.memory_space<vmem_shared>> -> memref<10000x128xf32, #tpu.memory_space<vmem_shared>>
      tpu.enqueue_indirect_dma source(%arg20 : memref<40x128xf32, #tpu.memory_space<vmem>>) target(%dma_start3A_683 : memref<10000x128xf32, #tpu.memory_space<vmem_shared>>) offsets(%arg16 : memref<40xi32, #tpu.memory_space<vmem>>) semaphore(%arg41 : memref<!tpu.dma_semaphore, #tpu.memory_space<semaphore_mem>>) {add = true}
      %dma_start3A_684 = arith.constant 0 : i32
      %dma_start3A_685 = arith.constant 0 : i32
      %dma_start3A_686 = tpu.memref_slice %arg25[%dma_start3A_684, %dma_start3A_685] : memref<10000x128xf32, #tpu.memory_space<vmem_shared>> -> memref<10000x128xf32, #tpu.memory_space<vmem_shared>>
      tpu.enqueue_indirect_dma source(%arg23 : memref<40x128xf32, #tpu.memory_space<vmem>>) target(%dma_start3A_686 : memref<10000x128xf32, #tpu.memory_space<vmem_shared>>) offsets(%arg16 : memref<40xi32, #tpu.memory_space<vmem>>) semaphore(%arg44 : memref<!tpu.dma_semaphore, #tpu.memory_space<semaphore_mem>>) {add = true}
      %add3A_687 = arith.constant 2 : i32
      %add3A_688 = arith.addi %add3A_573, %add3A_687 : i32
      %add3A_689 = arith.constant 2 : i32
      %add3A_690 = arith.addi %add3A_688, %add3A_689 : i32
      %lt3A_691 = arith.constant 250 : i32
      %lt3A_692 = arith.cmpi slt, %add3A_690, %lt3A_691 : i32
      %mul3A_693 = arith.constant 40 : i32
      %mul3A_694 = arith.muli %add3A_690, %mul3A_693 : i32
      %add3A_695 = arith.addi %mul3A_2, %mul3A_694 : i32
      %jit3A_696 = arith.constant 0 : i32
      %select_n3A_697 = arith.select %lt3A_692, %add3A_695, %jit3A_696 : i32
      %mul3A_698 = arith.constant 40 : i32
      %mul3A_699 = arith.muli %add3A_688, %mul3A_698 : i32
      %add3A_700 = arith.addi %mul3A_2, %mul3A_699 : i32
      %dma_wait3A_701 = arith.constant 0 : i32
      %dma_wait3A_702 = arith.constant 0 : i32
      %dma_wait3A_703 = tpu.memref_slice %arg25[%dma_wait3A_701, %dma_wait3A_702] : memref<10000x128xf32, #tpu.memory_space<vmem_shared>> -> memref<10000x128xf32, #tpu.memory_space<vmem_shared>>
      tpu.wait_indirect_dma semaphore(%arg39 : memref<!tpu.dma_semaphore, #tpu.memory_space<semaphore_mem>>) src(%arg18 : memref<40x128xf32, #tpu.memory_space<vmem>>) dst(%dma_wait3A_703 : memref<10000x128xf32, #tpu.memory_space<vmem_shared>>)
      %dma_wait3A_704 = arith.constant 0 : i32
      %dma_wait3A_705 = arith.constant 0 : i32
      %dma_wait3A_706 = tpu.memref_slice %arg25[%dma_wait3A_704, %dma_wait3A_705] : memref<10000x128xf32, #tpu.memory_space<vmem_shared>> -> memref<10000x128xf32, #tpu.memory_space<vmem_shared>>
      tpu.wait_indirect_dma semaphore(%arg43 : memref<!tpu.dma_semaphore, #tpu.memory_space<semaphore_mem>>) src(%arg22 : memref<40x128xf32, #tpu.memory_space<vmem>>) dst(%dma_wait3A_706 : memref<10000x128xf32, #tpu.memory_space<vmem_shared>>)
      %multiple_of3A_707 = tpu.assume_multiple %select_n3A_697, 8 : i32
      %dma_start3A_708 = tpu.memref_slice %arg3[%multiple_of3A_707] : memref<640000xi32, #tpu.memory_space<hbm>> -> memref<40xi32, #tpu.memory_space<hbm>>
      %dma_start3A_709 = tpu.memref_slice %arg3[%multiple_of3A_707] : memref<640000xi32, #tpu.memory_space<hbm>> -> memref<40xi32, #tpu.memory_space<hbm>>
      tpu.enqueue_dma source(%dma_start3A_709 : memref<40xi32, #tpu.memory_space<hbm>>) target(%arg8 : memref<40xi32, #tpu.memory_space<vmem>>) target_semaphore(%arg28 : memref<!tpu.dma_semaphore, #tpu.memory_space<semaphore_mem>>)
      %add3A_710 = arith.constant 320000 : i32
      %add3A_711 = arith.addi %add3A_710, %multiple_of3A_707 : i32
      %dma_start3A_712 = tpu.memref_slice %arg3[%add3A_711] : memref<640000xi32, #tpu.memory_space<hbm>> -> memref<40xi32, #tpu.memory_space<hbm>>
      %dma_start3A_713 = tpu.memref_slice %arg3[%add3A_711] : memref<640000xi32, #tpu.memory_space<hbm>> -> memref<40xi32, #tpu.memory_space<hbm>>
      tpu.enqueue_dma source(%dma_start3A_713 : memref<40xi32, #tpu.memory_space<hbm>>) target(%arg14 : memref<40xi32, #tpu.memory_space<vmem>>) target_semaphore(%arg28 : memref<!tpu.dma_semaphore, #tpu.memory_space<semaphore_mem>>)
      %dma_wait3A_714 = arith.constant 0 : i32
      %dma_wait3A_715 = tpu.memref_slice %arg3[%dma_wait3A_714] : memref<640000xi32, #tpu.memory_space<hbm>> -> memref<40xi32, #tpu.memory_space<hbm>>
      %dma_wait3A_716 = arith.constant 0 : i32
      %dma_wait3A_717 = tpu.memref_slice %arg3[%dma_wait3A_716] : memref<640000xi32, #tpu.memory_space<hbm>> -> memref<40xi32, #tpu.memory_space<hbm>>
      tpu.wait_dma2 semaphore(%arg26 : memref<!tpu.dma_semaphore, #tpu.memory_space<semaphore_mem>>) src(%dma_wait3A_717 : memref<40xi32, #tpu.memory_space<hbm>>) dst(%arg6 : memref<40xi32, #tpu.memory_space<vmem>>)
      %dma_wait3A_718 = arith.constant 0 : i32
      %dma_wait3A_719 = tpu.memref_slice %arg3[%dma_wait3A_718] : memref<640000xi32, #tpu.memory_space<hbm>> -> memref<40xi32, #tpu.memory_space<hbm>>
      %dma_wait3A_720 = arith.constant 0 : i32
      %dma_wait3A_721 = tpu.memref_slice %arg3[%dma_wait3A_720] : memref<640000xi32, #tpu.memory_space<hbm>> -> memref<40xi32, #tpu.memory_space<hbm>>
      tpu.wait_dma2 semaphore(%arg26 : memref<!tpu.dma_semaphore, #tpu.memory_space<semaphore_mem>>) src(%dma_wait3A_721 : memref<40xi32, #tpu.memory_space<hbm>>) dst(%arg12 : memref<40xi32, #tpu.memory_space<vmem>>)
      %multiple_of3A_722 = tpu.assume_multiple %add3A_700, 8 : i32
      %dma_start3A_723 = arith.constant 0 : i32
      %dma_start3A_724 = arith.constant 0 : i32
      %dma_start3A_725 = tpu.memref_slice %arg2[%dma_start3A_723, %dma_start3A_724] : memref<10000x128xf32, #tpu.memory_space<hbm>> -> memref<10000x128xf32, #tpu.memory_space<hbm>>
      tpu.enqueue_indirect_dma source(%dma_start3A_725 : memref<10000x128xf32, #tpu.memory_space<hbm>>) target(%arg18 : memref<40x128xf32, #tpu.memory_space<vmem>>) offsets(%arg6 : memref<40xi32, #tpu.memory_space<vmem>>) semaphore(%arg32 : memref<!tpu.dma_semaphore, #tpu.memory_space<semaphore_mem>>)
      %dma_start3A_726 = arith.constant 0 : i32
      %dma_start3A_727 = tpu.memref_slice %arg4[%multiple_of3A_722, %dma_start3A_726] : memref<320000x128xf32, #tpu.memory_space<hbm>> -> memref<40x128xf32, #tpu.memory_space<hbm>>
      %dma_start3A_728 = arith.constant 0 : i32
      %dma_start3A_729 = tpu.memref_slice %arg4[%multiple_of3A_722, %dma_start3A_728] : memref<320000x128xf32, #tpu.memory_space<hbm>> -> memref<40x128xf32, #tpu.memory_space<hbm>>
      tpu.enqueue_dma source(%dma_start3A_729 : memref<40x128xf32, #tpu.memory_space<hbm>>) target(%arg22 : memref<40x128xf32, #tpu.memory_space<vmem>>) target_semaphore(%arg36 : memref<!tpu.dma_semaphore, #tpu.memory_space<semaphore_mem>>)
      %dma_wait3A_730 = arith.constant 0 : i32
      %dma_wait3A_731 = arith.constant 0 : i32
      %dma_wait3A_732 = tpu.memref_slice %arg2[%dma_wait3A_730, %dma_wait3A_731] : memref<10000x128xf32, #tpu.memory_space<hbm>> -> memref<10000x128xf32, #tpu.memory_space<hbm>>
      tpu.wait_indirect_dma semaphore(%arg35 : memref<!tpu.dma_semaphore, #tpu.memory_space<semaphore_mem>>) src(%dma_wait3A_732 : memref<10000x128xf32, #tpu.memory_space<hbm>>) dst(%arg21 : memref<40x128xf32, #tpu.memory_space<vmem>>)
      %dma_wait3A_733 = arith.constant 0 : i32
      %dma_wait3A_734 = arith.constant 0 : i32
      %dma_wait3A_735 = tpu.memref_slice %arg4[%dma_wait3A_733, %dma_wait3A_734] : memref<320000x128xf32, #tpu.memory_space<hbm>> -> memref<40x128xf32, #tpu.memory_space<hbm>>
      %dma_wait3A_736 = arith.constant 0 : i32
      %dma_wait3A_737 = arith.constant 0 : i32
      %dma_wait3A_738 = tpu.memref_slice %arg4[%dma_wait3A_736, %dma_wait3A_737] : memref<320000x128xf32, #tpu.memory_space<hbm>> -> memref<40x128xf32, #tpu.memory_space<hbm>>
      tpu.wait_dma2 semaphore(%arg38 : memref<!tpu.dma_semaphore, #tpu.memory_space<semaphore_mem>>) src(%dma_wait3A_738 : memref<40x128xf32, #tpu.memory_space<hbm>>) dst(%arg24 : memref<40x128xf32, #tpu.memory_space<vmem>>)
      %dma_start3A_739 = arith.constant 0 : i32
      %dma_start3A_740 = arith.constant 0 : i32
      %dma_start3A_741 = tpu.memref_slice %arg25[%dma_start3A_739, %dma_start3A_740] : memref<10000x128xf32, #tpu.memory_space<vmem_shared>> -> memref<10000x128xf32, #tpu.memory_space<vmem_shared>>
      tpu.enqueue_indirect_dma source(%arg21 : memref<40x128xf32, #tpu.memory_space<vmem>>) target(%dma_start3A_741 : memref<10000x128xf32, #tpu.memory_space<vmem_shared>>) offsets(%arg17 : memref<40xi32, #tpu.memory_space<vmem>>) semaphore(%arg42 : memref<!tpu.dma_semaphore, #tpu.memory_space<semaphore_mem>>) {add = true}
      %dma_start3A_742 = arith.constant 0 : i32
      %dma_start3A_743 = arith.constant 0 : i32
      %dma_start3A_744 = tpu.memref_slice %arg25[%dma_start3A_742, %dma_start3A_743] : memref<10000x128xf32, #tpu.memory_space<vmem_shared>> -> memref<10000x128xf32, #tpu.memory_space<vmem_shared>>
      tpu.enqueue_indirect_dma source(%arg24 : memref<40x128xf32, #tpu.memory_space<vmem>>) target(%dma_start3A_744 : memref<10000x128xf32, #tpu.memory_space<vmem_shared>>) offsets(%arg17 : memref<40xi32, #tpu.memory_space<vmem>>) semaphore(%arg45 : memref<!tpu.dma_semaphore, #tpu.memory_space<semaphore_mem>>) {add = true}
      %add3A_745 = arith.constant 3 : i32
      %add3A_746 = arith.addi %add3A_573, %add3A_745 : i32
      %add3A_747 = arith.constant 2 : i32
      %add3A_748 = arith.addi %add3A_746, %add3A_747 : i32
      %lt3A_749 = arith.constant 250 : i32
      %lt3A_750 = arith.cmpi slt, %add3A_748, %lt3A_749 : i32
      %mul3A_751 = arith.constant 40 : i32
      %mul3A_752 = arith.muli %add3A_748, %mul3A_751 : i32
      %add3A_753 = arith.addi %mul3A_2, %mul3A_752 : i32
      %jit3A_754 = arith.constant 0 : i32
      %select_n3A_755 = arith.select %lt3A_750, %add3A_753, %jit3A_754 : i32
      %mul3A_756 = arith.constant 40 : i32
      %mul3A_757 = arith.muli %add3A_746, %mul3A_756 : i32
      %add3A_758 = arith.addi %mul3A_2, %mul3A_757 : i32
      %dma_wait3A_759 = arith.constant 0 : i32
      %dma_wait3A_760 = arith.constant 0 : i32
      %dma_wait3A_761 = tpu.memref_slice %arg25[%dma_wait3A_759, %dma_wait3A_760] : memref<10000x128xf32, #tpu.memory_space<vmem_shared>> -> memref<10000x128xf32, #tpu.memory_space<vmem_shared>>
      tpu.wait_indirect_dma semaphore(%arg40 : memref<!tpu.dma_semaphore, #tpu.memory_space<semaphore_mem>>) src(%arg19 : memref<40x128xf32, #tpu.memory_space<vmem>>) dst(%dma_wait3A_761 : memref<10000x128xf32, #tpu.memory_space<vmem_shared>>)
      %dma_wait3A_762 = arith.constant 0 : i32
      %dma_wait3A_763 = arith.constant 0 : i32
      %dma_wait3A_764 = tpu.memref_slice %arg25[%dma_wait3A_762, %dma_wait3A_763] : memref<10000x128xf32, #tpu.memory_space<vmem_shared>> -> memref<10000x128xf32, #tpu.memory_space<vmem_shared>>
      tpu.wait_indirect_dma semaphore(%arg44 : memref<!tpu.dma_semaphore, #tpu.memory_space<semaphore_mem>>) src(%arg23 : memref<40x128xf32, #tpu.memory_space<vmem>>) dst(%dma_wait3A_764 : memref<10000x128xf32, #tpu.memory_space<vmem_shared>>)
      %multiple_of3A_765 = tpu.assume_multiple %select_n3A_755, 8 : i32
      %dma_start3A_766 = tpu.memref_slice %arg3[%multiple_of3A_765] : memref<640000xi32, #tpu.memory_space<hbm>> -> memref<40xi32, #tpu.memory_space<hbm>>
      %dma_start3A_767 = tpu.memref_slice %arg3[%multiple_of3A_765] : memref<640000xi32, #tpu.memory_space<hbm>> -> memref<40xi32, #tpu.memory_space<hbm>>
      tpu.enqueue_dma source(%dma_start3A_767 : memref<40xi32, #tpu.memory_space<hbm>>) target(%arg9 : memref<40xi32, #tpu.memory_space<vmem>>) target_semaphore(%arg29 : memref<!tpu.dma_semaphore, #tpu.memory_space<semaphore_mem>>)
      %add3A_768 = arith.constant 320000 : i32
      %add3A_769 = arith.addi %add3A_768, %multiple_of3A_765 : i32
      %dma_start3A_770 = tpu.memref_slice %arg3[%add3A_769] : memref<640000xi32, #tpu.memory_space<hbm>> -> memref<40xi32, #tpu.memory_space<hbm>>
      %dma_start3A_771 = tpu.memref_slice %arg3[%add3A_769] : memref<640000xi32, #tpu.memory_space<hbm>> -> memref<40xi32, #tpu.memory_space<hbm>>
      tpu.enqueue_dma source(%dma_start3A_771 : memref<40xi32, #tpu.memory_space<hbm>>) target(%arg15 : memref<40xi32, #tpu.memory_space<vmem>>) target_semaphore(%arg29 : memref<!tpu.dma_semaphore, #tpu.memory_space<semaphore_mem>>)
      %dma_wait3A_772 = arith.constant 0 : i32
      %dma_wait3A_773 = tpu.memref_slice %arg3[%dma_wait3A_772] : memref<640000xi32, #tpu.memory_space<hbm>> -> memref<40xi32, #tpu.memory_space<hbm>>
      %dma_wait3A_774 = arith.constant 0 : i32
      %dma_wait3A_775 = tpu.memref_slice %arg3[%dma_wait3A_774] : memref<640000xi32, #tpu.memory_space<hbm>> -> memref<40xi32, #tpu.memory_space<hbm>>
      tpu.wait_dma2 semaphore(%arg27 : memref<!tpu.dma_semaphore, #tpu.memory_space<semaphore_mem>>) src(%dma_wait3A_775 : memref<40xi32, #tpu.memory_space<hbm>>) dst(%arg7 : memref<40xi32, #tpu.memory_space<vmem>>)
      %dma_wait3A_776 = arith.constant 0 : i32
      %dma_wait3A_777 = tpu.memref_slice %arg3[%dma_wait3A_776] : memref<640000xi32, #tpu.memory_space<hbm>> -> memref<40xi32, #tpu.memory_space<hbm>>
      %dma_wait3A_778 = arith.constant 0 : i32
      %dma_wait3A_779 = tpu.memref_slice %arg3[%dma_wait3A_778] : memref<640000xi32, #tpu.memory_space<hbm>> -> memref<40xi32, #tpu.memory_space<hbm>>
      tpu.wait_dma2 semaphore(%arg27 : memref<!tpu.dma_semaphore, #tpu.memory_space<semaphore_mem>>) src(%dma_wait3A_779 : memref<40xi32, #tpu.memory_space<hbm>>) dst(%arg13 : memref<40xi32, #tpu.memory_space<vmem>>)
      %multiple_of3A_780 = tpu.assume_multiple %add3A_758, 8 : i32
      %dma_start3A_781 = arith.constant 0 : i32
      %dma_start3A_782 = arith.constant 0 : i32
      %dma_start3A_783 = tpu.memref_slice %arg2[%dma_start3A_781, %dma_start3A_782] : memref<10000x128xf32, #tpu.memory_space<hbm>> -> memref<10000x128xf32, #tpu.memory_space<hbm>>
      tpu.enqueue_indirect_dma source(%dma_start3A_783 : memref<10000x128xf32, #tpu.memory_space<hbm>>) target(%arg19 : memref<40x128xf32, #tpu.memory_space<vmem>>) offsets(%arg7 : memref<40xi32, #tpu.memory_space<vmem>>) semaphore(%arg33 : memref<!tpu.dma_semaphore, #tpu.memory_space<semaphore_mem>>)
      %dma_start3A_784 = arith.constant 0 : i32
      %dma_start3A_785 = tpu.memref_slice %arg4[%multiple_of3A_780, %dma_start3A_784] : memref<320000x128xf32, #tpu.memory_space<hbm>> -> memref<40x128xf32, #tpu.memory_space<hbm>>
      %dma_start3A_786 = arith.constant 0 : i32
      %dma_start3A_787 = tpu.memref_slice %arg4[%multiple_of3A_780, %dma_start3A_786] : memref<320000x128xf32, #tpu.memory_space<hbm>> -> memref<40x128xf32, #tpu.memory_space<hbm>>
      tpu.enqueue_dma source(%dma_start3A_787 : memref<40x128xf32, #tpu.memory_space<hbm>>) target(%arg23 : memref<40x128xf32, #tpu.memory_space<vmem>>) target_semaphore(%arg37 : memref<!tpu.dma_semaphore, #tpu.memory_space<semaphore_mem>>)
      %dma_wait3A_788 = arith.constant 0 : i32
      %dma_wait3A_789 = arith.constant 0 : i32
      %dma_wait3A_790 = tpu.memref_slice %arg2[%dma_wait3A_788, %dma_wait3A_789] : memref<10000x128xf32, #tpu.memory_space<hbm>> -> memref<10000x128xf32, #tpu.memory_space<hbm>>
      tpu.wait_indirect_dma semaphore(%arg32 : memref<!tpu.dma_semaphore, #tpu.memory_space<semaphore_mem>>) src(%dma_wait3A_790 : memref<10000x128xf32, #tpu.memory_space<hbm>>) dst(%arg18 : memref<40x128xf32, #tpu.memory_space<vmem>>)
      %dma_wait3A_791 = arith.constant 0 : i32
      %dma_wait3A_792 = arith.constant 0 : i32
      %dma_wait3A_793 = tpu.memref_slice %arg4[%dma_wait3A_791, %dma_wait3A_792] : memref<320000x128xf32, #tpu.memory_space<hbm>> -> memref<40x128xf32, #tpu.memory_space<hbm>>
      %dma_wait3A_794 = arith.constant 0 : i32
      %dma_wait3A_795 = arith.constant 0 : i32
      %dma_wait3A_796 = tpu.memref_slice %arg4[%dma_wait3A_794, %dma_wait3A_795] : memref<320000x128xf32, #tpu.memory_space<hbm>> -> memref<40x128xf32, #tpu.memory_space<hbm>>
      tpu.wait_dma2 semaphore(%arg36 : memref<!tpu.dma_semaphore, #tpu.memory_space<semaphore_mem>>) src(%dma_wait3A_796 : memref<40x128xf32, #tpu.memory_space<hbm>>) dst(%arg22 : memref<40x128xf32, #tpu.memory_space<vmem>>)
      %dma_start3A_797 = arith.constant 0 : i32
      %dma_start3A_798 = arith.constant 0 : i32
      %dma_start3A_799 = tpu.memref_slice %arg25[%dma_start3A_797, %dma_start3A_798] : memref<10000x128xf32, #tpu.memory_space<vmem_shared>> -> memref<10000x128xf32, #tpu.memory_space<vmem_shared>>
      tpu.enqueue_indirect_dma source(%arg18 : memref<40x128xf32, #tpu.memory_space<vmem>>) target(%dma_start3A_799 : memref<10000x128xf32, #tpu.memory_space<vmem_shared>>) offsets(%arg12 : memref<40xi32, #tpu.memory_space<vmem>>) semaphore(%arg39 : memref<!tpu.dma_semaphore, #tpu.memory_space<semaphore_mem>>) {add = true}
      %dma_start3A_800 = arith.constant 0 : i32
      %dma_start3A_801 = arith.constant 0 : i32
      %dma_start3A_802 = tpu.memref_slice %arg25[%dma_start3A_800, %dma_start3A_801] : memref<10000x128xf32, #tpu.memory_space<vmem_shared>> -> memref<10000x128xf32, #tpu.memory_space<vmem_shared>>
      tpu.enqueue_indirect_dma source(%arg22 : memref<40x128xf32, #tpu.memory_space<vmem>>) target(%dma_start3A_802 : memref<10000x128xf32, #tpu.memory_space<vmem_shared>>) offsets(%arg12 : memref<40xi32, #tpu.memory_space<vmem>>) semaphore(%arg43 : memref<!tpu.dma_semaphore, #tpu.memory_space<semaphore_mem>>) {add = true}
      %add3A_803 = arith.constant 4 : i32
      %add3A_804 = arith.addi %add3A_573, %add3A_803 : i32
      %add3A_805 = arith.constant 2 : i32
      %add3A_806 = arith.addi %add3A_804, %add3A_805 : i32
      %lt3A_807 = arith.constant 250 : i32
      %lt3A_808 = arith.cmpi slt, %add3A_806, %lt3A_807 : i32
      %mul3A_809 = arith.constant 40 : i32
      %mul3A_810 = arith.muli %add3A_806, %mul3A_809 : i32
      %add3A_811 = arith.addi %mul3A_2, %mul3A_810 : i32
      %jit3A_812 = arith.constant 0 : i32
      %select_n3A_813 = arith.select %lt3A_808, %add3A_811, %jit3A_812 : i32
      %mul3A_814 = arith.constant 40 : i32
      %mul3A_815 = arith.muli %add3A_804, %mul3A_814 : i32
      %add3A_816 = arith.addi %mul3A_2, %mul3A_815 : i32
      %dma_wait3A_817 = arith.constant 0 : i32
      %dma_wait3A_818 = arith.constant 0 : i32
      %dma_wait3A_819 = tpu.memref_slice %arg25[%dma_wait3A_817, %dma_wait3A_818] : memref<10000x128xf32, #tpu.memory_space<vmem_shared>> -> memref<10000x128xf32, #tpu.memory_space<vmem_shared>>
      tpu.wait_indirect_dma semaphore(%arg41 : memref<!tpu.dma_semaphore, #tpu.memory_space<semaphore_mem>>) src(%arg20 : memref<40x128xf32, #tpu.memory_space<vmem>>) dst(%dma_wait3A_819 : memref<10000x128xf32, #tpu.memory_space<vmem_shared>>)
      %dma_wait3A_820 = arith.constant 0 : i32
      %dma_wait3A_821 = arith.constant 0 : i32
      %dma_wait3A_822 = tpu.memref_slice %arg25[%dma_wait3A_820, %dma_wait3A_821] : memref<10000x128xf32, #tpu.memory_space<vmem_shared>> -> memref<10000x128xf32, #tpu.memory_space<vmem_shared>>
      tpu.wait_indirect_dma semaphore(%arg45 : memref<!tpu.dma_semaphore, #tpu.memory_space<semaphore_mem>>) src(%arg24 : memref<40x128xf32, #tpu.memory_space<vmem>>) dst(%dma_wait3A_822 : memref<10000x128xf32, #tpu.memory_space<vmem_shared>>)
      %multiple_of3A_823 = tpu.assume_multiple %select_n3A_813, 8 : i32
      %dma_start3A_824 = tpu.memref_slice %arg3[%multiple_of3A_823] : memref<640000xi32, #tpu.memory_space<hbm>> -> memref<40xi32, #tpu.memory_space<hbm>>
      %dma_start3A_825 = tpu.memref_slice %arg3[%multiple_of3A_823] : memref<640000xi32, #tpu.memory_space<hbm>> -> memref<40xi32, #tpu.memory_space<hbm>>
      tpu.enqueue_dma source(%dma_start3A_825 : memref<40xi32, #tpu.memory_space<hbm>>) target(%arg10 : memref<40xi32, #tpu.memory_space<vmem>>) target_semaphore(%arg30 : memref<!tpu.dma_semaphore, #tpu.memory_space<semaphore_mem>>)
      %add3A_826 = arith.constant 320000 : i32
      %add3A_827 = arith.addi %add3A_826, %multiple_of3A_823 : i32
      %dma_start3A_828 = tpu.memref_slice %arg3[%add3A_827] : memref<640000xi32, #tpu.memory_space<hbm>> -> memref<40xi32, #tpu.memory_space<hbm>>
      %dma_start3A_829 = tpu.memref_slice %arg3[%add3A_827] : memref<640000xi32, #tpu.memory_space<hbm>> -> memref<40xi32, #tpu.memory_space<hbm>>
      tpu.enqueue_dma source(%dma_start3A_829 : memref<40xi32, #tpu.memory_space<hbm>>) target(%arg16 : memref<40xi32, #tpu.memory_space<vmem>>) target_semaphore(%arg30 : memref<!tpu.dma_semaphore, #tpu.memory_space<semaphore_mem>>)
      %dma_wait3A_830 = arith.constant 0 : i32
      %dma_wait3A_831 = tpu.memref_slice %arg3[%dma_wait3A_830] : memref<640000xi32, #tpu.memory_space<hbm>> -> memref<40xi32, #tpu.memory_space<hbm>>
      %dma_wait3A_832 = arith.constant 0 : i32
      %dma_wait3A_833 = tpu.memref_slice %arg3[%dma_wait3A_832] : memref<640000xi32, #tpu.memory_space<hbm>> -> memref<40xi32, #tpu.memory_space<hbm>>
      tpu.wait_dma2 semaphore(%arg28 : memref<!tpu.dma_semaphore, #tpu.memory_space<semaphore_mem>>) src(%dma_wait3A_833 : memref<40xi32, #tpu.memory_space<hbm>>) dst(%arg8 : memref<40xi32, #tpu.memory_space<vmem>>)
      %dma_wait3A_834 = arith.constant 0 : i32
      %dma_wait3A_835 = tpu.memref_slice %arg3[%dma_wait3A_834] : memref<640000xi32, #tpu.memory_space<hbm>> -> memref<40xi32, #tpu.memory_space<hbm>>
      %dma_wait3A_836 = arith.constant 0 : i32
      %dma_wait3A_837 = tpu.memref_slice %arg3[%dma_wait3A_836] : memref<640000xi32, #tpu.memory_space<hbm>> -> memref<40xi32, #tpu.memory_space<hbm>>
      tpu.wait_dma2 semaphore(%arg28 : memref<!tpu.dma_semaphore, #tpu.memory_space<semaphore_mem>>) src(%dma_wait3A_837 : memref<40xi32, #tpu.memory_space<hbm>>) dst(%arg14 : memref<40xi32, #tpu.memory_space<vmem>>)
      %multiple_of3A_838 = tpu.assume_multiple %add3A_816, 8 : i32
      %dma_start3A_839 = arith.constant 0 : i32
      %dma_start3A_840 = arith.constant 0 : i32
      %dma_start3A_841 = tpu.memref_slice %arg2[%dma_start3A_839, %dma_start3A_840] : memref<10000x128xf32, #tpu.memory_space<hbm>> -> memref<10000x128xf32, #tpu.memory_space<hbm>>
      tpu.enqueue_indirect_dma source(%dma_start3A_841 : memref<10000x128xf32, #tpu.memory_space<hbm>>) target(%arg20 : memref<40x128xf32, #tpu.memory_space<vmem>>) offsets(%arg8 : memref<40xi32, #tpu.memory_space<vmem>>) semaphore(%arg34 : memref<!tpu.dma_semaphore, #tpu.memory_space<semaphore_mem>>)
      %dma_start3A_842 = arith.constant 0 : i32
      %dma_start3A_843 = tpu.memref_slice %arg4[%multiple_of3A_838, %dma_start3A_842] : memref<320000x128xf32, #tpu.memory_space<hbm>> -> memref<40x128xf32, #tpu.memory_space<hbm>>
      %dma_start3A_844 = arith.constant 0 : i32
      %dma_start3A_845 = tpu.memref_slice %arg4[%multiple_of3A_838, %dma_start3A_844] : memref<320000x128xf32, #tpu.memory_space<hbm>> -> memref<40x128xf32, #tpu.memory_space<hbm>>
      tpu.enqueue_dma source(%dma_start3A_845 : memref<40x128xf32, #tpu.memory_space<hbm>>) target(%arg24 : memref<40x128xf32, #tpu.memory_space<vmem>>) target_semaphore(%arg38 : memref<!tpu.dma_semaphore, #tpu.memory_space<semaphore_mem>>)
      %dma_wait3A_846 = arith.constant 0 : i32
      %dma_wait3A_847 = arith.constant 0 : i32
      %dma_wait3A_848 = tpu.memref_slice %arg2[%dma_wait3A_846, %dma_wait3A_847] : memref<10000x128xf32, #tpu.memory_space<hbm>> -> memref<10000x128xf32, #tpu.memory_space<hbm>>
      tpu.wait_indirect_dma semaphore(%arg33 : memref<!tpu.dma_semaphore, #tpu.memory_space<semaphore_mem>>) src(%dma_wait3A_848 : memref<10000x128xf32, #tpu.memory_space<hbm>>) dst(%arg19 : memref<40x128xf32, #tpu.memory_space<vmem>>)
      %dma_wait3A_849 = arith.constant 0 : i32
      %dma_wait3A_850 = arith.constant 0 : i32
      %dma_wait3A_851 = tpu.memref_slice %arg4[%dma_wait3A_849, %dma_wait3A_850] : memref<320000x128xf32, #tpu.memory_space<hbm>> -> memref<40x128xf32, #tpu.memory_space<hbm>>
      %dma_wait3A_852 = arith.constant 0 : i32
      %dma_wait3A_853 = arith.constant 0 : i32
      %dma_wait3A_854 = tpu.memref_slice %arg4[%dma_wait3A_852, %dma_wait3A_853] : memref<320000x128xf32, #tpu.memory_space<hbm>> -> memref<40x128xf32, #tpu.memory_space<hbm>>
      tpu.wait_dma2 semaphore(%arg37 : memref<!tpu.dma_semaphore, #tpu.memory_space<semaphore_mem>>) src(%dma_wait3A_854 : memref<40x128xf32, #tpu.memory_space<hbm>>) dst(%arg23 : memref<40x128xf32, #tpu.memory_space<vmem>>)
      %dma_start3A_855 = arith.constant 0 : i32
      %dma_start3A_856 = arith.constant 0 : i32
      %dma_start3A_857 = tpu.memref_slice %arg25[%dma_start3A_855, %dma_start3A_856] : memref<10000x128xf32, #tpu.memory_space<vmem_shared>> -> memref<10000x128xf32, #tpu.memory_space<vmem_shared>>
      tpu.enqueue_indirect_dma source(%arg19 : memref<40x128xf32, #tpu.memory_space<vmem>>) target(%dma_start3A_857 : memref<10000x128xf32, #tpu.memory_space<vmem_shared>>) offsets(%arg13 : memref<40xi32, #tpu.memory_space<vmem>>) semaphore(%arg40 : memref<!tpu.dma_semaphore, #tpu.memory_space<semaphore_mem>>) {add = true}
      %dma_start3A_858 = arith.constant 0 : i32
      %dma_start3A_859 = arith.constant 0 : i32
      %dma_start3A_860 = tpu.memref_slice %arg25[%dma_start3A_858, %dma_start3A_859] : memref<10000x128xf32, #tpu.memory_space<vmem_shared>> -> memref<10000x128xf32, #tpu.memory_space<vmem_shared>>
      tpu.enqueue_indirect_dma source(%arg23 : memref<40x128xf32, #tpu.memory_space<vmem>>) target(%dma_start3A_860 : memref<10000x128xf32, #tpu.memory_space<vmem_shared>>) offsets(%arg13 : memref<40xi32, #tpu.memory_space<vmem>>) semaphore(%arg44 : memref<!tpu.dma_semaphore, #tpu.memory_space<semaphore_mem>>) {add = true}
      %add3A_861 = arith.constant 5 : i32
      %add3A_862 = arith.addi %add3A_573, %add3A_861 : i32
      %add3A_863 = arith.constant 2 : i32
      %add3A_864 = arith.addi %add3A_862, %add3A_863 : i32
      %lt3A_865 = arith.constant 250 : i32
      %lt3A_866 = arith.cmpi slt, %add3A_864, %lt3A_865 : i32
      %mul3A_867 = arith.constant 40 : i32
      %mul3A_868 = arith.muli %add3A_864, %mul3A_867 : i32
      %add3A_869 = arith.addi %mul3A_2, %mul3A_868 : i32
      %jit3A_870 = arith.constant 0 : i32
      %select_n3A_871 = arith.select %lt3A_866, %add3A_869, %jit3A_870 : i32
      %mul3A_872 = arith.constant 40 : i32
      %mul3A_873 = arith.muli %add3A_862, %mul3A_872 : i32
      %add3A_874 = arith.addi %mul3A_2, %mul3A_873 : i32
      %dma_wait3A_875 = arith.constant 0 : i32
      %dma_wait3A_876 = arith.constant 0 : i32
      %dma_wait3A_877 = tpu.memref_slice %arg25[%dma_wait3A_875, %dma_wait3A_876] : memref<10000x128xf32, #tpu.memory_space<vmem_shared>> -> memref<10000x128xf32, #tpu.memory_space<vmem_shared>>
      tpu.wait_indirect_dma semaphore(%arg42 : memref<!tpu.dma_semaphore, #tpu.memory_space<semaphore_mem>>) src(%arg21 : memref<40x128xf32, #tpu.memory_space<vmem>>) dst(%dma_wait3A_877 : memref<10000x128xf32, #tpu.memory_space<vmem_shared>>)
      %dma_wait3A_878 = arith.constant 0 : i32
      %dma_wait3A_879 = arith.constant 0 : i32
      %dma_wait3A_880 = tpu.memref_slice %arg25[%dma_wait3A_878, %dma_wait3A_879] : memref<10000x128xf32, #tpu.memory_space<vmem_shared>> -> memref<10000x128xf32, #tpu.memory_space<vmem_shared>>
      tpu.wait_indirect_dma semaphore(%arg43 : memref<!tpu.dma_semaphore, #tpu.memory_space<semaphore_mem>>) src(%arg22 : memref<40x128xf32, #tpu.memory_space<vmem>>) dst(%dma_wait3A_880 : memref<10000x128xf32, #tpu.memory_space<vmem_shared>>)
      %multiple_of3A_881 = tpu.assume_multiple %select_n3A_871, 8 : i32
      %dma_start3A_882 = tpu.memref_slice %arg3[%multiple_of3A_881] : memref<640000xi32, #tpu.memory_space<hbm>> -> memref<40xi32, #tpu.memory_space<hbm>>
      %dma_start3A_883 = tpu.memref_slice %arg3[%multiple_of3A_881] : memref<640000xi32, #tpu.memory_space<hbm>> -> memref<40xi32, #tpu.memory_space<hbm>>
      tpu.enqueue_dma source(%dma_start3A_883 : memref<40xi32, #tpu.memory_space<hbm>>) target(%arg11 : memref<40xi32, #tpu.memory_space<vmem>>) target_semaphore(%arg31 : memref<!tpu.dma_semaphore, #tpu.memory_space<semaphore_mem>>)
      %add3A_884 = arith.constant 320000 : i32
      %add3A_885 = arith.addi %add3A_884, %multiple_of3A_881 : i32
      %dma_start3A_886 = tpu.memref_slice %arg3[%add3A_885] : memref<640000xi32, #tpu.memory_space<hbm>> -> memref<40xi32, #tpu.memory_space<hbm>>
      %dma_start3A_887 = tpu.memref_slice %arg3[%add3A_885] : memref<640000xi32, #tpu.memory_space<hbm>> -> memref<40xi32, #tpu.memory_space<hbm>>
      tpu.enqueue_dma source(%dma_start3A_887 : memref<40xi32, #tpu.memory_space<hbm>>) target(%arg17 : memref<40xi32, #tpu.memory_space<vmem>>) target_semaphore(%arg31 : memref<!tpu.dma_semaphore, #tpu.memory_space<semaphore_mem>>)
      %dma_wait3A_888 = arith.constant 0 : i32
      %dma_wait3A_889 = tpu.memref_slice %arg3[%dma_wait3A_888] : memref<640000xi32, #tpu.memory_space<hbm>> -> memref<40xi32, #tpu.memory_space<hbm>>
      %dma_wait3A_890 = arith.constant 0 : i32
      %dma_wait3A_891 = tpu.memref_slice %arg3[%dma_wait3A_890] : memref<640000xi32, #tpu.memory_space<hbm>> -> memref<40xi32, #tpu.memory_space<hbm>>
      tpu.wait_dma2 semaphore(%arg29 : memref<!tpu.dma_semaphore, #tpu.memory_space<semaphore_mem>>) src(%dma_wait3A_891 : memref<40xi32, #tpu.memory_space<hbm>>) dst(%arg9 : memref<40xi32, #tpu.memory_space<vmem>>)
      %dma_wait3A_892 = arith.constant 0 : i32
      %dma_wait3A_893 = tpu.memref_slice %arg3[%dma_wait3A_892] : memref<640000xi32, #tpu.memory_space<hbm>> -> memref<40xi32, #tpu.memory_space<hbm>>
      %dma_wait3A_894 = arith.constant 0 : i32
      %dma_wait3A_895 = tpu.memref_slice %arg3[%dma_wait3A_894] : memref<640000xi32, #tpu.memory_space<hbm>> -> memref<40xi32, #tpu.memory_space<hbm>>
      tpu.wait_dma2 semaphore(%arg29 : memref<!tpu.dma_semaphore, #tpu.memory_space<semaphore_mem>>) src(%dma_wait3A_895 : memref<40xi32, #tpu.memory_space<hbm>>) dst(%arg15 : memref<40xi32, #tpu.memory_space<vmem>>)
      %multiple_of3A_896 = tpu.assume_multiple %add3A_874, 8 : i32
      %dma_start3A_897 = arith.constant 0 : i32
      %dma_start3A_898 = arith.constant 0 : i32
      %dma_start3A_899 = tpu.memref_slice %arg2[%dma_start3A_897, %dma_start3A_898] : memref<10000x128xf32, #tpu.memory_space<hbm>> -> memref<10000x128xf32, #tpu.memory_space<hbm>>
      tpu.enqueue_indirect_dma source(%dma_start3A_899 : memref<10000x128xf32, #tpu.memory_space<hbm>>) target(%arg21 : memref<40x128xf32, #tpu.memory_space<vmem>>) offsets(%arg9 : memref<40xi32, #tpu.memory_space<vmem>>) semaphore(%arg35 : memref<!tpu.dma_semaphore, #tpu.memory_space<semaphore_mem>>)
      %dma_start3A_900 = arith.constant 0 : i32
      %dma_start3A_901 = tpu.memref_slice %arg4[%multiple_of3A_896, %dma_start3A_900] : memref<320000x128xf32, #tpu.memory_space<hbm>> -> memref<40x128xf32, #tpu.memory_space<hbm>>
      %dma_start3A_902 = arith.constant 0 : i32
      %dma_start3A_903 = tpu.memref_slice %arg4[%multiple_of3A_896, %dma_start3A_902] : memref<320000x128xf32, #tpu.memory_space<hbm>> -> memref<40x128xf32, #tpu.memory_space<hbm>>
      tpu.enqueue_dma source(%dma_start3A_903 : memref<40x128xf32, #tpu.memory_space<hbm>>) target(%arg22 : memref<40x128xf32, #tpu.memory_space<vmem>>) target_semaphore(%arg36 : memref<!tpu.dma_semaphore, #tpu.memory_space<semaphore_mem>>)
      %dma_wait3A_904 = arith.constant 0 : i32
      %dma_wait3A_905 = arith.constant 0 : i32
      %dma_wait3A_906 = tpu.memref_slice %arg2[%dma_wait3A_904, %dma_wait3A_905] : memref<10000x128xf32, #tpu.memory_space<hbm>> -> memref<10000x128xf32, #tpu.memory_space<hbm>>
      tpu.wait_indirect_dma semaphore(%arg34 : memref<!tpu.dma_semaphore, #tpu.memory_space<semaphore_mem>>) src(%dma_wait3A_906 : memref<10000x128xf32, #tpu.memory_space<hbm>>) dst(%arg20 : memref<40x128xf32, #tpu.memory_space<vmem>>)
      %dma_wait3A_907 = arith.constant 0 : i32
      %dma_wait3A_908 = arith.constant 0 : i32
      %dma_wait3A_909 = tpu.memref_slice %arg4[%dma_wait3A_907, %dma_wait3A_908] : memref<320000x128xf32, #tpu.memory_space<hbm>> -> memref<40x128xf32, #tpu.memory_space<hbm>>
      %dma_wait3A_910 = arith.constant 0 : i32
      %dma_wait3A_911 = arith.constant 0 : i32
      %dma_wait3A_912 = tpu.memref_slice %arg4[%dma_wait3A_910, %dma_wait3A_911] : memref<320000x128xf32, #tpu.memory_space<hbm>> -> memref<40x128xf32, #tpu.memory_space<hbm>>
      tpu.wait_dma2 semaphore(%arg38 : memref<!tpu.dma_semaphore, #tpu.memory_space<semaphore_mem>>) src(%dma_wait3A_912 : memref<40x128xf32, #tpu.memory_space<hbm>>) dst(%arg24 : memref<40x128xf32, #tpu.memory_space<vmem>>)
      %dma_start3A_913 = arith.constant 0 : i32
      %dma_start3A_914 = arith.constant 0 : i32
      %dma_start3A_915 = tpu.memref_slice %arg25[%dma_start3A_913, %dma_start3A_914] : memref<10000x128xf32, #tpu.memory_space<vmem_shared>> -> memref<10000x128xf32, #tpu.memory_space<vmem_shared>>
      tpu.enqueue_indirect_dma source(%arg20 : memref<40x128xf32, #tpu.memory_space<vmem>>) target(%dma_start3A_915 : memref<10000x128xf32, #tpu.memory_space<vmem_shared>>) offsets(%arg14 : memref<40xi32, #tpu.memory_space<vmem>>) semaphore(%arg41 : memref<!tpu.dma_semaphore, #tpu.memory_space<semaphore_mem>>) {add = true}
      %dma_start3A_916 = arith.constant 0 : i32
      %dma_start3A_917 = arith.constant 0 : i32
      %dma_start3A_918 = tpu.memref_slice %arg25[%dma_start3A_916, %dma_start3A_917] : memref<10000x128xf32, #tpu.memory_space<vmem_shared>> -> memref<10000x128xf32, #tpu.memory_space<vmem_shared>>
      tpu.enqueue_indirect_dma source(%arg24 : memref<40x128xf32, #tpu.memory_space<vmem>>) target(%dma_start3A_918 : memref<10000x128xf32, #tpu.memory_space<vmem_shared>>) offsets(%arg14 : memref<40xi32, #tpu.memory_space<vmem>>) semaphore(%arg45 : memref<!tpu.dma_semaphore, #tpu.memory_space<semaphore_mem>>) {add = true}
      %add3A_919 = arith.constant 6 : i32
      %add3A_920 = arith.addi %add3A_573, %add3A_919 : i32
      %add3A_921 = arith.constant 2 : i32
      %add3A_922 = arith.addi %add3A_920, %add3A_921 : i32
      %lt3A_923 = arith.constant 250 : i32
      %lt3A_924 = arith.cmpi slt, %add3A_922, %lt3A_923 : i32
      %mul3A_925 = arith.constant 40 : i32
      %mul3A_926 = arith.muli %add3A_922, %mul3A_925 : i32
      %add3A_927 = arith.addi %mul3A_2, %mul3A_926 : i32
      %jit3A_928 = arith.constant 0 : i32
      %select_n3A_929 = arith.select %lt3A_924, %add3A_927, %jit3A_928 : i32
      %mul3A_930 = arith.constant 40 : i32
      %mul3A_931 = arith.muli %add3A_920, %mul3A_930 : i32
      %add3A_932 = arith.addi %mul3A_2, %mul3A_931 : i32
      %dma_wait3A_933 = arith.constant 0 : i32
      %dma_wait3A_934 = arith.constant 0 : i32
      %dma_wait3A_935 = tpu.memref_slice %arg25[%dma_wait3A_933, %dma_wait3A_934] : memref<10000x128xf32, #tpu.memory_space<vmem_shared>> -> memref<10000x128xf32, #tpu.memory_space<vmem_shared>>
      tpu.wait_indirect_dma semaphore(%arg39 : memref<!tpu.dma_semaphore, #tpu.memory_space<semaphore_mem>>) src(%arg18 : memref<40x128xf32, #tpu.memory_space<vmem>>) dst(%dma_wait3A_935 : memref<10000x128xf32, #tpu.memory_space<vmem_shared>>)
      %dma_wait3A_936 = arith.constant 0 : i32
      %dma_wait3A_937 = arith.constant 0 : i32
      %dma_wait3A_938 = tpu.memref_slice %arg25[%dma_wait3A_936, %dma_wait3A_937] : memref<10000x128xf32, #tpu.memory_space<vmem_shared>> -> memref<10000x128xf32, #tpu.memory_space<vmem_shared>>
      tpu.wait_indirect_dma semaphore(%arg44 : memref<!tpu.dma_semaphore, #tpu.memory_space<semaphore_mem>>) src(%arg23 : memref<40x128xf32, #tpu.memory_space<vmem>>) dst(%dma_wait3A_938 : memref<10000x128xf32, #tpu.memory_space<vmem_shared>>)
      %multiple_of3A_939 = tpu.assume_multiple %select_n3A_929, 8 : i32
      %dma_start3A_940 = tpu.memref_slice %arg3[%multiple_of3A_939] : memref<640000xi32, #tpu.memory_space<hbm>> -> memref<40xi32, #tpu.memory_space<hbm>>
      %dma_start3A_941 = tpu.memref_slice %arg3[%multiple_of3A_939] : memref<640000xi32, #tpu.memory_space<hbm>> -> memref<40xi32, #tpu.memory_space<hbm>>
      tpu.enqueue_dma source(%dma_start3A_941 : memref<40xi32, #tpu.memory_space<hbm>>) target(%arg6 : memref<40xi32, #tpu.memory_space<vmem>>) target_semaphore(%arg26 : memref<!tpu.dma_semaphore, #tpu.memory_space<semaphore_mem>>)
      %add3A_942 = arith.constant 320000 : i32
      %add3A_943 = arith.addi %add3A_942, %multiple_of3A_939 : i32
      %dma_start3A_944 = tpu.memref_slice %arg3[%add3A_943] : memref<640000xi32, #tpu.memory_space<hbm>> -> memref<40xi32, #tpu.memory_space<hbm>>
      %dma_start3A_945 = tpu.memref_slice %arg3[%add3A_943] : memref<640000xi32, #tpu.memory_space<hbm>> -> memref<40xi32, #tpu.memory_space<hbm>>
      tpu.enqueue_dma source(%dma_start3A_945 : memref<40xi32, #tpu.memory_space<hbm>>) target(%arg12 : memref<40xi32, #tpu.memory_space<vmem>>) target_semaphore(%arg26 : memref<!tpu.dma_semaphore, #tpu.memory_space<semaphore_mem>>)
      %dma_wait3A_946 = arith.constant 0 : i32
      %dma_wait3A_947 = tpu.memref_slice %arg3[%dma_wait3A_946] : memref<640000xi32, #tpu.memory_space<hbm>> -> memref<40xi32, #tpu.memory_space<hbm>>
      %dma_wait3A_948 = arith.constant 0 : i32
      %dma_wait3A_949 = tpu.memref_slice %arg3[%dma_wait3A_948] : memref<640000xi32, #tpu.memory_space<hbm>> -> memref<40xi32, #tpu.memory_space<hbm>>
      tpu.wait_dma2 semaphore(%arg30 : memref<!tpu.dma_semaphore, #tpu.memory_space<semaphore_mem>>) src(%dma_wait3A_949 : memref<40xi32, #tpu.memory_space<hbm>>) dst(%arg10 : memref<40xi32, #tpu.memory_space<vmem>>)
      %dma_wait3A_950 = arith.constant 0 : i32
      %dma_wait3A_951 = tpu.memref_slice %arg3[%dma_wait3A_950] : memref<640000xi32, #tpu.memory_space<hbm>> -> memref<40xi32, #tpu.memory_space<hbm>>
      %dma_wait3A_952 = arith.constant 0 : i32
      %dma_wait3A_953 = tpu.memref_slice %arg3[%dma_wait3A_952] : memref<640000xi32, #tpu.memory_space<hbm>> -> memref<40xi32, #tpu.memory_space<hbm>>
      tpu.wait_dma2 semaphore(%arg30 : memref<!tpu.dma_semaphore, #tpu.memory_space<semaphore_mem>>) src(%dma_wait3A_953 : memref<40xi32, #tpu.memory_space<hbm>>) dst(%arg16 : memref<40xi32, #tpu.memory_space<vmem>>)
      %multiple_of3A_954 = tpu.assume_multiple %add3A_932, 8 : i32
      %dma_start3A_955 = arith.constant 0 : i32
      %dma_start3A_956 = arith.constant 0 : i32
      %dma_start3A_957 = tpu.memref_slice %arg2[%dma_start3A_955, %dma_start3A_956] : memref<10000x128xf32, #tpu.memory_space<hbm>> -> memref<10000x128xf32, #tpu.memory_space<hbm>>
      tpu.enqueue_indirect_dma source(%dma_start3A_957 : memref<10000x128xf32, #tpu.memory_space<hbm>>) target(%arg18 : memref<40x128xf32, #tpu.memory_space<vmem>>) offsets(%arg10 : memref<40xi32, #tpu.memory_space<vmem>>) semaphore(%arg32 : memref<!tpu.dma_semaphore, #tpu.memory_space<semaphore_mem>>)
      %dma_start3A_958 = arith.constant 0 : i32
      %dma_start3A_959 = tpu.memref_slice %arg4[%multiple_of3A_954, %dma_start3A_958] : memref<320000x128xf32, #tpu.memory_space<hbm>> -> memref<40x128xf32, #tpu.memory_space<hbm>>
      %dma_start3A_960 = arith.constant 0 : i32
      %dma_start3A_961 = tpu.memref_slice %arg4[%multiple_of3A_954, %dma_start3A_960] : memref<320000x128xf32, #tpu.memory_space<hbm>> -> memref<40x128xf32, #tpu.memory_space<hbm>>
      tpu.enqueue_dma source(%dma_start3A_961 : memref<40x128xf32, #tpu.memory_space<hbm>>) target(%arg23 : memref<40x128xf32, #tpu.memory_space<vmem>>) target_semaphore(%arg37 : memref<!tpu.dma_semaphore, #tpu.memory_space<semaphore_mem>>)
      %dma_wait3A_962 = arith.constant 0 : i32
      %dma_wait3A_963 = arith.constant 0 : i32
      %dma_wait3A_964 = tpu.memref_slice %arg2[%dma_wait3A_962, %dma_wait3A_963] : memref<10000x128xf32, #tpu.memory_space<hbm>> -> memref<10000x128xf32, #tpu.memory_space<hbm>>
      tpu.wait_indirect_dma semaphore(%arg35 : memref<!tpu.dma_semaphore, #tpu.memory_space<semaphore_mem>>) src(%dma_wait3A_964 : memref<10000x128xf32, #tpu.memory_space<hbm>>) dst(%arg21 : memref<40x128xf32, #tpu.memory_space<vmem>>)
      %dma_wait3A_965 = arith.constant 0 : i32
      %dma_wait3A_966 = arith.constant 0 : i32
      %dma_wait3A_967 = tpu.memref_slice %arg4[%dma_wait3A_965, %dma_wait3A_966] : memref<320000x128xf32, #tpu.memory_space<hbm>> -> memref<40x128xf32, #tpu.memory_space<hbm>>
      %dma_wait3A_968 = arith.constant 0 : i32
      %dma_wait3A_969 = arith.constant 0 : i32
      %dma_wait3A_970 = tpu.memref_slice %arg4[%dma_wait3A_968, %dma_wait3A_969] : memref<320000x128xf32, #tpu.memory_space<hbm>> -> memref<40x128xf32, #tpu.memory_space<hbm>>
      tpu.wait_dma2 semaphore(%arg36 : memref<!tpu.dma_semaphore, #tpu.memory_space<semaphore_mem>>) src(%dma_wait3A_970 : memref<40x128xf32, #tpu.memory_space<hbm>>) dst(%arg22 : memref<40x128xf32, #tpu.memory_space<vmem>>)
      %dma_start3A_971 = arith.constant 0 : i32
      %dma_start3A_972 = arith.constant 0 : i32
      %dma_start3A_973 = tpu.memref_slice %arg25[%dma_start3A_971, %dma_start3A_972] : memref<10000x128xf32, #tpu.memory_space<vmem_shared>> -> memref<10000x128xf32, #tpu.memory_space<vmem_shared>>
      tpu.enqueue_indirect_dma source(%arg21 : memref<40x128xf32, #tpu.memory_space<vmem>>) target(%dma_start3A_973 : memref<10000x128xf32, #tpu.memory_space<vmem_shared>>) offsets(%arg15 : memref<40xi32, #tpu.memory_space<vmem>>) semaphore(%arg42 : memref<!tpu.dma_semaphore, #tpu.memory_space<semaphore_mem>>) {add = true}
      %dma_start3A_974 = arith.constant 0 : i32
      %dma_start3A_975 = arith.constant 0 : i32
      %dma_start3A_976 = tpu.memref_slice %arg25[%dma_start3A_974, %dma_start3A_975] : memref<10000x128xf32, #tpu.memory_space<vmem_shared>> -> memref<10000x128xf32, #tpu.memory_space<vmem_shared>>
      tpu.enqueue_indirect_dma source(%arg22 : memref<40x128xf32, #tpu.memory_space<vmem>>) target(%dma_start3A_976 : memref<10000x128xf32, #tpu.memory_space<vmem_shared>>) offsets(%arg15 : memref<40xi32, #tpu.memory_space<vmem>>) semaphore(%arg43 : memref<!tpu.dma_semaphore, #tpu.memory_space<semaphore_mem>>) {add = true}
      %add3A_977 = arith.constant 7 : i32
      %add3A_978 = arith.addi %add3A_573, %add3A_977 : i32
      %add3A_979 = arith.constant 2 : i32
      %add3A_980 = arith.addi %add3A_978, %add3A_979 : i32
      %lt3A_981 = arith.constant 250 : i32
      %lt3A_982 = arith.cmpi slt, %add3A_980, %lt3A_981 : i32
      %mul3A_983 = arith.constant 40 : i32
      %mul3A_984 = arith.muli %add3A_980, %mul3A_983 : i32
      %add3A_985 = arith.addi %mul3A_2, %mul3A_984 : i32
      %jit3A_986 = arith.constant 0 : i32
      %select_n3A_987 = arith.select %lt3A_982, %add3A_985, %jit3A_986 : i32
      %mul3A_988 = arith.constant 40 : i32
      %mul3A_989 = arith.muli %add3A_978, %mul3A_988 : i32
      %add3A_990 = arith.addi %mul3A_2, %mul3A_989 : i32
      %dma_wait3A_991 = arith.constant 0 : i32
      %dma_wait3A_992 = arith.constant 0 : i32
      %dma_wait3A_993 = tpu.memref_slice %arg25[%dma_wait3A_991, %dma_wait3A_992] : memref<10000x128xf32, #tpu.memory_space<vmem_shared>> -> memref<10000x128xf32, #tpu.memory_space<vmem_shared>>
      tpu.wait_indirect_dma semaphore(%arg40 : memref<!tpu.dma_semaphore, #tpu.memory_space<semaphore_mem>>) src(%arg19 : memref<40x128xf32, #tpu.memory_space<vmem>>) dst(%dma_wait3A_993 : memref<10000x128xf32, #tpu.memory_space<vmem_shared>>)
      %dma_wait3A_994 = arith.constant 0 : i32
      %dma_wait3A_995 = arith.constant 0 : i32
      %dma_wait3A_996 = tpu.memref_slice %arg25[%dma_wait3A_994, %dma_wait3A_995] : memref<10000x128xf32, #tpu.memory_space<vmem_shared>> -> memref<10000x128xf32, #tpu.memory_space<vmem_shared>>
      tpu.wait_indirect_dma semaphore(%arg45 : memref<!tpu.dma_semaphore, #tpu.memory_space<semaphore_mem>>) src(%arg24 : memref<40x128xf32, #tpu.memory_space<vmem>>) dst(%dma_wait3A_996 : memref<10000x128xf32, #tpu.memory_space<vmem_shared>>)
      %multiple_of3A_997 = tpu.assume_multiple %select_n3A_987, 8 : i32
      %dma_start3A_998 = tpu.memref_slice %arg3[%multiple_of3A_997] : memref<640000xi32, #tpu.memory_space<hbm>> -> memref<40xi32, #tpu.memory_space<hbm>>
      %dma_start3A_999 = tpu.memref_slice %arg3[%multiple_of3A_997] : memref<640000xi32, #tpu.memory_space<hbm>> -> memref<40xi32, #tpu.memory_space<hbm>>
      tpu.enqueue_dma source(%dma_start3A_999 : memref<40xi32, #tpu.memory_space<hbm>>) target(%arg7 : memref<40xi32, #tpu.memory_space<vmem>>) target_semaphore(%arg27 : memref<!tpu.dma_semaphore, #tpu.memory_space<semaphore_mem>>)
      %add3A_1000 = arith.constant 320000 : i32
      %add3A_1001 = arith.addi %add3A_1000, %multiple_of3A_997 : i32
      %dma_start3A_1002 = tpu.memref_slice %arg3[%add3A_1001] : memref<640000xi32, #tpu.memory_space<hbm>> -> memref<40xi32, #tpu.memory_space<hbm>>
      %dma_start3A_1003 = tpu.memref_slice %arg3[%add3A_1001] : memref<640000xi32, #tpu.memory_space<hbm>> -> memref<40xi32, #tpu.memory_space<hbm>>
      tpu.enqueue_dma source(%dma_start3A_1003 : memref<40xi32, #tpu.memory_space<hbm>>) target(%arg13 : memref<40xi32, #tpu.memory_space<vmem>>) target_semaphore(%arg27 : memref<!tpu.dma_semaphore, #tpu.memory_space<semaphore_mem>>)
      %dma_wait3A_1004 = arith.constant 0 : i32
      %dma_wait3A_1005 = tpu.memref_slice %arg3[%dma_wait3A_1004] : memref<640000xi32, #tpu.memory_space<hbm>> -> memref<40xi32, #tpu.memory_space<hbm>>
      %dma_wait3A_1006 = arith.constant 0 : i32
      %dma_wait3A_1007 = tpu.memref_slice %arg3[%dma_wait3A_1006] : memref<640000xi32, #tpu.memory_space<hbm>> -> memref<40xi32, #tpu.memory_space<hbm>>
      tpu.wait_dma2 semaphore(%arg31 : memref<!tpu.dma_semaphore, #tpu.memory_space<semaphore_mem>>) src(%dma_wait3A_1007 : memref<40xi32, #tpu.memory_space<hbm>>) dst(%arg11 : memref<40xi32, #tpu.memory_space<vmem>>)
      %dma_wait3A_1008 = arith.constant 0 : i32
      %dma_wait3A_1009 = tpu.memref_slice %arg3[%dma_wait3A_1008] : memref<640000xi32, #tpu.memory_space<hbm>> -> memref<40xi32, #tpu.memory_space<hbm>>
      %dma_wait3A_1010 = arith.constant 0 : i32
      %dma_wait3A_1011 = tpu.memref_slice %arg3[%dma_wait3A_1010] : memref<640000xi32, #tpu.memory_space<hbm>> -> memref<40xi32, #tpu.memory_space<hbm>>
      tpu.wait_dma2 semaphore(%arg31 : memref<!tpu.dma_semaphore, #tpu.memory_space<semaphore_mem>>) src(%dma_wait3A_1011 : memref<40xi32, #tpu.memory_space<hbm>>) dst(%arg17 : memref<40xi32, #tpu.memory_space<vmem>>)
      %multiple_of3A_1012 = tpu.assume_multiple %add3A_990, 8 : i32
      %dma_start3A_1013 = arith.constant 0 : i32
      %dma_start3A_1014 = arith.constant 0 : i32
      %dma_start3A_1015 = tpu.memref_slice %arg2[%dma_start3A_1013, %dma_start3A_1014] : memref<10000x128xf32, #tpu.memory_space<hbm>> -> memref<10000x128xf32, #tpu.memory_space<hbm>>
      tpu.enqueue_indirect_dma source(%dma_start3A_1015 : memref<10000x128xf32, #tpu.memory_space<hbm>>) target(%arg19 : memref<40x128xf32, #tpu.memory_space<vmem>>) offsets(%arg11 : memref<40xi32, #tpu.memory_space<vmem>>) semaphore(%arg33 : memref<!tpu.dma_semaphore, #tpu.memory_space<semaphore_mem>>)
      %dma_start3A_1016 = arith.constant 0 : i32
      %dma_start3A_1017 = tpu.memref_slice %arg4[%multiple_of3A_1012, %dma_start3A_1016] : memref<320000x128xf32, #tpu.memory_space<hbm>> -> memref<40x128xf32, #tpu.memory_space<hbm>>
      %dma_start3A_1018 = arith.constant 0 : i32
      %dma_start3A_1019 = tpu.memref_slice %arg4[%multiple_of3A_1012, %dma_start3A_1018] : memref<320000x128xf32, #tpu.memory_space<hbm>> -> memref<40x128xf32, #tpu.memory_space<hbm>>
      tpu.enqueue_dma source(%dma_start3A_1019 : memref<40x128xf32, #tpu.memory_space<hbm>>) target(%arg24 : memref<40x128xf32, #tpu.memory_space<vmem>>) target_semaphore(%arg38 : memref<!tpu.dma_semaphore, #tpu.memory_space<semaphore_mem>>)
      %dma_wait3A_1020 = arith.constant 0 : i32
      %dma_wait3A_1021 = arith.constant 0 : i32
      %dma_wait3A_1022 = tpu.memref_slice %arg2[%dma_wait3A_1020, %dma_wait3A_1021] : memref<10000x128xf32, #tpu.memory_space<hbm>> -> memref<10000x128xf32, #tpu.memory_space<hbm>>
      tpu.wait_indirect_dma semaphore(%arg32 : memref<!tpu.dma_semaphore, #tpu.memory_space<semaphore_mem>>) src(%dma_wait3A_1022 : memref<10000x128xf32, #tpu.memory_space<hbm>>) dst(%arg18 : memref<40x128xf32, #tpu.memory_space<vmem>>)
      %dma_wait3A_1023 = arith.constant 0 : i32
      %dma_wait3A_1024 = arith.constant 0 : i32
      %dma_wait3A_1025 = tpu.memref_slice %arg4[%dma_wait3A_1023, %dma_wait3A_1024] : memref<320000x128xf32, #tpu.memory_space<hbm>> -> memref<40x128xf32, #tpu.memory_space<hbm>>
      %dma_wait3A_1026 = arith.constant 0 : i32
      %dma_wait3A_1027 = arith.constant 0 : i32
      %dma_wait3A_1028 = tpu.memref_slice %arg4[%dma_wait3A_1026, %dma_wait3A_1027] : memref<320000x128xf32, #tpu.memory_space<hbm>> -> memref<40x128xf32, #tpu.memory_space<hbm>>
      tpu.wait_dma2 semaphore(%arg37 : memref<!tpu.dma_semaphore, #tpu.memory_space<semaphore_mem>>) src(%dma_wait3A_1028 : memref<40x128xf32, #tpu.memory_space<hbm>>) dst(%arg23 : memref<40x128xf32, #tpu.memory_space<vmem>>)
      %dma_start3A_1029 = arith.constant 0 : i32
      %dma_start3A_1030 = arith.constant 0 : i32
      %dma_start3A_1031 = tpu.memref_slice %arg25[%dma_start3A_1029, %dma_start3A_1030] : memref<10000x128xf32, #tpu.memory_space<vmem_shared>> -> memref<10000x128xf32, #tpu.memory_space<vmem_shared>>
      tpu.enqueue_indirect_dma source(%arg18 : memref<40x128xf32, #tpu.memory_space<vmem>>) target(%dma_start3A_1031 : memref<10000x128xf32, #tpu.memory_space<vmem_shared>>) offsets(%arg16 : memref<40xi32, #tpu.memory_space<vmem>>) semaphore(%arg39 : memref<!tpu.dma_semaphore, #tpu.memory_space<semaphore_mem>>) {add = true}
      %dma_start3A_1032 = arith.constant 0 : i32
      %dma_start3A_1033 = arith.constant 0 : i32
      %dma_start3A_1034 = tpu.memref_slice %arg25[%dma_start3A_1032, %dma_start3A_1033] : memref<10000x128xf32, #tpu.memory_space<vmem_shared>> -> memref<10000x128xf32, #tpu.memory_space<vmem_shared>>
      tpu.enqueue_indirect_dma source(%arg23 : memref<40x128xf32, #tpu.memory_space<vmem>>) target(%dma_start3A_1034 : memref<10000x128xf32, #tpu.memory_space<vmem_shared>>) offsets(%arg16 : memref<40xi32, #tpu.memory_space<vmem>>) semaphore(%arg44 : memref<!tpu.dma_semaphore, #tpu.memory_space<semaphore_mem>>) {add = true}
      %add3A_1035 = arith.constant 8 : i32
      %add3A_1036 = arith.addi %add3A_573, %add3A_1035 : i32
      %add3A_1037 = arith.constant 2 : i32
      %add3A_1038 = arith.addi %add3A_1036, %add3A_1037 : i32
      %lt3A_1039 = arith.constant 250 : i32
      %lt3A_1040 = arith.cmpi slt, %add3A_1038, %lt3A_1039 : i32
      %mul3A_1041 = arith.constant 40 : i32
      %mul3A_1042 = arith.muli %add3A_1038, %mul3A_1041 : i32
      %add3A_1043 = arith.addi %mul3A_2, %mul3A_1042 : i32
      %jit3A_1044 = arith.constant 0 : i32
      %select_n3A_1045 = arith.select %lt3A_1040, %add3A_1043, %jit3A_1044 : i32
      %mul3A_1046 = arith.constant 40 : i32
      %mul3A_1047 = arith.muli %add3A_1036, %mul3A_1046 : i32
      %add3A_1048 = arith.addi %mul3A_2, %mul3A_1047 : i32
      %dma_wait3A_1049 = arith.constant 0 : i32
      %dma_wait3A_1050 = arith.constant 0 : i32
      %dma_wait3A_1051 = tpu.memref_slice %arg25[%dma_wait3A_1049, %dma_wait3A_1050] : memref<10000x128xf32, #tpu.memory_space<vmem_shared>> -> memref<10000x128xf32, #tpu.memory_space<vmem_shared>>
      tpu.wait_indirect_dma semaphore(%arg41 : memref<!tpu.dma_semaphore, #tpu.memory_space<semaphore_mem>>) src(%arg20 : memref<40x128xf32, #tpu.memory_space<vmem>>) dst(%dma_wait3A_1051 : memref<10000x128xf32, #tpu.memory_space<vmem_shared>>)
      %dma_wait3A_1052 = arith.constant 0 : i32
      %dma_wait3A_1053 = arith.constant 0 : i32
      %dma_wait3A_1054 = tpu.memref_slice %arg25[%dma_wait3A_1052, %dma_wait3A_1053] : memref<10000x128xf32, #tpu.memory_space<vmem_shared>> -> memref<10000x128xf32, #tpu.memory_space<vmem_shared>>
      tpu.wait_indirect_dma semaphore(%arg43 : memref<!tpu.dma_semaphore, #tpu.memory_space<semaphore_mem>>) src(%arg22 : memref<40x128xf32, #tpu.memory_space<vmem>>) dst(%dma_wait3A_1054 : memref<10000x128xf32, #tpu.memory_space<vmem_shared>>)
      %multiple_of3A_1055 = tpu.assume_multiple %select_n3A_1045, 8 : i32
      %dma_start3A_1056 = tpu.memref_slice %arg3[%multiple_of3A_1055] : memref<640000xi32, #tpu.memory_space<hbm>> -> memref<40xi32, #tpu.memory_space<hbm>>
      %dma_start3A_1057 = tpu.memref_slice %arg3[%multiple_of3A_1055] : memref<640000xi32, #tpu.memory_space<hbm>> -> memref<40xi32, #tpu.memory_space<hbm>>
      tpu.enqueue_dma source(%dma_start3A_1057 : memref<40xi32, #tpu.memory_space<hbm>>) target(%arg8 : memref<40xi32, #tpu.memory_space<vmem>>) target_semaphore(%arg28 : memref<!tpu.dma_semaphore, #tpu.memory_space<semaphore_mem>>)
      %add3A_1058 = arith.constant 320000 : i32
      %add3A_1059 = arith.addi %add3A_1058, %multiple_of3A_1055 : i32
      %dma_start3A_1060 = tpu.memref_slice %arg3[%add3A_1059] : memref<640000xi32, #tpu.memory_space<hbm>> -> memref<40xi32, #tpu.memory_space<hbm>>
      %dma_start3A_1061 = tpu.memref_slice %arg3[%add3A_1059] : memref<640000xi32, #tpu.memory_space<hbm>> -> memref<40xi32, #tpu.memory_space<hbm>>
      tpu.enqueue_dma source(%dma_start3A_1061 : memref<40xi32, #tpu.memory_space<hbm>>) target(%arg14 : memref<40xi32, #tpu.memory_space<vmem>>) target_semaphore(%arg28 : memref<!tpu.dma_semaphore, #tpu.memory_space<semaphore_mem>>)
      %dma_wait3A_1062 = arith.constant 0 : i32
      %dma_wait3A_1063 = tpu.memref_slice %arg3[%dma_wait3A_1062] : memref<640000xi32, #tpu.memory_space<hbm>> -> memref<40xi32, #tpu.memory_space<hbm>>
      %dma_wait3A_1064 = arith.constant 0 : i32
      %dma_wait3A_1065 = tpu.memref_slice %arg3[%dma_wait3A_1064] : memref<640000xi32, #tpu.memory_space<hbm>> -> memref<40xi32, #tpu.memory_space<hbm>>
      tpu.wait_dma2 semaphore(%arg26 : memref<!tpu.dma_semaphore, #tpu.memory_space<semaphore_mem>>) src(%dma_wait3A_1065 : memref<40xi32, #tpu.memory_space<hbm>>) dst(%arg6 : memref<40xi32, #tpu.memory_space<vmem>>)
      %dma_wait3A_1066 = arith.constant 0 : i32
      %dma_wait3A_1067 = tpu.memref_slice %arg3[%dma_wait3A_1066] : memref<640000xi32, #tpu.memory_space<hbm>> -> memref<40xi32, #tpu.memory_space<hbm>>
      %dma_wait3A_1068 = arith.constant 0 : i32
      %dma_wait3A_1069 = tpu.memref_slice %arg3[%dma_wait3A_1068] : memref<640000xi32, #tpu.memory_space<hbm>> -> memref<40xi32, #tpu.memory_space<hbm>>
      tpu.wait_dma2 semaphore(%arg26 : memref<!tpu.dma_semaphore, #tpu.memory_space<semaphore_mem>>) src(%dma_wait3A_1069 : memref<40xi32, #tpu.memory_space<hbm>>) dst(%arg12 : memref<40xi32, #tpu.memory_space<vmem>>)
      %multiple_of3A_1070 = tpu.assume_multiple %add3A_1048, 8 : i32
      %dma_start3A_1071 = arith.constant 0 : i32
      %dma_start3A_1072 = arith.constant 0 : i32
      %dma_start3A_1073 = tpu.memref_slice %arg2[%dma_start3A_1071, %dma_start3A_1072] : memref<10000x128xf32, #tpu.memory_space<hbm>> -> memref<10000x128xf32, #tpu.memory_space<hbm>>
      tpu.enqueue_indirect_dma source(%dma_start3A_1073 : memref<10000x128xf32, #tpu.memory_space<hbm>>) target(%arg20 : memref<40x128xf32, #tpu.memory_space<vmem>>) offsets(%arg6 : memref<40xi32, #tpu.memory_space<vmem>>) semaphore(%arg34 : memref<!tpu.dma_semaphore, #tpu.memory_space<semaphore_mem>>)
      %dma_start3A_1074 = arith.constant 0 : i32
      %dma_start3A_1075 = tpu.memref_slice %arg4[%multiple_of3A_1070, %dma_start3A_1074] : memref<320000x128xf32, #tpu.memory_space<hbm>> -> memref<40x128xf32, #tpu.memory_space<hbm>>
      %dma_start3A_1076 = arith.constant 0 : i32
      %dma_start3A_1077 = tpu.memref_slice %arg4[%multiple_of3A_1070, %dma_start3A_1076] : memref<320000x128xf32, #tpu.memory_space<hbm>> -> memref<40x128xf32, #tpu.memory_space<hbm>>
      tpu.enqueue_dma source(%dma_start3A_1077 : memref<40x128xf32, #tpu.memory_space<hbm>>) target(%arg22 : memref<40x128xf32, #tpu.memory_space<vmem>>) target_semaphore(%arg36 : memref<!tpu.dma_semaphore, #tpu.memory_space<semaphore_mem>>)
      %dma_wait3A_1078 = arith.constant 0 : i32
      %dma_wait3A_1079 = arith.constant 0 : i32
      %dma_wait3A_1080 = tpu.memref_slice %arg2[%dma_wait3A_1078, %dma_wait3A_1079] : memref<10000x128xf32, #tpu.memory_space<hbm>> -> memref<10000x128xf32, #tpu.memory_space<hbm>>
      tpu.wait_indirect_dma semaphore(%arg33 : memref<!tpu.dma_semaphore, #tpu.memory_space<semaphore_mem>>) src(%dma_wait3A_1080 : memref<10000x128xf32, #tpu.memory_space<hbm>>) dst(%arg19 : memref<40x128xf32, #tpu.memory_space<vmem>>)
      %dma_wait3A_1081 = arith.constant 0 : i32
      %dma_wait3A_1082 = arith.constant 0 : i32
      %dma_wait3A_1083 = tpu.memref_slice %arg4[%dma_wait3A_1081, %dma_wait3A_1082] : memref<320000x128xf32, #tpu.memory_space<hbm>> -> memref<40x128xf32, #tpu.memory_space<hbm>>
      %dma_wait3A_1084 = arith.constant 0 : i32
      %dma_wait3A_1085 = arith.constant 0 : i32
      %dma_wait3A_1086 = tpu.memref_slice %arg4[%dma_wait3A_1084, %dma_wait3A_1085] : memref<320000x128xf32, #tpu.memory_space<hbm>> -> memref<40x128xf32, #tpu.memory_space<hbm>>
      tpu.wait_dma2 semaphore(%arg38 : memref<!tpu.dma_semaphore, #tpu.memory_space<semaphore_mem>>) src(%dma_wait3A_1086 : memref<40x128xf32, #tpu.memory_space<hbm>>) dst(%arg24 : memref<40x128xf32, #tpu.memory_space<vmem>>)
      %dma_start3A_1087 = arith.constant 0 : i32
      %dma_start3A_1088 = arith.constant 0 : i32
      %dma_start3A_1089 = tpu.memref_slice %arg25[%dma_start3A_1087, %dma_start3A_1088] : memref<10000x128xf32, #tpu.memory_space<vmem_shared>> -> memref<10000x128xf32, #tpu.memory_space<vmem_shared>>
      tpu.enqueue_indirect_dma source(%arg19 : memref<40x128xf32, #tpu.memory_space<vmem>>) target(%dma_start3A_1089 : memref<10000x128xf32, #tpu.memory_space<vmem_shared>>) offsets(%arg17 : memref<40xi32, #tpu.memory_space<vmem>>) semaphore(%arg40 : memref<!tpu.dma_semaphore, #tpu.memory_space<semaphore_mem>>) {add = true}
      %dma_start3A_1090 = arith.constant 0 : i32
      %dma_start3A_1091 = arith.constant 0 : i32
      %dma_start3A_1092 = tpu.memref_slice %arg25[%dma_start3A_1090, %dma_start3A_1091] : memref<10000x128xf32, #tpu.memory_space<vmem_shared>> -> memref<10000x128xf32, #tpu.memory_space<vmem_shared>>
      tpu.enqueue_indirect_dma source(%arg24 : memref<40x128xf32, #tpu.memory_space<vmem>>) target(%dma_start3A_1092 : memref<10000x128xf32, #tpu.memory_space<vmem_shared>>) offsets(%arg17 : memref<40xi32, #tpu.memory_space<vmem>>) semaphore(%arg45 : memref<!tpu.dma_semaphore, #tpu.memory_space<semaphore_mem>>) {add = true}
      %add3A_1093 = arith.constant 9 : i32
      %add3A_1094 = arith.addi %add3A_573, %add3A_1093 : i32
      %add3A_1095 = arith.constant 2 : i32
      %add3A_1096 = arith.addi %add3A_1094, %add3A_1095 : i32
      %lt3A_1097 = arith.constant 250 : i32
      %lt3A_1098 = arith.cmpi slt, %add3A_1096, %lt3A_1097 : i32
      %mul3A_1099 = arith.constant 40 : i32
      %mul3A_1100 = arith.muli %add3A_1096, %mul3A_1099 : i32
      %add3A_1101 = arith.addi %mul3A_2, %mul3A_1100 : i32
      %jit3A_1102 = arith.constant 0 : i32
      %select_n3A_1103 = arith.select %lt3A_1098, %add3A_1101, %jit3A_1102 : i32
      %mul3A_1104 = arith.constant 40 : i32
      %mul3A_1105 = arith.muli %add3A_1094, %mul3A_1104 : i32
      %add3A_1106 = arith.addi %mul3A_2, %mul3A_1105 : i32
      %dma_wait3A_1107 = arith.constant 0 : i32
      %dma_wait3A_1108 = arith.constant 0 : i32
      %dma_wait3A_1109 = tpu.memref_slice %arg25[%dma_wait3A_1107, %dma_wait3A_1108] : memref<10000x128xf32, #tpu.memory_space<vmem_shared>> -> memref<10000x128xf32, #tpu.memory_space<vmem_shared>>
      tpu.wait_indirect_dma semaphore(%arg42 : memref<!tpu.dma_semaphore, #tpu.memory_space<semaphore_mem>>) src(%arg21 : memref<40x128xf32, #tpu.memory_space<vmem>>) dst(%dma_wait3A_1109 : memref<10000x128xf32, #tpu.memory_space<vmem_shared>>)
      %dma_wait3A_1110 = arith.constant 0 : i32
      %dma_wait3A_1111 = arith.constant 0 : i32
      %dma_wait3A_1112 = tpu.memref_slice %arg25[%dma_wait3A_1110, %dma_wait3A_1111] : memref<10000x128xf32, #tpu.memory_space<vmem_shared>> -> memref<10000x128xf32, #tpu.memory_space<vmem_shared>>
      tpu.wait_indirect_dma semaphore(%arg44 : memref<!tpu.dma_semaphore, #tpu.memory_space<semaphore_mem>>) src(%arg23 : memref<40x128xf32, #tpu.memory_space<vmem>>) dst(%dma_wait3A_1112 : memref<10000x128xf32, #tpu.memory_space<vmem_shared>>)
      %multiple_of3A_1113 = tpu.assume_multiple %select_n3A_1103, 8 : i32
      %dma_start3A_1114 = tpu.memref_slice %arg3[%multiple_of3A_1113] : memref<640000xi32, #tpu.memory_space<hbm>> -> memref<40xi32, #tpu.memory_space<hbm>>
      %dma_start3A_1115 = tpu.memref_slice %arg3[%multiple_of3A_1113] : memref<640000xi32, #tpu.memory_space<hbm>> -> memref<40xi32, #tpu.memory_space<hbm>>
      tpu.enqueue_dma source(%dma_start3A_1115 : memref<40xi32, #tpu.memory_space<hbm>>) target(%arg9 : memref<40xi32, #tpu.memory_space<vmem>>) target_semaphore(%arg29 : memref<!tpu.dma_semaphore, #tpu.memory_space<semaphore_mem>>)
      %add3A_1116 = arith.constant 320000 : i32
      %add3A_1117 = arith.addi %add3A_1116, %multiple_of3A_1113 : i32
      %dma_start3A_1118 = tpu.memref_slice %arg3[%add3A_1117] : memref<640000xi32, #tpu.memory_space<hbm>> -> memref<40xi32, #tpu.memory_space<hbm>>
      %dma_start3A_1119 = tpu.memref_slice %arg3[%add3A_1117] : memref<640000xi32, #tpu.memory_space<hbm>> -> memref<40xi32, #tpu.memory_space<hbm>>
      tpu.enqueue_dma source(%dma_start3A_1119 : memref<40xi32, #tpu.memory_space<hbm>>) target(%arg15 : memref<40xi32, #tpu.memory_space<vmem>>) target_semaphore(%arg29 : memref<!tpu.dma_semaphore, #tpu.memory_space<semaphore_mem>>)
      %dma_wait3A_1120 = arith.constant 0 : i32
      %dma_wait3A_1121 = tpu.memref_slice %arg3[%dma_wait3A_1120] : memref<640000xi32, #tpu.memory_space<hbm>> -> memref<40xi32, #tpu.memory_space<hbm>>
      %dma_wait3A_1122 = arith.constant 0 : i32
      %dma_wait3A_1123 = tpu.memref_slice %arg3[%dma_wait3A_1122] : memref<640000xi32, #tpu.memory_space<hbm>> -> memref<40xi32, #tpu.memory_space<hbm>>
      tpu.wait_dma2 semaphore(%arg27 : memref<!tpu.dma_semaphore, #tpu.memory_space<semaphore_mem>>) src(%dma_wait3A_1123 : memref<40xi32, #tpu.memory_space<hbm>>) dst(%arg7 : memref<40xi32, #tpu.memory_space<vmem>>)
      %dma_wait3A_1124 = arith.constant 0 : i32
      %dma_wait3A_1125 = tpu.memref_slice %arg3[%dma_wait3A_1124] : memref<640000xi32, #tpu.memory_space<hbm>> -> memref<40xi32, #tpu.memory_space<hbm>>
      %dma_wait3A_1126 = arith.constant 0 : i32
      %dma_wait3A_1127 = tpu.memref_slice %arg3[%dma_wait3A_1126] : memref<640000xi32, #tpu.memory_space<hbm>> -> memref<40xi32, #tpu.memory_space<hbm>>
      tpu.wait_dma2 semaphore(%arg27 : memref<!tpu.dma_semaphore, #tpu.memory_space<semaphore_mem>>) src(%dma_wait3A_1127 : memref<40xi32, #tpu.memory_space<hbm>>) dst(%arg13 : memref<40xi32, #tpu.memory_space<vmem>>)
      %multiple_of3A_1128 = tpu.assume_multiple %add3A_1106, 8 : i32
      %dma_start3A_1129 = arith.constant 0 : i32
      %dma_start3A_1130 = arith.constant 0 : i32
      %dma_start3A_1131 = tpu.memref_slice %arg2[%dma_start3A_1129, %dma_start3A_1130] : memref<10000x128xf32, #tpu.memory_space<hbm>> -> memref<10000x128xf32, #tpu.memory_space<hbm>>
      tpu.enqueue_indirect_dma source(%dma_start3A_1131 : memref<10000x128xf32, #tpu.memory_space<hbm>>) target(%arg21 : memref<40x128xf32, #tpu.memory_space<vmem>>) offsets(%arg7 : memref<40xi32, #tpu.memory_space<vmem>>) semaphore(%arg35 : memref<!tpu.dma_semaphore, #tpu.memory_space<semaphore_mem>>)
      %dma_start3A_1132 = arith.constant 0 : i32
      %dma_start3A_1133 = tpu.memref_slice %arg4[%multiple_of3A_1128, %dma_start3A_1132] : memref<320000x128xf32, #tpu.memory_space<hbm>> -> memref<40x128xf32, #tpu.memory_space<hbm>>
      %dma_start3A_1134 = arith.constant 0 : i32
      %dma_start3A_1135 = tpu.memref_slice %arg4[%multiple_of3A_1128, %dma_start3A_1134] : memref<320000x128xf32, #tpu.memory_space<hbm>> -> memref<40x128xf32, #tpu.memory_space<hbm>>
      tpu.enqueue_dma source(%dma_start3A_1135 : memref<40x128xf32, #tpu.memory_space<hbm>>) target(%arg23 : memref<40x128xf32, #tpu.memory_space<vmem>>) target_semaphore(%arg37 : memref<!tpu.dma_semaphore, #tpu.memory_space<semaphore_mem>>)
      %dma_wait3A_1136 = arith.constant 0 : i32
      %dma_wait3A_1137 = arith.constant 0 : i32
      %dma_wait3A_1138 = tpu.memref_slice %arg2[%dma_wait3A_1136, %dma_wait3A_1137] : memref<10000x128xf32, #tpu.memory_space<hbm>> -> memref<10000x128xf32, #tpu.memory_space<hbm>>
      tpu.wait_indirect_dma semaphore(%arg34 : memref<!tpu.dma_semaphore, #tpu.memory_space<semaphore_mem>>) src(%dma_wait3A_1138 : memref<10000x128xf32, #tpu.memory_space<hbm>>) dst(%arg20 : memref<40x128xf32, #tpu.memory_space<vmem>>)
      %dma_wait3A_1139 = arith.constant 0 : i32
      %dma_wait3A_1140 = arith.constant 0 : i32
      %dma_wait3A_1141 = tpu.memref_slice %arg4[%dma_wait3A_1139, %dma_wait3A_1140] : memref<320000x128xf32, #tpu.memory_space<hbm>> -> memref<40x128xf32, #tpu.memory_space<hbm>>
      %dma_wait3A_1142 = arith.constant 0 : i32
      %dma_wait3A_1143 = arith.constant 0 : i32
      %dma_wait3A_1144 = tpu.memref_slice %arg4[%dma_wait3A_1142, %dma_wait3A_1143] : memref<320000x128xf32, #tpu.memory_space<hbm>> -> memref<40x128xf32, #tpu.memory_space<hbm>>
      tpu.wait_dma2 semaphore(%arg36 : memref<!tpu.dma_semaphore, #tpu.memory_space<semaphore_mem>>) src(%dma_wait3A_1144 : memref<40x128xf32, #tpu.memory_space<hbm>>) dst(%arg22 : memref<40x128xf32, #tpu.memory_space<vmem>>)
      %dma_start3A_1145 = arith.constant 0 : i32
      %dma_start3A_1146 = arith.constant 0 : i32
      %dma_start3A_1147 = tpu.memref_slice %arg25[%dma_start3A_1145, %dma_start3A_1146] : memref<10000x128xf32, #tpu.memory_space<vmem_shared>> -> memref<10000x128xf32, #tpu.memory_space<vmem_shared>>
      tpu.enqueue_indirect_dma source(%arg20 : memref<40x128xf32, #tpu.memory_space<vmem>>) target(%dma_start3A_1147 : memref<10000x128xf32, #tpu.memory_space<vmem_shared>>) offsets(%arg12 : memref<40xi32, #tpu.memory_space<vmem>>) semaphore(%arg41 : memref<!tpu.dma_semaphore, #tpu.memory_space<semaphore_mem>>) {add = true}
      %dma_start3A_1148 = arith.constant 0 : i32
      %dma_start3A_1149 = arith.constant 0 : i32
      %dma_start3A_1150 = tpu.memref_slice %arg25[%dma_start3A_1148, %dma_start3A_1149] : memref<10000x128xf32, #tpu.memory_space<vmem_shared>> -> memref<10000x128xf32, #tpu.memory_space<vmem_shared>>
      tpu.enqueue_indirect_dma source(%arg22 : memref<40x128xf32, #tpu.memory_space<vmem>>) target(%dma_start3A_1150 : memref<10000x128xf32, #tpu.memory_space<vmem_shared>>) offsets(%arg12 : memref<40xi32, #tpu.memory_space<vmem>>) semaphore(%arg43 : memref<!tpu.dma_semaphore, #tpu.memory_space<semaphore_mem>>) {add = true}
      %add3A_1151 = arith.constant 10 : i32
      %add3A_1152 = arith.addi %add3A_573, %add3A_1151 : i32
      %add3A_1153 = arith.constant 2 : i32
      %add3A_1154 = arith.addi %add3A_1152, %add3A_1153 : i32
      %lt3A_1155 = arith.constant 250 : i32
      %lt3A_1156 = arith.cmpi slt, %add3A_1154, %lt3A_1155 : i32
      %mul3A_1157 = arith.constant 40 : i32
      %mul3A_1158 = arith.muli %add3A_1154, %mul3A_1157 : i32
      %add3A_1159 = arith.addi %mul3A_2, %mul3A_1158 : i32
      %jit3A_1160 = arith.constant 0 : i32
      %select_n3A_1161 = arith.select %lt3A_1156, %add3A_1159, %jit3A_1160 : i32
      %mul3A_1162 = arith.constant 40 : i32
      %mul3A_1163 = arith.muli %add3A_1152, %mul3A_1162 : i32
      %add3A_1164 = arith.addi %mul3A_2, %mul3A_1163 : i32
      %dma_wait3A_1165 = arith.constant 0 : i32
      %dma_wait3A_1166 = arith.constant 0 : i32
      %dma_wait3A_1167 = tpu.memref_slice %arg25[%dma_wait3A_1165, %dma_wait3A_1166] : memref<10000x128xf32, #tpu.memory_space<vmem_shared>> -> memref<10000x128xf32, #tpu.memory_space<vmem_shared>>
      tpu.wait_indirect_dma semaphore(%arg39 : memref<!tpu.dma_semaphore, #tpu.memory_space<semaphore_mem>>) src(%arg18 : memref<40x128xf32, #tpu.memory_space<vmem>>) dst(%dma_wait3A_1167 : memref<10000x128xf32, #tpu.memory_space<vmem_shared>>)
      %dma_wait3A_1168 = arith.constant 0 : i32
      %dma_wait3A_1169 = arith.constant 0 : i32
      %dma_wait3A_1170 = tpu.memref_slice %arg25[%dma_wait3A_1168, %dma_wait3A_1169] : memref<10000x128xf32, #tpu.memory_space<vmem_shared>> -> memref<10000x128xf32, #tpu.memory_space<vmem_shared>>
      tpu.wait_indirect_dma semaphore(%arg45 : memref<!tpu.dma_semaphore, #tpu.memory_space<semaphore_mem>>) src(%arg24 : memref<40x128xf32, #tpu.memory_space<vmem>>) dst(%dma_wait3A_1170 : memref<10000x128xf32, #tpu.memory_space<vmem_shared>>)
      %multiple_of3A_1171 = tpu.assume_multiple %select_n3A_1161, 8 : i32
      %dma_start3A_1172 = tpu.memref_slice %arg3[%multiple_of3A_1171] : memref<640000xi32, #tpu.memory_space<hbm>> -> memref<40xi32, #tpu.memory_space<hbm>>
      %dma_start3A_1173 = tpu.memref_slice %arg3[%multiple_of3A_1171] : memref<640000xi32, #tpu.memory_space<hbm>> -> memref<40xi32, #tpu.memory_space<hbm>>
      tpu.enqueue_dma source(%dma_start3A_1173 : memref<40xi32, #tpu.memory_space<hbm>>) target(%arg10 : memref<40xi32, #tpu.memory_space<vmem>>) target_semaphore(%arg30 : memref<!tpu.dma_semaphore, #tpu.memory_space<semaphore_mem>>)
      %add3A_1174 = arith.constant 320000 : i32
      %add3A_1175 = arith.addi %add3A_1174, %multiple_of3A_1171 : i32
      %dma_start3A_1176 = tpu.memref_slice %arg3[%add3A_1175] : memref<640000xi32, #tpu.memory_space<hbm>> -> memref<40xi32, #tpu.memory_space<hbm>>
      %dma_start3A_1177 = tpu.memref_slice %arg3[%add3A_1175] : memref<640000xi32, #tpu.memory_space<hbm>> -> memref<40xi32, #tpu.memory_space<hbm>>
      tpu.enqueue_dma source(%dma_start3A_1177 : memref<40xi32, #tpu.memory_space<hbm>>) target(%arg16 : memref<40xi32, #tpu.memory_space<vmem>>) target_semaphore(%arg30 : memref<!tpu.dma_semaphore, #tpu.memory_space<semaphore_mem>>)
      %dma_wait3A_1178 = arith.constant 0 : i32
      %dma_wait3A_1179 = tpu.memref_slice %arg3[%dma_wait3A_1178] : memref<640000xi32, #tpu.memory_space<hbm>> -> memref<40xi32, #tpu.memory_space<hbm>>
      %dma_wait3A_1180 = arith.constant 0 : i32
      %dma_wait3A_1181 = tpu.memref_slice %arg3[%dma_wait3A_1180] : memref<640000xi32, #tpu.memory_space<hbm>> -> memref<40xi32, #tpu.memory_space<hbm>>
      tpu.wait_dma2 semaphore(%arg28 : memref<!tpu.dma_semaphore, #tpu.memory_space<semaphore_mem>>) src(%dma_wait3A_1181 : memref<40xi32, #tpu.memory_space<hbm>>) dst(%arg8 : memref<40xi32, #tpu.memory_space<vmem>>)
      %dma_wait3A_1182 = arith.constant 0 : i32
      %dma_wait3A_1183 = tpu.memref_slice %arg3[%dma_wait3A_1182] : memref<640000xi32, #tpu.memory_space<hbm>> -> memref<40xi32, #tpu.memory_space<hbm>>
      %dma_wait3A_1184 = arith.constant 0 : i32
      %dma_wait3A_1185 = tpu.memref_slice %arg3[%dma_wait3A_1184] : memref<640000xi32, #tpu.memory_space<hbm>> -> memref<40xi32, #tpu.memory_space<hbm>>
      tpu.wait_dma2 semaphore(%arg28 : memref<!tpu.dma_semaphore, #tpu.memory_space<semaphore_mem>>) src(%dma_wait3A_1185 : memref<40xi32, #tpu.memory_space<hbm>>) dst(%arg14 : memref<40xi32, #tpu.memory_space<vmem>>)
      %multiple_of3A_1186 = tpu.assume_multiple %add3A_1164, 8 : i32
      %dma_start3A_1187 = arith.constant 0 : i32
      %dma_start3A_1188 = arith.constant 0 : i32
      %dma_start3A_1189 = tpu.memref_slice %arg2[%dma_start3A_1187, %dma_start3A_1188] : memref<10000x128xf32, #tpu.memory_space<hbm>> -> memref<10000x128xf32, #tpu.memory_space<hbm>>
      tpu.enqueue_indirect_dma source(%dma_start3A_1189 : memref<10000x128xf32, #tpu.memory_space<hbm>>) target(%arg18 : memref<40x128xf32, #tpu.memory_space<vmem>>) offsets(%arg8 : memref<40xi32, #tpu.memory_space<vmem>>) semaphore(%arg32 : memref<!tpu.dma_semaphore, #tpu.memory_space<semaphore_mem>>)
      %dma_start3A_1190 = arith.constant 0 : i32
      %dma_start3A_1191 = tpu.memref_slice %arg4[%multiple_of3A_1186, %dma_start3A_1190] : memref<320000x128xf32, #tpu.memory_space<hbm>> -> memref<40x128xf32, #tpu.memory_space<hbm>>
      %dma_start3A_1192 = arith.constant 0 : i32
      %dma_start3A_1193 = tpu.memref_slice %arg4[%multiple_of3A_1186, %dma_start3A_1192] : memref<320000x128xf32, #tpu.memory_space<hbm>> -> memref<40x128xf32, #tpu.memory_space<hbm>>
      tpu.enqueue_dma source(%dma_start3A_1193 : memref<40x128xf32, #tpu.memory_space<hbm>>) target(%arg24 : memref<40x128xf32, #tpu.memory_space<vmem>>) target_semaphore(%arg38 : memref<!tpu.dma_semaphore, #tpu.memory_space<semaphore_mem>>)
      %dma_wait3A_1194 = arith.constant 0 : i32
      %dma_wait3A_1195 = arith.constant 0 : i32
      %dma_wait3A_1196 = tpu.memref_slice %arg2[%dma_wait3A_1194, %dma_wait3A_1195] : memref<10000x128xf32, #tpu.memory_space<hbm>> -> memref<10000x128xf32, #tpu.memory_space<hbm>>
      tpu.wait_indirect_dma semaphore(%arg35 : memref<!tpu.dma_semaphore, #tpu.memory_space<semaphore_mem>>) src(%dma_wait3A_1196 : memref<10000x128xf32, #tpu.memory_space<hbm>>) dst(%arg21 : memref<40x128xf32, #tpu.memory_space<vmem>>)
      %dma_wait3A_1197 = arith.constant 0 : i32
      %dma_wait3A_1198 = arith.constant 0 : i32
      %dma_wait3A_1199 = tpu.memref_slice %arg4[%dma_wait3A_1197, %dma_wait3A_1198] : memref<320000x128xf32, #tpu.memory_space<hbm>> -> memref<40x128xf32, #tpu.memory_space<hbm>>
      %dma_wait3A_1200 = arith.constant 0 : i32
      %dma_wait3A_1201 = arith.constant 0 : i32
      %dma_wait3A_1202 = tpu.memref_slice %arg4[%dma_wait3A_1200, %dma_wait3A_1201] : memref<320000x128xf32, #tpu.memory_space<hbm>> -> memref<40x128xf32, #tpu.memory_space<hbm>>
      tpu.wait_dma2 semaphore(%arg37 : memref<!tpu.dma_semaphore, #tpu.memory_space<semaphore_mem>>) src(%dma_wait3A_1202 : memref<40x128xf32, #tpu.memory_space<hbm>>) dst(%arg23 : memref<40x128xf32, #tpu.memory_space<vmem>>)
      %dma_start3A_1203 = arith.constant 0 : i32
      %dma_start3A_1204 = arith.constant 0 : i32
      %dma_start3A_1205 = tpu.memref_slice %arg25[%dma_start3A_1203, %dma_start3A_1204] : memref<10000x128xf32, #tpu.memory_space<vmem_shared>> -> memref<10000x128xf32, #tpu.memory_space<vmem_shared>>
      tpu.enqueue_indirect_dma source(%arg21 : memref<40x128xf32, #tpu.memory_space<vmem>>) target(%dma_start3A_1205 : memref<10000x128xf32, #tpu.memory_space<vmem_shared>>) offsets(%arg13 : memref<40xi32, #tpu.memory_space<vmem>>) semaphore(%arg42 : memref<!tpu.dma_semaphore, #tpu.memory_space<semaphore_mem>>) {add = true}
      %dma_start3A_1206 = arith.constant 0 : i32
      %dma_start3A_1207 = arith.constant 0 : i32
      %dma_start3A_1208 = tpu.memref_slice %arg25[%dma_start3A_1206, %dma_start3A_1207] : memref<10000x128xf32, #tpu.memory_space<vmem_shared>> -> memref<10000x128xf32, #tpu.memory_space<vmem_shared>>
      tpu.enqueue_indirect_dma source(%arg23 : memref<40x128xf32, #tpu.memory_space<vmem>>) target(%dma_start3A_1208 : memref<10000x128xf32, #tpu.memory_space<vmem_shared>>) offsets(%arg13 : memref<40xi32, #tpu.memory_space<vmem>>) semaphore(%arg44 : memref<!tpu.dma_semaphore, #tpu.memory_space<semaphore_mem>>) {add = true}
      %add3A_1209 = arith.constant 11 : i32
      %add3A_1210 = arith.addi %add3A_573, %add3A_1209 : i32
      %add3A_1211 = arith.constant 2 : i32
      %add3A_1212 = arith.addi %add3A_1210, %add3A_1211 : i32
      %lt3A_1213 = arith.constant 250 : i32
      %lt3A_1214 = arith.cmpi slt, %add3A_1212, %lt3A_1213 : i32
      %mul3A_1215 = arith.constant 40 : i32
      %mul3A_1216 = arith.muli %add3A_1212, %mul3A_1215 : i32
      %add3A_1217 = arith.addi %mul3A_2, %mul3A_1216 : i32
      %jit3A_1218 = arith.constant 0 : i32
      %select_n3A_1219 = arith.select %lt3A_1214, %add3A_1217, %jit3A_1218 : i32
      %mul3A_1220 = arith.constant 40 : i32
      %mul3A_1221 = arith.muli %add3A_1210, %mul3A_1220 : i32
      %add3A_1222 = arith.addi %mul3A_2, %mul3A_1221 : i32
      %dma_wait3A_1223 = arith.constant 0 : i32
      %dma_wait3A_1224 = arith.constant 0 : i32
      %dma_wait3A_1225 = tpu.memref_slice %arg25[%dma_wait3A_1223, %dma_wait3A_1224] : memref<10000x128xf32, #tpu.memory_space<vmem_shared>> -> memref<10000x128xf32, #tpu.memory_space<vmem_shared>>
      tpu.wait_indirect_dma semaphore(%arg40 : memref<!tpu.dma_semaphore, #tpu.memory_space<semaphore_mem>>) src(%arg19 : memref<40x128xf32, #tpu.memory_space<vmem>>) dst(%dma_wait3A_1225 : memref<10000x128xf32, #tpu.memory_space<vmem_shared>>)
      %dma_wait3A_1226 = arith.constant 0 : i32
      %dma_wait3A_1227 = arith.constant 0 : i32
      %dma_wait3A_1228 = tpu.memref_slice %arg25[%dma_wait3A_1226, %dma_wait3A_1227] : memref<10000x128xf32, #tpu.memory_space<vmem_shared>> -> memref<10000x128xf32, #tpu.memory_space<vmem_shared>>
      tpu.wait_indirect_dma semaphore(%arg43 : memref<!tpu.dma_semaphore, #tpu.memory_space<semaphore_mem>>) src(%arg22 : memref<40x128xf32, #tpu.memory_space<vmem>>) dst(%dma_wait3A_1228 : memref<10000x128xf32, #tpu.memory_space<vmem_shared>>)
      %multiple_of3A_1229 = tpu.assume_multiple %select_n3A_1219, 8 : i32
      %dma_start3A_1230 = tpu.memref_slice %arg3[%multiple_of3A_1229] : memref<640000xi32, #tpu.memory_space<hbm>> -> memref<40xi32, #tpu.memory_space<hbm>>
      %dma_start3A_1231 = tpu.memref_slice %arg3[%multiple_of3A_1229] : memref<640000xi32, #tpu.memory_space<hbm>> -> memref<40xi32, #tpu.memory_space<hbm>>
      tpu.enqueue_dma source(%dma_start3A_1231 : memref<40xi32, #tpu.memory_space<hbm>>) target(%arg11 : memref<40xi32, #tpu.memory_space<vmem>>) target_semaphore(%arg31 : memref<!tpu.dma_semaphore, #tpu.memory_space<semaphore_mem>>)
      %add3A_1232 = arith.constant 320000 : i32
      %add3A_1233 = arith.addi %add3A_1232, %multiple_of3A_1229 : i32
      %dma_start3A_1234 = tpu.memref_slice %arg3[%add3A_1233] : memref<640000xi32, #tpu.memory_space<hbm>> -> memref<40xi32, #tpu.memory_space<hbm>>
      %dma_start3A_1235 = tpu.memref_slice %arg3[%add3A_1233] : memref<640000xi32, #tpu.memory_space<hbm>> -> memref<40xi32, #tpu.memory_space<hbm>>
      tpu.enqueue_dma source(%dma_start3A_1235 : memref<40xi32, #tpu.memory_space<hbm>>) target(%arg17 : memref<40xi32, #tpu.memory_space<vmem>>) target_semaphore(%arg31 : memref<!tpu.dma_semaphore, #tpu.memory_space<semaphore_mem>>)
      %dma_wait3A_1236 = arith.constant 0 : i32
      %dma_wait3A_1237 = tpu.memref_slice %arg3[%dma_wait3A_1236] : memref<640000xi32, #tpu.memory_space<hbm>> -> memref<40xi32, #tpu.memory_space<hbm>>
      %dma_wait3A_1238 = arith.constant 0 : i32
      %dma_wait3A_1239 = tpu.memref_slice %arg3[%dma_wait3A_1238] : memref<640000xi32, #tpu.memory_space<hbm>> -> memref<40xi32, #tpu.memory_space<hbm>>
      tpu.wait_dma2 semaphore(%arg29 : memref<!tpu.dma_semaphore, #tpu.memory_space<semaphore_mem>>) src(%dma_wait3A_1239 : memref<40xi32, #tpu.memory_space<hbm>>) dst(%arg9 : memref<40xi32, #tpu.memory_space<vmem>>)
      %dma_wait3A_1240 = arith.constant 0 : i32
      %dma_wait3A_1241 = tpu.memref_slice %arg3[%dma_wait3A_1240] : memref<640000xi32, #tpu.memory_space<hbm>> -> memref<40xi32, #tpu.memory_space<hbm>>
      %dma_wait3A_1242 = arith.constant 0 : i32
      %dma_wait3A_1243 = tpu.memref_slice %arg3[%dma_wait3A_1242] : memref<640000xi32, #tpu.memory_space<hbm>> -> memref<40xi32, #tpu.memory_space<hbm>>
      tpu.wait_dma2 semaphore(%arg29 : memref<!tpu.dma_semaphore, #tpu.memory_space<semaphore_mem>>) src(%dma_wait3A_1243 : memref<40xi32, #tpu.memory_space<hbm>>) dst(%arg15 : memref<40xi32, #tpu.memory_space<vmem>>)
      %multiple_of3A_1244 = tpu.assume_multiple %add3A_1222, 8 : i32
      %dma_start3A_1245 = arith.constant 0 : i32
      %dma_start3A_1246 = arith.constant 0 : i32
      %dma_start3A_1247 = tpu.memref_slice %arg2[%dma_start3A_1245, %dma_start3A_1246] : memref<10000x128xf32, #tpu.memory_space<hbm>> -> memref<10000x128xf32, #tpu.memory_space<hbm>>
      tpu.enqueue_indirect_dma source(%dma_start3A_1247 : memref<10000x128xf32, #tpu.memory_space<hbm>>) target(%arg19 : memref<40x128xf32, #tpu.memory_space<vmem>>) offsets(%arg9 : memref<40xi32, #tpu.memory_space<vmem>>) semaphore(%arg33 : memref<!tpu.dma_semaphore, #tpu.memory_space<semaphore_mem>>)
      %dma_start3A_1248 = arith.constant 0 : i32
      %dma_start3A_1249 = tpu.memref_slice %arg4[%multiple_of3A_1244, %dma_start3A_1248] : memref<320000x128xf32, #tpu.memory_space<hbm>> -> memref<40x128xf32, #tpu.memory_space<hbm>>
      %dma_start3A_1250 = arith.constant 0 : i32
      %dma_start3A_1251 = tpu.memref_slice %arg4[%multiple_of3A_1244, %dma_start3A_1250] : memref<320000x128xf32, #tpu.memory_space<hbm>> -> memref<40x128xf32, #tpu.memory_space<hbm>>
      tpu.enqueue_dma source(%dma_start3A_1251 : memref<40x128xf32, #tpu.memory_space<hbm>>) target(%arg22 : memref<40x128xf32, #tpu.memory_space<vmem>>) target_semaphore(%arg36 : memref<!tpu.dma_semaphore, #tpu.memory_space<semaphore_mem>>)
      %dma_wait3A_1252 = arith.constant 0 : i32
      %dma_wait3A_1253 = arith.constant 0 : i32
      %dma_wait3A_1254 = tpu.memref_slice %arg2[%dma_wait3A_1252, %dma_wait3A_1253] : memref<10000x128xf32, #tpu.memory_space<hbm>> -> memref<10000x128xf32, #tpu.memory_space<hbm>>
      tpu.wait_indirect_dma semaphore(%arg32 : memref<!tpu.dma_semaphore, #tpu.memory_space<semaphore_mem>>) src(%dma_wait3A_1254 : memref<10000x128xf32, #tpu.memory_space<hbm>>) dst(%arg18 : memref<40x128xf32, #tpu.memory_space<vmem>>)
      %dma_wait3A_1255 = arith.constant 0 : i32
      %dma_wait3A_1256 = arith.constant 0 : i32
      %dma_wait3A_1257 = tpu.memref_slice %arg4[%dma_wait3A_1255, %dma_wait3A_1256] : memref<320000x128xf32, #tpu.memory_space<hbm>> -> memref<40x128xf32, #tpu.memory_space<hbm>>
      %dma_wait3A_1258 = arith.constant 0 : i32
      %dma_wait3A_1259 = arith.constant 0 : i32
      %dma_wait3A_1260 = tpu.memref_slice %arg4[%dma_wait3A_1258, %dma_wait3A_1259] : memref<320000x128xf32, #tpu.memory_space<hbm>> -> memref<40x128xf32, #tpu.memory_space<hbm>>
      tpu.wait_dma2 semaphore(%arg38 : memref<!tpu.dma_semaphore, #tpu.memory_space<semaphore_mem>>) src(%dma_wait3A_1260 : memref<40x128xf32, #tpu.memory_space<hbm>>) dst(%arg24 : memref<40x128xf32, #tpu.memory_space<vmem>>)
      %dma_start3A_1261 = arith.constant 0 : i32
      %dma_start3A_1262 = arith.constant 0 : i32
      %dma_start3A_1263 = tpu.memref_slice %arg25[%dma_start3A_1261, %dma_start3A_1262] : memref<10000x128xf32, #tpu.memory_space<vmem_shared>> -> memref<10000x128xf32, #tpu.memory_space<vmem_shared>>
      tpu.enqueue_indirect_dma source(%arg18 : memref<40x128xf32, #tpu.memory_space<vmem>>) target(%dma_start3A_1263 : memref<10000x128xf32, #tpu.memory_space<vmem_shared>>) offsets(%arg14 : memref<40xi32, #tpu.memory_space<vmem>>) semaphore(%arg39 : memref<!tpu.dma_semaphore, #tpu.memory_space<semaphore_mem>>) {add = true}
      %dma_start3A_1264 = arith.constant 0 : i32
      %dma_start3A_1265 = arith.constant 0 : i32
      %dma_start3A_1266 = tpu.memref_slice %arg25[%dma_start3A_1264, %dma_start3A_1265] : memref<10000x128xf32, #tpu.memory_space<vmem_shared>> -> memref<10000x128xf32, #tpu.memory_space<vmem_shared>>
      tpu.enqueue_indirect_dma source(%arg24 : memref<40x128xf32, #tpu.memory_space<vmem>>) target(%dma_start3A_1266 : memref<10000x128xf32, #tpu.memory_space<vmem_shared>>) offsets(%arg14 : memref<40xi32, #tpu.memory_space<vmem>>) semaphore(%arg45 : memref<!tpu.dma_semaphore, #tpu.memory_space<semaphore_mem>>) {add = true}
    }
    %scan3A_506 = arith.constant 20 : i32
    %dma_wait3A_507 = arith.constant 0 : i32
    %dma_wait3A_508 = arith.constant 0 : i32
    %dma_wait3A_509 = tpu.memref_slice %arg2[%dma_wait3A_507, %dma_wait3A_508] : memref<10000x128xf32, #tpu.memory_space<hbm>> -> memref<10000x128xf32, #tpu.memory_space<hbm>>
    tpu.wait_indirect_dma semaphore(%arg33 : memref<!tpu.dma_semaphore, #tpu.memory_space<semaphore_mem>>) src(%dma_wait3A_509 : memref<10000x128xf32, #tpu.memory_space<hbm>>) dst(%arg19 : memref<40x128xf32, #tpu.memory_space<vmem>>)
    %dma_wait3A_510 = arith.constant 0 : i32
    %dma_wait3A_511 = arith.constant 0 : i32
    %dma_wait3A_512 = tpu.memref_slice %arg4[%dma_wait3A_510, %dma_wait3A_511] : memref<320000x128xf32, #tpu.memory_space<hbm>> -> memref<40x128xf32, #tpu.memory_space<hbm>>
    %dma_wait3A_513 = arith.constant 0 : i32
    %dma_wait3A_514 = arith.constant 0 : i32
    %dma_wait3A_515 = tpu.memref_slice %arg4[%dma_wait3A_513, %dma_wait3A_514] : memref<320000x128xf32, #tpu.memory_space<hbm>> -> memref<40x128xf32, #tpu.memory_space<hbm>>
    tpu.wait_dma2 semaphore(%arg36 : memref<!tpu.dma_semaphore, #tpu.memory_space<semaphore_mem>>) src(%dma_wait3A_515 : memref<40x128xf32, #tpu.memory_space<hbm>>) dst(%arg22 : memref<40x128xf32, #tpu.memory_space<vmem>>)
    %dma_start3A_516 = arith.constant 0 : i32
    %dma_start3A_517 = arith.constant 0 : i32
    %dma_start3A_518 = tpu.memref_slice %arg25[%dma_start3A_516, %dma_start3A_517] : memref<10000x128xf32, #tpu.memory_space<vmem_shared>> -> memref<10000x128xf32, #tpu.memory_space<vmem_shared>>
    tpu.enqueue_indirect_dma source(%arg19 : memref<40x128xf32, #tpu.memory_space<vmem>>) target(%dma_start3A_518 : memref<10000x128xf32, #tpu.memory_space<vmem_shared>>) offsets(%arg15 : memref<40xi32, #tpu.memory_space<vmem>>) semaphore(%arg40 : memref<!tpu.dma_semaphore, #tpu.memory_space<semaphore_mem>>) {add = true}
    %dma_start3A_519 = arith.constant 0 : i32
    %dma_start3A_520 = arith.constant 0 : i32
    %dma_start3A_521 = tpu.memref_slice %arg25[%dma_start3A_519, %dma_start3A_520] : memref<10000x128xf32, #tpu.memory_space<vmem_shared>> -> memref<10000x128xf32, #tpu.memory_space<vmem_shared>>
    tpu.enqueue_indirect_dma source(%arg22 : memref<40x128xf32, #tpu.memory_space<vmem>>) target(%dma_start3A_521 : memref<10000x128xf32, #tpu.memory_space<vmem_shared>>) offsets(%arg15 : memref<40xi32, #tpu.memory_space<vmem>>) semaphore(%arg43 : memref<!tpu.dma_semaphore, #tpu.memory_space<semaphore_mem>>) {add = true}
    %dma_wait3A_522 = arith.constant 0 : i32
    %dma_wait3A_523 = tpu.memref_slice %arg3[%dma_wait3A_522] : memref<640000xi32, #tpu.memory_space<hbm>> -> memref<40xi32, #tpu.memory_space<hbm>>
    %dma_wait3A_524 = arith.constant 0 : i32
    %dma_wait3A_525 = tpu.memref_slice %arg3[%dma_wait3A_524] : memref<640000xi32, #tpu.memory_space<hbm>> -> memref<40xi32, #tpu.memory_space<hbm>>
    tpu.wait_dma2 semaphore(%arg30 : memref<!tpu.dma_semaphore, #tpu.memory_space<semaphore_mem>>) src(%dma_wait3A_525 : memref<40xi32, #tpu.memory_space<hbm>>) dst(%arg10 : memref<40xi32, #tpu.memory_space<vmem>>)
    %dma_wait3A_526 = arith.constant 0 : i32
    %dma_wait3A_527 = tpu.memref_slice %arg3[%dma_wait3A_526] : memref<640000xi32, #tpu.memory_space<hbm>> -> memref<40xi32, #tpu.memory_space<hbm>>
    %dma_wait3A_528 = arith.constant 0 : i32
    %dma_wait3A_529 = tpu.memref_slice %arg3[%dma_wait3A_528] : memref<640000xi32, #tpu.memory_space<hbm>> -> memref<40xi32, #tpu.memory_space<hbm>>
    tpu.wait_dma2 semaphore(%arg30 : memref<!tpu.dma_semaphore, #tpu.memory_space<semaphore_mem>>) src(%dma_wait3A_529 : memref<40xi32, #tpu.memory_space<hbm>>) dst(%arg16 : memref<40xi32, #tpu.memory_space<vmem>>)
    %dma_wait3A_530 = arith.constant 0 : i32
    %dma_wait3A_531 = tpu.memref_slice %arg3[%dma_wait3A_530] : memref<640000xi32, #tpu.memory_space<hbm>> -> memref<40xi32, #tpu.memory_space<hbm>>
    %dma_wait3A_532 = arith.constant 0 : i32
    %dma_wait3A_533 = tpu.memref_slice %arg3[%dma_wait3A_532] : memref<640000xi32, #tpu.memory_space<hbm>> -> memref<40xi32, #tpu.memory_space<hbm>>
    tpu.wait_dma2 semaphore(%arg31 : memref<!tpu.dma_semaphore, #tpu.memory_space<semaphore_mem>>) src(%dma_wait3A_533 : memref<40xi32, #tpu.memory_space<hbm>>) dst(%arg11 : memref<40xi32, #tpu.memory_space<vmem>>)
    %dma_wait3A_534 = arith.constant 0 : i32
    %dma_wait3A_535 = tpu.memref_slice %arg3[%dma_wait3A_534] : memref<640000xi32, #tpu.memory_space<hbm>> -> memref<40xi32, #tpu.memory_space<hbm>>
    %dma_wait3A_536 = arith.constant 0 : i32
    %dma_wait3A_537 = tpu.memref_slice %arg3[%dma_wait3A_536] : memref<640000xi32, #tpu.memory_space<hbm>> -> memref<40xi32, #tpu.memory_space<hbm>>
    tpu.wait_dma2 semaphore(%arg31 : memref<!tpu.dma_semaphore, #tpu.memory_space<semaphore_mem>>) src(%dma_wait3A_537 : memref<40xi32, #tpu.memory_space<hbm>>) dst(%arg17 : memref<40xi32, #tpu.memory_space<vmem>>)
    %dma_wait3A_538 = arith.constant 0 : i32
    %dma_wait3A_539 = arith.constant 0 : i32
    %dma_wait3A_540 = tpu.memref_slice %arg25[%dma_wait3A_538, %dma_wait3A_539] : memref<10000x128xf32, #tpu.memory_space<vmem_shared>> -> memref<10000x128xf32, #tpu.memory_space<vmem_shared>>
    tpu.wait_indirect_dma semaphore(%arg41 : memref<!tpu.dma_semaphore, #tpu.memory_space<semaphore_mem>>) src(%arg20 : memref<40x128xf32, #tpu.memory_space<vmem>>) dst(%dma_wait3A_540 : memref<10000x128xf32, #tpu.memory_space<vmem_shared>>)
    %dma_wait3A_541 = arith.constant 0 : i32
    %dma_wait3A_542 = arith.constant 0 : i32
    %dma_wait3A_543 = tpu.memref_slice %arg25[%dma_wait3A_541, %dma_wait3A_542] : memref<10000x128xf32, #tpu.memory_space<vmem_shared>> -> memref<10000x128xf32, #tpu.memory_space<vmem_shared>>
    tpu.wait_indirect_dma semaphore(%arg42 : memref<!tpu.dma_semaphore, #tpu.memory_space<semaphore_mem>>) src(%arg21 : memref<40x128xf32, #tpu.memory_space<vmem>>) dst(%dma_wait3A_543 : memref<10000x128xf32, #tpu.memory_space<vmem_shared>>)
    %dma_wait3A_544 = arith.constant 0 : i32
    %dma_wait3A_545 = arith.constant 0 : i32
    %dma_wait3A_546 = tpu.memref_slice %arg25[%dma_wait3A_544, %dma_wait3A_545] : memref<10000x128xf32, #tpu.memory_space<vmem_shared>> -> memref<10000x128xf32, #tpu.memory_space<vmem_shared>>
    tpu.wait_indirect_dma semaphore(%arg39 : memref<!tpu.dma_semaphore, #tpu.memory_space<semaphore_mem>>) src(%arg18 : memref<40x128xf32, #tpu.memory_space<vmem>>) dst(%dma_wait3A_546 : memref<10000x128xf32, #tpu.memory_space<vmem_shared>>)
    %dma_wait3A_547 = arith.constant 0 : i32
    %dma_wait3A_548 = arith.constant 0 : i32
    %dma_wait3A_549 = tpu.memref_slice %arg25[%dma_wait3A_547, %dma_wait3A_548] : memref<10000x128xf32, #tpu.memory_space<vmem_shared>> -> memref<10000x128xf32, #tpu.memory_space<vmem_shared>>
    tpu.wait_indirect_dma semaphore(%arg40 : memref<!tpu.dma_semaphore, #tpu.memory_space<semaphore_mem>>) src(%arg19 : memref<40x128xf32, #tpu.memory_space<vmem>>) dst(%dma_wait3A_549 : memref<10000x128xf32, #tpu.memory_space<vmem_shared>>)
    %dma_wait3A_550 = arith.constant 0 : i32
    %dma_wait3A_551 = arith.constant 0 : i32
    %dma_wait3A_552 = tpu.memref_slice %arg25[%dma_wait3A_550, %dma_wait3A_551] : memref<10000x128xf32, #tpu.memory_space<vmem_shared>> -> memref<10000x128xf32, #tpu.memory_space<vmem_shared>>
    tpu.wait_indirect_dma semaphore(%arg44 : memref<!tpu.dma_semaphore, #tpu.memory_space<semaphore_mem>>) src(%arg23 : memref<40x128xf32, #tpu.memory_space<vmem>>) dst(%dma_wait3A_552 : memref<10000x128xf32, #tpu.memory_space<vmem_shared>>)
    %dma_wait3A_553 = arith.constant 0 : i32
    %dma_wait3A_554 = arith.constant 0 : i32
    %dma_wait3A_555 = tpu.memref_slice %arg25[%dma_wait3A_553, %dma_wait3A_554] : memref<10000x128xf32, #tpu.memory_space<vmem_shared>> -> memref<10000x128xf32, #tpu.memory_space<vmem_shared>>
    tpu.wait_indirect_dma semaphore(%arg45 : memref<!tpu.dma_semaphore, #tpu.memory_space<semaphore_mem>>) src(%arg24 : memref<40x128xf32, #tpu.memory_space<vmem>>) dst(%dma_wait3A_555 : memref<10000x128xf32, #tpu.memory_space<vmem_shared>>)
    %dma_wait3A_556 = arith.constant 0 : i32
    %dma_wait3A_557 = arith.constant 0 : i32
    %dma_wait3A_558 = tpu.memref_slice %arg25[%dma_wait3A_556, %dma_wait3A_557] : memref<10000x128xf32, #tpu.memory_space<vmem_shared>> -> memref<10000x128xf32, #tpu.memory_space<vmem_shared>>
    tpu.wait_indirect_dma semaphore(%arg43 : memref<!tpu.dma_semaphore, #tpu.memory_space<semaphore_mem>>) src(%arg22 : memref<40x128xf32, #tpu.memory_space<vmem>>) dst(%dma_wait3A_558 : memref<10000x128xf32, #tpu.memory_space<vmem_shared>>)
    %barrier3A_559 = arith.constant 0 : index
    tpu.barrier barrier_id(%barrier3A_559)
    "tpu.region"() ({
      %run_scoped3A = tpu.sem_alloc : memref<!tpu.dma_semaphore, #tpu.memory_space<semaphore_mem>>
      %dma_start3A_565 = arith.constant 0 : i32
      %dma_start3A_566 = tpu.memref_slice %arg5[%arg0, %mul3A_24, %dma_start3A_565] : memref<2x10000x128xf32, #tpu.memory_space<hbm>> -> memref<1x624x128xf32, #tpu.memory_space<hbm>>
      %dma_start3A_567 = tpu.memref_squeeze %dma_start3A_566 : memref<1x624x128xf32, #tpu.memory_space<hbm>> -> memref<624x128xf32, #tpu.memory_space<hbm>>
      %dma_start3A_568 = arith.constant 0 : i32
      %dma_start3A_569 = tpu.memref_slice %arg25[%mul3A_24, %dma_start3A_568] : memref<10000x128xf32, #tpu.memory_space<vmem_shared>> -> memref<624x128xf32, #tpu.memory_space<vmem_shared>>
      tpu.enqueue_dma source(%dma_start3A_569 : memref<624x128xf32, #tpu.memory_space<vmem_shared>>) target(%dma_start3A_567 : memref<624x128xf32, #tpu.memory_space<hbm>>) target_semaphore(%run_scoped3A : memref<!tpu.dma_semaphore, #tpu.memory_space<semaphore_mem>>)
      %dma_wait3A_570 = arith.constant 0 : i32
      %dma_wait3A_571 = tpu.memref_slice %arg5[%arg0, %mul3A_24, %dma_wait3A_570] : memref<2x10000x128xf32, #tpu.memory_space<hbm>> -> memref<1x624x128xf32, #tpu.memory_space<hbm>>
      %dma_wait3A_572 = tpu.memref_squeeze %dma_wait3A_571 : memref<1x624x128xf32, #tpu.memory_space<hbm>> -> memref<624x128xf32, #tpu.memory_space<hbm>>
      %dma_wait3A_573 = arith.constant 0 : i32
      %dma_wait3A_574 = tpu.memref_slice %arg25[%mul3A_24, %dma_wait3A_573] : memref<10000x128xf32, #tpu.memory_space<vmem_shared>> -> memref<624x128xf32, #tpu.memory_space<vmem_shared>>
      tpu.wait_dma2 semaphore(%run_scoped3A : memref<!tpu.dma_semaphore, #tpu.memory_space<semaphore_mem>>) src(%dma_wait3A_574 : memref<624x128xf32, #tpu.memory_space<vmem_shared>>) dst(%dma_wait3A_572 : memref<624x128xf32, #tpu.memory_space<hbm>>)
      tpu.yield
    }) : () -> ()
    %eq3A_560 = arith.constant 15 : i32
    %eq3A_561 = arith.cmpi eq, %arg1, %eq3A_560 : i32
    %convert_element_type3A_562 = arith.extui %eq3A_561 : i1 to i32
    %cond3A_563 = arith.constant 0 : i32
    %cond3A_564 = arith.cmpi ne, %convert_element_type3A_562, %cond3A_563 : i32
    scf.if %cond3A_564 {
      "tpu.region"() ({
        %run_scoped3A = tpu.sem_alloc : memref<!tpu.dma_semaphore, #tpu.memory_space<semaphore_mem>>
        %dma_start3A_565 = arith.constant 9984 : i32
        %dma_start3A_566 = arith.constant 0 : i32
        %dma_start3A_567 = tpu.memref_slice %arg5[%arg0, %dma_start3A_565, %dma_start3A_566] : memref<2x10000x128xf32, #tpu.memory_space<hbm>> -> memref<1x16x128xf32, #tpu.memory_space<hbm>>
        %dma_start3A_568 = tpu.memref_squeeze %dma_start3A_567 : memref<1x16x128xf32, #tpu.memory_space<hbm>> -> memref<16x128xf32, #tpu.memory_space<hbm>>
        %dma_start3A_569 = arith.constant 9984 : i32
        %dma_start3A_570 = arith.constant 0 : i32
        %dma_start3A_571 = tpu.memref_slice %arg25[%dma_start3A_569, %dma_start3A_570] : memref<10000x128xf32, #tpu.memory_space<vmem_shared>> -> memref<16x128xf32, #tpu.memory_space<vmem_shared>>
        tpu.enqueue_dma source(%dma_start3A_571 : memref<16x128xf32, #tpu.memory_space<vmem_shared>>) target(%dma_start3A_568 : memref<16x128xf32, #tpu.memory_space<hbm>>) target_semaphore(%run_scoped3A : memref<!tpu.dma_semaphore, #tpu.memory_space<semaphore_mem>>)
        %dma_wait3A_572 = arith.constant 9984 : i32
        %dma_wait3A_573 = arith.constant 0 : i32
        %dma_wait3A_574 = tpu.memref_slice %arg5[%arg0, %dma_wait3A_572, %dma_wait3A_573] : memref<2x10000x128xf32, #tpu.memory_space<hbm>> -> memref<1x16x128xf32, #tpu.memory_space<hbm>>
        %dma_wait3A_575 = tpu.memref_squeeze %dma_wait3A_574 : memref<1x16x128xf32, #tpu.memory_space<hbm>> -> memref<16x128xf32, #tpu.memory_space<hbm>>
        %dma_wait3A_576 = arith.constant 9984 : i32
        %dma_wait3A_577 = arith.constant 0 : i32
        %dma_wait3A_578 = tpu.memref_slice %arg25[%dma_wait3A_576, %dma_wait3A_577] : memref<10000x128xf32, #tpu.memory_space<vmem_shared>> -> memref<16x128xf32, #tpu.memory_space<vmem_shared>>
        tpu.wait_dma2 semaphore(%run_scoped3A : memref<!tpu.dma_semaphore, #tpu.memory_space<semaphore_mem>>) src(%dma_wait3A_578 : memref<16x128xf32, #tpu.memory_space<vmem_shared>>) dst(%dma_wait3A_575 : memref<16x128xf32, #tpu.memory_space<hbm>>)
        tpu.yield
      }) : () -> ()
    } else {
    }
    return
  }
}

module attributes {stable_mosaic.version = 14 : i64} {
  func.func @_combine_body(%arg0: i32, %arg1: memref<1000x128xf32, #tpu.memory_space<vmem>>, %arg2: memref<2x1000x128xf32, #tpu.memory_space<vmem>>, %arg3: memref<1000x128xf32, #tpu.memory_space<vmem>>) attributes {dimension_semantics = [#tpu.dimension_semantics<arbitrary>], iteration_bounds = array<i64: 10>, scalar_prefetch = 0 : i64, scratch_operands = 0 : i64, tpu.core_type = #tpu.core_type<tc>, window_params = [{transform_indices = @transform_0, window_bounds = array<i64: 1000, 128>}, {transform_indices = @transform_1, window_bounds = array<i64: 2, 1000, 128>}, {transform_indices = @transform_2, window_bounds = array<i64: 1000, 128>}]} {
    %get3A = arith.constant 0 : index
    %get3A_0 = arith.constant 0 : index
    %get3A_1 = vector.load %arg1[%get3A, %get3A_0] : memref<1000x128xf32, #tpu.memory_space<vmem>>, vector<1000x128xf32>
    %get3A_2 = arith.constant 0 : index
    %get3A_3 = arith.constant 0 : index
    %get3A_4 = arith.constant 0 : index
    %get3A_5 = vector.load %arg2[%get3A_2, %get3A_3, %get3A_4] : memref<2x1000x128xf32, #tpu.memory_space<vmem>>, vector<1x1000x128xf32>
    %get3A_6 = vector.shape_cast %get3A_5 : vector<1x1000x128xf32> to vector<1000x128xf32>
    %add3A = arith.addf %get3A_1, %get3A_6 : vector<1000x128xf32>
    %get3A_7 = arith.constant 1 : index
    %get3A_8 = arith.constant 0 : index
    %get3A_9 = arith.constant 0 : index
    %get3A_10 = vector.load %arg2[%get3A_7, %get3A_8, %get3A_9] : memref<2x1000x128xf32, #tpu.memory_space<vmem>>, vector<1x1000x128xf32>
    %get3A_11 = vector.shape_cast %get3A_10 : vector<1x1000x128xf32> to vector<1000x128xf32>
    %add3A_12 = arith.addf %add3A, %get3A_11 : vector<1000x128xf32>
    %swap3A = arith.constant 0 : index
    %swap3A_13 = arith.constant 0 : index
    %swap3A_14 = vector.load %arg3[%swap3A, %swap3A_13] : memref<1000x128xf32, #tpu.memory_space<vmem>>, vector<1000x128xf32>
    tpu.vector_store %arg3[%swap3A, %swap3A_13], %add3A_12 {strides = array<i32>} : memref<1000x128xf32, #tpu.memory_space<vmem>>, vector<1000x128xf32>,
    return
  }
  func.func @transform_0(%arg0: i32) -> (i32, i32) {
    %c0_i32 = arith.constant 0 : i32
    %c0_i32_0 = arith.constant 0 : i32
    return %arg0, %c0_i32 : i32, i32
  }
  func.func @transform_1(%arg0: i32) -> (i32, i32, i32) {
    %c0_i32 = arith.constant 0 : i32
    %c0_i32_0 = arith.constant 0 : i32
    %c0_i32_1 = arith.constant 0 : i32
    return %c0_i32, %arg0, %c0_i32_0 : i32, i32, i32
  }
  func.func @transform_2(%arg0: i32) -> (i32, i32) {
    %c0_i32 = arith.constant 0 : i32
    %c0_i32_0 = arith.constant 0 : i32
    return %arg0, %c0_i32 : i32, i32
  }
}

</mosaic_0001>

<sc_bundles>
// kernel: kernel.4.cloned.1.call-start
scs
__scs_entry_jumppad:
0x0: {  	(pc) =	sbr.rel $0x88, $3  }
0x1: {  	(tag) =	ssettag $0x0;
	lr =	simm.s32 $0x1  }
0x2: {  	[smem:$0x3F9E] =	sst lr;
	_ =	strace $0xD0000000  }
0x3: {  	_ = 	snop  }
0x4: {  	_ = 	snop  }
0x5: {  	_ = 	snop  }
0x6: {  	_ = 	snop  }
0x7: {  	_ = 	snop  }
__scs_overlays_trampoline_lowered:
0x8: {  	[smem:$0x3FAD] =	sst s0  }
0x9: {  	[smem:$0x3FAE] =	sst s1  }
0xa: {  	[smem:$0x3FAF] =	sst s2  }
0xb: {  	[smem:$0x3FB0] =	sst s3  }
0xc: {  	[smem:$0x3FB1] =	sst s4  }
0xd: {  	[smem:$0x3FB2] =	sst s5  }
0xe: {  	[smem:$0x3FB3] =	sst s6  }
0xf: {  	[smem:$0x3FB4] =	sst s7  }
0x10: {  	[smem:$0x3FB5] =	sst s8  }
0x11: {  	[smem:$0x3FB6] =	sst s9;
	s0 =	simm.s32 @!p0 $0x0  }
0x12: {  	s1 =	sld [smem:$0x3F9C];
	s0 =	simm.s32 @p0 $0x1  }
0x13: {  	[smem:$0x3FB7] =	sst s0;
	s0 =	simm.s32 @!p1 $0x0  }
0x14: {  	s2 =	sld [smem:$0x3F9B];
	s0 =	simm.s32 @p1 $0x1  }
0x15: {  	[smem:$0x3FB8] =	sst s0;
	s0 =	simm.s32 @!p2 $0x0  }
0x16: {  	s3 =	sld [smem:$0x3FDB];
	s0 =	simm.s32 @p2 $0x1  }
0x17: {  	s4 =	simm.s32 $0x1BF5;
	[smem:$0x3FBA] =	sst s0  }
0x18: {  	s0 =	sld [smem:$0x3F9D];
	_ =	swait.ge [sflag:s4], $0x0  }
0x19: {  	s7 =	sld [smem:$0x3F9E]  }
0x1a: {  	s8 =	sadd.s32 $0xFFFFE003, lr  }
0x1b: {  	s9 =	sadd.s32 $0xFFFFFEF7, lr;
	s5 =	simm.s32 $0xFFFFFFFF;
	p2 =	slt.u32 s8, $0xFFFFF086  }
0x1c: {  	p1 =	slt.u32 s9, $0xF7A;
	s5 =	simm.s32 @!p2 $0x0  }
0x1d: {  	s5 =	simm.s32 @p1 $0x1;
	p0 =	seq.s32 s7, s2  }
0x1e: {  	s7 =	smul.u32 @!p0 $0xF7A, s2;
	p2 =	seq.s32 @!p0 s5, $0x0  }
0x1f: {  	s9 =	smul.u32 $0xF7A, s1;
	s8 =	simm.s32 @!p0 $0x1BF5;
	p2 =	por !p2, p0  }
0x20: {  	[sflag:s8] =	ssyncset.s32 @!p0 $0xFFFFF086;
	s6 =	sadd.s32 @!p0 s3, s7;
	s7 =	simm.s32 @!p0 $0x108  }
0x21: {  	s3 =	sadd.s32 s3, s9;
	s6 =	sadd.s32 @!p0 $0x88, s6;
	s7 =	simm.s32 @p2 $0x1082  }
0x22: {  	[simem:s7], [sflag:s8] =	dma.local @!p0 [hbm:s6], $0xF7A  }
0x23: {  	s9 =	sor.u32 $0xD0000000, s2;
	s6 =	simm.s32 $0x108;
	_ =	swait.ge @!p0 [sflag:s8], $0x0  }
0x24: {  	s3 =	sadd.s32 $0x88, s3;
	s6 =	simm.s32 @!p1 $0x1082;
	[sflag:s4] =	ssyncset.s32 $0xFFFFF086  }
0x25: {  	[simem:s6], [sflag:s4] =	dma.local [hbm:s3], $0xF7A  }
0x26: {  	[smem:$0x3F9E] =	sst s1;
	(tag) =	ssettag s2;
	_ =	strace s9  }
0x27: {  	s1 =	sld [smem:$0x3FAE]  }
0x28: {  	s2 =	sld [smem:$0x3FAF]  }
0x29: {  	s4 =	sld [smem:$0x3FB1]  }
0x2a: {  	p0 =	seq.s32 s5, $0x0;
	s5 =	sld [smem:$0x3FB2]  }
0x2b: {  	s6 =	sld [smem:$0x3FB3]  }
0x2c: {  	s7 =	sld [smem:$0x3FB4]  }
0x2d: {  	s3 =	simm.s32 $0x108;
	s8 =	sld [smem:$0x3FB5]  }
0x2e: {  	s3 =	simm.s32 @!p0 $0x1082;
	s9 =	sld [smem:$0x3FB6]  }
0x2f: {  	lr =	sadd.s32 s0, s3;
	s0 =	sld [smem:$0x3FAD]  }
0x30: {  	s3 =	sld [smem:$0x3FB0]  }
0x31: {  	[smem:$0x3FB9] =	sst s10  }
0x32: {  	s10 =	sld [smem:$0x3FB7];
	_ =	sdelay $0x3  }
0x33: {  	p0 =	seq.s32 s10, $0x1;
	s10 =	sld [smem:$0x3FB9];
	_ =	sdelay $0x3  }
0x34: {  	[smem:$0x3FB9] =	sst s10  }
0x35: {  	s10 =	sld [smem:$0x3FB8];
	_ =	sdelay $0x3  }
0x36: {  	p1 =	seq.s32 s10, $0x1;
	s10 =	sld [smem:$0x3FB9];
	_ =	sdelay $0x3  }
0x37: {  	[smem:$0x3FB9] =	sst s10  }
0x38: {  	s10 =	sld [smem:$0x3FBA]  }
0x39: {  	_ = 	snop;
	(pc) =	sbr.ind lr, $3  }
0x3a: {  	_ = 	snop  }
0x3b: {  	_ = 	snop  }
0x3c: {  	p2 =	seq.s32 s10, $0x1;
	s10 =	sld [smem:$0x3FB9]  }
0x3d: {  	_ =	shalt  }
0x3e: {  	_ =	shalt  }
0x3f: {  	_ =	shalt  }
0x40: {  	_ =	shalt  }
0x41: {  	_ =	shalt  }
0x42: {  	_ =	shalt  }
0x43: {  	_ =	shalt  }
0x44: {  	_ =	shalt  }
0x45: {  	_ =	shalt  }
0x46: {  	_ =	shalt  }
0x47: {  	_ =	shalt  }
0x48: {  	_ =	shalt  }
0x49: {  	_ =	shalt  }
0x4a: {  	_ =	shalt  }
0x4b: {  	_ =	shalt  }
0x4c: {  	_ =	shalt  }
0x4d: {  	_ =	shalt  }
0x4e: {  	_ =	shalt  }
0x4f: {  	_ =	shalt  }
0x50: {  	_ =	shalt  }
0x51: {  	_ =	shalt  }
0x52: {  	_ =	shalt  }
0x53: {  	_ =	shalt  }
0x54: {  	_ =	shalt  }
0x55: {  	_ =	shalt  }
0x56: {  	_ =	shalt  }
0x57: {  	_ =	shalt  }
0x58: {  	_ =	shalt  }
0x59: {  	_ =	shalt  }
0x5a: {  	_ =	shalt  }
0x5b: {  	_ =	shalt  }
0x5c: {  	_ =	shalt  }
0x5d: {  	_ =	shalt  }
0x5e: {  	_ =	shalt  }
0x5f: {  	_ =	shalt  }
0x60: {  	_ =	shalt  }
0x61: {  	_ =	shalt  }
0x62: {  	_ =	shalt  }
0x63: {  	_ =	shalt  }
0x64: {  	_ =	shalt  }
0x65: {  	_ =	shalt  }
0x66: {  	_ =	shalt  }
0x67: {  	_ =	shalt  }
0x68: {  	_ =	shalt  }
0x69: {  	_ =	shalt  }
0x6a: {  	_ =	shalt  }
0x6b: {  	_ =	shalt  }
0x6c: {  	_ =	shalt  }
0x6d: {  	_ =	shalt  }
0x6e: {  	_ =	shalt  }
0x6f: {  	_ =	shalt  }
0x70: {  	_ =	shalt  }
0x71: {  	_ =	shalt  }
0x72: {  	_ =	shalt  }
0x73: {  	_ =	shalt  }
0x74: {  	_ =	shalt  }
0x75: {  	_ =	shalt  }
0x76: {  	_ =	shalt  }
0x77: {  	_ =	shalt  }
0x78: {  	_ =	shalt  }
0x79: {  	_ =	shalt  }
0x7a: {  	_ =	shalt  }
0x7b: {  	_ =	shalt  }
0x7c: {  	_ =	shalt  }
0x7d: {  	_ =	shalt  }
0x7e: {  	_ =	shalt  }
0x7f: {  	_ =	shalt  }
0x80: {  	_ =	shalt  }
0x81: {  	_ =	shalt  }
0x82: {  	_ =	shalt  }
0x83: {  	_ =	shalt  }
0x84: {  	_ =	shalt  }
0x85: {  	_ =	shalt  }
0x86: {  	_ =	shalt  }
0x87: {  	_ =	shalt  }
.Lfunc_end0:
.L_simem_size_0:
called_computation_lowered:
.L_overlay_start_0:
0x88: {  	s2 =	sld [smem:$0x3FD9]  }
0x89: {  	s3 =	sld [smem:$0x3FFE];
	_ =	sdelay $0x1  }
0x8a: {  	s1 =	srdreg.scid  }
0x8b: {  	s0 =	sand.u32 $0x1, s1  }
0x8c: {  	s17 =	sshll.u32 s0, $0xA;
	s2 =	sadd.s32 s3, s2  }
0x8d: {  	s2 =	sadd.s32 s2, s17  }
0x8e: {  	[smem:$0x3FC5] =	sst s2  }
0x8f: {  	_ = 	snop  }
0x90: {  	s2 =	sld [smem:$0x3FC9]  }
0x91: {  	s18 =	sld [smem:$0x3FC8]  }
0x92: {  	s4 =	sld [smem:$0x3FD0];
	(tm) =	ssettm $0x1  }
0x93: {  	s5 =	sld [smem:$0x3FFB];
	_ =	sdelay $0x3  }
0x94: {  	_ =	strace s5  }
0x95: {  	s5 =	sld [smem:$0x3FFC];
	_ =	sdelay $0x3  }
0x96: {  	_ =	strace s5  }
0x97: {  	s5 =	sld [smem:$0x3FFD];
	_ =	sdelay $0x3  }
0x98: {  	_ =	strace s5  }
0x99: {  	_ =	strace $0x8FFFFFFF  }
0x9a: {  	s19 =	sld [smem:$0x3FDB];
	_ =	sdelay $0x1  }
0x9b: {  	s6 =	simm.s32 $_scs_section_size  }
0x9c: {  	s7 =	simm.s32 $_size__tile_overlayer_lowered;
	s8 =	simm.s32 $_tile_overlayer_lowered  }
0x9d: {  	s22 =	simm.s32 $0x1BFF;
	s21 =	sshll.u32 s8, $0x1;
	s5 =	sadd.s32 s6, s19  }
0x9e: {  	s9 =	simm.s32 $0x0;
	s20 =	sshll.u32 s7, $0x1;
	s7 =	sadd.s32 s21, s5  }
0x9f: {  	[timem:s9], [sflag:s22] =	dma.local [hbm:s7], s20  }
0xa0: {  	_ =	swait.ge [sflag:s22], s20  }
0xa1: {  	s6 =	ssub.s32 $0x0, s20;
	[sflag:s22] =	ssyncset.done $0x0  }
0xa2: {  	[sflag:s22] =	ssyncadd.s32 s6;
	_ =	sdelay $0x1  }
0xa3: {  	s23 =	simm.s32 $0x1B8B  }
0xa4: {  	_ =	swait.ge [sflag:s23], $0x1  }
0xa5: {  	[sflag:s23] =	ssyncset.done $0x0  }
0xa6: {  	s25 =	simm.s32 $0x1B8E;
	s24 =	sld [smem:$0x3FFE];
	[sflag:s23] =	ssyncadd.s32 $0xFFFFFFFF  }
0xa7: {  	s26 =	simm.s32 $execute0_lowered;
	[smem:$0x3FD2] =	sst s25  }
0xa8: {  	s7 =	sshll.u32 s26, $0x1;
	_ =	strace $0x80000046;
	[dreg:$0x1] =	wrdreg $0xFFFFFFFF  }
0xa9: {  	s28 =	simm.s32 $_size_execute0_lowered;
	s5 =	sadd.s32 s5, s7;
	[dreg:$0x0] =	wrdreg $0x0  }
0xaa: {  	s7 =	sshll.u32 s28, $0x1;
	[dreg:$0x2] =	wrdreg s5  }
0xab: {  	[dreg:$0x3] =	wrdreg s7  }
0xac: {  	[dreg:$0x4] =	wrdreg $0xC0  }
0xad: {  	_ =	task [dreg:s9], $0x5FFFF  }
0xae: {  	[dreg:$0x1] =	wrdreg $0xFFFFFFFF  }
0xaf: {  	[dreg:$0x0] =	wrdreg $0x60  }
0xb0: {  	[dreg:$0x2] =	wrdreg s2  }
0xb1: {  	[dreg:$0x3] =	wrdreg s4  }
0xb2: {  	[dreg:$0x4] =	wrdreg s18  }
0xb3: {  	[dreg:$0x5] =	wrdreg s24  }
0xb4: {  	[dreg:$0x6] =	wrdreg $0x92000  }
0xb5: {  	[dreg:$0x7] =	wrdreg $0x9  }
0xb6: {  	_ =	task.clear_ibuf [dreg:s9], $0x8FFFF;
	_ =	strace $0x90000046  }
0xb7: {  	s29 =	simm.s32 $0x9;
	_ =	strace $0x80000048  }
0xb8: {  	_ =	swait.ge [sflag:s29], $0x1  }
0xb9: {  	[sflag:s29] =	ssyncadd.s32 $0xFFFFFFFF  }
0xba: {  	_ =	strace $0x90000048  }
0xbb: {  	_ =	sfence  }
0xbc: {  	s30 =	sld [smem:$0x0];
	_ =	sdelay $0x2  }
0xbd: {  	s31 =	sshll.u32 s1, $0xD;
	s1 =	sshrl.u32 s1, $0x2  }
0xbe: {  	s3 =	sand.u32 $0x4000, s31;
	s1 =	sadd.s32 s1, s30  }
0xbf: {  	s0 =	sor.u32 s3, s0;
	s1 =	sshll.u32 s1, $0x11  }
0xc0: {  	s0 =	sor.u32 s1, s0  }
0xc1: {  	s0 =	sadd.s32 $0x8F2B, s0  }
0xc2: {  	[sflag:s0] =	ssyncadd.remote.s32 $0x1  }
0xc3: {  	_ =	sfence.sel $0xFFFF  }
0xc4: {  	[dreg:$0x0] =	wrdreg $0xFFFFFFFF;
	(pc) =	sbr.abs _section_cstart, $3  }
0xc5: {  	[dreg:$0x1] =	wrdreg $0xFFFFFFFF  }
0xc6: {  	_ =	task.clear_ibuf [dreg:s9], $0x2FFFF;
	_ =	strace $0x9FFFFFFF  }
0xc7: {  	(tm) =	ssettm $0x7FFFFFFF  }
tec
execute0_lowered:
.L_overlay_start_1:
0x0: {  	(tag) =	ssettag $0x1  }
0x1: {  	s0 =	srdreg.scid;
	s15 =	rddreg [dreg:$0x2]  }
0x2: {  	s21 =	stileid.u32;
	s3 =	rddreg [dreg:$0x3];
	s1 =	simm.s32 $0x0  }
0x3: {  	s25 =	rddreg [dreg:$0x0];
	s11 =	sand.u32 $0x1, s0;
	s16 =	smul.u32 $0x13800, s21  }
0x4: {  	[smem:$0x7FF] =	sst s1;
	s0 =	sshll.u32 s11, $0x4;
	s9 =	smul.u32 $0x138800, s11  }
0x5: {  	s4 =	ssub.s32 $0x2, s11;
	s19 =	smul.u32 $0x27100, s11;
	s0 =	sor.u32 s21, s0  }
0x6: {  	s3 =	sadd.s32 $0x800, s3;
	s5 =	sshrl.u32 s4, $0x1;
	s2 =	smul.u32 $0x2710, s0  }
0x7: {  	p0 =	sne.s32 s21, $0xF;
	s6 =	smul.u32 $0x27100, s0;
	s0 =	ssub.s32 s4, s5  }
0x8: {  	s23 =	smul.u32 $0x271000, s11;
	s18 =	sadd.s32 s16, s9;
	s0 =	smax.u32 s0, $0x1  }
0x9: {  	s13 =	sadd.s32 $0x28, s2;
	s7 =	sadd.s32 $0x50, s2;
	s26 =	sadd.s32 s15, s6  }
0xa: {  	s24 =	sadd.s32 $0x78, s2;
	s6 =	sadd.s32 $0xA0, s2;
	s10 =	sadd.s32 $0xC8, s2  }
0xb: {  	s12 =	sadd.s32 $0x118, s2;
	[dreg:$0x1a] =	wrdreg s26;
	s31 =	sshll.u32 s13, $0x4  }
0xc: {  	s5 =	sshll.u32 s7, $0x4;
	s8 =	sshll.u32 s24, $0x4;
	s14 =	sshll.u32 s10, $0x4  }
0xd: {  	s20 =	sshll.u32 s12, $0x4;
	s13 =	sshrl.u32 s13, $0x3;
	s4 =	sadd.s32 s15, s31  }
0xe: {  	s7 =	sshrl.u32 s7, $0x3;
	s17 =	sadd.s32 s15, s14;
	[dreg:$0x1b] =	wrdreg s4  }
0xf: {  	s14 =	sshrl.u32 s18, $0x3;
	s22 =	sadd.s32 s15, s20;
	[dreg:$0x1f] =	wrdreg s17  }
0x10: {  	s18 =	smul.u32 $0x2710, s21;
	s4 =	sadd.s32 s15, s5;
	[smem:$0x7CD] =	sst s22  }
0x11: {  	s5 =	sadd.s32 $0xF0, s2;
	s14 =	sadd.s32 s3, s14;
	s22 =	rddreg [dreg:$0x1]  }
0x12: {  	[dreg:$0x1c] =	wrdreg s4;
	s4 =	sadd.s32 s15, s8;
	s8 =	sshll.u32 s6, $0x4  }
0x13: {  	s17 =	sshll.u32 s5, $0x4;
	[smem:$0x7CC] =	sst s14;
	s14 =	sadd.s32 $0x168, s2  }
0x14: {  	s13 =	sadd.s32 s22, s13;
	s7 =	sadd.s32 s22, s7;
	s6 =	sshrl.u32 s6, $0x3  }
0x15: {  	s5 =	sshrl.u32 s5, $0x3;
	[dreg:$0x1d] =	wrdreg s4;
	s8 =	sadd.s32 s15, s8  }
0x16: {  	s17 =	sadd.s32 s15, s17;
	s4 =	sshrl.u32 s9, $0x3;
	s31 =	sshll.u32 s14, $0x4  }
0x17: {  	s6 =	sadd.s32 s22, s6;
	s5 =	sadd.s32 s22, s5;
	[dreg:$0x1e] =	wrdreg s8  }
0x18: {  	s8 =	sadd.s32 $0x140, s2;
	[smem:$0x7CB] =	sst s17;
	s9 =	sadd.s32 s15, s31  }
0x19: {  	s3 =	sadd.s32 s3, s4;
	s4 =	sadd.s32 s18, s19;
	[smem:$0x7CF] =	sst s9  }
0x1a: {  	s26 =	sshll.u32 s8, $0x4;
	s9 =	rddreg [dreg:$0x4];
	s16 =	sadd.s32 $0x348, s4  }
0x1b: {  	s11 =	sadd.s32 $0x4E548, s4;
	s17 =	sadd.s32 s15, s26;
	s18 =	sshrl.u32 s16, $0x3  }
0x1c: {  	s19 =	sadd.s32 $0x4E520, s4;
	[smem:$0x7CE] =	sst s17;
	s18 =	sadd.s32 s18, s22  }
0x1d: {  	s15 =	sadd.s32 s23, s15;
	_ =	strace $0x80000047;
	[dreg:$0x7] =	wrdreg s18  }
0x1e: {  	s20 =	sshrl.u32 s19, $0x3;
	s23 =	sadd.s32 $0x320, s4;
	[smem:$0x7D0] =	sst s13  }
0x1f: {  	s19 =	sadd.s32 $0x4E4F8, s4;
	s16 =	sadd.s32 $0x2F8, s4;
	[smem:$0x7D2] =	sst s7  }
0x20: {  	s17 =	sshrl.u32 s11, $0x3;
	s31 =	sshrl.u32 s19, $0x3;
	[smem:$0x7D5] =	sst s6  }
0x21: {  	s19 =	sshrl.u32 s16, $0x3;
	s16 =	sadd.s32 $0x4E4A8, s4;
	[smem:$0x7D8] =	sst s5  }
0x22: {  	s17 =	sadd.s32 s17, s22;
	s18 =	sshrl.u32 s23, $0x3;
	[smem:$0x7E1] =	sst s0  }
0x23: {  	s11 =	sadd.s32 s31, s22;
	s23 =	sadd.s32 $0x2D0, s4;
	[dreg:$0x6] =	wrdreg s17  }
0x24: {  	s7 =	sshrl.u32 s12, $0x3;
	s17 =	sadd.s32 s20, s22;
	[dreg:$0xa] =	wrdreg s11  }
0x25: {  	s26 =	sadd.s32 s18, s22;
	s20 =	sadd.s32 $0x4E4D0, s4;
	[dreg:$0x8] =	wrdreg s17  }
0x26: {  	s31 =	sshrl.u32 s23, $0x3;
	s23 =	sadd.s32 $0x4E480, s4;
	[dreg:$0x9] =	wrdreg s26  }
0x27: {  	s17 =	sadd.s32 s19, s22;
	s18 =	sshrl.u32 s20, $0x3;
	s11 =	sadd.s32 s31, s22  }
0x28: {  	s19 =	sshrl.u32 s16, $0x3;
	s20 =	sadd.s32 $0x2A8, s4;
	s31 =	sshrl.u32 s23, $0x3  }
0x29: {  	s16 =	sadd.s32 $0x280, s4;
	s23 =	sadd.s32 $0x258, s4;
	[dreg:$0xb] =	wrdreg s17  }
0x2a: {  	s26 =	sadd.s32 s18, s22;
	[dreg:$0xd] =	wrdreg s11;
	s17 =	sadd.s32 s19, s22  }
0x2b: {  	s18 =	sshrl.u32 s20, $0x3;
	s11 =	sadd.s32 s31, s22;
	s19 =	sshrl.u32 s16, $0x3  }
0x2c: {  	s20 =	sadd.s32 $0x4E458, s4;
	s31 =	sshrl.u32 s23, $0x3;
	[dreg:$0xc] =	wrdreg s26  }
0x2d: {  	s16 =	sadd.s32 $0x4E430, s4;
	[dreg:$0xe] =	wrdreg s17;
	s26 =	sadd.s32 s18, s22  }
0x2e: {  	[dreg:$0x10] =	wrdreg s11;
	s17 =	sadd.s32 s19, s22;
	s18 =	sshrl.u32 s20, $0x3  }
0x2f: {  	s11 =	sadd.s32 s31, s22;
	s19 =	sadd.s32 $0x230, s4;
	[dreg:$0xf] =	wrdreg s26  }
0x30: {  	s20 =	sadd.s32 $0x4E408, s4;
	[dreg:$0x11] =	wrdreg s17;
	s26 =	sadd.s32 s18, s22  }
0x31: {  	[dreg:$0x13] =	wrdreg s11;
	s18 =	sshrl.u32 s16, $0x3;
	s11 =	sadd.s32 $0x208, s4  }
0x32: {  	s16 =	smul.u32 $0x27100, s21;
	[dreg:$0x12] =	wrdreg s26;
	s17 =	sadd.s32 s18, s22  }
0x33: {  	s18 =	sshrl.u32 s19, $0x3;
	s26 =	sshrl.u32 s20, $0x3;
	s20 =	sadd.s32 $0x4E3E0, s4  }
0x34: {  	[dreg:$0x14] =	wrdreg s17;
	s23 =	sadd.s32 s18, s22;
	s31 =	sadd.s32 s26, s22  }
0x35: {  	s18 =	sshrl.u32 s11, $0x3;
	s26 =	sshrl.u32 s20, $0x3;
	s15 =	sadd.s32 s16, s15  }
0x36: {  	s11 =	sshrl.u32 s2, $0x3;
	s16 =	smul.u32 $0x4E000, s21;
	[dreg:$0x15] =	wrdreg s23  }
0x37: {  	s20 =	sadd.s32 $0x4E228, s2;
	[dreg:$0x16] =	wrdreg s31;
	s23 =	sadd.s32 s18, s22  }
0x38: {  	s31 =	sadd.s32 s26, s22;
	s19 =	sadd.s32 s22, s11;
	[dreg:$0x17] =	wrdreg s23  }
0x39: {  	s11 =	sshrl.u32 s24, $0x3;
	s24 =	sadd.s32 $0x4E2C8, s2;
	[dreg:$0x18] =	wrdreg s31  }
0x3a: {  	s23 =	sshrl.u32 s20, $0x3;
	s17 =	sadd.s32 s22, s11;
	[smem:$0x7F9] =	sst s19  }
0x3b: {  	s20 =	sshrl.u32 s10, $0x3;
	s10 =	sadd.s32 s22, s7;
	[smem:$0x7D3] =	sst s17  }
0x3c: {  	s26 =	sshrl.u32 s16, $0x2;
	s21 =	sadd.s32 $0x9C5E, s19;
	[smem:$0x7D9] =	sst s10  }
0x3d: {  	s11 =	sadd.s32 $0x4E318, s2;
	s13 =	sadd.s32 s22, s23;
	[smem:$0x7F6] =	sst s21  }
0x3e: {  	s23 =	sadd.s32 s26, s9;
	s26 =	sadd.s32 s22, s20;
	[smem:$0x7D1] =	sst s13  }
0x3f: {  	s31 =	sadd.s32 $0x4E278, s2;
	s5 =	sshrl.u32 s11, $0x3;
	[smem:$0x7D6] =	sst s26  }
0x40: {  	s13 =	sshrl.u32 s31, $0x3;
	s5 =	sadd.s32 s22, s5;
	[smem:$0x7FC] =	sst s23  }
0x41: {  	s31 =	sshrl.u32 s24, $0x3;
	s24 =	sadd.s32 $0x398, s4;
	[smem:$0x7DA] =	sst s5  }
0x42: {  	s26 =	sadd.s32 $0x3480, s15;
	[smem:$0x7E2] =	sst s24  }
0x43: {  	s4 =	sadd.s32 $0x3C00, s23;
	[smem:$0x7E3] =	sst s26  }
0x44: {  	s7 =	sadd.s32 $0x7800, s23;
	[smem:$0x7E7] =	sst s4  }
0x45: {  	s12 =	sshrl.u32 s8, $0x3;
	s8 =	sadd.s32 $0x8C00, s23;
	[smem:$0x7EA] =	sst s7  }
0x46: {  	s10 =	sadd.s32 $0xA000, s23;
	[smem:$0x7EB] =	sst s8  }
0x47: {  	s11 =	sadd.s32 $0xB400, s23;
	[smem:$0x7EC] =	sst s10  }
0x48: {  	s15 =	sadd.s32 $0x10400, s23;
	[smem:$0x7ED] =	sst s11  }
0x49: {  	s18 =	sadd.s32 s22, s13;
	[smem:$0x7F1] =	sst s15  }
0x4a: {  	s6 =	sadd.s32 s22, s31;
	[smem:$0x7D4] =	sst s18  }
0x4b: {  	s13 =	sshrl.u32 s14, $0x3;
	s14 =	sadd.s32 s22, s12;
	[smem:$0x7D7] =	sst s6  }
0x4c: {  	s31 =	sadd.s32 $0x9C40, s19;
	[smem:$0x7DB] =	sst s14  }
0x4d: {  	s17 =	sadd.s32 $0x4E368, s2;
	s12 =	sadd.s32 $0xC800, s23;
	[smem:$0x7E4] =	sst s31  }
0x4e: {  	s5 =	sshrl.u32 s17, $0x3;
	s17 =	sadd.s32 $0x12C00, s23;
	[smem:$0x7EE] =	sst s12  }
0x4f: {  	s29 =	simm.s32 $0x380;
	s24 =	sadd.s32 $0x32, s19;
	[smem:$0x7F3] =	sst s17  }
0x50: {  	s30 =	simm.s32 $0x12;
	s26 =	sadd.s32 $0x9C72, s19;
	[smem:$0x7F8] =	sst s24  }
0x51: {  	s28 =	simm.s32 $0x6;
	s15 =	sadd.s32 $0x138000, s9;
	[smem:$0x7FA] =	sst s26  }
0x52: {  	s0 =	simm.s32 $0xD;
	s16 =	sadd.s32 s22, s13;
	[smem:$0x7FD] =	sst s15  }
0x53: {  	s21 =	simm.s32 $0x1;
	s5 =	sadd.s32 s22, s5;
	[smem:$0x7DC] =	sst s16  }
0x54: {  	s7 =	simm.s32 $0x300;
	s13 =	sadd.s32 $0xDC00, s23;
	[smem:$0x7DD] =	sst s5  }
0x55: {  	s4 =	simm.s32 $0x80;
	s14 =	sadd.s32 $0xF000, s23;
	[smem:$0x7EF] =	sst s13  }
0x56: {  	s18 =	sadd.s32 $0x1B8, s2;
	s31 =	simm.s32 $0x0;
	[smem:$0x7F0] =	sst s14  }
0x57: {  	s2 =	sadd.s32 $0x4E3B8, s2;
	s5 =	sadd.s32 $0x5000, s23;
	[smem:$0x7FB] =	sst s31  }
0x58: {  	s17 =	simm.s32 $0x15;
	s16 =	sadd.s32 $0x11800, s23;
	[smem:$0x7E8] =	sst s5  }
0x59: {  	s6 =	sshrl.u32 s18, $0x3;
	s18 =	sadd.s32 $0x9C4A, s19;
	[smem:$0x7F2] =	sst s16  }
0x5a: {  	s2 =	sshrl.u32 s2, $0x3;
	s20 =	sadd.s32 s22, s6;
	[smem:$0x7F4] =	sst s18  }
0x5b: {  	s26 =	simm.s32 $0x3;
	s2 =	sadd.s32 s22, s2;
	[smem:$0x7DE] =	sst s20  }
0x5c: {  	s12 =	simm.s32 $0x14;
	s22 =	sadd.s32 $0x27000, s3;
	[smem:$0x7DF] =	sst s2  }
0x5d: {  	s13 =	simm.s32 $0x2;
	s3 =	sadd.s32 $0x2800, s23;
	[smem:$0x7E0] =	sst s22  }
0x5e: {  	s6 =	sadd.s32 $0x6400, s23;
	s18 =	simm.s32 $0x4;
	[smem:$0x7E6] =	sst s3  }
0x5f: {  	s2 =	sadd.s32 $0x1400, s23;
	[smem:$0x7E9] =	sst s6;
	s20 =	sadd.s32 $0x9C54, s19  }
0x60: {  	s22 =	sadd.s32 $0x9C68, s19;
	s3 =	simm.s32 $0xB;
	[smem:$0x7E5] =	sst s2  }
0x61: {  	s6 =	simm.s32 $0x13;
	s19 =	simm.s32 $0x5;
	[smem:$0x7F5] =	sst s20  }
0x62: {  	v0 =	vimm.f32 $0.0e+00;
	[smem:$0x7F7] =	sst s22;
	s22 =	simm.s32 $0x28;
	s20 =	simm.s32 $0xC  }
.LBB2_1:
0x63: {  	s2 =	sld [smem:$0x7F9];
	_ =	sdelay $0x1  }
0x64: {  	s16 =	sld [smem:$0x7E4]  }
0x65: {  	[tilespmem:s1], [sflag:$0x1] =	stream.linear.gather [hbm4b:s2+s1], $0x28, $0x38;
	[tilespmem:$0x1CA80] =	vst v63  }
0x66: {  	s24 =	sld [smem:$0x7D0]  }
0x67: {  	[tilespmem:s7], [sflag:$0x1] =	stream.linear.gather [hbm4b:s16+s1], $0x28, $0x38;
	[tilespmem:$0x1CA80] =	vst v63  }
0x68: {  	s31 =	sld [smem:$0x7D1]  }
0x69: {  	[tilespmem:s4], [sflag:$0x2] =	stream.linear.gather [hbm4b:s24+s1], $0x28, $0x38;
	[tilespmem:$0x1CA80] =	vst v63  }
0x6a: {  	s2 =	simm.s32 $0x0;
	s4 =	simm.s32 $0x200  }
0x6b: {  	[tilespmem:s29], [sflag:$0x2] =	stream.linear.gather [hbm4b:s31+s1], $0x28, $0x38;
	[tilespmem:$0x1CA80] =	vst v63  }
.LBB2_2:
0x6c: {  	p1 =	sne.s32 s4, $0x4E00;
	[tilespmem:s2+$0x670] =	vst v0  }
0x6d: {  	[tilespmem:s2+$0x600] =	vst v0  }
0x6e: {  	[tilespmem:s2+$0x610] =	vst v0  }
.Ltmp0:
0x6f: {  	[tilespmem:s2+$0x620] =	vst v0;
	(pc) =	sbr.rel @p1 .LBB2_2-.Ltmp0, $4  }
0x70: {  	[tilespmem:s2+$0x630] =	vst v0  }
0x71: {  	[tilespmem:s2+$0x640] =	vst v0  }
0x72: {  	[tilespmem:s2+$0x650] =	vst v0  }
0x73: {  	[tilespmem:s2+$0x660] =	vst v0;
	s2 =	sshra.s32 s4, $0x2;
	s4 =	sadd.s32 $0x200, s4  }
0x74: {  	[tilespmem:s2+$0x670] =	vst v0  }
0x75: {  	[tilespmem:s2+$0x600] =	vst v0  }
0x76: {  	[tilespmem:s2+$0x610] =	vst v0  }
0x77: {  	[tilespmem:s2+$0x620] =	vst v0  }
0x78: {  	[tilespmem:s2+$0x630] =	vst v0  }
0x79: {  	[tilespmem:s2+$0x640] =	vst v0  }
0x7a: {  	[tilespmem:s2+$0x650] =	vst v0  }
0x7b: {  	[tilespmem:s2+$0x660] =	vst v0;
	s24 =	simm.s32 $0x600  }
0x7c: {  	[spmem:s23] =	stream.linear.scatter [tilespmem:s24], [sflag:$0x15], $0x1400, $0x38;
	[tilespmem:$0x1CA80] =	vst v63  }
0x7d: {  	_ =	swait.ge [sflag:s17], $0x1400  }
0x7e: {  	s23 =	sld [smem:$0x7E5]  }
0x7f: {  	[sflag:s17] =	ssyncset.done $0x0  }
0x80: {  	[sflag:s17] =	ssyncadd.s32 $0xFFFFEC00  }
0x81: {  	[spmem:s23] =	stream.linear.scatter [tilespmem:s24], [sflag:$0x15], $0x1400, $0x38;
	[tilespmem:$0x1CA80] =	vst v63  }
0x82: {  	_ =	swait.ge [sflag:s17], $0x1400  }
0x83: {  	s4 =	sld [smem:$0x7E6]  }
0x84: {  	[sflag:s17] =	ssyncset.done $0x0  }
0x85: {  	[sflag:s17] =	ssyncadd.s32 $0xFFFFEC00  }
0x86: {  	[spmem:s4] =	stream.linear.scatter [tilespmem:s24], [sflag:$0x15], $0x1400, $0x38;
	[tilespmem:$0x1CA80] =	vst v63  }
0x87: {  	_ =	swait.ge [sflag:s17], $0x1400  }
0x88: {  	s5 =	sld [smem:$0x7E7]  }
0x89: {  	[sflag:s17] =	ssyncset.done $0x0  }
0x8a: {  	[sflag:s17] =	ssyncadd.s32 $0xFFFFEC00  }
0x8b: {  	[spmem:s5] =	stream.linear.scatter [tilespmem:s24], [sflag:$0x15], $0x1400, $0x38;
	[tilespmem:$0x1CA80] =	vst v63  }
0x8c: {  	_ =	swait.ge [sflag:s17], $0x1400  }
0x8d: {  	s8 =	sld [smem:$0x7E8]  }
0x8e: {  	[sflag:s17] =	ssyncset.done $0x0  }
0x8f: {  	[sflag:s17] =	ssyncadd.s32 $0xFFFFEC00  }
0x90: {  	[spmem:s8] =	stream.linear.scatter [tilespmem:s24], [sflag:$0x15], $0x1400, $0x38;
	[tilespmem:$0x1CA80] =	vst v63  }
0x91: {  	_ =	swait.ge [sflag:s17], $0x1400  }
0x92: {  	s10 =	sld [smem:$0x7E9]  }
0x93: {  	[sflag:s17] =	ssyncset.done $0x0  }
0x94: {  	[sflag:s17] =	ssyncadd.s32 $0xFFFFEC00  }
0x95: {  	[spmem:s10] =	stream.linear.scatter [tilespmem:s24], [sflag:$0x15], $0x1400, $0x38;
	[tilespmem:$0x1CA80] =	vst v63  }
0x96: {  	_ =	swait.ge [sflag:s17], $0x1400  }
0x97: {  	s11 =	sld [smem:$0x7EA]  }
0x98: {  	[sflag:s17] =	ssyncset.done $0x0  }
0x99: {  	[sflag:s17] =	ssyncadd.s32 $0xFFFFEC00  }
0x9a: {  	[spmem:s11] =	stream.linear.scatter [tilespmem:s24], [sflag:$0x15], $0x1400, $0x38;
	[tilespmem:$0x1CA80] =	vst v63  }
0x9b: {  	_ =	swait.ge [sflag:s17], $0x1400  }
0x9c: {  	s14 =	sld [smem:$0x7EB]  }
0x9d: {  	[sflag:s17] =	ssyncset.done $0x0  }
0x9e: {  	[sflag:s17] =	ssyncadd.s32 $0xFFFFEC00  }
0x9f: {  	[spmem:s14] =	stream.linear.scatter [tilespmem:s24], [sflag:$0x15], $0x1400, $0x38;
	[tilespmem:$0x1CA80] =	vst v63  }
0xa0: {  	_ =	swait.ge [sflag:s17], $0x1400  }
0xa1: {  	s16 =	sld [smem:$0x7EC]  }
0xa2: {  	[sflag:s17] =	ssyncset.done $0x0  }
0xa3: {  	[sflag:s17] =	ssyncadd.s32 $0xFFFFEC00  }
0xa4: {  	[spmem:s16] =	stream.linear.scatter [tilespmem:s24], [sflag:$0x15], $0x1400, $0x38;
	[tilespmem:$0x1CA80] =	vst v63  }
0xa5: {  	_ =	swait.ge [sflag:s17], $0x1400  }
0xa6: {  	s23 =	sld [smem:$0x7ED]  }
0xa7: {  	[sflag:s17] =	ssyncset.done $0x0  }
0xa8: {  	[sflag:s17] =	ssyncadd.s32 $0xFFFFEC00  }
0xa9: {  	[spmem:s23] =	stream.linear.scatter [tilespmem:s24], [sflag:$0x15], $0x1400, $0x38;
	[tilespmem:$0x1CA80] =	vst v63  }
0xaa: {  	_ =	swait.ge [sflag:s17], $0x1400  }
0xab: {  	s4 =	sld [smem:$0x7EE]  }
0xac: {  	[sflag:s17] =	ssyncset.done $0x0  }
0xad: {  	[sflag:s17] =	ssyncadd.s32 $0xFFFFEC00  }
0xae: {  	[spmem:s4] =	stream.linear.scatter [tilespmem:s24], [sflag:$0x15], $0x1400, $0x38;
	[tilespmem:$0x1CA80] =	vst v63  }
0xaf: {  	_ =	swait.ge [sflag:s17], $0x1400  }
0xb0: {  	s5 =	sld [smem:$0x7EF]  }
0xb1: {  	[sflag:s17] =	ssyncset.done $0x0  }
0xb2: {  	[sflag:s17] =	ssyncadd.s32 $0xFFFFEC00  }
0xb3: {  	[spmem:s5] =	stream.linear.scatter [tilespmem:s24], [sflag:$0x15], $0x1400, $0x38;
	[tilespmem:$0x1CA80] =	vst v63  }
0xb4: {  	_ =	swait.ge [sflag:s17], $0x1400  }
0xb5: {  	s8 =	sld [smem:$0x7F0]  }
0xb6: {  	[sflag:s17] =	ssyncset.done $0x0  }
0xb7: {  	[sflag:s17] =	ssyncadd.s32 $0xFFFFEC00  }
0xb8: {  	[spmem:s8] =	stream.linear.scatter [tilespmem:s24], [sflag:$0x15], $0x1400, $0x38;
	[tilespmem:$0x1CA80] =	vst v63  }
0xb9: {  	_ =	swait.ge [sflag:s17], $0x1400  }
0xba: {  	s10 =	sld [smem:$0x7F1]  }
0xbb: {  	[sflag:s17] =	ssyncset.done $0x0  }
0xbc: {  	[sflag:s17] =	ssyncadd.s32 $0xFFFFEC00  }
0xbd: {  	[spmem:s10] =	stream.linear.scatter [tilespmem:s24], [sflag:$0x15], $0x1400, $0x38;
	[tilespmem:$0x1CA80] =	vst v63  }
0xbe: {  	_ =	swait.ge [sflag:s17], $0x1400  }
0xbf: {  	s11 =	sld [smem:$0x7F2]  }
0xc0: {  	[sflag:s17] =	ssyncset.done $0x0  }
0xc1: {  	[sflag:s17] =	ssyncadd.s32 $0xFFFFEC00  }
0xc2: {  	[spmem:s11] =	stream.linear.scatter [tilespmem:s24], [sflag:$0x15], $0x1400, $0x38;
	[tilespmem:$0x1CA80] =	vst v63  }
0xc3: {  	_ =	swait.ge [sflag:s17], $0x1400  }
0xc4: {  	s14 =	sld [smem:$0x7F3]  }
0xc5: {  	[sflag:s17] =	ssyncset.done $0x0  }
0xc6: {  	[sflag:s17] =	ssyncadd.s32 $0xFFFFEC00  }
0xc7: {  	[spmem:s14] =	stream.linear.scatter [tilespmem:s24], [sflag:$0x15], $0xC00, $0x38;
	[tilespmem:$0x1CA80] =	vst v63  }
0xc8: {  	_ =	swait.ge [sflag:s17], $0xC00  }
0xc9: {  	[sflag:s17] =	ssyncset.done $0x0  }
0xca: {  	s2 =	simm.s32 @!p0 $0x600;
	[sflag:s17] =	ssyncadd.s32 $0xFFFFF400  }
0xcb: {  	[spmem:s15] =	stream.linear.scatter @!p0 [tilespmem:s2], [sflag:$0x15], $0x800, $0x38;
	[tilespmem:$0x1CA80] =	vst v63  }
0xcc: {  	s2 =	simm.s32 @!p0 $0x15  }
0xcd: {  	_ =	swait.ge @!p0 [sflag:s2], $0x800  }
0xce: {  	[sflag:s2] =	ssyncset.done @!p0 $0x0  }
0xcf: {  	[sflag:s2] =	ssyncadd.s32 @!p0 $0xFFFFF800  }
0xd0: {  	[bflag:$0x0] =	sbarrier.arrive $0xFFFF  }
0xd1: {  	s4 =	sld [smem:$0x7D2];
	_ =	sdelay $0x1  }
0xd2: {  	s5 =	simm.s32 $0x100;
	s2 =	simm.s32 $0x0;
	s15 =	sld [smem:$0x7F4]  }
0xd3: {  	[tilespmem:s5], [sflag:$0x3] =	stream.linear.gather [hbm4b:s4+s2], $0x28, $0x38;
	[tilespmem:$0x1CA80] =	vst v63  }
0xd4: {  	s31 =	simm.s32 $0x400  }
0xd5: {  	[tilespmem:s31], [sflag:$0x3] =	stream.linear.gather [hbm4b:s15+s2], $0x28, $0x38;
	[tilespmem:$0x1CA80] =	vst v63  }
0xd6: {  	_ =	swait.ge [sflag:s21], $0x28  }
0xd7: {  	[sflag:s21] =	ssyncset.done $0x0  }
0xd8: {  	[sflag:s21] =	ssyncadd.s32 $0xFFFFFFD8  }
0xd9: {  	_ =	swait.ge [sflag:s21], $0x28  }
0xda: {  	[sflag:s21] =	ssyncset.done $0x0  }
0xdb: {  	s16 =	rddreg [dreg:$0x1a];
	[sflag:s21] =	ssyncadd.s32 $0xFFFFFFD8  }
0xdc: {  	[tilespmem:s24], [sflag:$0x7] =	stream.indirect.gather [hbm4b:s25+s22], $0x80, s2, s22, $0xb8;
	[tilespmem:$0x1CA80] =	vst v63  }
0xdd: {  	s17 =	simm.s32 $0x5600;
	s23 =	sld [smem:$0x7D3]  }
0xde: {  	[tilespmem:s17], [sflag:$0xB] =	stream.linear.gather [hbm4b:s16+s2], $0x1400, $0x38;
	[tilespmem:$0x1CA80] =	vst v63  }
0xdf: {  	s8 =	simm.s32 $0x180;
	s11 =	sld [smem:$0x7D4]  }
0xe0: {  	[tilespmem:s8], [sflag:$0x4] =	stream.linear.gather [hbm4b:s23+s2], $0x28, $0x38;
	[tilespmem:$0x1CA80] =	vst v63  }
0xe1: {  	s14 =	simm.s32 $0x480  }
0xe2: {  	[tilespmem:s14], [sflag:$0x4] =	stream.linear.gather [hbm4b:s11+s2], $0x28, $0x38;
	[tilespmem:$0x1CA80] =	vst v63  }
0xe3: {  	_ =	swait.ge [sflag:s13], $0x28  }
0xe4: {  	[sflag:s13] =	ssyncset.done $0x0  }
0xe5: {  	[sflag:s13] =	ssyncadd.s32 $0xFFFFFFD8  }
0xe6: {  	_ =	swait.ge [sflag:s13], $0x28  }
0xe7: {  	[sflag:s13] =	ssyncset.done $0x0  }
0xe8: {  	s15 =	simm.s32 $0x1A00;
	s11 =	simm.s32 $0x80;
	[sflag:s13] =	ssyncadd.s32 $0xFFFFFFD8  }
0xe9: {  	[tilespmem:s15], [sflag:$0x8] =	stream.indirect.gather [hbm4b:s25+s22], $0x80, s11, s22, $0xb8;
	[tilespmem:$0x1CA80] =	vst v63  }
0xea: {  	s23 =	simm.s32 $0x7;
	s14 =	simm.s32 $0x6A00;
	s17 =	rddreg [dreg:$0x1b]  }
0xeb: {  	[tilespmem:s14], [sflag:$0xC] =	stream.linear.gather [hbm4b:s17+s2], $0x1400, $0x38;
	[tilespmem:$0x1CA80] =	vst v63  }
0xec: {  	_ =	swait.ge [sflag:s23], $0x1400  }
0xed: {  	[sflag:s23] =	ssyncset.done $0x0  }
0xee: {  	[sflag:s23] =	ssyncadd.s32 $0xFFFFEC00  }
0xef: {  	_ =	swait.ge [sflag:s3], $0x1400  }
0xf0: {  	[sflag:s3] =	ssyncset.done $0x0  }
0xf1: {  	[sflag:s3] =	ssyncadd.s32 $0xFFFFEC00  }
0xf2: {  	[spmem:s9] =	stream.indirect.scatter.add.f32 [tilespmem:s24], [sflag:$0xE], $0x80, s7, s22, $0xb8;
	[tilespmem:$0x1CA80] =	vst v63  }
0xf3: {  	s5 =	simm.s32 $0x5600;
	s8 =	sld [smem:$0x7D5]  }
0xf4: {  	[spmem:s9] =	stream.indirect.scatter.add.f32 [tilespmem:s5], [sflag:$0x12], $0x80, s7, s22, $0xb8;
	[tilespmem:$0x1CA80] =	vst v63  }
0xf5: {  	s17 =	simm.s32 $0x200  }
0xf6: {  	[tilespmem:s17], [sflag:$0x5] =	stream.linear.gather [hbm4b:s8+s2], $0x28, $0x38;
	[tilespmem:$0x1CA80] =	vst v63  }
0xf7: {  	s8 =	sld [smem:$0x7F5];
	_ =	sdelay $0x1  }
0xf8: {  	s17 =	simm.s32 $0x500  }
0xf9: {  	[tilespmem:s17], [sflag:$0x5] =	stream.linear.gather [hbm4b:s8+s2], $0x28, $0x38;
	[tilespmem:$0x1CA80] =	vst v63  }
0xfa: {  	_ =	swait.ge [sflag:s26], $0x28  }
0xfb: {  	[sflag:s26] =	ssyncset.done $0x0  }
0xfc: {  	[sflag:s26] =	ssyncadd.s32 $0xFFFFFFD8  }
0xfd: {  	_ =	swait.ge [sflag:s26], $0x28  }
0xfe: {  	[sflag:s26] =	ssyncset.done $0x0  }
0xff: {  	s10 =	simm.s32 $0x100;
	s8 =	simm.s32 $0x2E00;
	[sflag:s26] =	ssyncadd.s32 $0xFFFFFFD8  }
0x100: {  	[tilespmem:s8], [sflag:$0x9] =	stream.indirect.gather [hbm4b:s25+s22], $0x80, s10, s22, $0xb8;
	[tilespmem:$0x1CA80] =	vst v63  }
0x101: {  	s17 =	simm.s32 $0x7E00;
	s10 =	rddreg [dreg:$0x1c]  }
0x102: {  	[tilespmem:s17], [sflag:$0xD] =	stream.linear.gather [hbm4b:s10+s2], $0x1400, $0x38;
	[tilespmem:$0x1CA80] =	vst v63  }
0x103: {  	s10 =	simm.s32 $0x8  }
0x104: {  	_ =	swait.ge [sflag:s10], $0x1400  }
0x105: {  	[sflag:s10] =	ssyncset.done $0x0  }
0x106: {  	[sflag:s10] =	ssyncadd.s32 $0xFFFFEC00  }
0x107: {  	_ =	swait.ge [sflag:s20], $0x1400  }
0x108: {  	[sflag:s20] =	ssyncset.done $0x0  }
0x109: {  	s11 =	simm.s32 $0x1A00;
	[sflag:s20] =	ssyncadd.s32 $0xFFFFEC00  }
0x10a: {  	[spmem:s9] =	stream.indirect.scatter.add.f32 [tilespmem:s11], [sflag:$0xF], $0x80, s29, s22, $0xb8;
	[tilespmem:$0x1CA80] =	vst v63  }
0x10b: {  	s15 =	simm.s32 $0x6A00  }
0x10c: {  	[spmem:s9] =	stream.indirect.scatter.add.f32 [tilespmem:s15], [sflag:$0x13], $0x80, s29, s22, $0xb8;
	[tilespmem:$0x1CA80] =	vst v63  }
0x10d: {  	_ =	swait.ge [sflag:s30], $0x1400  }
0x10e: {  	s11 =	sld [smem:$0x7D6]  }
0x10f: {  	[sflag:s30] =	ssyncset.done $0x0  }
0x110: {  	s15 =	simm.s32 $0x280;
	s10 =	sld [smem:$0x7D7];
	[sflag:s30] =	ssyncadd.s32 $0xFFFFEC00  }
0x111: {  	[tilespmem:s15], [sflag:$0x6] =	stream.linear.gather [hbm4b:s11+s2], $0x28, $0x38;
	[tilespmem:$0x1CA80] =	vst v63  }
0x112: {  	s11 =	simm.s32 $0x580  }
0x113: {  	[tilespmem:s11], [sflag:$0x6] =	stream.linear.gather [hbm4b:s10+s2], $0x28, $0x38;
	[tilespmem:$0x1CA80] =	vst v63  }
0x114: {  	_ =	swait.ge [sflag:s18], $0x28  }
0x115: {  	[sflag:s18] =	ssyncset.done $0x0  }
0x116: {  	[sflag:s18] =	ssyncadd.s32 $0xFFFFFFD8  }
0x117: {  	_ =	swait.ge [sflag:s18], $0x28  }
0x118: {  	[sflag:s18] =	ssyncset.done $0x0  }
0x119: {  	s16 =	simm.s32 $0x180;
	s11 =	simm.s32 $0x4200;
	[sflag:s18] =	ssyncadd.s32 $0xFFFFFFD8  }
0x11a: {  	[tilespmem:s11], [sflag:$0xA] =	stream.indirect.gather [hbm4b:s25+s22], $0x80, s16, s22, $0xb8;
	[tilespmem:$0x1CA80] =	vst v63  }
0x11b: {  	s14 =	simm.s32 $0x5600;
	s10 =	rddreg [dreg:$0x1d];
	s16 =	simm.s32 $0x9  }
0x11c: {  	[tilespmem:s14], [sflag:$0xB] =	stream.linear.gather [hbm4b:s10+s2], $0x1400, $0x38;
	[tilespmem:$0x1CA80] =	vst v63  }
0x11d: {  	_ =	swait.ge [sflag:s16], $0x1400  }
0x11e: {  	[sflag:s16] =	ssyncset.done $0x0  }
0x11f: {  	[sflag:s16] =	ssyncadd.s32 $0xFFFFEC00  }
0x120: {  	_ =	swait.ge [sflag:s0], $0x1400  }
0x121: {  	[sflag:s0] =	ssyncset.done $0x0  }
0x122: {  	s8 =	simm.s32 $0x2E00;
	[sflag:s0] =	ssyncadd.s32 $0xFFFFEC00  }
0x123: {  	[spmem:s9] =	stream.indirect.scatter.add.f32 [tilespmem:s8], [sflag:$0x10], $0x80, s31, s22, $0xb8;
	[tilespmem:$0x1CA80] =	vst v63  }
0x124: {  	s8 =	simm.s32 $0xE  }
0x125: {  	[spmem:s9] =	stream.indirect.scatter.add.f32 [tilespmem:s17], [sflag:$0x14], $0x80, s31, s22, $0xb8;
	[tilespmem:$0x1CA80] =	vst v63  }
0x126: {  	_ =	swait.ge [sflag:s8], $0x1400  }
0x127: {  	[sflag:s8] =	ssyncset.done $0x0  }
0x128: {  	[sflag:s8] =	ssyncadd.s32 $0xFFFFEC00  }
0x129: {  	_ =	swait.ge [sflag:s6], $0x1400  }
0x12a: {  	s16 =	sld [smem:$0x7D8]  }
0x12b: {  	[sflag:s6] =	ssyncset.done $0x0  }
0x12c: {  	s8 =	sld [smem:$0x7F6];
	[sflag:s6] =	ssyncadd.s32 $0xFFFFEC00  }
0x12d: {  	[tilespmem:s2], [sflag:$0x1] =	stream.linear.gather [hbm4b:s16+s2], $0x28, $0x38;
	[tilespmem:$0x1CA80] =	vst v63  }
0x12e: {  	_ = 	snop  }
0x12f: {  	[tilespmem:s7], [sflag:$0x1] =	stream.linear.gather [hbm4b:s8+s2], $0x28, $0x38;
	[tilespmem:$0x1CA80] =	vst v63  }
0x130: {  	_ =	swait.ge [sflag:s19], $0x28  }
0x131: {  	[sflag:s19] =	ssyncset.done $0x0  }
0x132: {  	[sflag:s19] =	ssyncadd.s32 $0xFFFFFFD8  }
0x133: {  	_ =	swait.ge [sflag:s19], $0x28  }
0x134: {  	[sflag:s19] =	ssyncset.done $0x0  }
0x135: {  	s5 =	smov.u32 s25;
	s16 =	simm.s32 $0x200;
	[sflag:s19] =	ssyncadd.s32 $0xFFFFFFD8  }
0x136: {  	[tilespmem:s24], [sflag:$0x7] =	stream.indirect.gather [hbm4b:s25+s22], $0x80, s16, s22, $0xb8;
	[tilespmem:$0x1CA80] =	vst v63  }
0x137: {  	s8 =	simm.s32 $0x6A00;
	s25 =	rddreg [dreg:$0x1e];
	s16 =	simm.s32 $0xA  }
0x138: {  	[tilespmem:s8], [sflag:$0xC] =	stream.linear.gather [hbm4b:s25+s2], $0x1400, $0x38;
	[tilespmem:$0x1CA80] =	vst v63  }
0x139: {  	_ =	swait.ge [sflag:s16], $0x1400  }
0x13a: {  	[sflag:s16] =	ssyncset.done $0x0  }
0x13b: {  	[sflag:s16] =	ssyncadd.s32 $0xFFFFEC00  }
0x13c: {  	_ =	swait.ge [sflag:s3], $0x1400  }
0x13d: {  	[sflag:s3] =	ssyncset.done $0x0  }
0x13e: {  	s11 =	simm.s32 $0x4200;
	s25 =	simm.s32 $0x480;
	[sflag:s3] =	ssyncadd.s32 $0xFFFFEC00  }
0x13f: {  	[spmem:s9] =	stream.indirect.scatter.add.f32 [tilespmem:s11], [sflag:$0x11], $0x80, s25, s22, $0xb8;
	[tilespmem:$0x1CA80] =	vst v63  }
0x140: {  	s10 =	simm.s32 $0x5600;
	s16 =	simm.s32 $0xF  }
0x141: {  	[spmem:s9] =	stream.indirect.scatter.add.f32 [tilespmem:s10], [sflag:$0x12], $0x80, s25, s22, $0xb8;
	[tilespmem:$0x1CA80] =	vst v63  }
0x142: {  	_ =	swait.ge [sflag:s16], $0x1400  }
0x143: {  	[sflag:s16] =	ssyncset.done $0x0  }
0x144: {  	[sflag:s16] =	ssyncadd.s32 $0xFFFFEC00  }
0x145: {  	_ =	swait.ge [sflag:s12], $0x1400  }
0x146: {  	s14 =	smov.u32 s9;
	s9 =	sld [smem:$0x7D9]  }
0x147: {  	[sflag:s12] =	ssyncset.done $0x0  }
0x148: {  	s11 =	simm.s32 $0x80;
	s10 =	sld [smem:$0x7DA];
	[sflag:s12] =	ssyncadd.s32 $0xFFFFEC00  }
0x149: {  	[tilespmem:s11], [sflag:$0x2] =	stream.linear.gather [hbm4b:s9+s2], $0x28, $0x38;
	[tilespmem:$0x1CA80] =	vst v63  }
0x14a: {  	_ = 	snop  }
0x14b: {  	[tilespmem:s29], [sflag:$0x2] =	stream.linear.gather [hbm4b:s10+s2], $0x28, $0x38;
	[tilespmem:$0x1CA80] =	vst v63  }
0x14c: {  	_ =	swait.ge [sflag:s28], $0x28  }
0x14d: {  	[sflag:s28] =	ssyncset.done $0x0  }
0x14e: {  	[sflag:s28] =	ssyncadd.s32 $0xFFFFFFD8  }
0x14f: {  	_ =	swait.ge [sflag:s28], $0x28  }
0x150: {  	[sflag:s28] =	ssyncset.done $0x0  }
0x151: {  	s15 =	simm.s32 $0x280;
	s9 =	simm.s32 $0x1A00;
	[sflag:s28] =	ssyncadd.s32 $0xFFFFFFD8  }
0x152: {  	[tilespmem:s9], [sflag:$0x8] =	stream.indirect.gather [hbm4b:s5+s22], $0x80, s15, s22, $0xb8;
	[tilespmem:$0x1CA80] =	vst v63  }
0x153: {  	s23 =	simm.s32 $0x7;
	s16 =	rddreg [dreg:$0x1f]  }
0x154: {  	[tilespmem:s17], [sflag:$0xD] =	stream.linear.gather [hbm4b:s16+s2], $0x1400, $0x38;
	[tilespmem:$0x1CA80] =	vst v63  }
0x155: {  	_ =	swait.ge [sflag:s23], $0x1400  }
0x156: {  	[sflag:s23] =	ssyncset.done $0x0  }
0x157: {  	[sflag:s23] =	ssyncadd.s32 $0xFFFFEC00  }
0x158: {  	_ =	swait.ge [sflag:s20], $0x1400  }
0x159: {  	[sflag:s20] =	ssyncset.done $0x0  }
0x15a: {  	s23 =	simm.s32 $0x500;
	[sflag:s20] =	ssyncadd.s32 $0xFFFFEC00  }
0x15b: {  	[spmem:s14] =	stream.indirect.scatter.add.f32 [tilespmem:s24], [sflag:$0xE], $0x80, s23, s22, $0xb8;
	[tilespmem:$0x1CA80] =	vst v63  }
0x15c: {  	s16 =	simm.s32 $0x10  }
0x15d: {  	[spmem:s14] =	stream.indirect.scatter.add.f32 [tilespmem:s8], [sflag:$0x13], $0x80, s23, s22, $0xb8;
	[tilespmem:$0x1CA80] =	vst v63  }
0x15e: {  	_ =	swait.ge [sflag:s16], $0x1400  }
0x15f: {  	[sflag:s16] =	ssyncset.done $0x0  }
0x160: {  	[sflag:s16] =	ssyncadd.s32 $0xFFFFEC00  }
0x161: {  	_ =	swait.ge [sflag:s30], $0x1400  }
0x162: {  	s8 =	sld [smem:$0x7DB]  }
0x163: {  	[sflag:s30] =	ssyncset.done $0x0  }
0x164: {  	s15 =	simm.s32 $0x100;
	s10 =	sld [smem:$0x7F7];
	[sflag:s30] =	ssyncadd.s32 $0xFFFFEC00  }
0x165: {  	[tilespmem:s15], [sflag:$0x3] =	stream.linear.gather [hbm4b:s8+s2], $0x28, $0x38;
	[tilespmem:$0x1CA80] =	vst v63  }
0x166: {  	_ = 	snop  }
0x167: {  	[tilespmem:s31], [sflag:$0x3] =	stream.linear.gather [hbm4b:s10+s2], $0x28, $0x38;
	[tilespmem:$0x1CA80] =	vst v63  }
0x168: {  	_ =	swait.ge [sflag:s21], $0x28  }
0x169: {  	[sflag:s21] =	ssyncset.done $0x0  }
0x16a: {  	[sflag:s21] =	ssyncadd.s32 $0xFFFFFFD8  }
0x16b: {  	_ =	swait.ge [sflag:s21], $0x28  }
0x16c: {  	[sflag:s21] =	ssyncset.done $0x0  }
0x16d: {  	s10 =	simm.s32 $0x2E00;
	s23 =	sld [smem:$0x7CB];
	[sflag:s21] =	ssyncadd.s32 $0xFFFFFFD8  }
0x16e: {  	[tilespmem:s10], [sflag:$0x9] =	stream.indirect.gather [hbm4b:s5+s22], $0x80, s2, s22, $0xb8;
	[tilespmem:$0x1CA80] =	vst v63  }
0x16f: {  	s25 =	simm.s32 $0x5600;
	s8 =	simm.s32 $0x8  }
0x170: {  	[tilespmem:s25], [sflag:$0xB] =	stream.linear.gather [hbm4b:s23+s2], $0x1400, $0x38;
	[tilespmem:$0x1CA80] =	vst v63  }
0x171: {  	_ =	swait.ge [sflag:s8], $0x1400  }
0x172: {  	[sflag:s8] =	ssyncset.done $0x0  }
0x173: {  	[sflag:s8] =	ssyncadd.s32 $0xFFFFEC00  }
0x174: {  	_ =	swait.ge [sflag:s0], $0x1400  }
0x175: {  	[sflag:s0] =	ssyncset.done $0x0  }
0x176: {  	s23 =	simm.s32 $0x580;
	[sflag:s0] =	ssyncadd.s32 $0xFFFFEC00  }
0x177: {  	[spmem:s14] =	stream.indirect.scatter.add.f32 [tilespmem:s9], [sflag:$0xF], $0x80, s23, s22, $0xb8;
	[tilespmem:$0x1CA80] =	vst v63  }
0x178: {  	_ = 	snop  }
0x179: {  	[spmem:s14] =	stream.indirect.scatter.add.f32 [tilespmem:s17], [sflag:$0x14], $0x80, s23, s22, $0xb8;
	[tilespmem:$0x1CA80] =	vst v63  }
0x17a: {  	s23 =	simm.s32 $0x11  }
0x17b: {  	_ =	swait.ge [sflag:s23], $0x1400  }
0x17c: {  	[sflag:s23] =	ssyncset.done $0x0  }
0x17d: {  	[sflag:s23] =	ssyncadd.s32 $0xFFFFEC00  }
0x17e: {  	_ =	swait.ge [sflag:s6], $0x1400  }
0x17f: {  	s8 =	sld [smem:$0x7DC]  }
0x180: {  	[sflag:s6] =	ssyncset.done $0x0  }
0x181: {  	s9 =	simm.s32 $0x180;
	s4 =	sld [smem:$0x7DD];
	[sflag:s6] =	ssyncadd.s32 $0xFFFFEC00  }
0x182: {  	[tilespmem:s9], [sflag:$0x4] =	stream.linear.gather [hbm4b:s8+s2], $0x28, $0x38;
	[tilespmem:$0x1CA80] =	vst v63  }
0x183: {  	s8 =	simm.s32 $0x480  }
0x184: {  	[tilespmem:s8], [sflag:$0x4] =	stream.linear.gather [hbm4b:s4+s2], $0x28, $0x38;
	[tilespmem:$0x1CA80] =	vst v63  }
0x185: {  	_ =	swait.ge [sflag:s13], $0x28  }
0x186: {  	[sflag:s13] =	ssyncset.done $0x0  }
0x187: {  	[sflag:s13] =	ssyncadd.s32 $0xFFFFFFD8  }
0x188: {  	_ =	swait.ge [sflag:s13], $0x28  }
0x189: {  	[sflag:s13] =	ssyncset.done $0x0  }
0x18a: {  	s8 =	simm.s32 $0x4200;
	s4 =	sld [smem:$0x7CD];
	[sflag:s13] =	ssyncadd.s32 $0xFFFFFFD8  }
0x18b: {  	[tilespmem:s8], [sflag:$0xA] =	stream.indirect.gather [hbm4b:s5+s22], $0x80, s11, s22, $0xb8;
	[tilespmem:$0x1CA80] =	vst v63  }
0x18c: {  	s11 =	simm.s32 $0x6A00  }
0x18d: {  	[tilespmem:s11], [sflag:$0xC] =	stream.linear.gather [hbm4b:s4+s2], $0x1400, $0x38;
	[tilespmem:$0x1CA80] =	vst v63  }
0x18e: {  	s4 =	simm.s32 $0x9  }
0x18f: {  	_ =	swait.ge [sflag:s4], $0x1400  }
0x190: {  	[sflag:s4] =	ssyncset.done $0x0  }
0x191: {  	[sflag:s4] =	ssyncadd.s32 $0xFFFFEC00  }
0x192: {  	_ =	swait.ge [sflag:s3], $0x1400  }
0x193: {  	[sflag:s3] =	ssyncset.done $0x0  }
0x194: {  	[sflag:s3] =	ssyncadd.s32 $0xFFFFEC00  }
0x195: {  	[spmem:s14] =	stream.indirect.scatter.add.f32 [tilespmem:s10], [sflag:$0x10], $0x80, s7, s22, $0xb8;
	[tilespmem:$0x1CA80] =	vst v63  }
0x196: {  	s25 =	simm.s32 $0x5600;
	s10 =	simm.s32 $0xE  }
0x197: {  	[spmem:s14] =	stream.indirect.scatter.add.f32 [tilespmem:s25], [sflag:$0x12], $0x80, s7, s22, $0xb8;
	[tilespmem:$0x1CA80] =	vst v63  }
0x198: {  	_ =	swait.ge [sflag:s10], $0x1400  }
0x199: {  	[sflag:s10] =	ssyncset.done $0x0  }
0x19a: {  	[sflag:s10] =	ssyncadd.s32 $0xFFFFEC00  }
0x19b: {  	_ =	swait.ge [sflag:s12], $0x1400  }
0x19c: {  	s7 =	sld [smem:$0x7F8]  }
0x19d: {  	[sflag:s12] =	ssyncset.done $0x0  }
0x19e: {  	s10 =	simm.s32 $0x200;
	s4 =	sld [smem:$0x7FA];
	[sflag:s12] =	ssyncadd.s32 $0xFFFFEC00  }
0x19f: {  	[tilespmem:s10], [sflag:$0x5] =	stream.linear.gather [hbm4b:s7+s2], $0x28, $0x38;
	[tilespmem:$0x1CA80] =	vst v63  }
0x1a0: {  	s7 =	simm.s32 $0x500  }
0x1a1: {  	[tilespmem:s7], [sflag:$0x5] =	stream.linear.gather [hbm4b:s4+s2], $0x28, $0x38;
	[tilespmem:$0x1CA80] =	vst v63  }
0x1a2: {  	_ =	swait.ge [sflag:s26], $0x28  }
0x1a3: {  	[sflag:s26] =	ssyncset.done $0x0  }
0x1a4: {  	[sflag:s26] =	ssyncadd.s32 $0xFFFFFFD8  }
0x1a5: {  	_ =	swait.ge [sflag:s26], $0x28  }
0x1a6: {  	[sflag:s26] =	ssyncset.done $0x0  }
0x1a7: {  	[sflag:s26] =	ssyncadd.s32 $0xFFFFFFD8  }
0x1a8: {  	[tilespmem:s24], [sflag:$0x7] =	stream.indirect.gather [hbm4b:s5+s22], $0x80, s15, s22, $0xb8;
	[tilespmem:$0x1CA80] =	vst v63  }
0x1a9: {  	s15 =	sld [smem:$0x7CE];
	_ =	sdelay $0x1  }
0x1aa: {  	s7 =	simm.s32 $0xA  }
0x1ab: {  	[tilespmem:s17], [sflag:$0xD] =	stream.linear.gather [hbm4b:s15+s2], $0x1400, $0x38;
	[tilespmem:$0x1CA80] =	vst v63  }
0x1ac: {  	_ =	swait.ge [sflag:s7], $0x1400  }
0x1ad: {  	[sflag:s7] =	ssyncset.done $0x0  }
0x1ae: {  	[sflag:s7] =	ssyncadd.s32 $0xFFFFEC00  }
0x1af: {  	_ =	swait.ge [sflag:s20], $0x1400  }
0x1b0: {  	[sflag:s20] =	ssyncset.done $0x0  }
0x1b1: {  	[sflag:s20] =	ssyncadd.s32 $0xFFFFEC00  }
0x1b2: {  	[spmem:s14] =	stream.indirect.scatter.add.f32 [tilespmem:s8], [sflag:$0x11], $0x80, s29, s22, $0xb8;
	[tilespmem:$0x1CA80] =	vst v63  }
0x1b3: {  	s11 =	simm.s32 $0x6A00;
	s8 =	simm.s32 $0xF  }
0x1b4: {  	[spmem:s14] =	stream.indirect.scatter.add.f32 [tilespmem:s11], [sflag:$0x13], $0x80, s29, s22, $0xb8;
	[tilespmem:$0x1CA80] =	vst v63  }
0x1b5: {  	_ =	swait.ge [sflag:s8], $0x1400  }
0x1b6: {  	[sflag:s8] =	ssyncset.done $0x0  }
0x1b7: {  	[sflag:s8] =	ssyncadd.s32 $0xFFFFEC00  }
0x1b8: {  	_ =	swait.ge [sflag:s30], $0x1400  }
0x1b9: {  	s11 =	sld [smem:$0x7DE]  }
0x1ba: {  	[sflag:s30] =	ssyncset.done $0x0  }
0x1bb: {  	s15 =	simm.s32 $0x280;
	s8 =	sld [smem:$0x7DF];
	[sflag:s30] =	ssyncadd.s32 $0xFFFFEC00  }
0x1bc: {  	[tilespmem:s15], [sflag:$0x6] =	stream.linear.gather [hbm4b:s11+s2], $0x28, $0x38;
	[tilespmem:$0x1CA80] =	vst v63  }
0x1bd: {  	s11 =	simm.s32 $0x580  }
0x1be: {  	[tilespmem:s11], [sflag:$0x6] =	stream.linear.gather [hbm4b:s8+s2], $0x28, $0x38;
	[tilespmem:$0x1CA80] =	vst v63  }
0x1bf: {  	_ =	swait.ge [sflag:s18], $0x28  }
0x1c0: {  	[sflag:s18] =	ssyncset.done $0x0  }
0x1c1: {  	[sflag:s18] =	ssyncadd.s32 $0xFFFFFFD8  }
0x1c2: {  	_ =	swait.ge [sflag:s18], $0x28  }
0x1c3: {  	[sflag:s18] =	ssyncset.done $0x0  }
0x1c4: {  	s8 =	simm.s32 $0x1A00;
	s15 =	sld [smem:$0x7CF];
	[sflag:s18] =	ssyncadd.s32 $0xFFFFFFD8  }
0x1c5: {  	[tilespmem:s8], [sflag:$0x8] =	stream.indirect.gather [hbm4b:s5+s22], $0x80, s9, s22, $0xb8;
	[tilespmem:$0x1CA80] =	vst v63  }
0x1c6: {  	s25 =	simm.s32 $0x5600  }
0x1c7: {  	[tilespmem:s25], [sflag:$0xB] =	stream.linear.gather [hbm4b:s15+s2], $0x1400, $0x38;
	[tilespmem:$0x1CA80] =	vst v63  }
0x1c8: {  	s25 =	simm.s32 $0x7  }
0x1c9: {  	_ =	swait.ge [sflag:s25], $0x1400  }
0x1ca: {  	[sflag:s25] =	ssyncset.done $0x0  }
0x1cb: {  	[sflag:s25] =	ssyncadd.s32 $0xFFFFEC00  }
0x1cc: {  	_ =	swait.ge [sflag:s0], $0x1400  }
0x1cd: {  	[sflag:s0] =	ssyncset.done $0x0  }
0x1ce: {  	[sflag:s0] =	ssyncadd.s32 $0xFFFFEC00  }
0x1cf: {  	[spmem:s14] =	stream.indirect.scatter.add.f32 [tilespmem:s24], [sflag:$0xE], $0x80, s31, s22, $0xb8;
	[tilespmem:$0x1CA80] =	vst v63  }
0x1d0: {  	_ = 	snop  }
0x1d1: {  	[spmem:s14] =	stream.indirect.scatter.add.f32 [tilespmem:s17], [sflag:$0x14], $0x80, s31, s22, $0xb8;
	[tilespmem:$0x1CA80] =	vst v63  }
0x1d2: {  	_ =	swait.ge [sflag:s16], $0x1400  }
0x1d3: {  	[sflag:s16] =	ssyncset.done $0x0  }
0x1d4: {  	s4 =	sld [smem:$0x7E2];
	[sflag:s16] =	ssyncadd.s32 $0xFFFFEC00  }
0x1d5: {  	_ =	swait.ge [sflag:s6], $0x1400  }
0x1d6: {  	[sflag:s6] =	ssyncset.done $0x0  }
0x1d7: {  	s2 =	sadd.s32 $0xFFFFFE48, s4;
	[sflag:s6] =	ssyncadd.s32 $0xFFFFEC00  }
0x1d8: {  	s2 =	sshrl.u32 s2, $0x3;
	s7 =	rddreg [dreg:$0x1]  }
0x1d9: {  	s4 =	rddreg [dreg:$0x18];
	s2 =	sadd.s32 s7, s2  }
0x1da: {  	[tilespmem:s1], [sflag:$0x1] =	stream.linear.gather [hbm4b:s2+s1], $0x28, $0x38;
	[tilespmem:$0x1CA80] =	vst v63  }
0x1db: {  	s11 =	simm.s32 $0x300;
	s7 =	sadd.s32 $0x0, s4  }
0x1dc: {  	[tilespmem:s11], [sflag:$0x1] =	stream.linear.gather [hbm4b:s7+s1], $0x28, $0x38;
	[tilespmem:$0x1CA80] =	vst v63  }
0x1dd: {  	_ =	swait.ge [sflag:s19], $0x28  }
0x1de: {  	[sflag:s19] =	ssyncset.done $0x0  }
0x1df: {  	[sflag:s19] =	ssyncadd.s32 $0xFFFFFFD8  }
0x1e0: {  	_ =	swait.ge [sflag:s19], $0x28  }
0x1e1: {  	[sflag:s19] =	ssyncset.done $0x0;
	s15 =	sld [smem:$0x7E3]  }
0x1e2: {  	s7 =	simm.s32 $0x2E00;
	[sflag:s19] =	ssyncadd.s32 $0xFFFFFFD8  }
0x1e3: {  	[tilespmem:s7], [sflag:$0x9] =	stream.indirect.gather [hbm4b:s5+s22], $0x80, s10, s22, $0xb8;
	[tilespmem:$0x1CA80] =	vst v63  }
0x1e4: {  	s4 =	simm.s32 $0x8;
	s10 =	simm.s32 $0x6A00;
	s11 =	sadd.s32 $0xFFFFE480, s15  }
0x1e5: {  	[tilespmem:s10], [sflag:$0xC] =	stream.linear.gather [hbm4b:s11+s1], $0x1400, $0x38;
	[tilespmem:$0x1CA80] =	vst v63  }
0x1e6: {  	_ =	swait.ge [sflag:s4], $0x1400  }
0x1e7: {  	[sflag:s4] =	ssyncset.done $0x0  }
0x1e8: {  	[sflag:s4] =	ssyncadd.s32 $0xFFFFEC00  }
0x1e9: {  	_ =	swait.ge [sflag:s3], $0x1400  }
0x1ea: {  	[sflag:s3] =	ssyncset.done $0x0  }
0x1eb: {  	s11 =	simm.s32 $0x480;
	[sflag:s3] =	ssyncadd.s32 $0xFFFFEC00  }
0x1ec: {  	[spmem:s14] =	stream.indirect.scatter.add.f32 [tilespmem:s8], [sflag:$0xF], $0x80, s11, s22, $0xb8;
	[tilespmem:$0x1CA80] =	vst v63  }
0x1ed: {  	s9 =	simm.s32 $0x5600  }
0x1ee: {  	[spmem:s14] =	stream.indirect.scatter.add.f32 [tilespmem:s9], [sflag:$0x12], $0x80, s11, s22, $0xb8;
	[tilespmem:$0x1CA80] =	vst v63  }
0x1ef: {  	_ =	swait.ge [sflag:s23], $0x1400  }
0x1f0: {  	[sflag:s23] =	ssyncset.done $0x0  }
0x1f1: {  	[sflag:s23] =	ssyncadd.s32 $0xFFFFEC00  }
0x1f2: {  	_ =	swait.ge [sflag:s12], $0x1400  }
0x1f3: {  	s9 =	simm.s32 $0x80;
	s4 =	rddreg [dreg:$0x17];
	[sflag:s12] =	ssyncset.done $0x0  }
0x1f4: {  	s8 =	rddreg [dreg:$0x16];
	[sflag:s12] =	ssyncadd.s32 $0xFFFFEC00;
	s2 =	sadd.s32 $0x0, s4  }
0x1f5: {  	[tilespmem:s9], [sflag:$0x2] =	stream.linear.gather [hbm4b:s2+s1], $0x28, $0x38;
	[tilespmem:$0x1CA80] =	vst v63  }
0x1f6: {  	s8 =	sadd.s32 $0x0, s8  }
0x1f7: {  	[tilespmem:s29], [sflag:$0x2] =	stream.linear.gather [hbm4b:s8+s1], $0x28, $0x38;
	[tilespmem:$0x1CA80] =	vst v63  }
0x1f8: {  	_ =	swait.ge [sflag:s28], $0x28  }
0x1f9: {  	[sflag:s28] =	ssyncset.done $0x0  }
0x1fa: {  	[sflag:s28] =	ssyncadd.s32 $0xFFFFFFD8  }
0x1fb: {  	_ =	swait.ge [sflag:s28], $0x28  }
0x1fc: {  	[sflag:s28] =	ssyncset.done $0x0  }
0x1fd: {  	s4 =	simm.s32 $0x280;
	s8 =	simm.s32 $0x4200;
	[sflag:s28] =	ssyncadd.s32 $0xFFFFFFD8  }
0x1fe: {  	[tilespmem:s8], [sflag:$0xA] =	stream.indirect.gather [hbm4b:s5+s22], $0x80, s4, s22, $0xb8;
	[tilespmem:$0x1CA80] =	vst v63  }
0x1ff: {  	s4 =	sadd.s32 $0xFFFFE700, s15  }
0x200: {  	[tilespmem:s17], [sflag:$0xD] =	stream.linear.gather [hbm4b:s4+s1], $0x1400, $0x38;
	[tilespmem:$0x1CA80] =	vst v63  }
0x201: {  	s4 =	simm.s32 $0x9  }
0x202: {  	_ =	swait.ge [sflag:s4], $0x1400  }
0x203: {  	[sflag:s4] =	ssyncset.done $0x0  }
0x204: {  	[sflag:s4] =	ssyncadd.s32 $0xFFFFEC00  }
0x205: {  	_ =	swait.ge [sflag:s20], $0x1400  }
0x206: {  	[sflag:s20] =	ssyncset.done $0x0  }
0x207: {  	s4 =	simm.s32 $0x500;
	[sflag:s20] =	ssyncadd.s32 $0xFFFFEC00  }
0x208: {  	[spmem:s14] =	stream.indirect.scatter.add.f32 [tilespmem:s7], [sflag:$0x10], $0x80, s4, s22, $0xb8;
	[tilespmem:$0x1CA80] =	vst v63  }
0x209: {  	_ = 	snop  }
0x20a: {  	[spmem:s14] =	stream.indirect.scatter.add.f32 [tilespmem:s10], [sflag:$0x13], $0x80, s4, s22, $0xb8;
	[tilespmem:$0x1CA80] =	vst v63  }
0x20b: {  	s10 =	simm.s32 $0xE  }
0x20c: {  	_ =	swait.ge [sflag:s10], $0x1400  }
0x20d: {  	[sflag:s10] =	ssyncset.done $0x0  }
0x20e: {  	[sflag:s10] =	ssyncadd.s32 $0xFFFFEC00  }
0x20f: {  	_ =	swait.ge [sflag:s30], $0x1400  }
0x210: {  	s10 =	simm.s32 $0x100;
	s4 =	rddreg [dreg:$0x15];
	[sflag:s30] =	ssyncset.done $0x0  }
0x211: {  	s7 =	rddreg [dreg:$0x14];
	[sflag:s30] =	ssyncadd.s32 $0xFFFFEC00;
	s2 =	sadd.s32 $0x0, s4  }
0x212: {  	[tilespmem:s10], [sflag:$0x3] =	stream.linear.gather [hbm4b:s2+s1], $0x28, $0x38;
	[tilespmem:$0x1CA80] =	vst v63  }
0x213: {  	s4 =	sadd.s32 $0x0, s7  }
0x214: {  	[tilespmem:s31], [sflag:$0x3] =	stream.linear.gather [hbm4b:s4+s1], $0x28, $0x38;
	[tilespmem:$0x1CA80] =	vst v63  }
0x215: {  	_ =	swait.ge [sflag:s21], $0x28  }
0x216: {  	[sflag:s21] =	ssyncset.done $0x0  }
0x217: {  	[sflag:s21] =	ssyncadd.s32 $0xFFFFFFD8  }
0x218: {  	_ =	swait.ge [sflag:s21], $0x28  }
0x219: {  	[sflag:s21] =	ssyncset.done $0x0  }
0x21a: {  	[sflag:s21] =	ssyncadd.s32 $0xFFFFFFD8  }
0x21b: {  	[tilespmem:s24], [sflag:$0x7] =	stream.indirect.gather [hbm4b:s5+s22], $0x80, s1, s22, $0xb8;
	[tilespmem:$0x1CA80] =	vst v63  }
0x21c: {  	s11 =	simm.s32 $0x5600;
	s7 =	sadd.s32 $0xFFFFE980, s15  }
0x21d: {  	[tilespmem:s11], [sflag:$0xB] =	stream.linear.gather [hbm4b:s7+s1], $0x1400, $0x38;
	[tilespmem:$0x1CA80] =	vst v63  }
0x21e: {  	s11 =	simm.s32 $0xA  }
0x21f: {  	_ =	swait.ge [sflag:s11], $0x1400  }
0x220: {  	[sflag:s11] =	ssyncset.done $0x0  }
0x221: {  	[sflag:s11] =	ssyncadd.s32 $0xFFFFEC00  }
0x222: {  	_ =	swait.ge [sflag:s0], $0x1400  }
0x223: {  	[sflag:s0] =	ssyncset.done $0x0  }
0x224: {  	s4 =	simm.s32 $0x580;
	[sflag:s0] =	ssyncadd.s32 $0xFFFFEC00  }
0x225: {  	[spmem:s14] =	stream.indirect.scatter.add.f32 [tilespmem:s8], [sflag:$0x11], $0x80, s4, s22, $0xb8;
	[tilespmem:$0x1CA80] =	vst v63  }
0x226: {  	s11 =	simm.s32 $0xF  }
0x227: {  	[spmem:s14] =	stream.indirect.scatter.add.f32 [tilespmem:s17], [sflag:$0x14], $0x80, s4, s22, $0xb8;
	[tilespmem:$0x1CA80] =	vst v63  }
0x228: {  	_ =	swait.ge [sflag:s11], $0x1400  }
0x229: {  	[sflag:s11] =	ssyncset.done $0x0  }
0x22a: {  	[sflag:s11] =	ssyncadd.s32 $0xFFFFEC00  }
0x22b: {  	_ =	swait.ge [sflag:s6], $0x1400  }
0x22c: {  	s11 =	simm.s32 $0x180;
	s4 =	rddreg [dreg:$0x13];
	[sflag:s6] =	ssyncset.done $0x0  }
0x22d: {  	s8 =	rddreg [dreg:$0x12];
	[sflag:s6] =	ssyncadd.s32 $0xFFFFEC00;
	s2 =	sadd.s32 $0x0, s4  }
0x22e: {  	[tilespmem:s11], [sflag:$0x4] =	stream.linear.gather [hbm4b:s2+s1], $0x28, $0x38;
	[tilespmem:$0x1CA80] =	vst v63  }
0x22f: {  	s4 =	sadd.s32 $0x0, s8;
	s8 =	simm.s32 $0x480  }
0x230: {  	[tilespmem:s8], [sflag:$0x4] =	stream.linear.gather [hbm4b:s4+s1], $0x28, $0x38;
	[tilespmem:$0x1CA80] =	vst v63  }
0x231: {  	_ =	swait.ge [sflag:s13], $0x28  }
0x232: {  	[sflag:s13] =	ssyncset.done $0x0  }
0x233: {  	[sflag:s13] =	ssyncadd.s32 $0xFFFFFFD8  }
0x234: {  	_ =	swait.ge [sflag:s13], $0x28  }
0x235: {  	[sflag:s13] =	ssyncset.done $0x0  }
0x236: {  	s8 =	simm.s32 $0x1A00;
	[sflag:s13] =	ssyncadd.s32 $0xFFFFFFD8  }
0x237: {  	[tilespmem:s8], [sflag:$0x8] =	stream.indirect.gather [hbm4b:s5+s22], $0x80, s9, s22, $0xb8;
	[tilespmem:$0x1CA80] =	vst v63  }
0x238: {  	s25 =	simm.s32 $0x7;
	s4 =	sadd.s32 $0xFFFFEC00, s15;
	s9 =	simm.s32 $0x6A00  }
0x239: {  	[tilespmem:s9], [sflag:$0xC] =	stream.linear.gather [hbm4b:s4+s1], $0x1400, $0x38;
	[tilespmem:$0x1CA80] =	vst v63  }
0x23a: {  	_ =	swait.ge [sflag:s25], $0x1400  }
0x23b: {  	[sflag:s25] =	ssyncset.done $0x0  }
0x23c: {  	[sflag:s25] =	ssyncadd.s32 $0xFFFFEC00  }
0x23d: {  	_ =	swait.ge [sflag:s3], $0x1400  }
0x23e: {  	[sflag:s3] =	ssyncset.done $0x0  }
0x23f: {  	s4 =	simm.s32 $0x300;
	[sflag:s3] =	ssyncadd.s32 $0xFFFFEC00  }
0x240: {  	[spmem:s14] =	stream.indirect.scatter.add.f32 [tilespmem:s24], [sflag:$0xE], $0x80, s4, s22, $0xb8;
	[tilespmem:$0x1CA80] =	vst v63  }
0x241: {  	s7 =	simm.s32 $0x5600  }
0x242: {  	[spmem:s14] =	stream.indirect.scatter.add.f32 [tilespmem:s7], [sflag:$0x12], $0x80, s4, s22, $0xb8;
	[tilespmem:$0x1CA80] =	vst v63  }
0x243: {  	_ =	swait.ge [sflag:s16], $0x1400  }
0x244: {  	[sflag:s16] =	ssyncset.done $0x0  }
0x245: {  	[sflag:s16] =	ssyncadd.s32 $0xFFFFEC00  }
0x246: {  	_ =	swait.ge [sflag:s12], $0x1400  }
0x247: {  	s7 =	rddreg [dreg:$0x11]  }
0x248: {  	[sflag:s12] =	ssyncset.done $0x0;
	s25 =	rddreg [dreg:$0x10]  }
0x249: {  	[sflag:s12] =	ssyncadd.s32 $0xFFFFEC00;
	s2 =	sadd.s32 $0x0, s7;
	s7 =	simm.s32 $0x200  }
0x24a: {  	[tilespmem:s7], [sflag:$0x5] =	stream.linear.gather [hbm4b:s2+s1], $0x28, $0x38;
	[tilespmem:$0x1CA80] =	vst v63  }
0x24b: {  	s4 =	sadd.s32 $0x0, s25;
	s25 =	simm.s32 $0x500  }
0x24c: {  	[tilespmem:s25], [sflag:$0x5] =	stream.linear.gather [hbm4b:s4+s1], $0x28, $0x38;
	[tilespmem:$0x1CA80] =	vst v63  }
0x24d: {  	_ =	swait.ge [sflag:s26], $0x28  }
0x24e: {  	[sflag:s26] =	ssyncset.done $0x0  }
0x24f: {  	[sflag:s26] =	ssyncadd.s32 $0xFFFFFFD8  }
0x250: {  	_ =	swait.ge [sflag:s26], $0x28  }
0x251: {  	[sflag:s26] =	ssyncset.done $0x0  }
0x252: {  	s25 =	simm.s32 $0x2E00;
	[sflag:s26] =	ssyncadd.s32 $0xFFFFFFD8  }
0x253: {  	[tilespmem:s25], [sflag:$0x9] =	stream.indirect.gather [hbm4b:s5+s22], $0x80, s10, s22, $0xb8;
	[tilespmem:$0x1CA80] =	vst v63  }
0x254: {  	s4 =	sadd.s32 $0xFFFFEE80, s15;
	s25 =	simm.s32 $0x8  }
0x255: {  	[tilespmem:s17], [sflag:$0xD] =	stream.linear.gather [hbm4b:s4+s1], $0x1400, $0x38;
	[tilespmem:$0x1CA80] =	vst v63  }
0x256: {  	_ =	swait.ge [sflag:s25], $0x1400  }
0x257: {  	[sflag:s25] =	ssyncset.done $0x0  }
0x258: {  	[sflag:s25] =	ssyncadd.s32 $0xFFFFEC00  }
0x259: {  	_ =	swait.ge [sflag:s20], $0x1400  }
0x25a: {  	[sflag:s20] =	ssyncset.done $0x0  }
0x25b: {  	s8 =	simm.s32 $0x1A00;
	[sflag:s20] =	ssyncadd.s32 $0xFFFFEC00  }
0x25c: {  	[spmem:s14] =	stream.indirect.scatter.add.f32 [tilespmem:s8], [sflag:$0xF], $0x80, s29, s22, $0xb8;
	[tilespmem:$0x1CA80] =	vst v63  }
0x25d: {  	s9 =	simm.s32 $0x6A00  }
0x25e: {  	[spmem:s14] =	stream.indirect.scatter.add.f32 [tilespmem:s9], [sflag:$0x13], $0x80, s29, s22, $0xb8;
	[tilespmem:$0x1CA80] =	vst v63  }
0x25f: {  	_ =	swait.ge [sflag:s23], $0x1400  }
0x260: {  	[sflag:s23] =	ssyncset.done $0x0  }
0x261: {  	[sflag:s23] =	ssyncadd.s32 $0xFFFFEC00  }
0x262: {  	_ =	swait.ge [sflag:s30], $0x1400  }
0x263: {  	s9 =	simm.s32 $0x280;
	s4 =	rddreg [dreg:$0xf];
	[sflag:s30] =	ssyncset.done $0x0  }
0x264: {  	s8 =	rddreg [dreg:$0xe];
	[sflag:s30] =	ssyncadd.s32 $0xFFFFEC00;
	s2 =	sadd.s32 $0x0, s4  }
0x265: {  	[tilespmem:s9], [sflag:$0x6] =	stream.linear.gather [hbm4b:s2+s1], $0x28, $0x38;
	[tilespmem:$0x1CA80] =	vst v63  }
0x266: {  	s4 =	sadd.s32 $0x0, s8;
	s8 =	simm.s32 $0x580  }
0x267: {  	[tilespmem:s8], [sflag:$0x6] =	stream.linear.gather [hbm4b:s4+s1], $0x28, $0x38;
	[tilespmem:$0x1CA80] =	vst v63  }
0x268: {  	_ =	swait.ge [sflag:s18], $0x28  }
0x269: {  	[sflag:s18] =	ssyncset.done $0x0  }
0x26a: {  	[sflag:s18] =	ssyncadd.s32 $0xFFFFFFD8  }
0x26b: {  	_ =	swait.ge [sflag:s18], $0x28  }
0x26c: {  	[sflag:s18] =	ssyncset.done $0x0  }
0x26d: {  	s8 =	simm.s32 $0x4200;
	[sflag:s18] =	ssyncadd.s32 $0xFFFFFFD8  }
0x26e: {  	[tilespmem:s8], [sflag:$0xA] =	stream.indirect.gather [hbm4b:s5+s22], $0x80, s11, s22, $0xb8;
	[tilespmem:$0x1CA80] =	vst v63  }
0x26f: {  	s4 =	sadd.s32 $0xFFFFF100, s15;
	s8 =	simm.s32 $0x5600  }
0x270: {  	[tilespmem:s8], [sflag:$0xB] =	stream.linear.gather [hbm4b:s4+s1], $0x1400, $0x38;
	[tilespmem:$0x1CA80] =	vst v63  }
0x271: {  	s4 =	simm.s32 $0x9  }
0x272: {  	_ =	swait.ge [sflag:s4], $0x1400  }
0x273: {  	[sflag:s4] =	ssyncset.done $0x0  }
0x274: {  	[sflag:s4] =	ssyncadd.s32 $0xFFFFEC00  }
0x275: {  	_ =	swait.ge [sflag:s0], $0x1400  }
0x276: {  	[sflag:s0] =	ssyncset.done $0x0  }
0x277: {  	s10 =	simm.s32 $0x2E00;
	[sflag:s0] =	ssyncadd.s32 $0xFFFFEC00  }
0x278: {  	[spmem:s14] =	stream.indirect.scatter.add.f32 [tilespmem:s10], [sflag:$0x10], $0x80, s31, s22, $0xb8;
	[tilespmem:$0x1CA80] =	vst v63  }
0x279: {  	s10 =	simm.s32 $0xE  }
0x27a: {  	[spmem:s14] =	stream.indirect.scatter.add.f32 [tilespmem:s17], [sflag:$0x14], $0x80, s31, s22, $0xb8;
	[tilespmem:$0x1CA80] =	vst v63  }
0x27b: {  	_ =	swait.ge [sflag:s10], $0x1400  }
0x27c: {  	[sflag:s10] =	ssyncset.done $0x0  }
0x27d: {  	[sflag:s10] =	ssyncadd.s32 $0xFFFFEC00  }
0x27e: {  	_ =	swait.ge [sflag:s6], $0x1400  }
0x27f: {  	s4 =	rddreg [dreg:$0xd];
	[sflag:s6] =	ssyncset.done $0x0  }
0x280: {  	s10 =	rddreg [dreg:$0xc];
	[sflag:s6] =	ssyncadd.s32 $0xFFFFEC00;
	s2 =	sadd.s32 $0x0, s4  }
0x281: {  	[tilespmem:s1], [sflag:$0x1] =	stream.linear.gather [hbm4b:s2+s1], $0x28, $0x38;
	[tilespmem:$0x1CA80] =	vst v63  }
0x282: {  	s4 =	sadd.s32 $0x0, s10;
	s10 =	simm.s32 $0x300  }
0x283: {  	[tilespmem:s10], [sflag:$0x1] =	stream.linear.gather [hbm4b:s4+s1], $0x28, $0x38;
	[tilespmem:$0x1CA80] =	vst v63  }
0x284: {  	_ =	swait.ge [sflag:s19], $0x28  }
0x285: {  	[sflag:s19] =	ssyncset.done $0x0  }
0x286: {  	[sflag:s19] =	ssyncadd.s32 $0xFFFFFFD8  }
0x287: {  	_ =	swait.ge [sflag:s19], $0x28  }
0x288: {  	[sflag:s19] =	ssyncset.done $0x0  }
0x289: {  	[sflag:s19] =	ssyncadd.s32 $0xFFFFFFD8  }
0x28a: {  	[tilespmem:s24], [sflag:$0x7] =	stream.indirect.gather [hbm4b:s5+s22], $0x80, s7, s22, $0xb8;
	[tilespmem:$0x1CA80] =	vst v63  }
0x28b: {  	s10 =	simm.s32 $0x6A00;
	s19 =	simm.s32 $0xA;
	s7 =	sadd.s32 $0xFFFFF380, s15  }
0x28c: {  	[tilespmem:s10], [sflag:$0xC] =	stream.linear.gather [hbm4b:s7+s1], $0x1400, $0x38;
	[tilespmem:$0x1CA80] =	vst v63  }
0x28d: {  	_ =	swait.ge [sflag:s19], $0x1400  }
0x28e: {  	[sflag:s19] =	ssyncset.done $0x0  }
0x28f: {  	[sflag:s19] =	ssyncadd.s32 $0xFFFFEC00  }
0x290: {  	_ =	swait.ge [sflag:s3], $0x1400  }
0x291: {  	[sflag:s3] =	ssyncset.done $0x0  }
0x292: {  	s11 =	simm.s32 $0x4200;
	s4 =	simm.s32 $0x480;
	[sflag:s3] =	ssyncadd.s32 $0xFFFFEC00  }
0x293: {  	[spmem:s14] =	stream.indirect.scatter.add.f32 [tilespmem:s11], [sflag:$0x11], $0x80, s4, s22, $0xb8;
	[tilespmem:$0x1CA80] =	vst v63  }
0x294: {  	s8 =	simm.s32 $0x5600;
	s7 =	simm.s32 $0xF  }
0x295: {  	[spmem:s14] =	stream.indirect.scatter.add.f32 [tilespmem:s8], [sflag:$0x12], $0x80, s4, s22, $0xb8;
	[tilespmem:$0x1CA80] =	vst v63  }
0x296: {  	_ =	swait.ge [sflag:s7], $0x1400  }
0x297: {  	[sflag:s7] =	ssyncset.done $0x0  }
0x298: {  	[sflag:s7] =	ssyncadd.s32 $0xFFFFEC00  }
0x299: {  	_ =	swait.ge [sflag:s12], $0x1400  }
0x29a: {  	s8 =	rddreg [dreg:$0xb]  }
0x29b: {  	[sflag:s12] =	ssyncset.done $0x0;
	s19 =	rddreg [dreg:$0xa]  }
0x29c: {  	[sflag:s12] =	ssyncadd.s32 $0xFFFFEC00;
	s2 =	sadd.s32 $0x0, s8;
	s8 =	simm.s32 $0x80  }
0x29d: {  	[tilespmem:s8], [sflag:$0x2] =	stream.linear.gather [hbm4b:s2+s1], $0x28, $0x38;
	[tilespmem:$0x1CA80] =	vst v63  }
0x29e: {  	s7 =	sadd.s32 $0x0, s19  }
0x29f: {  	[tilespmem:s29], [sflag:$0x2] =	stream.linear.gather [hbm4b:s7+s1], $0x28, $0x38;
	[tilespmem:$0x1CA80] =	vst v63  }
0x2a0: {  	_ =	swait.ge [sflag:s28], $0x28  }
0x2a1: {  	[sflag:s28] =	ssyncset.done $0x0  }
0x2a2: {  	[sflag:s28] =	ssyncadd.s32 $0xFFFFFFD8  }
0x2a3: {  	_ =	swait.ge [sflag:s28], $0x28  }
0x2a4: {  	[sflag:s28] =	ssyncset.done $0x0  }
0x2a5: {  	s7 =	simm.s32 $0x1A00;
	[sflag:s28] =	ssyncadd.s32 $0xFFFFFFD8  }
0x2a6: {  	[tilespmem:s7], [sflag:$0x8] =	stream.indirect.gather [hbm4b:s5+s22], $0x80, s9, s22, $0xb8;
	[tilespmem:$0x1CA80] =	vst v63  }
0x2a7: {  	s19 =	sadd.s32 $0xFFFFF600, s15;
	s28 =	simm.s32 $0x7  }
0x2a8: {  	[tilespmem:s17], [sflag:$0xD] =	stream.linear.gather [hbm4b:s19+s1], $0x1400, $0x38;
	[tilespmem:$0x1CA80] =	vst v63  }
0x2a9: {  	_ =	swait.ge [sflag:s28], $0x1400  }
0x2aa: {  	[sflag:s28] =	ssyncset.done $0x0  }
0x2ab: {  	[sflag:s28] =	ssyncadd.s32 $0xFFFFEC00  }
0x2ac: {  	_ =	swait.ge [sflag:s20], $0x1400  }
0x2ad: {  	[sflag:s20] =	ssyncset.done $0x0  }
0x2ae: {  	s4 =	simm.s32 $0x500;
	[sflag:s20] =	ssyncadd.s32 $0xFFFFEC00  }
0x2af: {  	[spmem:s14] =	stream.indirect.scatter.add.f32 [tilespmem:s24], [sflag:$0xE], $0x80, s4, s22, $0xb8;
	[tilespmem:$0x1CA80] =	vst v63  }
0x2b0: {  	_ = 	snop  }
0x2b1: {  	[spmem:s14] =	stream.indirect.scatter.add.f32 [tilespmem:s10], [sflag:$0x13], $0x80, s4, s22, $0xb8;
	[tilespmem:$0x1CA80] =	vst v63  }
0x2b2: {  	_ =	swait.ge [sflag:s16], $0x1400  }
0x2b3: {  	[sflag:s16] =	ssyncset.done $0x0  }
0x2b4: {  	[sflag:s16] =	ssyncadd.s32 $0xFFFFEC00  }
0x2b5: {  	_ =	swait.ge [sflag:s30], $0x1400  }
0x2b6: {  	s28 =	simm.s32 $0x100;
	s9 =	rddreg [dreg:$0x9];
	[sflag:s30] =	ssyncset.done $0x0  }
0x2b7: {  	s16 =	rddreg [dreg:$0x8];
	[sflag:s30] =	ssyncadd.s32 $0xFFFFEC00;
	s2 =	sadd.s32 $0x0, s9  }
0x2b8: {  	[tilespmem:s28], [sflag:$0x3] =	stream.linear.gather [hbm4b:s2+s1], $0x28, $0x38;
	[tilespmem:$0x1CA80] =	vst v63  }
0x2b9: {  	s9 =	sadd.s32 $0x0, s16  }
0x2ba: {  	[tilespmem:s31], [sflag:$0x3] =	stream.linear.gather [hbm4b:s9+s1], $0x28, $0x38;
	[tilespmem:$0x1CA80] =	vst v63  }
0x2bb: {  	_ =	swait.ge [sflag:s21], $0x28  }
0x2bc: {  	[sflag:s21] =	ssyncset.done $0x0  }
0x2bd: {  	[sflag:s21] =	ssyncadd.s32 $0xFFFFFFD8  }
0x2be: {  	_ =	swait.ge [sflag:s21], $0x28  }
0x2bf: {  	[sflag:s21] =	ssyncset.done $0x0  }
0x2c0: {  	[sflag:s21] =	ssyncadd.s32 $0xFFFFFFD8;
	s21 =	simm.s32 $0x2E00  }
0x2c1: {  	[tilespmem:s21], [sflag:$0x9] =	stream.indirect.gather [hbm4b:s5+s22], $0x80, s1, s22, $0xb8;
	[tilespmem:$0x1CA80] =	vst v63  }
0x2c2: {  	s25 =	simm.s32 $0x8;
	s11 =	simm.s32 $0x5600;
	s16 =	sadd.s32 $0xFFFFF880, s15  }
0x2c3: {  	[tilespmem:s11], [sflag:$0xB] =	stream.linear.gather [hbm4b:s16+s1], $0x1400, $0x38;
	[tilespmem:$0x1CA80] =	vst v63  }
0x2c4: {  	_ =	swait.ge [sflag:s25], $0x1400  }
0x2c5: {  	[sflag:s25] =	ssyncset.done $0x0  }
0x2c6: {  	[sflag:s25] =	ssyncadd.s32 $0xFFFFEC00  }
0x2c7: {  	_ =	swait.ge [sflag:s0], $0x1400  }
0x2c8: {  	[sflag:s0] =	ssyncset.done $0x0  }
0x2c9: {  	s4 =	simm.s32 $0x580;
	[sflag:s0] =	ssyncadd.s32 $0xFFFFEC00  }
0x2ca: {  	[spmem:s14] =	stream.indirect.scatter.add.f32 [tilespmem:s7], [sflag:$0xF], $0x80, s4, s22, $0xb8;
	[tilespmem:$0x1CA80] =	vst v63  }
0x2cb: {  	_ = 	snop  }
0x2cc: {  	[spmem:s14] =	stream.indirect.scatter.add.f32 [tilespmem:s17], [sflag:$0x14], $0x80, s4, s22, $0xb8;
	[tilespmem:$0x1CA80] =	vst v63  }
0x2cd: {  	_ =	swait.ge [sflag:s23], $0x1400  }
0x2ce: {  	[sflag:s23] =	ssyncset.done $0x0  }
0x2cf: {  	[sflag:s23] =	ssyncadd.s32 $0xFFFFEC00  }
0x2d0: {  	_ =	swait.ge [sflag:s6], $0x1400  }
0x2d1: {  	s9 =	rddreg [dreg:$0x7]  }
0x2d2: {  	[sflag:s6] =	ssyncset.done $0x0;
	s11 =	rddreg [dreg:$0x6]  }
0x2d3: {  	[sflag:s6] =	ssyncadd.s32 $0xFFFFEC00;
	s2 =	sadd.s32 $0x0, s9;
	s6 =	simm.s32 $0x180  }
0x2d4: {  	[tilespmem:s6], [sflag:$0x4] =	stream.linear.gather [hbm4b:s2+s1], $0x28, $0x38;
	[tilespmem:$0x1CA80] =	vst v63  }
0x2d5: {  	s25 =	simm.s32 $0x480;
	s23 =	sadd.s32 $0x0, s11  }
0x2d6: {  	[tilespmem:s25], [sflag:$0x4] =	stream.linear.gather [hbm4b:s23+s1], $0x28, $0x38;
	[tilespmem:$0x1CA80] =	vst v63  }
0x2d7: {  	_ =	swait.ge [sflag:s13], $0x28  }
0x2d8: {  	[sflag:s13] =	ssyncset.done $0x0  }
0x2d9: {  	[sflag:s13] =	ssyncadd.s32 $0xFFFFFFD8  }
0x2da: {  	_ =	swait.ge [sflag:s13], $0x28  }
0x2db: {  	[sflag:s13] =	ssyncset.done $0x0  }
0x2dc: {  	s4 =	simm.s32 $0x4200;
	[sflag:s13] =	ssyncadd.s32 $0xFFFFFFD8  }
0x2dd: {  	[tilespmem:s4], [sflag:$0xA] =	stream.indirect.gather [hbm4b:s5+s22], $0x80, s8, s22, $0xb8;
	[tilespmem:$0x1CA80] =	vst v63  }
0x2de: {  	s9 =	simm.s32 $0x9;
	s8 =	sadd.s32 $0xFFFFFB00, s15  }
0x2df: {  	[tilespmem:s10], [sflag:$0xC] =	stream.linear.gather [hbm4b:s8+s1], $0x1400, $0x38;
	[tilespmem:$0x1CA80] =	vst v63  }
0x2e0: {  	_ =	swait.ge [sflag:s9], $0x1400  }
0x2e1: {  	[sflag:s9] =	ssyncset.done $0x0  }
0x2e2: {  	[sflag:s9] =	ssyncadd.s32 $0xFFFFEC00  }
0x2e3: {  	_ =	swait.ge [sflag:s3], $0x1400  }
0x2e4: {  	[sflag:s3] =	ssyncset.done $0x0  }
0x2e5: {  	s11 =	simm.s32 $0x300;
	[sflag:s3] =	ssyncadd.s32 $0xFFFFEC00  }
0x2e6: {  	[spmem:s14] =	stream.indirect.scatter.add.f32 [tilespmem:s21], [sflag:$0x10], $0x80, s11, s22, $0xb8;
	[tilespmem:$0x1CA80] =	vst v63  }
0x2e7: {  	s13 =	simm.s32 $0x5600;
	s8 =	simm.s32 $0xE  }
0x2e8: {  	[spmem:s14] =	stream.indirect.scatter.add.f32 [tilespmem:s13], [sflag:$0x12], $0x80, s11, s22, $0xb8;
	[tilespmem:$0x1CA80] =	vst v63  }
0x2e9: {  	_ =	swait.ge [sflag:s8], $0x1400  }
0x2ea: {  	[sflag:s8] =	ssyncset.done $0x0;
	s11 =	sld [smem:$0x7E2]  }
0x2eb: {  	[sflag:s8] =	ssyncadd.s32 $0xFFFFEC00  }
0x2ec: {  	_ =	swait.ge [sflag:s12], $0x1400  }
0x2ed: {  	p1 =	por $0x0, $0x0;
	s2 =	sadd.s32 $0xFFFFFFD8, s11;
	[sflag:s12] =	ssyncset.done $0x0  }
0x2ee: {  	s2 =	simm.s32 @p1 $0x0;
	[sflag:s12] =	ssyncadd.s32 $0xFFFFEC00  }
0x2ef: {  	s2 =	sshrl.u32 s2, $0x3;
	s12 =	rddreg [dreg:$0x1]  }
0x2f0: {  	s21 =	simm.s32 $0x200;
	s2 =	sadd.s32 s12, s2  }
0x2f1: {  	[tilespmem:s21], [sflag:$0x5] =	stream.linear.gather [hbm4b:s2+s1], $0x28, $0x38;
	[tilespmem:$0x1CA80] =	vst v63  }
0x2f2: {  	s23 =	simm.s32 $0x500;
	s2 =	sadd.s32 $0x9C40, s2  }
0x2f3: {  	[tilespmem:s23], [sflag:$0x5] =	stream.linear.gather [hbm4b:s2+s1], $0x28, $0x38;
	[tilespmem:$0x1CA80] =	vst v63  }
0x2f4: {  	_ =	swait.ge [sflag:s26], $0x28  }
0x2f5: {  	[sflag:s26] =	ssyncset.done $0x0  }
0x2f6: {  	[sflag:s26] =	ssyncadd.s32 $0xFFFFFFD8  }
0x2f7: {  	_ =	swait.ge [sflag:s26], $0x28  }
0x2f8: {  	[sflag:s26] =	ssyncset.done $0x0  }
0x2f9: {  	[sflag:s26] =	ssyncadd.s32 $0xFFFFFFD8  }
0x2fa: {  	[tilespmem:s24], [sflag:$0x7] =	stream.indirect.gather [hbm4b:s5+s22], $0x80, s28, s22, $0xb8;
	[tilespmem:$0x1CA80] =	vst v63  }
0x2fb: {  	s25 =	sadd.s32 $0xFFFFFD80, s15;
	s26 =	simm.s32 $0xA  }
0x2fc: {  	[tilespmem:s17], [sflag:$0xD] =	stream.linear.gather [hbm4b:s25+s1], $0x1400, $0x38;
	[tilespmem:$0x1CA80] =	vst v63  }
0x2fd: {  	_ =	swait.ge [sflag:s26], $0x1400  }
0x2fe: {  	[sflag:s26] =	ssyncset.done $0x0  }
0x2ff: {  	[sflag:s26] =	ssyncadd.s32 $0xFFFFEC00  }
0x300: {  	_ =	swait.ge [sflag:s20], $0x1400  }
0x301: {  	[sflag:s20] =	ssyncset.done $0x0  }
0x302: {  	[sflag:s20] =	ssyncadd.s32 $0xFFFFEC00  }
0x303: {  	[spmem:s14] =	stream.indirect.scatter.add.f32 [tilespmem:s4], [sflag:$0x11], $0x80, s29, s22, $0xb8;
	[tilespmem:$0x1CA80] =	vst v63  }
0x304: {  	s10 =	simm.s32 $0x6A00;
	s28 =	simm.s32 $0xF  }
0x305: {  	[spmem:s14] =	stream.indirect.scatter.add.f32 [tilespmem:s10], [sflag:$0x13], $0x80, s29, s22, $0xb8;
	[tilespmem:$0x1CA80] =	vst v63  }
0x306: {  	_ =	swait.ge [sflag:s28], $0x1400  }
0x307: {  	s29 =	simm.s32 $0xF;
	[sflag:s28] =	ssyncset.done $0x0  }
0x308: {  	s2 =	smov.u32 s11;
	[sflag:s29] =	ssyncadd.s32 $0xFFFFEC00  }
0x309: {  	s2 =	simm.s32 @p1 $0x0;
	_ =	swait.ge [sflag:s30], $0x1400  }
0x30a: {  	s2 =	sshrl.u32 s2, $0x3;
	[sflag:s30] =	ssyncset.done $0x0  }
0x30b: {  	s2 =	sadd.s32 s12, s2;
	[sflag:s30] =	ssyncadd.s32 $0xFFFFEC00;
	s30 =	simm.s32 $0x280  }
0x30c: {  	[tilespmem:s30], [sflag:$0x6] =	stream.linear.gather [hbm4b:s2+s1], $0x28, $0x38;
	[tilespmem:$0x1CA80] =	vst v63  }
0x30d: {  	s16 =	simm.s32 $0x580;
	s2 =	sadd.s32 $0x9C40, s2  }
0x30e: {  	[tilespmem:s16], [sflag:$0x6] =	stream.linear.gather [hbm4b:s2+s1], $0x28, $0x38;
	[tilespmem:$0x1CA80] =	vst v63  }
0x30f: {  	_ =	swait.ge [sflag:s18], $0x28  }
0x310: {  	[sflag:s18] =	ssyncset.done $0x0  }
0x311: {  	[sflag:s18] =	ssyncadd.s32 $0xFFFFFFD8  }
0x312: {  	_ =	swait.ge [sflag:s18], $0x28  }
0x313: {  	[sflag:s18] =	ssyncset.done $0x0  }
0x314: {  	s7 =	simm.s32 $0x1A00;
	[sflag:s18] =	ssyncadd.s32 $0xFFFFFFD8  }
0x315: {  	[tilespmem:s7], [sflag:$0x8] =	stream.indirect.gather [hbm4b:s5+s22], $0x80, s6, s22, $0xb8;
	[tilespmem:$0x1CA80] =	vst v63  }
0x316: {  	s19 =	simm.s32 $0x7  }
0x317: {  	[tilespmem:s13], [sflag:$0xB] =	stream.linear.gather [hbm4b:s15+s1], $0x1400, $0x38;
	[tilespmem:$0x1CA80] =	vst v63  }
0x318: {  	_ =	swait.ge [sflag:s19], $0x1400  }
0x319: {  	[sflag:s19] =	ssyncset.done $0x0  }
0x31a: {  	[sflag:s19] =	ssyncadd.s32 $0xFFFFEC00  }
0x31b: {  	_ =	swait.ge [sflag:s0], $0x1400  }
0x31c: {  	s9 =	smov.u32 s14;
	s4 =	sadd.s32 $0x1E0, s11;
	[sflag:s0] =	ssyncset.done $0x0  }
0x31d: {  	s7 =	sadd.s32 $0x1E00, s15;
	[sflag:s0] =	ssyncadd.s32 $0xFFFFEC00;
	s0 =	simm.s32 $0x3C  }
0x31e: {  	[spmem:s14] =	stream.indirect.scatter.add.f32 [tilespmem:s24], [sflag:$0xE], $0x80, s31, s22, $0xb8;
	[tilespmem:$0x1CA80] =	vst v63  }
.LBB2_4:
0x31f: {  	[spmem:s9] =	stream.indirect.scatter.add.f32 [tilespmem:s17], [sflag:$0x14], $0x80, s31, s22, $0xb8;
	[tilespmem:$0x1CA80] =	vst v63  }
0x320: {  	s16 =	simm.s32 $0x10  }
0x321: {  	_ =	swait.ge [sflag:s16], $0x1400  }
0x322: {  	s17 =	sadd.s32 $0x3C, s0;
	[sflag:s16] =	ssyncset.done $0x0  }
0x323: {  	s13 =	simm.s32 $0x13;
	[dreg:$0x19] =	wrdreg s17;
	[sflag:s16] =	ssyncadd.s32 $0xFFFFEC00  }
0x324: {  	_ =	swait.ge [sflag:s13], $0x1400  }
0x325: {  	[sflag:s13] =	ssyncset.done $0x0  }
0x326: {  	s23 =	sadd.s32 $0xFFFFFE48, s4;
	[sflag:s13] =	ssyncadd.s32 $0xFFFFEC00  }
0x327: {  	s23 =	sshrl.u32 s23, $0x3;
	s8 =	rddreg [dreg:$0x1]  }
0x328: {  	s15 =	smov.u32 s0;
	s29 =	rddreg [dreg:$0x18];
	s23 =	sadd.s32 s8, s23  }
0x329: {  	[tilespmem:s1], [sflag:$0x1] =	stream.linear.gather [hbm4b:s23+s1], $0x28, $0x38;
	[tilespmem:$0x1CA80] =	vst v63  }
0x32a: {  	s19 =	simm.s32 $0x300;
	s31 =	simm.s32 $0x5;
	s18 =	sadd.s32 s15, s29  }
0x32b: {  	[tilespmem:s19], [sflag:$0x1] =	stream.linear.gather [hbm4b:s18+s1], $0x28, $0x38;
	[tilespmem:$0x1CA80] =	vst v63  }
0x32c: {  	_ =	swait.ge [sflag:s31], $0x28  }
0x32d: {  	[sflag:s31] =	ssyncset.done $0x0  }
0x32e: {  	[sflag:s31] =	ssyncadd.s32 $0xFFFFFFD8  }
0x32f: {  	_ =	swait.ge [sflag:s31], $0x28  }
0x330: {  	[sflag:s31] =	ssyncset.done $0x0  }
0x331: {  	[sflag:s31] =	ssyncadd.s32 $0xFFFFFFD8  }
0x332: {  	s20 =	simm.s32 $0x200;
	s3 =	simm.s32 $0x2E00;
	s2 =	rddreg [dreg:$0x0]  }
0x333: {  	[tilespmem:s3], [sflag:$0x9] =	stream.indirect.gather [hbm4b:s2+s22], $0x80, s20, s22, $0xb8;
	[tilespmem:$0x1CA80] =	vst v63  }
0x334: {  	s28 =	simm.s32 $0x6A00;
	s21 =	sadd.s32 $0xFFFFE480, s7;
	s26 =	simm.s32 $0x8  }
0x335: {  	[tilespmem:s28], [sflag:$0xC] =	stream.linear.gather [hbm4b:s21+s1], $0x1400, $0x38;
	[tilespmem:$0x1CA80] =	vst v63  }
0x336: {  	_ =	swait.ge [sflag:s26], $0x1400  }
0x337: {  	[sflag:s26] =	ssyncset.done $0x0  }
0x338: {  	s20 =	simm.s32 $0xB;
	[sflag:s26] =	ssyncadd.s32 $0xFFFFEC00  }
0x339: {  	_ =	swait.ge [sflag:s20], $0x1400  }
0x33a: {  	[sflag:s20] =	ssyncset.done $0x0  }
0x33b: {  	s25 =	simm.s32 $0x1A00;
	s10 =	simm.s32 $0x480;
	[sflag:s20] =	ssyncadd.s32 $0xFFFFEC00  }
0x33c: {  	[spmem:s9] =	stream.indirect.scatter.add.f32 [tilespmem:s25], [sflag:$0xF], $0x80, s10, s22, $0xb8;
	[tilespmem:$0x1CA80] =	vst v63  }
0x33d: {  	s24 =	simm.s32 $0x5600;
	s28 =	simm.s32 $0x11  }
0x33e: {  	[spmem:s9] =	stream.indirect.scatter.add.f32 [tilespmem:s24], [sflag:$0x12], $0x80, s10, s22, $0xb8;
	[tilespmem:$0x1CA80] =	vst v63  }
0x33f: {  	_ =	swait.ge [sflag:s28], $0x1400  }
0x340: {  	[sflag:s28] =	ssyncset.done $0x0  }
0x341: {  	s30 =	simm.s32 $0x14;
	[sflag:s28] =	ssyncadd.s32 $0xFFFFEC00  }
0x342: {  	_ =	swait.ge [sflag:s30], $0x1400  }
0x343: {  	s8 =	simm.s32 $0x80;
	s3 =	rddreg [dreg:$0x17];
	[sflag:s30] =	ssyncset.done $0x0  }
0x344: {  	s29 =	rddreg [dreg:$0x16];
	[sflag:s30] =	ssyncadd.s32 $0xFFFFEC00;
	s23 =	sadd.s32 s15, s3  }
0x345: {  	[tilespmem:s8], [sflag:$0x2] =	stream.linear.gather [hbm4b:s23+s1], $0x28, $0x38;
	[tilespmem:$0x1CA80] =	vst v63  }
0x346: {  	s11 =	simm.s32 $0x380;
	s26 =	simm.s32 $0x6;
	s9 =	sadd.s32 s15, s29  }
0x347: {  	[tilespmem:s11], [sflag:$0x2] =	stream.linear.gather [hbm4b:s9+s1], $0x28, $0x38;
	[tilespmem:$0x1CA80] =	vst v63  }
0x348: {  	_ =	swait.ge [sflag:s26], $0x28  }
0x349: {  	[sflag:s26] =	ssyncset.done $0x0  }
0x34a: {  	[sflag:s26] =	ssyncadd.s32 $0xFFFFFFD8  }
0x34b: {  	_ =	swait.ge [sflag:s26], $0x28  }
0x34c: {  	[sflag:s26] =	ssyncset.done $0x0  }
0x34d: {  	s12 =	simm.s32 $0x280;
	s17 =	simm.s32 $0x4200;
	[sflag:s26] =	ssyncadd.s32 $0xFFFFFFD8  }
0x34e: {  	[tilespmem:s17], [sflag:$0xA] =	stream.indirect.gather [hbm4b:s2+s22], $0x80, s12, s22, $0xb8;
	[tilespmem:$0x1CA80] =	vst v63  }
0x34f: {  	s18 =	sadd.s32 $0xFFFFE700, s7;
	s19 =	simm.s32 $0x7E00;
	s9 =	simm.s32 $0x9  }
0x350: {  	[tilespmem:s19], [sflag:$0xD] =	stream.linear.gather [hbm4b:s18+s1], $0x1400, $0x38;
	[tilespmem:$0x1CA80] =	vst v63  }
0x351: {  	_ =	swait.ge [sflag:s9], $0x1400  }
0x352: {  	[sflag:s9] =	ssyncset.done $0x0  }
0x353: {  	s19 =	simm.s32 $0xC;
	[sflag:s9] =	ssyncadd.s32 $0xFFFFEC00  }
0x354: {  	_ =	swait.ge [sflag:s19], $0x1400  }
0x355: {  	[sflag:s19] =	ssyncset.done $0x0  }
0x356: {  	s6 =	simm.s32 $0x2E00;
	s25 =	simm.s32 $0x500;
	[sflag:s19] =	ssyncadd.s32 $0xFFFFEC00  }
0x357: {  	[spmem:s14] =	stream.indirect.scatter.add.f32 [tilespmem:s6], [sflag:$0x10], $0x80, s25, s22, $0xb8;
	[tilespmem:$0x1CA80] =	vst v63  }
0x358: {  	s5 =	simm.s32 $0x6A00;
	s28 =	simm.s32 $0xE  }
0x359: {  	[spmem:s14] =	stream.indirect.scatter.add.f32 [tilespmem:s5], [sflag:$0x13], $0x80, s25, s22, $0xb8;
	[tilespmem:$0x1CA80] =	vst v63  }
0x35a: {  	_ =	swait.ge [sflag:s28], $0x1400  }
0x35b: {  	[sflag:s28] =	ssyncset.done $0x0  }
0x35c: {  	s25 =	simm.s32 $0x12;
	[sflag:s28] =	ssyncadd.s32 $0xFFFFEC00  }
0x35d: {  	p1 =	sne.s32 s0, $0x474;
	_ =	swait.ge [sflag:s25], $0x1400  }
0x35e: {  	s0 =	simm.s32 $0x100;
	s30 =	rddreg [dreg:$0x15];
	[sflag:s25] =	ssyncset.done $0x0  }
0x35f: {  	s29 =	rddreg [dreg:$0x14];
	[sflag:s25] =	ssyncadd.s32 $0xFFFFEC00;
	s23 =	sadd.s32 s15, s30  }
0x360: {  	[tilespmem:s0], [sflag:$0x3] =	stream.linear.gather [hbm4b:s23+s1], $0x28, $0x38;
	[tilespmem:$0x1CA80] =	vst v63  }
0x361: {  	s12 =	simm.s32 $0x1;
	s6 =	simm.s32 $0x400;
	s5 =	sadd.s32 s15, s29  }
0x362: {  	[tilespmem:s6], [sflag:$0x3] =	stream.linear.gather [hbm4b:s5+s1], $0x28, $0x38;
	[tilespmem:$0x1CA80] =	vst v63  }
0x363: {  	_ =	swait.ge [sflag:s12], $0x28  }
0x364: {  	[sflag:s12] =	ssyncset.done $0x0  }
0x365: {  	[sflag:s12] =	ssyncadd.s32 $0xFFFFFFD8  }
0x366: {  	_ =	swait.ge [sflag:s12], $0x28  }
0x367: {  	[sflag:s12] =	ssyncset.done $0x0  }
0x368: {  	s8 =	simm.s32 $0x600;
	[sflag:s12] =	ssyncadd.s32 $0xFFFFFFD8  }
0x369: {  	[tilespmem:s8], [sflag:$0x7] =	stream.indirect.gather [hbm4b:s2+s22], $0x80, s1, s22, $0xb8;
	[tilespmem:$0x1CA80] =	vst v63  }
0x36a: {  	s18 =	sadd.s32 $0xFFFFE980, s7;
	s23 =	simm.s32 $0xA  }
0x36b: {  	[tilespmem:s24], [sflag:$0xB] =	stream.linear.gather [hbm4b:s18+s1], $0x1400, $0x38;
	[tilespmem:$0x1CA80] =	vst v63  }
0x36c: {  	_ =	swait.ge [sflag:s23], $0x1400  }
0x36d: {  	[sflag:s23] =	ssyncset.done $0x0  }
0x36e: {  	s5 =	simm.s32 $0xD;
	[sflag:s23] =	ssyncadd.s32 $0xFFFFEC00  }
0x36f: {  	_ =	swait.ge [sflag:s5], $0x1400  }
0x370: {  	[sflag:s5] =	ssyncset.done $0x0  }
0x371: {  	s11 =	simm.s32 $0x4200;
	s28 =	simm.s32 $0x580;
	[sflag:s5] =	ssyncadd.s32 $0xFFFFEC00  }
0x372: {  	[spmem:s14] =	stream.indirect.scatter.add.f32 [tilespmem:s11], [sflag:$0x11], $0x80, s28, s22, $0xb8;
	[tilespmem:$0x1CA80] =	vst v63  }
0x373: {  	s30 =	simm.s32 $0x7E00;
	s0 =	simm.s32 $0xF  }
0x374: {  	[spmem:s14] =	stream.indirect.scatter.add.f32 [tilespmem:s30], [sflag:$0x14], $0x80, s28, s22, $0xb8;
	[tilespmem:$0x1CA80] =	vst v63  }
0x375: {  	_ =	swait.ge [sflag:s0], $0x1400  }
0x376: {  	[sflag:s0] =	ssyncset.done $0x0  }
0x377: {  	[sflag:s0] =	ssyncadd.s32 $0xFFFFEC00  }
0x378: {  	_ =	swait.ge [sflag:s13], $0x1400  }
0x379: {  	s30 =	simm.s32 $0x180;
	s6 =	rddreg [dreg:$0x13];
	[sflag:s13] =	ssyncset.done $0x0  }
0x37a: {  	s29 =	rddreg [dreg:$0x12];
	[sflag:s13] =	ssyncadd.s32 $0xFFFFEC00;
	s23 =	sadd.s32 s15, s6  }
0x37b: {  	[tilespmem:s30], [sflag:$0x4] =	stream.linear.gather [hbm4b:s23+s1], $0x28, $0x38;
	[tilespmem:$0x1CA80] =	vst v63  }
0x37c: {  	s18 =	simm.s32 $0x2;
	s8 =	sadd.s32 s15, s29  }
0x37d: {  	[tilespmem:s10], [sflag:$0x4] =	stream.linear.gather [hbm4b:s8+s1], $0x28, $0x38;
	[tilespmem:$0x1CA80] =	vst v63  }
0x37e: {  	_ =	swait.ge [sflag:s18], $0x28  }
0x37f: {  	[sflag:s18] =	ssyncset.done $0x0  }
0x380: {  	[sflag:s18] =	ssyncadd.s32 $0xFFFFFFD8  }
0x381: {  	_ =	swait.ge [sflag:s18], $0x28  }
0x382: {  	[sflag:s18] =	ssyncset.done $0x0  }
0x383: {  	s21 =	simm.s32 $0x80;
	s10 =	simm.s32 $0x1A00;
	[sflag:s18] =	ssyncadd.s32 $0xFFFFFFD8  }
0x384: {  	[tilespmem:s10], [sflag:$0x8] =	stream.indirect.gather [hbm4b:s2+s22], $0x80, s21, s22, $0xb8;
	[tilespmem:$0x1CA80] =	vst v63  }
0x385: {  	s11 =	sadd.s32 $0xFFFFEC00, s7;
	s23 =	simm.s32 $0x7;
	s21 =	simm.s32 $0x6A00  }
0x386: {  	[tilespmem:s21], [sflag:$0xC] =	stream.linear.gather [hbm4b:s11+s1], $0x1400, $0x38;
	[tilespmem:$0x1CA80] =	vst v63  }
0x387: {  	_ =	swait.ge [sflag:s23], $0x1400  }
0x388: {  	[sflag:s23] =	ssyncset.done $0x0  }
0x389: {  	[sflag:s23] =	ssyncadd.s32 $0xFFFFEC00  }
0x38a: {  	_ =	swait.ge [sflag:s20], $0x1400  }
0x38b: {  	[sflag:s20] =	ssyncset.done $0x0  }
0x38c: {  	s0 =	simm.s32 $0x600;
	s6 =	simm.s32 $0x300;
	[sflag:s20] =	ssyncadd.s32 $0xFFFFEC00  }
0x38d: {  	[spmem:s14] =	stream.indirect.scatter.add.f32 [tilespmem:s0], [sflag:$0xE], $0x80, s6, s22, $0xb8;
	[tilespmem:$0x1CA80] =	vst v63  }
0x38e: {  	_ = 	snop  }
0x38f: {  	[spmem:s14] =	stream.indirect.scatter.add.f32 [tilespmem:s24], [sflag:$0x12], $0x80, s6, s22, $0xb8;
	[tilespmem:$0x1CA80] =	vst v63  }
0x390: {  	_ =	swait.ge [sflag:s16], $0x1400  }
0x391: {  	[sflag:s16] =	ssyncset.done $0x0  }
0x392: {  	s8 =	simm.s32 $0x14;
	[sflag:s16] =	ssyncadd.s32 $0xFFFFEC00  }
0x393: {  	_ =	swait.ge [sflag:s8], $0x1400  }
0x394: {  	s10 =	rddreg [dreg:$0x11]  }
0x395: {  	[sflag:s8] =	ssyncset.done $0x0;
	s29 =	rddreg [dreg:$0x10]  }
0x396: {  	[sflag:s8] =	ssyncadd.s32 $0xFFFFEC00;
	s23 =	sadd.s32 s15, s10;
	s8 =	simm.s32 $0x200  }
0x397: {  	[tilespmem:s8], [sflag:$0x5] =	stream.linear.gather [hbm4b:s23+s1], $0x28, $0x38;
	[tilespmem:$0x1CA80] =	vst v63  }
0x398: {  	s3 =	simm.s32 $0x500;
	s11 =	sadd.s32 s15, s29  }
0x399: {  	[tilespmem:s3], [sflag:$0x5] =	stream.linear.gather [hbm4b:s11+s1], $0x28, $0x38;
	[tilespmem:$0x1CA80] =	vst v63  }
0x39a: {  	s11 =	simm.s32 $0x3  }
0x39b: {  	_ =	swait.ge [sflag:s11], $0x28  }
0x39c: {  	[sflag:s11] =	ssyncset.done $0x0  }
0x39d: {  	[sflag:s11] =	ssyncadd.s32 $0xFFFFFFD8  }
0x39e: {  	_ =	swait.ge [sflag:s11], $0x28  }
0x39f: {  	[sflag:s11] =	ssyncset.done $0x0  }
0x3a0: {  	s17 =	simm.s32 $0x100;
	s6 =	simm.s32 $0x2E00;
	[sflag:s11] =	ssyncadd.s32 $0xFFFFFFD8  }
0x3a1: {  	[tilespmem:s6], [sflag:$0x9] =	stream.indirect.gather [hbm4b:s2+s22], $0x80, s17, s22, $0xb8;
	[tilespmem:$0x1CA80] =	vst v63  }
0x3a2: {  	s0 =	sadd.s32 $0xFFFFEE80, s7;
	s3 =	simm.s32 $0x7E00;
	s17 =	simm.s32 $0x8  }
0x3a3: {  	[tilespmem:s3], [sflag:$0xD] =	stream.linear.gather [hbm4b:s0+s1], $0x1400, $0x38;
	[tilespmem:$0x1CA80] =	vst v63  }
0x3a4: {  	_ =	swait.ge [sflag:s17], $0x1400  }
0x3a5: {  	[sflag:s17] =	ssyncset.done $0x0  }
0x3a6: {  	[sflag:s17] =	ssyncadd.s32 $0xFFFFEC00  }
0x3a7: {  	_ =	swait.ge [sflag:s19], $0x1400  }
0x3a8: {  	[sflag:s19] =	ssyncset.done $0x0  }
0x3a9: {  	s30 =	simm.s32 $0x1A00;
	s23 =	simm.s32 $0x380;
	[sflag:s19] =	ssyncadd.s32 $0xFFFFEC00  }
0x3aa: {  	[spmem:s14] =	stream.indirect.scatter.add.f32 [tilespmem:s30], [sflag:$0xF], $0x80, s23, s22, $0xb8;
	[tilespmem:$0x1CA80] =	vst v63  }
0x3ab: {  	s0 =	simm.s32 $0x380;
	s3 =	simm.s32 $0x11  }
0x3ac: {  	[spmem:s14] =	stream.indirect.scatter.add.f32 [tilespmem:s21], [sflag:$0x13], $0x80, s0, s22, $0xb8;
	[tilespmem:$0x1CA80] =	vst v63  }
0x3ad: {  	_ =	swait.ge [sflag:s3], $0x1400  }
0x3ae: {  	[sflag:s3] =	ssyncset.done $0x0  }
0x3af: {  	[sflag:s3] =	ssyncadd.s32 $0xFFFFEC00  }
0x3b0: {  	_ =	swait.ge [sflag:s25], $0x1400  }
0x3b1: {  	s30 =	simm.s32 $0x280;
	s17 =	rddreg [dreg:$0xf];
	[sflag:s25] =	ssyncset.done $0x0  }
0x3b2: {  	s29 =	rddreg [dreg:$0xe];
	[sflag:s25] =	ssyncadd.s32 $0xFFFFEC00;
	s23 =	sadd.s32 s15, s17  }
0x3b3: {  	[tilespmem:s30], [sflag:$0x6] =	stream.linear.gather [hbm4b:s23+s1], $0x28, $0x38;
	[tilespmem:$0x1CA80] =	vst v63  }
0x3b4: {  	s28 =	simm.s32 $0x580;
	s21 =	sadd.s32 s15, s29  }
0x3b5: {  	[tilespmem:s28], [sflag:$0x6] =	stream.linear.gather [hbm4b:s21+s1], $0x28, $0x38;
	[tilespmem:$0x1CA80] =	vst v63  }
0x3b6: {  	s28 =	simm.s32 $0x4  }
0x3b7: {  	_ =	swait.ge [sflag:s28], $0x28  }
0x3b8: {  	[sflag:s28] =	ssyncset.done $0x0  }
0x3b9: {  	[sflag:s28] =	ssyncadd.s32 $0xFFFFFFD8  }
0x3ba: {  	_ =	swait.ge [sflag:s28], $0x28  }
0x3bb: {  	[sflag:s28] =	ssyncset.done $0x0  }
0x3bc: {  	s23 =	simm.s32 $0x180;
	s21 =	simm.s32 $0x4200;
	[sflag:s28] =	ssyncadd.s32 $0xFFFFFFD8  }
0x3bd: {  	[tilespmem:s21], [sflag:$0xA] =	stream.indirect.gather [hbm4b:s2+s22], $0x80, s23, s22, $0xb8;
	[tilespmem:$0x1CA80] =	vst v63  }
0x3be: {  	s0 =	sadd.s32 $0xFFFFF100, s7  }
0x3bf: {  	[tilespmem:s24], [sflag:$0xB] =	stream.linear.gather [hbm4b:s0+s1], $0x1400, $0x38;
	[tilespmem:$0x1CA80] =	vst v63  }
0x3c0: {  	_ =	swait.ge [sflag:s9], $0x1400  }
0x3c1: {  	[sflag:s9] =	ssyncset.done $0x0  }
0x3c2: {  	[sflag:s9] =	ssyncadd.s32 $0xFFFFEC00  }
0x3c3: {  	_ =	swait.ge [sflag:s5], $0x1400  }
0x3c4: {  	[sflag:s5] =	ssyncset.done $0x0  }
0x3c5: {  	s3 =	simm.s32 $0x400;
	[sflag:s5] =	ssyncadd.s32 $0xFFFFEC00  }
0x3c6: {  	[spmem:s14] =	stream.indirect.scatter.add.f32 [tilespmem:s6], [sflag:$0x10], $0x80, s3, s22, $0xb8;
	[tilespmem:$0x1CA80] =	vst v63  }
0x3c7: {  	s17 =	simm.s32 $0x400;
	s23 =	simm.s32 $0xE;
	s6 =	simm.s32 $0x7E00  }
0x3c8: {  	[spmem:s14] =	stream.indirect.scatter.add.f32 [tilespmem:s6], [sflag:$0x14], $0x80, s17, s22, $0xb8;
	[tilespmem:$0x1CA80] =	vst v63  }
0x3c9: {  	_ =	swait.ge [sflag:s23], $0x1400  }
0x3ca: {  	[sflag:s23] =	ssyncset.done $0x0  }
0x3cb: {  	[sflag:s23] =	ssyncadd.s32 $0xFFFFEC00  }
0x3cc: {  	_ =	swait.ge [sflag:s13], $0x1400  }
0x3cd: {  	s3 =	rddreg [dreg:$0xd];
	[sflag:s13] =	ssyncset.done $0x0  }
0x3ce: {  	s29 =	rddreg [dreg:$0xc];
	[sflag:s13] =	ssyncadd.s32 $0xFFFFEC00;
	s23 =	sadd.s32 s15, s3  }
0x3cf: {  	[tilespmem:s1], [sflag:$0x1] =	stream.linear.gather [hbm4b:s23+s1], $0x28, $0x38;
	[tilespmem:$0x1CA80] =	vst v63  }
0x3d0: {  	s17 =	simm.s32 $0x300;
	s6 =	sadd.s32 s15, s29  }
0x3d1: {  	[tilespmem:s17], [sflag:$0x1] =	stream.linear.gather [hbm4b:s6+s1], $0x28, $0x38;
	[tilespmem:$0x1CA80] =	vst v63  }
0x3d2: {  	_ =	swait.ge [sflag:s31], $0x28  }
0x3d3: {  	[sflag:s31] =	ssyncset.done $0x0  }
0x3d4: {  	[sflag:s31] =	ssyncadd.s32 $0xFFFFFFD8  }
0x3d5: {  	_ =	swait.ge [sflag:s31], $0x28  }
0x3d6: {  	[sflag:s31] =	ssyncset.done $0x0  }
0x3d7: {  	s0 =	simm.s32 $0x0;
	s3 =	simm.s32 $0x600;
	[sflag:s31] =	ssyncadd.s32 $0xFFFFFFD8  }
0x3d8: {  	[tilespmem:s3], [sflag:$0x7] =	stream.indirect.gather [hbm4b:s2+s22], $0x80, s8, s22, $0xb8;
	[tilespmem:$0x1CA80] =	vst v63  }
0x3d9: {  	s6 =	sadd.s32 $0xFFFFF380, s7;
	s1 =	simm.s32 $0x6A00;
	s8 =	simm.s32 $0xA  }
0x3da: {  	[tilespmem:s1], [sflag:$0xC] =	stream.linear.gather [hbm4b:s6+s0], $0x1400, $0x38;
	[tilespmem:$0x1CA80] =	vst v63  }
0x3db: {  	_ =	swait.ge [sflag:s8], $0x1400  }
0x3dc: {  	[sflag:s8] =	ssyncset.done $0x0  }
0x3dd: {  	[sflag:s8] =	ssyncadd.s32 $0xFFFFEC00  }
0x3de: {  	_ =	swait.ge [sflag:s20], $0x1400  }
0x3df: {  	[sflag:s20] =	ssyncset.done $0x0  }
0x3e0: {  	s10 =	simm.s32 $0x480;
	[sflag:s20] =	ssyncadd.s32 $0xFFFFEC00  }
0x3e1: {  	[spmem:s14] =	stream.indirect.scatter.add.f32 [tilespmem:s21], [sflag:$0x11], $0x80, s10, s22, $0xb8;
	[tilespmem:$0x1CA80] =	vst v63  }
0x3e2: {  	s24 =	simm.s32 $0x5600;
	s21 =	simm.s32 $0xF  }
0x3e3: {  	[spmem:s14] =	stream.indirect.scatter.add.f32 [tilespmem:s24], [sflag:$0x12], $0x80, s10, s22, $0xb8;
	[tilespmem:$0x1CA80] =	vst v63  }
0x3e4: {  	_ =	swait.ge [sflag:s21], $0x1400  }
0x3e5: {  	[sflag:s21] =	ssyncset.done $0x0  }
0x3e6: {  	s23 =	simm.s32 $0x14;
	[sflag:s21] =	ssyncadd.s32 $0xFFFFEC00  }
0x3e7: {  	_ =	swait.ge [sflag:s23], $0x1400  }
0x3e8: {  	s31 =	simm.s32 $0x80;
	s24 =	rddreg [dreg:$0xb];
	[sflag:s23] =	ssyncset.done $0x0  }
0x3e9: {  	s29 =	rddreg [dreg:$0xa];
	[sflag:s23] =	ssyncadd.s32 $0xFFFFEC00;
	s23 =	sadd.s32 s15, s24  }
0x3ea: {  	[tilespmem:s31], [sflag:$0x2] =	stream.linear.gather [hbm4b:s23+s0], $0x28, $0x38;
	[tilespmem:$0x1CA80] =	vst v63  }
0x3eb: {  	s21 =	simm.s32 $0x380;
	s6 =	sadd.s32 s15, s29  }
0x3ec: {  	[tilespmem:s21], [sflag:$0x2] =	stream.linear.gather [hbm4b:s6+s0], $0x28, $0x38;
	[tilespmem:$0x1CA80] =	vst v63  }
0x3ed: {  	_ =	swait.ge [sflag:s26], $0x28  }
0x3ee: {  	[sflag:s26] =	ssyncset.done $0x0  }
0x3ef: {  	[sflag:s26] =	ssyncadd.s32 $0xFFFFFFD8  }
0x3f0: {  	_ =	swait.ge [sflag:s26], $0x28  }
0x3f1: {  	[sflag:s26] =	ssyncset.done $0x0  }
0x3f2: {  	s24 =	simm.s32 $0x1A00;
	[sflag:s26] =	ssyncadd.s32 $0xFFFFFFD8  }
0x3f3: {  	[tilespmem:s24], [sflag:$0x8] =	stream.indirect.gather [hbm4b:s2+s22], $0x80, s30, s22, $0xb8;
	[tilespmem:$0x1CA80] =	vst v63  }
0x3f4: {  	s29 =	simm.s32 $0x7E00;
	s26 =	sadd.s32 $0xFFFFF600, s7;
	s30 =	simm.s32 $0x7  }
0x3f5: {  	[tilespmem:s29], [sflag:$0xD] =	stream.linear.gather [hbm4b:s26+s0], $0x1400, $0x38;
	[tilespmem:$0x1CA80] =	vst v63  }
0x3f6: {  	_ =	swait.ge [sflag:s30], $0x1400  }
0x3f7: {  	[sflag:s30] =	ssyncset.done $0x0  }
0x3f8: {  	[sflag:s30] =	ssyncadd.s32 $0xFFFFEC00  }
0x3f9: {  	_ =	swait.ge [sflag:s19], $0x1400  }
0x3fa: {  	[sflag:s19] =	ssyncset.done $0x0  }
0x3fb: {  	s3 =	simm.s32 $0x600;
	s0 =	simm.s32 $0x500;
	[sflag:s19] =	ssyncadd.s32 $0xFFFFEC00  }
0x3fc: {  	[spmem:s14] =	stream.indirect.scatter.add.f32 [tilespmem:s3], [sflag:$0xE], $0x80, s0, s22, $0xb8;
	[tilespmem:$0x1CA80] =	vst v63  }
0x3fd: {  	_ = 	snop  }
0x3fe: {  	[spmem:s14] =	stream.indirect.scatter.add.f32 [tilespmem:s1], [sflag:$0x13], $0x80, s0, s22, $0xb8;
	[tilespmem:$0x1CA80] =	vst v63  }
0x3ff: {  	_ =	swait.ge [sflag:s16], $0x1400  }
0x400: {  	[sflag:s16] =	ssyncset.done $0x0  }
0x401: {  	[sflag:s16] =	ssyncadd.s32 $0xFFFFEC00  }
0x402: {  	s21 =	simm.s32 $0x100;
	_ =	swait.ge [sflag:s25], $0x1400  }
0x403: {  	s1 =	simm.s32 $0x0;
	s3 =	rddreg [dreg:$0x9];
	[sflag:s25] =	ssyncset.done $0x0  }
0x404: {  	s29 =	rddreg [dreg:$0x8];
	[sflag:s25] =	ssyncadd.s32 $0xFFFFEC00;
	s23 =	sadd.s32 s15, s3  }
0x405: {  	[tilespmem:s21], [sflag:$0x3] =	stream.linear.gather [hbm4b:s23+s1], $0x28, $0x38;
	[tilespmem:$0x1CA80] =	vst v63  }
0x406: {  	s17 =	simm.s32 $0x400;
	s16 =	sadd.s32 s15, s29  }
0x407: {  	[tilespmem:s17], [sflag:$0x3] =	stream.linear.gather [hbm4b:s16+s1], $0x28, $0x38;
	[tilespmem:$0x1CA80] =	vst v63  }
0x408: {  	_ =	swait.ge [sflag:s12], $0x28  }
0x409: {  	[sflag:s12] =	ssyncset.done $0x0  }
0x40a: {  	[sflag:s12] =	ssyncadd.s32 $0xFFFFFFD8  }
0x40b: {  	_ =	swait.ge [sflag:s12], $0x28  }
0x40c: {  	[sflag:s12] =	ssyncset.done $0x0  }
0x40d: {  	s3 =	simm.s32 $0x2E00;
	[sflag:s12] =	ssyncadd.s32 $0xFFFFFFD8  }
0x40e: {  	[tilespmem:s3], [sflag:$0x9] =	stream.indirect.gather [hbm4b:s2+s22], $0x80, s1, s22, $0xb8;
	[tilespmem:$0x1CA80] =	vst v63  }
0x40f: {  	s0 =	sadd.s32 $0xFFFFF880, s7;
	s17 =	simm.s32 $0x5600;
	s12 =	simm.s32 $0x8  }
0x410: {  	[tilespmem:s17], [sflag:$0xB] =	stream.linear.gather [hbm4b:s0+s1], $0x1400, $0x38;
	[tilespmem:$0x1CA80] =	vst v63  }
0x411: {  	_ =	swait.ge [sflag:s12], $0x1400  }
0x412: {  	s16 =	simm.s32 $0x8;
	[sflag:s12] =	ssyncset.done $0x0  }
0x413: {  	[sflag:s16] =	ssyncadd.s32 $0xFFFFEC00  }
0x414: {  	_ =	swait.ge [sflag:s5], $0x1400  }
0x415: {  	[sflag:s5] =	ssyncset.done $0x0  }
0x416: {  	s23 =	simm.s32 $0x580;
	[sflag:s5] =	ssyncadd.s32 $0xFFFFEC00  }
0x417: {  	[spmem:s14] =	stream.indirect.scatter.add.f32 [tilespmem:s24], [sflag:$0xF], $0x80, s23, s22, $0xb8;
	[tilespmem:$0x1CA80] =	vst v63  }
0x418: {  	s0 =	simm.s32 $0x7E00;
	s16 =	simm.s32 $0x11  }
0x419: {  	[spmem:s14] =	stream.indirect.scatter.add.f32 [tilespmem:s0], [sflag:$0x14], $0x80, s23, s22, $0xb8;
	[tilespmem:$0x1CA80] =	vst v63  }
0x41a: {  	_ =	swait.ge [sflag:s16], $0x1400  }
0x41b: {  	s23 =	simm.s32 $0x11;
	[sflag:s16] =	ssyncset.done $0x0  }
0x41c: {  	[sflag:s23] =	ssyncadd.s32 $0xFFFFEC00  }
0x41d: {  	_ =	swait.ge [sflag:s13], $0x1400  }
0x41e: {  	s0 =	rddreg [dreg:$0x7]  }
0x41f: {  	[sflag:s13] =	ssyncset.done $0x0;
	s29 =	rddreg [dreg:$0x6]  }
0x420: {  	[sflag:s13] =	ssyncadd.s32 $0xFFFFEC00;
	s23 =	sadd.s32 s15, s0;
	s13 =	simm.s32 $0x180  }
0x421: {  	[tilespmem:s13], [sflag:$0x4] =	stream.linear.gather [hbm4b:s23+s1], $0x28, $0x38;
	[tilespmem:$0x1CA80] =	vst v63  }
0x422: {  	s16 =	sadd.s32 s15, s29  }
0x423: {  	[tilespmem:s10], [sflag:$0x4] =	stream.linear.gather [hbm4b:s16+s1], $0x28, $0x38;
	[tilespmem:$0x1CA80] =	vst v63  }
0x424: {  	_ =	swait.ge [sflag:s18], $0x28  }
0x425: {  	[sflag:s18] =	ssyncset.done $0x0  }
0x426: {  	[sflag:s18] =	ssyncadd.s32 $0xFFFFFFD8  }
0x427: {  	_ =	swait.ge [sflag:s18], $0x28  }
0x428: {  	[sflag:s18] =	ssyncset.done $0x0  }
0x429: {  	s10 =	simm.s32 $0x4200;
	[sflag:s18] =	ssyncadd.s32 $0xFFFFFFD8  }
0x42a: {  	[tilespmem:s10], [sflag:$0xA] =	stream.indirect.gather [hbm4b:s2+s22], $0x80, s31, s22, $0xb8;
	[tilespmem:$0x1CA80] =	vst v63  }
0x42b: {  	s6 =	simm.s32 $0x6A00;
	s0 =	sadd.s32 $0xFFFFFB00, s7  }
0x42c: {  	[tilespmem:s6], [sflag:$0xC] =	stream.linear.gather [hbm4b:s0+s1], $0x1400, $0x38;
	[tilespmem:$0x1CA80] =	vst v63  }
0x42d: {  	_ =	swait.ge [sflag:s9], $0x1400  }
0x42e: {  	[sflag:s9] =	ssyncset.done $0x0  }
0x42f: {  	[sflag:s9] =	ssyncadd.s32 $0xFFFFEC00  }
0x430: {  	_ =	swait.ge [sflag:s20], $0x1400  }
0x431: {  	[sflag:s20] =	ssyncset.done $0x0  }
0x432: {  	s16 =	simm.s32 $0x300;
	[sflag:s20] =	ssyncadd.s32 $0xFFFFEC00  }
0x433: {  	[spmem:s14] =	stream.indirect.scatter.add.f32 [tilespmem:s3], [sflag:$0x10], $0x80, s16, s22, $0xb8;
	[tilespmem:$0x1CA80] =	vst v63  }
0x434: {  	_ = 	snop  }
0x435: {  	[spmem:s14] =	stream.indirect.scatter.add.f32 [tilespmem:s17], [sflag:$0x12], $0x80, s16, s22, $0xb8;
	[tilespmem:$0x1CA80] =	vst v63  }
0x436: {  	s17 =	simm.s32 $0xE  }
0x437: {  	_ =	swait.ge [sflag:s17], $0x1400  }
0x438: {  	s18 =	simm.s32 $0xE;
	[sflag:s17] =	ssyncset.done $0x0  }
0x439: {  	s8 =	simm.s32 $0x14;
	[sflag:s18] =	ssyncadd.s32 $0xFFFFEC00  }
0x43a: {  	_ =	swait.ge [sflag:s8], $0x1400  }
0x43b: {  	p2 =	seq.s32 s15, $0x474;
	s15 =	sadd.s32 $0xFFFFFFD8, s4;
	[sflag:s8] =	ssyncset.done $0x0  }
0x43c: {  	s15 =	simm.s32 @p2 $0x0;
	[sflag:s8] =	ssyncadd.s32 $0xFFFFEC00  }
0x43d: {  	s15 =	sshrl.u32 s15, $0x3;
	s3 =	rddreg [dreg:$0x1]  }
0x43e: {  	s20 =	simm.s32 $0x200;
	s15 =	sadd.s32 s3, s15  }
0x43f: {  	[tilespmem:s20], [sflag:$0x5] =	stream.linear.gather [hbm4b:s15+s1], $0x28, $0x38;
	[tilespmem:$0x1CA80] =	vst v63  }
0x440: {  	s26 =	simm.s32 $0x500;
	s15 =	sadd.s32 $0x9C40, s15  }
0x441: {  	[tilespmem:s26], [sflag:$0x5] =	stream.linear.gather [hbm4b:s15+s1], $0x28, $0x38;
	[tilespmem:$0x1CA80] =	vst v63  }
0x442: {  	_ =	swait.ge [sflag:s11], $0x28  }
0x443: {  	[sflag:s11] =	ssyncset.done $0x0  }
0x444: {  	[sflag:s11] =	ssyncadd.s32 $0xFFFFFFD8  }
0x445: {  	_ =	swait.ge [sflag:s11], $0x28  }
0x446: {  	[sflag:s11] =	ssyncset.done $0x0  }
0x447: {  	[sflag:s11] =	ssyncadd.s32 $0xFFFFFFD8;
	s11 =	simm.s32 $0x600  }
0x448: {  	[tilespmem:s11], [sflag:$0x7] =	stream.indirect.gather [hbm4b:s2+s22], $0x80, s21, s22, $0xb8;
	[tilespmem:$0x1CA80] =	vst v63  }
0x449: {  	s0 =	simm.s32 $0x7E00;
	s17 =	simm.s32 $0xA;
	s26 =	sadd.s32 $0xFFFFFD80, s7  }
0x44a: {  	[tilespmem:s0], [sflag:$0xD] =	stream.linear.gather [hbm4b:s26+s1], $0x1400, $0x38;
	[tilespmem:$0x1CA80] =	vst v63  }
0x44b: {  	_ =	swait.ge [sflag:s17], $0x1400  }
0x44c: {  	s18 =	simm.s32 $0xA;
	[sflag:s17] =	ssyncset.done $0x0  }
0x44d: {  	[sflag:s18] =	ssyncadd.s32 $0xFFFFEC00  }
0x44e: {  	_ =	swait.ge [sflag:s19], $0x1400  }
0x44f: {  	[sflag:s19] =	ssyncset.done $0x0  }
0x450: {  	s29 =	simm.s32 $0x380;
	[sflag:s19] =	ssyncadd.s32 $0xFFFFEC00  }
0x451: {  	[spmem:s14] =	stream.indirect.scatter.add.f32 [tilespmem:s10], [sflag:$0x11], $0x80, s29, s22, $0xb8;
	[tilespmem:$0x1CA80] =	vst v63  }
0x452: {  	s20 =	simm.s32 $0xF  }
0x453: {  	[spmem:s14] =	stream.indirect.scatter.add.f32 [tilespmem:s6], [sflag:$0x13], $0x80, s29, s22, $0xb8;
	[tilespmem:$0x1CA80] =	vst v63  }
0x454: {  	s0 =	rddreg [dreg:$0x19];
	_ =	swait.ge [sflag:s20], $0x1400  }
0x455: {  	s21 =	simm.s32 $0xF;
	[sflag:s20] =	ssyncset.done $0x0  }
0x456: {  	s23 =	smov.u32 s4;
	[sflag:s21] =	ssyncadd.s32 $0xFFFFEC00  }
0x457: {  	s23 =	simm.s32 @p2 $0x0;
	_ =	swait.ge [sflag:s25], $0x1400  }
0x458: {  	s23 =	sshrl.u32 s23, $0x3;
	[sflag:s25] =	ssyncset.done $0x0  }
0x459: {  	s15 =	sadd.s32 s3, s23;
	s26 =	simm.s32 $0x280;
	[sflag:s25] =	ssyncadd.s32 $0xFFFFEC00  }
0x45a: {  	[tilespmem:s26], [sflag:$0x6] =	stream.linear.gather [hbm4b:s15+s1], $0x28, $0x38;
	[tilespmem:$0x1CA80] =	vst v63  }
0x45b: {  	s12 =	simm.s32 $0x580;
	s15 =	sadd.s32 $0x9C40, s15  }
0x45c: {  	[tilespmem:s12], [sflag:$0x6] =	stream.linear.gather [hbm4b:s15+s1], $0x28, $0x38;
	[tilespmem:$0x1CA80] =	vst v63  }
0x45d: {  	_ =	swait.ge [sflag:s28], $0x28  }
0x45e: {  	[sflag:s28] =	ssyncset.done $0x0  }
0x45f: {  	[sflag:s28] =	ssyncadd.s32 $0xFFFFFFD8  }
0x460: {  	_ =	swait.ge [sflag:s28], $0x28  }
0x461: {  	[sflag:s28] =	ssyncset.done $0x0  }
0x462: {  	s24 =	simm.s32 $0x1A00;
	[sflag:s28] =	ssyncadd.s32 $0xFFFFFFD8  }
0x463: {  	[tilespmem:s24], [sflag:$0x8] =	stream.indirect.gather [hbm4b:s2+s22], $0x80, s13, s22, $0xb8;
	[tilespmem:$0x1CA80] =	vst v63  }
0x464: {  	s30 =	simm.s32 $0x7;
	s16 =	simm.s32 $0x5600  }
0x465: {  	[tilespmem:s16], [sflag:$0xB] =	stream.linear.gather [hbm4b:s7+s1], $0x1400, $0x38;
	[tilespmem:$0x1CA80] =	vst v63  }
0x466: {  	_ =	swait.ge [sflag:s30], $0x1400  }
0x467: {  	[sflag:s30] =	ssyncset.done $0x0  }
.Ltmp1:
0x468: {  	s4 =	sadd.s32 $0x1E0, s4;
	[sflag:s30] =	ssyncadd.s32 $0xFFFFEC00;
	(pc) =	sbr.rel @p1 .LBB2_4-.Ltmp1, $4  }
0x469: {  	s31 =	simm.s32 $0x400;
	s9 =	smov.u32 s14;
	_ =	swait.ge [sflag:s5], $0x1400  }
0x46a: {  	s8 =	simm.s32 $0x1A00;
	s17 =	simm.s32 $0x7E00;
	[sflag:s5] =	ssyncset.done $0x0  }
0x46b: {  	s10 =	simm.s32 $0x5600;
	s7 =	sadd.s32 $0x1E00, s7;
	[sflag:s5] =	ssyncadd.s32 $0xFFFFEC00  }
0x46c: {  	[spmem:s14] =	stream.indirect.scatter.add.f32 [tilespmem:s11], [sflag:$0xE], $0x80, s31, s22, $0xb8;
	[tilespmem:$0x1CA80] =	vst v63  }
0x46d: {  	[spmem:s9] =	stream.indirect.scatter.add.f32 [tilespmem:s17], [sflag:$0x14], $0x80, s31, s22, $0xb8;
	[tilespmem:$0x1CA80] =	vst v63  }
0x46e: {  	s0 =	simm.s32 $0x8  }
0x46f: {  	_ =	swait.ge [sflag:s0], $0x1400  }
0x470: {  	[sflag:s0] =	ssyncset.done $0x0  }
0x471: {  	s14 =	simm.s32 $0xB;
	[sflag:s0] =	ssyncadd.s32 $0xFFFFEC00  }
0x472: {  	_ =	swait.ge [sflag:s14], $0x1400  }
0x473: {  	[sflag:s14] =	ssyncset.done $0x0  }
0x474: {  	s15 =	simm.s32 $0x480;
	[sflag:s14] =	ssyncadd.s32 $0xFFFFEC00  }
0x475: {  	[spmem:s9] =	stream.indirect.scatter.add.f32 [tilespmem:s8], [sflag:$0xF], $0x80, s15, s22, $0xb8;
	[tilespmem:$0x1CA80] =	vst v63  }
0x476: {  	s16 =	simm.s32 $0x5  }
0x477: {  	[spmem:s9] =	stream.indirect.scatter.add.f32 [tilespmem:s10], [sflag:$0x12], $0x80, s15, s22, $0xb8;
	[tilespmem:$0x1CA80] =	vst v63  }
0x478: {  	_ =	swait.ge [sflag:s16], $0x28  }
0x479: {  	[sflag:s16] =	ssyncset.done $0x0  }
0x47a: {  	[sflag:s16] =	ssyncadd.s32 $0xFFFFFFD8  }
0x47b: {  	_ =	swait.ge [sflag:s16], $0x28  }
0x47c: {  	[sflag:s16] =	ssyncset.done $0x0  }
0x47d: {  	s17 =	simm.s32 $0x6;
	[sflag:s16] =	ssyncadd.s32 $0xFFFFFFD8  }
0x47e: {  	_ =	swait.ge [sflag:s17], $0x28  }
0x47f: {  	[sflag:s17] =	ssyncset.done $0x0  }
0x480: {  	[sflag:s17] =	ssyncadd.s32 $0xFFFFFFD8  }
0x481: {  	_ =	swait.ge [sflag:s17], $0x28  }
0x482: {  	[sflag:s17] =	ssyncset.done $0x0  }
0x483: {  	s18 =	simm.s32 $0x10;
	[sflag:s17] =	ssyncadd.s32 $0xFFFFFFD8  }
0x484: {  	_ =	swait.ge [sflag:s18], $0x1400  }
0x485: {  	[sflag:s18] =	ssyncset.done $0x0  }
0x486: {  	s19 =	simm.s32 $0x11;
	[sflag:s18] =	ssyncadd.s32 $0xFFFFEC00  }
0x487: {  	_ =	swait.ge [sflag:s19], $0x1400  }
0x488: {  	[sflag:s19] =	ssyncset.done $0x0  }
0x489: {  	s20 =	simm.s32 $0xE;
	[sflag:s19] =	ssyncadd.s32 $0xFFFFEC00  }
0x48a: {  	_ =	swait.ge [sflag:s20], $0x1400  }
0x48b: {  	[sflag:s20] =	ssyncset.done $0x0  }
0x48c: {  	s21 =	simm.s32 $0xF;
	[sflag:s20] =	ssyncadd.s32 $0xFFFFEC00  }
0x48d: {  	_ =	swait.ge [sflag:s21], $0x1400  }
0x48e: {  	[sflag:s21] =	ssyncset.done $0x0  }
0x48f: {  	s23 =	simm.s32 $0x13;
	[sflag:s21] =	ssyncadd.s32 $0xFFFFEC00  }
0x490: {  	_ =	swait.ge [sflag:s23], $0x1400  }
0x491: {  	[sflag:s23] =	ssyncset.done $0x0  }
0x492: {  	s24 =	simm.s32 $0x14;
	[sflag:s23] =	ssyncadd.s32 $0xFFFFEC00  }
0x493: {  	_ =	swait.ge [sflag:s24], $0x1400  }
0x494: {  	[sflag:s24] =	ssyncset.done $0x0  }
0x495: {  	s25 =	simm.s32 $0x12;
	[sflag:s24] =	ssyncadd.s32 $0xFFFFEC00  }
0x496: {  	_ =	swait.ge [sflag:s25], $0x1400  }
0x497: {  	[sflag:s25] =	ssyncset.done $0x0  }
0x498: {  	[sflag:s25] =	ssyncadd.s32 $0xFFFFEC00  }
0x499: {  	[bflag:$0x0] =	sbarrier.arrive $0xFFFF  }
0x49a: {  	s23 =	sld [smem:$0x7FC]  }
0x49b: {  	s2 =	stileid.u32;
	s7 =	sld [smem:$0x7CC]  }
0x49c: {  	s2 =	sshll.u32 s2, $0x6  }
0x49d: {  	s2 =	sor.u32 $0x1C15, s2;
	s17 =	simm.s32 $0x15;
	s4 =	sshrl.u32 s23, $0x3  }
0x49e: {  	[hbm:s7], [sflag:s2] =	dma.local [spmem:s4], $0x2700  }
0x49f: {  	_ =	swait.ge [sflag:s17], $0x2700  }
0x4a0: {  	s15 =	sld [smem:$0x7FD]  }
0x4a1: {  	s7 =	sld [smem:$0x7E0]  }
0x4a2: {  	[sflag:s17] =	ssyncset.done $0x0  }
0x4a3: {  	[sflag:s17] =	ssyncadd.s32 $0xFFFFD900;
	s4 =	sshrl.u32 @!p0 s15, $0x3  }
0x4a4: {  	[hbm:s7], [sflag:s2] =	dma.local @!p0 [spmem:s4], $0x100  }
0x4a5: {  	s2 =	simm.s32 @!p0 $0x15  }
0x4a6: {  	_ =	swait.ge @!p0 [sflag:s2], $0x100  }
0x4a7: {  	s26 =	sld [smem:$0x7FB]  }
0x4a8: {  	s31 =	sld [smem:$0x7E1];
	_ =	sdelay $0x1  }
0x4a9: {  	s13 =	simm.s32 $0x2;
	s3 =	simm.s32 $0xB;
	s7 =	sadd.s32 $0x1, s26  }
0x4aa: {  	s30 =	simm.s32 $0x12;
	s6 =	simm.s32 $0x13;
	p1 =	sne.s32 s7, s31  }
.Ltmp2:
0x4ab: {  	s12 =	simm.s32 $0x14;
	s28 =	simm.s32 $0x6;
	(pc) =	sbr.rel @p1 .LBB2_1-.Ltmp2, $4  }
0x4ac: {  	s0 =	simm.s32 $0xD;
	s18 =	simm.s32 $0x4;
	[sflag:s2] =	ssyncset.done @!p0 $0x0  }
0x4ad: {  	s19 =	simm.s32 $0x5;
	s20 =	simm.s32 $0xC;
	[sflag:s2] =	ssyncadd.s32 @!p0 $0xFFFFFF00  }
0x4ae: {  	s21 =	simm.s32 $0x1;
	s4 =	simm.s32 $0x80;
	s25 =	rddreg [dreg:$0x0]  }
0x4af: {  	s26 =	simm.s32 $0x3;
	[smem:$0x7FB] =	sst s7;
	s7 =	simm.s32 $0x300  }
0x4b0: {  	_ =	sfence.sel $0x180000  }
0x4b1: {  	[bflag:$0x0] =	sbarrier.arrive $0xFFFF  }
0x4b2: {  	_ =	strace $0x90000047  }
0x4b3: {  	s0 =	stileid.u32;
	[bflag:$0x2] =	sbarrier.arrive $0xFFFF  }
0x4b4: {  	p0 =	sne.s32 s0, $0x0;
	s0 =	rddreg [dreg:$0x5]  }
0x4b5: {  	s0 =	sadd.s32 @!p0 $0x100000, s0  }
0x4b6: {  	[sflag:s0] =	ssyncadd.tile.s32 @!p0 $0x1;
	_ =	shalt  }
.Lfunc_end2:
_tile_overlayer_lowered:
.L_overlay_start_2:
0x4b7: {  	(tag) =	ssettag $0x2  }
0x4b8: {  	s0 =	rddreg [dreg:$0x0];
	s2 =	stileid.u32  }
0x4b9: {  	s1 =	rddreg [dreg:$0x1];
	p0 =	sne.s32 s2, $0x0  }
0x4ba: {  	s3 =	rddreg [dreg:$0x2];
	[bflag:$0x3] =	sbarrier.arrive $0xFFFF;
	s2 =	simm.s32 @!p0 $0x1C15  }
0x4bb: {  	[timem:s3], [sflag:s2] =	dma.local @!p0 [hbm:s0], s1  }
0x4bc: {  	s0 =	simm.s32 @!p0 $0x15  }
0x4bd: {  	_ =	swait.ge @!p0 [sflag:s0], s1  }
0x4be: {  	s1 =	ssub.s32 @!p0 $0x0, s1;
	[sflag:s0] =	ssyncset.done @!p0 $0x0  }
0x4bf: {  	[sflag:s0] =	ssyncadd.s32 @!p0 s1  }
0x4c0: {  	[bflag:$0x3] =	sbarrier.arrive $0xFFFF  }
0x4c1: {  	_ =	shalt  }

</sc_bundles>
